<compile_context>
chip_gen: v7x
topology: tpu7x:2x2x1
jax: 0.10.2.dev20260603
libtpu: 0.0.44.dev20260713+nightly
codegen_flags: <defaults>
</compile_context>

<pallas_src>
import functools

import jax
import jax.numpy as jnp
import numpy as np
from jax import lax
from jax.experimental import pallas as pl
from jax.experimental.pallas import tpu as pltpu
from jax.experimental.pallas import tpu_sc as plsc

_N_BITS = 8
_EPS = 1e-8
_THRESHOLD = 8.0
_N_CENTERS = 16

_NUM_CORES = 2
_NUM_SUBCORES = 16
_LANES = 16
_NW = _NUM_CORES * _NUM_SUBCORES

_CHUNK = 25088
_LUT_SIZE = 1024

_SCALE = np.float32(2.0 * (2.0 ** (_N_BITS - 1)) / (_THRESHOLD + _EPS))
_BIAS = np.float32(_LUT_SIZE / 2)
_CLIP_LO = np.float32(-(2.0 ** (_N_BITS - 1)))
_CLIP_HI = np.float32(2.0 ** (_N_BITS - 1) - 1)
_SCALE_BACK = np.float32(_THRESHOLD / (2.0 ** (_N_BITS - 1)))


def _build_lut_on_tile(centers_v, lut_v):
    lane = lax.iota(jnp.int32, _LANES).astype(jnp.float32)
    cvec = centers_v[...]

    @plsc.parallel_loop(0, _LUT_SIZE, step=_LANES, unroll=2)
    def _(i):
        cell = lane + jnp.float32(i)
        t_rep = cell * 0.5 + np.float32(0.25 - _LUT_SIZE / 4)
        t_rep = jnp.minimum(jnp.maximum(t_rep, _CLIP_LO), _CLIP_HI)
        best_d = jnp.full((_LANES,), np.float32(np.inf), jnp.float32)
        best_v = jnp.zeros((_LANES,), jnp.float32)
        for k in range(_N_CENTERS):
            ck = cvec[k]
            d = jnp.abs(t_rep - ck)
            take = d < best_d
            best_d = jnp.minimum(best_d, d)
            best_v = jnp.where(take, ck, best_v)
        lut_v[pl.ds(i, _LANES)] = best_v * _SCALE_BACK


def _tile_body(x_hbm, centers_hbm, out_hbm, lut_v, centers_v,
               ibuf0, ibuf1, obuf0, obuf1,
               sem_in0, sem_in1, sem_out0, sem_out1, *, per_w, n_chunks):
    wid = lax.axis_index("c") * _NUM_SUBCORES + lax.axis_index("s")
    base = wid * per_w

    def chunk_src(ci):
        return x_hbm.at[pl.ds(base + ci * _CHUNK, _CHUNK)]

    def chunk_dst(ci):
        return out_hbm.at[pl.ds(base + ci * _CHUNK, _CHUNK)]

    ibufs = (ibuf0, ibuf1)
    obufs = (obuf0, obuf1)
    sems_in = (sem_in0, sem_in1)
    sems_out = (sem_out0, sem_out1)

    in_flight = [None] * n_chunks
    out_flight = [None] * n_chunks
    in_flight[0] = pltpu.async_copy(chunk_src(0), ibufs[0], sems_in[0])
    if n_chunks > 1:
        in_flight[1] = pltpu.async_copy(chunk_src(1), ibufs[1], sems_in[1])

    pltpu.sync_copy(centers_hbm, centers_v)
    _build_lut_on_tile(centers_v, lut_v)

    for ci in range(n_chunks):
        s = ci % 2
        in_flight[ci].wait()
        if ci >= 2:
            out_flight[ci - 2].wait()

        ib = ibufs[s]
        ob = obufs[s]

        @plsc.parallel_loop(0, _CHUNK, step=_LANES, unroll=16)
        def _(i):
            xv = ib[pl.ds(i, _LANES)]
            u = xv * _SCALE + _BIAS
            u = jnp.minimum(jnp.maximum(u, 0.0), np.float32(_LUT_SIZE - 1))
            jv = u.astype(jnp.int32)
            ob[pl.ds(i, _LANES)] = plsc.load_gather(lut_v, [jv])

        out_flight[ci] = pltpu.async_copy(ob, chunk_dst(ci), sems_out[s])
        if ci + 2 < n_chunks:
            in_flight[ci + 2] = pltpu.async_copy(
                chunk_src(ci + 2), ibufs[s], sems_in[s])

    for ci in range(max(0, n_chunks - 2), n_chunks):
        out_flight[ci].wait()


@functools.partial(jax.jit, static_argnames=("n",))
def _run(x_flat, centers, n):
    per_w = n // _NW
    n_chunks = per_w // _CHUNK
    mesh = plsc.VectorSubcoreMesh(
        core_axis_name="c", subcore_axis_name="s",
        num_cores=_NUM_CORES, num_subcores=_NUM_SUBCORES)
    body = functools.partial(_tile_body, per_w=per_w, n_chunks=n_chunks)
    return pl.kernel(
        body,
        out_type=jax.ShapeDtypeStruct((n,), jnp.float32),
        mesh=mesh,
        compiler_params=pltpu.CompilerParams(needs_layout_passes=False),
        scratch_types=[
            pltpu.VMEM((_LUT_SIZE,), jnp.float32),
            pltpu.VMEM((_N_CENTERS,), jnp.float32),
            pltpu.VMEM((_CHUNK,), jnp.float32),
            pltpu.VMEM((_CHUNK,), jnp.float32),
            pltpu.VMEM((_CHUNK,), jnp.float32),
            pltpu.VMEM((_CHUNK,), jnp.float32),
            pltpu.SemaphoreType.DMA,
            pltpu.SemaphoreType.DMA,
            pltpu.SemaphoreType.DMA,
            pltpu.SemaphoreType.DMA,
        ],
    )(x_flat, centers)


def kernel(x, cluster_centers):
    orig_shape = x.shape
    n = x.size
    centers = cluster_centers.reshape(-1).astype(jnp.float32)

    b, c, h, w = (x.shape + (1, 1, 1, 1))[:4] if x.ndim == 4 else (0, 0, 0, 0)
    use_view = x.ndim == 4 and c % 128 == 0 and w % 8 == 0
    if use_view:
        x6 = x.reshape(b, c // 128, 128, h, w // 8, 8)
        x_flat = x6.transpose(0, 3, 4, 1, 5, 2).reshape(-1)
    else:
        x_flat = x.reshape(-1)

    block = _NW * _CHUNK
    n_pad = -(-n // block) * block
    if n_pad != n:
        x_flat = jnp.pad(x_flat, (0, n_pad - n))
    out = _run(x_flat, centers, n_pad)
    if n_pad != n:
        out = out[:n]

    if use_view:
        out_p = out.reshape(b, h, w // 8, c // 128, 8, 128)
        return out_p.transpose(0, 3, 5, 1, 2, 4).reshape(orig_shape)
    return out.reshape(orig_shape)

# --- scband reference (transcript-rebuilt; emitter-appended) ---
"""Pipeline reference for scband-pytorch-lutfake-quant-20650202759683 (READ-ONLY COPY).

The authoritative reference and input builder live on the scoring server;
editing this copy changes nothing except your own understanding.
"""

import jax, jax.numpy as jnp
import numpy as np

MULTIPLIER_N_BITS = 8
EPS = 1e-8
SIGNED = True
THRESHOLD = 8.0
CENTERS = np.array([-116.0, -98.0, -76.0, -54.0, -37.0, -22.0, -11.0, -4.0, 3.0, 10.0, 20.0, 34.0, 50.0, 68.0, 90.0, 112.0], dtype=np.float32)


def setup_inputs(seed: int = 0) -> dict:
    key = jax.random.key(seed)
    x = jax.random.normal(key, (8, 384, 56, 56), dtype=jnp.float32) * 4.0
    cluster_centers = jnp.asarray(CENTERS)
    return {"x": x, "cluster_centers": cluster_centers}


def _int_quantization_with_threshold(data, n_bits, signed, threshold, eps=EPS):
    if signed:
        clip_max = 2 ** (n_bits - 1) - 1
        clip_min = -(2 ** (n_bits - 1))
    else:
        clip_max = 2 ** n_bits - 1
        clip_min = 0
    scaled = data / (threshold + eps) * (2 ** (n_bits - int(signed)))
    return jnp.clip(scaled, clip_min, clip_max)


def reference(x, cluster_centers):
    # 1. scale into 8-bit quantization range
    t = _int_quantization_with_threshold(x, MULTIPLIER_N_BITS, SIGNED, THRESHOLD)
    # 2. assign nearest cluster center to each value
    t = t[..., None]
    expanded_centers = cluster_centers.reshape((1,) * (t.ndim - 1) + (-1,))
    cluster_assignments = jnp.argmin(jnp.abs(t - expanded_centers), axis=-1)
    centers = jnp.take(cluster_centers.flatten(), cluster_assignments, axis=0)
    # 3. scale back by threshold / 2**(n_bits - signed)
    quant_tensor = centers / (2 ** (MULTIPLIER_N_BITS - int(SIGNED))) * THRESHOLD
    return quant_tensor

if __name__ == "__main__":
    import jax
    _d = setup_inputs()
    print(jax.jit(kernel)(*tuple(_d.values())))

</pallas_src>

<mosaic_0001>
#map = affine_map<(d0, d1) -> (0)>
module attributes {stable_mosaic.version = 14 : i64} {
  func.func @_tile_body(%arg0: i32, %arg1: i32, %arg2: memref<9633792xf32, #tpu.memory_space<hbm>>, %arg3: memref<16xf32, #tpu.memory_space<hbm>>, %arg4: memref<9633792xf32, #tpu.memory_space<hbm>>, %arg5: memref<1024xf32, #tpu.memory_space<vmem>>, %arg6: memref<16xf32, #tpu.memory_space<vmem>>, %arg7: memref<25088xf32, #tpu.memory_space<vmem>>, %arg8: memref<25088xf32, #tpu.memory_space<vmem>>, %arg9: memref<25088xf32, #tpu.memory_space<vmem>>, %arg10: memref<25088xf32, #tpu.memory_space<vmem>>, %arg11: memref<!tpu.dma_semaphore, #tpu.memory_space<semaphore_mem>>, %arg12: memref<!tpu.dma_semaphore, #tpu.memory_space<semaphore_mem>>, %arg13: memref<!tpu.dma_semaphore, #tpu.memory_space<semaphore_mem>>, %arg14: memref<!tpu.dma_semaphore, #tpu.memory_space<semaphore_mem>>) attributes {dimension_semantics = [#tpu.dimension_semantics<core_parallel>, #tpu.dimension_semantics<subcore_parallel>], iteration_bounds = array<i64: 2, 16>, scalar_prefetch = 0 : i64, scratch_operands = 10 : i64, tpu.core_type = #tpu.core_type<sc_vector_subcore>, window_params = [{transform_indices = #map}, {transform_indices = #map}, {transform_indices = #map}]} {
    %mul3A = arith.constant 16 : i32
    %mul3A_0 = arith.muli %arg0, %mul3A : i32
    %add3A = arith.addi %mul3A_0, %arg1 : i32
    %mul3A_1 = arith.constant 301056 : i32
    %mul3A_2 = arith.muli %add3A, %mul3A_1 : i32
    %add3A_3 = arith.constant 0 : i32
    %add3A_4 = arith.addi %mul3A_2, %add3A_3 : i32
    %dma_start3A = tpu.memref_slice %arg2[%add3A_4] : memref<9633792xf32, #tpu.memory_space<hbm>> -> memref<25088xf32, #tpu.memory_space<hbm>>
    %dma_start3A_5 = tpu.memref_slice %arg2[%add3A_4] : memref<9633792xf32, #tpu.memory_space<hbm>> -> memref<25088xf32, #tpu.memory_space<hbm>>
    tpu.enqueue_dma source(%dma_start3A_5 : memref<25088xf32, #tpu.memory_space<hbm>>) target(%arg7 : memref<25088xf32, #tpu.memory_space<vmem>>) target_semaphore(%arg11 : memref<!tpu.dma_semaphore, #tpu.memory_space<semaphore_mem>>)
    %add3A_6 = arith.constant 25088 : i32
    %add3A_7 = arith.addi %mul3A_2, %add3A_6 : i32
    %dma_start3A_8 = tpu.memref_slice %arg2[%add3A_7] : memref<9633792xf32, #tpu.memory_space<hbm>> -> memref<25088xf32, #tpu.memory_space<hbm>>
    %dma_start3A_9 = tpu.memref_slice %arg2[%add3A_7] : memref<9633792xf32, #tpu.memory_space<hbm>> -> memref<25088xf32, #tpu.memory_space<hbm>>
    tpu.enqueue_dma source(%dma_start3A_9 : memref<25088xf32, #tpu.memory_space<hbm>>) target(%arg8 : memref<25088xf32, #tpu.memory_space<vmem>>) target_semaphore(%arg12 : memref<!tpu.dma_semaphore, #tpu.memory_space<semaphore_mem>>)
    "tpu.region"() ({
      %run_scoped3A = tpu.sem_alloc : memref<!tpu.dma_semaphore, #tpu.memory_space<semaphore_mem>>
      tpu.enqueue_dma source(%arg3 : memref<16xf32, #tpu.memory_space<hbm>>) target(%arg6 : memref<16xf32, #tpu.memory_space<vmem>>) target_semaphore(%run_scoped3A : memref<!tpu.dma_semaphore, #tpu.memory_space<semaphore_mem>>)
      tpu.wait_dma2 semaphore(%run_scoped3A : memref<!tpu.dma_semaphore, #tpu.memory_space<semaphore_mem>>) src(%arg3 : memref<16xf32, #tpu.memory_space<hbm>>) dst(%arg6 : memref<16xf32, #tpu.memory_space<vmem>>)
      tpu.yield
    }) : () -> ()
    %iota3A = tpu.iota {dimensions = array<i32: 0>} : vector<16xi32>
    %convert_element_type3A = arith.sitofp %iota3A : vector<16xi32> to vector<16xf32>
    %get3A = arith.constant 0 : index
    %get3A_10 = tpu.vector_load %arg6[%get3A] {strides = array<i32>} : memref<16xf32, #tpu.memory_space<vmem>>, vector<16xf32>,
    %parallel_loop3A = arith.constant 0 : i32
    %parallel_loop3A_11 = arith.constant 1024 : i32
    %parallel_loop3A_12 = arith.constant 16 : i32
    scf.for %parallel_loop3A_184 = %parallel_loop3A to %parallel_loop3A_11 step %parallel_loop3A_12  : i32 {
      %parallel_loop3A_185 = arith.sitofp %parallel_loop3A_184 : i32 to f32
      %parallel_loop3A_186 = vector.broadcast %parallel_loop3A_185 : f32 to vector<16xf32>
      %parallel_loop3A_187 = arith.addf %convert_element_type3A, %parallel_loop3A_186 : vector<16xf32>
      %parallel_loop3A_188 = arith.constant 5.000000e-01 : f32
      %parallel_loop3A_189 = vector.broadcast %parallel_loop3A_188 : f32 to vector<16xf32>
      %parallel_loop3A_190 = arith.mulf %parallel_loop3A_187, %parallel_loop3A_189 : vector<16xf32>
      %parallel_loop3A_191 = arith.constant -2.557500e+02 : f32
      %parallel_loop3A_192 = vector.broadcast %parallel_loop3A_191 : f32 to vector<16xf32>
      %parallel_loop3A_193 = arith.addf %parallel_loop3A_190, %parallel_loop3A_192 : vector<16xf32>
      %parallel_loop3A_194 = arith.constant -1.280000e+02 : f32
      %parallel_loop3A_195 = vector.broadcast %parallel_loop3A_194 : f32 to vector<16xf32>
      %parallel_loop3A_196 = arith.maximumf %parallel_loop3A_193, %parallel_loop3A_195 : vector<16xf32>
      %parallel_loop3A_197 = arith.constant 1.270000e+02 : f32
      %parallel_loop3A_198 = vector.broadcast %parallel_loop3A_197 : f32 to vector<16xf32>
      %parallel_loop3A_199 = arith.minimumf %parallel_loop3A_196, %parallel_loop3A_198 : vector<16xf32>
      %parallel_loop3A_200 = arith.constant 0x7F800000 : f32
      %parallel_loop3A_201 = vector.broadcast %parallel_loop3A_200 : f32 to vector<16xf32>
      %parallel_loop3A_202 = arith.constant 0.000000e+00 : f32
      %parallel_loop3A_203 = vector.broadcast %parallel_loop3A_202 : f32 to vector<16xf32>
      %parallel_loop3A_204 = vector.extract_strided_slice %get3A_10 {offsets = [0], sizes = [1], strides = [1]} : vector<16xf32> to vector<1xf32>
      %parallel_loop3A_205 = vector.extract %parallel_loop3A_204[0] : f32 from vector<1xf32>
      %parallel_loop3A_206 = vector.broadcast %parallel_loop3A_205 : f32 to vector<16xf32>
      %parallel_loop3A_207 = arith.subf %parallel_loop3A_199, %parallel_loop3A_206 : vector<16xf32>
      %parallel_loop3A_208 = math.absf %parallel_loop3A_207 : vector<16xf32>
      %parallel_loop3A_209 = arith.cmpf olt, %parallel_loop3A_208, %parallel_loop3A_201 : vector<16xf32>
      %parallel_loop3A_210 = arith.minimumf %parallel_loop3A_201, %parallel_loop3A_208 : vector<16xf32>
      %parallel_loop3A_211 = vector.broadcast %parallel_loop3A_205 : f32 to vector<16xf32>
      %parallel_loop3A_212 = arith.select %parallel_loop3A_209, %parallel_loop3A_211, %parallel_loop3A_203 : vector<16xi1>, vector<16xf32>
      %parallel_loop3A_213 = vector.extract_strided_slice %get3A_10 {offsets = [1], sizes = [1], strides = [1]} : vector<16xf32> to vector<1xf32>
      %parallel_loop3A_214 = vector.extract %parallel_loop3A_213[0] : f32 from vector<1xf32>
      %parallel_loop3A_215 = vector.broadcast %parallel_loop3A_214 : f32 to vector<16xf32>
      %parallel_loop3A_216 = arith.subf %parallel_loop3A_199, %parallel_loop3A_215 : vector<16xf32>
      %parallel_loop3A_217 = math.absf %parallel_loop3A_216 : vector<16xf32>
      %parallel_loop3A_218 = arith.cmpf olt, %parallel_loop3A_217, %parallel_loop3A_210 : vector<16xf32>
      %parallel_loop3A_219 = arith.minimumf %parallel_loop3A_210, %parallel_loop3A_217 : vector<16xf32>
      %parallel_loop3A_220 = vector.broadcast %parallel_loop3A_214 : f32 to vector<16xf32>
      %parallel_loop3A_221 = arith.select %parallel_loop3A_218, %parallel_loop3A_220, %parallel_loop3A_212 : vector<16xi1>, vector<16xf32>
      %parallel_loop3A_222 = vector.extract_strided_slice %get3A_10 {offsets = [2], sizes = [1], strides = [1]} : vector<16xf32> to vector<1xf32>
      %parallel_loop3A_223 = vector.extract %parallel_loop3A_222[0] : f32 from vector<1xf32>
      %parallel_loop3A_224 = vector.broadcast %parallel_loop3A_223 : f32 to vector<16xf32>
      %parallel_loop3A_225 = arith.subf %parallel_loop3A_199, %parallel_loop3A_224 : vector<16xf32>
      %parallel_loop3A_226 = math.absf %parallel_loop3A_225 : vector<16xf32>
      %parallel_loop3A_227 = arith.cmpf olt, %parallel_loop3A_226, %parallel_loop3A_219 : vector<16xf32>
      %parallel_loop3A_228 = arith.minimumf %parallel_loop3A_219, %parallel_loop3A_226 : vector<16xf32>
      %parallel_loop3A_229 = vector.broadcast %parallel_loop3A_223 : f32 to vector<16xf32>
      %parallel_loop3A_230 = arith.select %parallel_loop3A_227, %parallel_loop3A_229, %parallel_loop3A_221 : vector<16xi1>, vector<16xf32>
      %parallel_loop3A_231 = vector.extract_strided_slice %get3A_10 {offsets = [3], sizes = [1], strides = [1]} : vector<16xf32> to vector<1xf32>
      %parallel_loop3A_232 = vector.extract %parallel_loop3A_231[0] : f32 from vector<1xf32>
      %parallel_loop3A_233 = vector.broadcast %parallel_loop3A_232 : f32 to vector<16xf32>
      %parallel_loop3A_234 = arith.subf %parallel_loop3A_199, %parallel_loop3A_233 : vector<16xf32>
      %parallel_loop3A_235 = math.absf %parallel_loop3A_234 : vector<16xf32>
      %parallel_loop3A_236 = arith.cmpf olt, %parallel_loop3A_235, %parallel_loop3A_228 : vector<16xf32>
      %parallel_loop3A_237 = arith.minimumf %parallel_loop3A_228, %parallel_loop3A_235 : vector<16xf32>
      %parallel_loop3A_238 = vector.broadcast %parallel_loop3A_232 : f32 to vector<16xf32>
      %parallel_loop3A_239 = arith.select %parallel_loop3A_236, %parallel_loop3A_238, %parallel_loop3A_230 : vector<16xi1>, vector<16xf32>
      %parallel_loop3A_240 = vector.extract_strided_slice %get3A_10 {offsets = [4], sizes = [1], strides = [1]} : vector<16xf32> to vector<1xf32>
      %parallel_loop3A_241 = vector.extract %parallel_loop3A_240[0] : f32 from vector<1xf32>
      %parallel_loop3A_242 = vector.broadcast %parallel_loop3A_241 : f32 to vector<16xf32>
      %parallel_loop3A_243 = arith.subf %parallel_loop3A_199, %parallel_loop3A_242 : vector<16xf32>
      %parallel_loop3A_244 = math.absf %parallel_loop3A_243 : vector<16xf32>
      %parallel_loop3A_245 = arith.cmpf olt, %parallel_loop3A_244, %parallel_loop3A_237 : vector<16xf32>
      %parallel_loop3A_246 = arith.minimumf %parallel_loop3A_237, %parallel_loop3A_244 : vector<16xf32>
      %parallel_loop3A_247 = vector.broadcast %parallel_loop3A_241 : f32 to vector<16xf32>
      %parallel_loop3A_248 = arith.select %parallel_loop3A_245, %parallel_loop3A_247, %parallel_loop3A_239 : vector<16xi1>, vector<16xf32>
      %parallel_loop3A_249 = vector.extract_strided_slice %get3A_10 {offsets = [5], sizes = [1], strides = [1]} : vector<16xf32> to vector<1xf32>
      %parallel_loop3A_250 = vector.extract %parallel_loop3A_249[0] : f32 from vector<1xf32>
      %parallel_loop3A_251 = vector.broadcast %parallel_loop3A_250 : f32 to vector<16xf32>
      %parallel_loop3A_252 = arith.subf %parallel_loop3A_199, %parallel_loop3A_251 : vector<16xf32>
      %parallel_loop3A_253 = math.absf %parallel_loop3A_252 : vector<16xf32>
      %parallel_loop3A_254 = arith.cmpf olt, %parallel_loop3A_253, %parallel_loop3A_246 : vector<16xf32>
      %parallel_loop3A_255 = arith.minimumf %parallel_loop3A_246, %parallel_loop3A_253 : vector<16xf32>
      %parallel_loop3A_256 = vector.broadcast %parallel_loop3A_250 : f32 to vector<16xf32>
      %parallel_loop3A_257 = arith.select %parallel_loop3A_254, %parallel_loop3A_256, %parallel_loop3A_248 : vector<16xi1>, vector<16xf32>
      %parallel_loop3A_258 = vector.extract_strided_slice %get3A_10 {offsets = [6], sizes = [1], strides = [1]} : vector<16xf32> to vector<1xf32>
      %parallel_loop3A_259 = vector.extract %parallel_loop3A_258[0] : f32 from vector<1xf32>
      %parallel_loop3A_260 = vector.broadcast %parallel_loop3A_259 : f32 to vector<16xf32>
      %parallel_loop3A_261 = arith.subf %parallel_loop3A_199, %parallel_loop3A_260 : vector<16xf32>
      %parallel_loop3A_262 = math.absf %parallel_loop3A_261 : vector<16xf32>
      %parallel_loop3A_263 = arith.cmpf olt, %parallel_loop3A_262, %parallel_loop3A_255 : vector<16xf32>
      %parallel_loop3A_264 = arith.minimumf %parallel_loop3A_255, %parallel_loop3A_262 : vector<16xf32>
      %parallel_loop3A_265 = vector.broadcast %parallel_loop3A_259 : f32 to vector<16xf32>
      %parallel_loop3A_266 = arith.select %parallel_loop3A_263, %parallel_loop3A_265, %parallel_loop3A_257 : vector<16xi1>, vector<16xf32>
      %parallel_loop3A_267 = vector.extract_strided_slice %get3A_10 {offsets = [7], sizes = [1], strides = [1]} : vector<16xf32> to vector<1xf32>
      %parallel_loop3A_268 = vector.extract %parallel_loop3A_267[0] : f32 from vector<1xf32>
      %parallel_loop3A_269 = vector.broadcast %parallel_loop3A_268 : f32 to vector<16xf32>
      %parallel_loop3A_270 = arith.subf %parallel_loop3A_199, %parallel_loop3A_269 : vector<16xf32>
      %parallel_loop3A_271 = math.absf %parallel_loop3A_270 : vector<16xf32>
      %parallel_loop3A_272 = arith.cmpf olt, %parallel_loop3A_271, %parallel_loop3A_264 : vector<16xf32>
      %parallel_loop3A_273 = arith.minimumf %parallel_loop3A_264, %parallel_loop3A_271 : vector<16xf32>
      %parallel_loop3A_274 = vector.broadcast %parallel_loop3A_268 : f32 to vector<16xf32>
      %parallel_loop3A_275 = arith.select %parallel_loop3A_272, %parallel_loop3A_274, %parallel_loop3A_266 : vector<16xi1>, vector<16xf32>
      %parallel_loop3A_276 = vector.extract_strided_slice %get3A_10 {offsets = [8], sizes = [1], strides = [1]} : vector<16xf32> to vector<1xf32>
      %parallel_loop3A_277 = vector.extract %parallel_loop3A_276[0] : f32 from vector<1xf32>
      %parallel_loop3A_278 = vector.broadcast %parallel_loop3A_277 : f32 to vector<16xf32>
      %parallel_loop3A_279 = arith.subf %parallel_loop3A_199, %parallel_loop3A_278 : vector<16xf32>
      %parallel_loop3A_280 = math.absf %parallel_loop3A_279 : vector<16xf32>
      %parallel_loop3A_281 = arith.cmpf olt, %parallel_loop3A_280, %parallel_loop3A_273 : vector<16xf32>
      %parallel_loop3A_282 = arith.minimumf %parallel_loop3A_273, %parallel_loop3A_280 : vector<16xf32>
      %parallel_loop3A_283 = vector.broadcast %parallel_loop3A_277 : f32 to vector<16xf32>
      %parallel_loop3A_284 = arith.select %parallel_loop3A_281, %parallel_loop3A_283, %parallel_loop3A_275 : vector<16xi1>, vector<16xf32>
      %parallel_loop3A_285 = vector.extract_strided_slice %get3A_10 {offsets = [9], sizes = [1], strides = [1]} : vector<16xf32> to vector<1xf32>
      %parallel_loop3A_286 = vector.extract %parallel_loop3A_285[0] : f32 from vector<1xf32>
      %parallel_loop3A_287 = vector.broadcast %parallel_loop3A_286 : f32 to vector<16xf32>
      %parallel_loop3A_288 = arith.subf %parallel_loop3A_199, %parallel_loop3A_287 : vector<16xf32>
      %parallel_loop3A_289 = math.absf %parallel_loop3A_288 : vector<16xf32>
      %parallel_loop3A_290 = arith.cmpf olt, %parallel_loop3A_289, %parallel_loop3A_282 : vector<16xf32>
      %parallel_loop3A_291 = arith.minimumf %parallel_loop3A_282, %parallel_loop3A_289 : vector<16xf32>
      %parallel_loop3A_292 = vector.broadcast %parallel_loop3A_286 : f32 to vector<16xf32>
      %parallel_loop3A_293 = arith.select %parallel_loop3A_290, %parallel_loop3A_292, %parallel_loop3A_284 : vector<16xi1>, vector<16xf32>
      %parallel_loop3A_294 = vector.extract_strided_slice %get3A_10 {offsets = [10], sizes = [1], strides = [1]} : vector<16xf32> to vector<1xf32>
      %parallel_loop3A_295 = vector.extract %parallel_loop3A_294[0] : f32 from vector<1xf32>
      %parallel_loop3A_296 = vector.broadcast %parallel_loop3A_295 : f32 to vector<16xf32>
      %parallel_loop3A_297 = arith.subf %parallel_loop3A_199, %parallel_loop3A_296 : vector<16xf32>
      %parallel_loop3A_298 = math.absf %parallel_loop3A_297 : vector<16xf32>
      %parallel_loop3A_299 = arith.cmpf olt, %parallel_loop3A_298, %parallel_loop3A_291 : vector<16xf32>
      %parallel_loop3A_300 = arith.minimumf %parallel_loop3A_291, %parallel_loop3A_298 : vector<16xf32>
      %parallel_loop3A_301 = vector.broadcast %parallel_loop3A_295 : f32 to vector<16xf32>
      %parallel_loop3A_302 = arith.select %parallel_loop3A_299, %parallel_loop3A_301, %parallel_loop3A_293 : vector<16xi1>, vector<16xf32>
      %parallel_loop3A_303 = vector.extract_strided_slice %get3A_10 {offsets = [11], sizes = [1], strides = [1]} : vector<16xf32> to vector<1xf32>
      %parallel_loop3A_304 = vector.extract %parallel_loop3A_303[0] : f32 from vector<1xf32>
      %parallel_loop3A_305 = vector.broadcast %parallel_loop3A_304 : f32 to vector<16xf32>
      %parallel_loop3A_306 = arith.subf %parallel_loop3A_199, %parallel_loop3A_305 : vector<16xf32>
      %parallel_loop3A_307 = math.absf %parallel_loop3A_306 : vector<16xf32>
      %parallel_loop3A_308 = arith.cmpf olt, %parallel_loop3A_307, %parallel_loop3A_300 : vector<16xf32>
      %parallel_loop3A_309 = arith.minimumf %parallel_loop3A_300, %parallel_loop3A_307 : vector<16xf32>
      %parallel_loop3A_310 = vector.broadcast %parallel_loop3A_304 : f32 to vector<16xf32>
      %parallel_loop3A_311 = arith.select %parallel_loop3A_308, %parallel_loop3A_310, %parallel_loop3A_302 : vector<16xi1>, vector<16xf32>
      %parallel_loop3A_312 = vector.extract_strided_slice %get3A_10 {offsets = [12], sizes = [1], strides = [1]} : vector<16xf32> to vector<1xf32>
      %parallel_loop3A_313 = vector.extract %parallel_loop3A_312[0] : f32 from vector<1xf32>
      %parallel_loop3A_314 = vector.broadcast %parallel_loop3A_313 : f32 to vector<16xf32>
      %parallel_loop3A_315 = arith.subf %parallel_loop3A_199, %parallel_loop3A_314 : vector<16xf32>
      %parallel_loop3A_316 = math.absf %parallel_loop3A_315 : vector<16xf32>
      %parallel_loop3A_317 = arith.cmpf olt, %parallel_loop3A_316, %parallel_loop3A_309 : vector<16xf32>
      %parallel_loop3A_318 = arith.minimumf %parallel_loop3A_309, %parallel_loop3A_316 : vector<16xf32>
      %parallel_loop3A_319 = vector.broadcast %parallel_loop3A_313 : f32 to vector<16xf32>
      %parallel_loop3A_320 = arith.select %parallel_loop3A_317, %parallel_loop3A_319, %parallel_loop3A_311 : vector<16xi1>, vector<16xf32>
      %parallel_loop3A_321 = vector.extract_strided_slice %get3A_10 {offsets = [13], sizes = [1], strides = [1]} : vector<16xf32> to vector<1xf32>
      %parallel_loop3A_322 = vector.extract %parallel_loop3A_321[0] : f32 from vector<1xf32>
      %parallel_loop3A_323 = vector.broadcast %parallel_loop3A_322 : f32 to vector<16xf32>
      %parallel_loop3A_324 = arith.subf %parallel_loop3A_199, %parallel_loop3A_323 : vector<16xf32>
      %parallel_loop3A_325 = math.absf %parallel_loop3A_324 : vector<16xf32>
      %parallel_loop3A_326 = arith.cmpf olt, %parallel_loop3A_325, %parallel_loop3A_318 : vector<16xf32>
      %parallel_loop3A_327 = arith.minimumf %parallel_loop3A_318, %parallel_loop3A_325 : vector<16xf32>
      %parallel_loop3A_328 = vector.broadcast %parallel_loop3A_322 : f32 to vector<16xf32>
      %parallel_loop3A_329 = arith.select %parallel_loop3A_326, %parallel_loop3A_328, %parallel_loop3A_320 : vector<16xi1>, vector<16xf32>
      %parallel_loop3A_330 = vector.extract_strided_slice %get3A_10 {offsets = [14], sizes = [1], strides = [1]} : vector<16xf32> to vector<1xf32>
      %parallel_loop3A_331 = vector.extract %parallel_loop3A_330[0] : f32 from vector<1xf32>
      %parallel_loop3A_332 = vector.broadcast %parallel_loop3A_331 : f32 to vector<16xf32>
      %parallel_loop3A_333 = arith.subf %parallel_loop3A_199, %parallel_loop3A_332 : vector<16xf32>
      %parallel_loop3A_334 = math.absf %parallel_loop3A_333 : vector<16xf32>
      %parallel_loop3A_335 = arith.cmpf olt, %parallel_loop3A_334, %parallel_loop3A_327 : vector<16xf32>
      %parallel_loop3A_336 = arith.minimumf %parallel_loop3A_327, %parallel_loop3A_334 : vector<16xf32>
      %parallel_loop3A_337 = vector.broadcast %parallel_loop3A_331 : f32 to vector<16xf32>
      %parallel_loop3A_338 = arith.select %parallel_loop3A_335, %parallel_loop3A_337, %parallel_loop3A_329 : vector<16xi1>, vector<16xf32>
      %parallel_loop3A_339 = vector.extract_strided_slice %get3A_10 {offsets = [15], sizes = [1], strides = [1]} : vector<16xf32> to vector<1xf32>
      %parallel_loop3A_340 = vector.extract %parallel_loop3A_339[0] : f32 from vector<1xf32>
      %parallel_loop3A_341 = vector.broadcast %parallel_loop3A_340 : f32 to vector<16xf32>
      %parallel_loop3A_342 = arith.subf %parallel_loop3A_199, %parallel_loop3A_341 : vector<16xf32>
      %parallel_loop3A_343 = math.absf %parallel_loop3A_342 : vector<16xf32>
      %parallel_loop3A_344 = arith.cmpf olt, %parallel_loop3A_343, %parallel_loop3A_336 : vector<16xf32>
      %parallel_loop3A_345 = arith.minimumf %parallel_loop3A_336, %parallel_loop3A_343 : vector<16xf32>
      %parallel_loop3A_346 = vector.broadcast %parallel_loop3A_340 : f32 to vector<16xf32>
      %parallel_loop3A_347 = arith.select %parallel_loop3A_344, %parallel_loop3A_346, %parallel_loop3A_338 : vector<16xi1>, vector<16xf32>
      %parallel_loop3A_348 = arith.constant 6.250000e-02 : f32
      %parallel_loop3A_349 = vector.broadcast %parallel_loop3A_348 : f32 to vector<16xf32>
      %parallel_loop3A_350 = arith.mulf %parallel_loop3A_347, %parallel_loop3A_349 : vector<16xf32>
      %parallel_loop3A_351 = arith.index_cast %parallel_loop3A_184 : i32 to index
      %parallel_loop3A_352 = tpu.vector_load %arg5[%parallel_loop3A_351] {strides = array<i32>} : memref<1024xf32, #tpu.memory_space<vmem>>, vector<16xf32>,
      tpu.vector_store %arg5[%parallel_loop3A_351], %parallel_loop3A_350 {strides = array<i32>} : memref<1024xf32, #tpu.memory_space<vmem>>, vector<16xf32>,
    } {sc.loop_unroll_factor = 2 : i64, sc.parallel_access}
    %dma_wait3A = tpu.memref_slice %arg2[%add3A_4] : memref<9633792xf32, #tpu.memory_space<hbm>> -> memref<25088xf32, #tpu.memory_space<hbm>>
    %dma_wait3A_13 = tpu.memref_slice %arg2[%add3A_4] : memref<9633792xf32, #tpu.memory_space<hbm>> -> memref<25088xf32, #tpu.memory_space<hbm>>
    tpu.wait_dma2 semaphore(%arg11 : memref<!tpu.dma_semaphore, #tpu.memory_space<semaphore_mem>>) src(%dma_wait3A_13 : memref<25088xf32, #tpu.memory_space<hbm>>) dst(%arg7 : memref<25088xf32, #tpu.memory_space<vmem>>)
    %parallel_loop3A_14 = arith.constant 0 : i32
    %parallel_loop3A_15 = arith.constant 25088 : i32
    %parallel_loop3A_16 = arith.constant 16 : i32
    scf.for %parallel_loop3A_184 = %parallel_loop3A_14 to %parallel_loop3A_15 step %parallel_loop3A_16  : i32 {
      %parallel_loop3A_185 = arith.index_cast %parallel_loop3A_184 : i32 to index
      %parallel_loop3A_186 = tpu.vector_load %arg7[%parallel_loop3A_185] {strides = array<i32>} : memref<25088xf32, #tpu.memory_space<vmem>>, vector<16xf32>,
      %parallel_loop3A_187 = arith.constant 3.200000e+01 : f32
      %parallel_loop3A_188 = vector.broadcast %parallel_loop3A_187 : f32 to vector<16xf32>
      %parallel_loop3A_189 = arith.mulf %parallel_loop3A_186, %parallel_loop3A_188 : vector<16xf32>
      %parallel_loop3A_190 = arith.constant 5.120000e+02 : f32
      %parallel_loop3A_191 = vector.broadcast %parallel_loop3A_190 : f32 to vector<16xf32>
      %parallel_loop3A_192 = arith.addf %parallel_loop3A_189, %parallel_loop3A_191 : vector<16xf32>
      %parallel_loop3A_193 = arith.constant 0.000000e+00 : f32
      %parallel_loop3A_194 = vector.broadcast %parallel_loop3A_193 : f32 to vector<16xf32>
      %parallel_loop3A_195 = arith.maximumf %parallel_loop3A_192, %parallel_loop3A_194 : vector<16xf32>
      %parallel_loop3A_196 = arith.constant 1.023000e+03 : f32
      %parallel_loop3A_197 = vector.broadcast %parallel_loop3A_196 : f32 to vector<16xf32>
      %parallel_loop3A_198 = arith.minimumf %parallel_loop3A_195, %parallel_loop3A_197 : vector<16xf32>
      %parallel_loop3A_199 = arith.fptosi %parallel_loop3A_198 : vector<16xf32> to vector<16xi32>
      %parallel_loop3A_200 = tpu.vector_load_idx %arg5[%parallel_loop3A_199] : memref<1024xf32, #tpu.memory_space<vmem>>[vector<16xi32>], vector<16xf32>,
      %parallel_loop3A_201 = arith.index_cast %parallel_loop3A_184 : i32 to index
      %parallel_loop3A_202 = tpu.vector_load %arg9[%parallel_loop3A_201] {strides = array<i32>} : memref<25088xf32, #tpu.memory_space<vmem>>, vector<16xf32>,
      tpu.vector_store %arg9[%parallel_loop3A_201], %parallel_loop3A_200 {strides = array<i32>} : memref<25088xf32, #tpu.memory_space<vmem>>, vector<16xf32>,
    } {sc.loop_unroll_factor = 16 : i64, sc.parallel_access}
    %add3A_17 = arith.constant 0 : i32
    %add3A_18 = arith.addi %mul3A_2, %add3A_17 : i32
    %dma_start3A_19 = tpu.memref_slice %arg4[%add3A_18] : memref<9633792xf32, #tpu.memory_space<hbm>> -> memref<25088xf32, #tpu.memory_space<hbm>>
    %dma_start3A_20 = tpu.memref_slice %arg4[%add3A_18] : memref<9633792xf32, #tpu.memory_space<hbm>> -> memref<25088xf32, #tpu.memory_space<hbm>>
    tpu.enqueue_dma source(%arg9 : memref<25088xf32, #tpu.memory_space<vmem>>) target(%dma_start3A_20 : memref<25088xf32, #tpu.memory_space<hbm>>) target_semaphore(%arg13 : memref<!tpu.dma_semaphore, #tpu.memory_space<semaphore_mem>>)
    %add3A_21 = arith.constant 50176 : i32
    %add3A_22 = arith.addi %mul3A_2, %add3A_21 : i32
    %dma_start3A_23 = tpu.memref_slice %arg2[%add3A_22] : memref<9633792xf32, #tpu.memory_space<hbm>> -> memref<25088xf32, #tpu.memory_space<hbm>>
    %dma_start3A_24 = tpu.memref_slice %arg2[%add3A_22] : memref<9633792xf32, #tpu.memory_space<hbm>> -> memref<25088xf32, #tpu.memory_space<hbm>>
    tpu.enqueue_dma source(%dma_start3A_24 : memref<25088xf32, #tpu.memory_space<hbm>>) target(%arg7 : memref<25088xf32, #tpu.memory_space<vmem>>) target_semaphore(%arg11 : memref<!tpu.dma_semaphore, #tpu.memory_space<semaphore_mem>>)
    %dma_wait3A_25 = tpu.memref_slice %arg2[%add3A_7] : memref<9633792xf32, #tpu.memory_space<hbm>> -> memref<25088xf32, #tpu.memory_space<hbm>>
    %dma_wait3A_26 = tpu.memref_slice %arg2[%add3A_7] : memref<9633792xf32, #tpu.memory_space<hbm>> -> memref<25088xf32, #tpu.memory_space<hbm>>
    tpu.wait_dma2 semaphore(%arg12 : memref<!tpu.dma_semaphore, #tpu.memory_space<semaphore_mem>>) src(%dma_wait3A_26 : memref<25088xf32, #tpu.memory_space<hbm>>) dst(%arg8 : memref<25088xf32, #tpu.memory_space<vmem>>)
    %parallel_loop3A_27 = arith.constant 0 : i32
    %parallel_loop3A_28 = arith.constant 25088 : i32
    %parallel_loop3A_29 = arith.constant 16 : i32
    scf.for %parallel_loop3A_184 = %parallel_loop3A_27 to %parallel_loop3A_28 step %parallel_loop3A_29  : i32 {
      %parallel_loop3A_185 = arith.index_cast %parallel_loop3A_184 : i32 to index
      %parallel_loop3A_186 = tpu.vector_load %arg8[%parallel_loop3A_185] {strides = array<i32>} : memref<25088xf32, #tpu.memory_space<vmem>>, vector<16xf32>,
      %parallel_loop3A_187 = arith.constant 3.200000e+01 : f32
      %parallel_loop3A_188 = vector.broadcast %parallel_loop3A_187 : f32 to vector<16xf32>
      %parallel_loop3A_189 = arith.mulf %parallel_loop3A_186, %parallel_loop3A_188 : vector<16xf32>
      %parallel_loop3A_190 = arith.constant 5.120000e+02 : f32
      %parallel_loop3A_191 = vector.broadcast %parallel_loop3A_190 : f32 to vector<16xf32>
      %parallel_loop3A_192 = arith.addf %parallel_loop3A_189, %parallel_loop3A_191 : vector<16xf32>
      %parallel_loop3A_193 = arith.constant 0.000000e+00 : f32
      %parallel_loop3A_194 = vector.broadcast %parallel_loop3A_193 : f32 to vector<16xf32>
      %parallel_loop3A_195 = arith.maximumf %parallel_loop3A_192, %parallel_loop3A_194 : vector<16xf32>
      %parallel_loop3A_196 = arith.constant 1.023000e+03 : f32
      %parallel_loop3A_197 = vector.broadcast %parallel_loop3A_196 : f32 to vector<16xf32>
      %parallel_loop3A_198 = arith.minimumf %parallel_loop3A_195, %parallel_loop3A_197 : vector<16xf32>
      %parallel_loop3A_199 = arith.fptosi %parallel_loop3A_198 : vector<16xf32> to vector<16xi32>
      %parallel_loop3A_200 = tpu.vector_load_idx %arg5[%parallel_loop3A_199] : memref<1024xf32, #tpu.memory_space<vmem>>[vector<16xi32>], vector<16xf32>,
      %parallel_loop3A_201 = arith.index_cast %parallel_loop3A_184 : i32 to index
      %parallel_loop3A_202 = tpu.vector_load %arg10[%parallel_loop3A_201] {strides = array<i32>} : memref<25088xf32, #tpu.memory_space<vmem>>, vector<16xf32>,
      tpu.vector_store %arg10[%parallel_loop3A_201], %parallel_loop3A_200 {strides = array<i32>} : memref<25088xf32, #tpu.memory_space<vmem>>, vector<16xf32>,
    } {sc.loop_unroll_factor = 16 : i64, sc.parallel_access}
    %add3A_30 = arith.constant 25088 : i32
    %add3A_31 = arith.addi %mul3A_2, %add3A_30 : i32
    %dma_start3A_32 = tpu.memref_slice %arg4[%add3A_31] : memref<9633792xf32, #tpu.memory_space<hbm>> -> memref<25088xf32, #tpu.memory_space<hbm>>
    %dma_start3A_33 = tpu.memref_slice %arg4[%add3A_31] : memref<9633792xf32, #tpu.memory_space<hbm>> -> memref<25088xf32, #tpu.memory_space<hbm>>
    tpu.enqueue_dma source(%arg10 : memref<25088xf32, #tpu.memory_space<vmem>>) target(%dma_start3A_33 : memref<25088xf32, #tpu.memory_space<hbm>>) target_semaphore(%arg14 : memref<!tpu.dma_semaphore, #tpu.memory_space<semaphore_mem>>)
    %add3A_34 = arith.constant 75264 : i32
    %add3A_35 = arith.addi %mul3A_2, %add3A_34 : i32
    %dma_start3A_36 = tpu.memref_slice %arg2[%add3A_35] : memref<9633792xf32, #tpu.memory_space<hbm>> -> memref<25088xf32, #tpu.memory_space<hbm>>
    %dma_start3A_37 = tpu.memref_slice %arg2[%add3A_35] : memref<9633792xf32, #tpu.memory_space<hbm>> -> memref<25088xf32, #tpu.memory_space<hbm>>
    tpu.enqueue_dma source(%dma_start3A_37 : memref<25088xf32, #tpu.memory_space<hbm>>) target(%arg8 : memref<25088xf32, #tpu.memory_space<vmem>>) target_semaphore(%arg12 : memref<!tpu.dma_semaphore, #tpu.memory_space<semaphore_mem>>)
    %dma_wait3A_38 = tpu.memref_slice %arg2[%add3A_22] : memref<9633792xf32, #tpu.memory_space<hbm>> -> memref<25088xf32, #tpu.memory_space<hbm>>
    %dma_wait3A_39 = tpu.memref_slice %arg2[%add3A_22] : memref<9633792xf32, #tpu.memory_space<hbm>> -> memref<25088xf32, #tpu.memory_space<hbm>>
    tpu.wait_dma2 semaphore(%arg11 : memref<!tpu.dma_semaphore, #tpu.memory_space<semaphore_mem>>) src(%dma_wait3A_39 : memref<25088xf32, #tpu.memory_space<hbm>>) dst(%arg7 : memref<25088xf32, #tpu.memory_space<vmem>>)
    %dma_wait3A_40 = tpu.memref_slice %arg4[%add3A_18] : memref<9633792xf32, #tpu.memory_space<hbm>> -> memref<25088xf32, #tpu.memory_space<hbm>>
    %dma_wait3A_41 = tpu.memref_slice %arg4[%add3A_18] : memref<9633792xf32, #tpu.memory_space<hbm>> -> memref<25088xf32, #tpu.memory_space<hbm>>
    tpu.wait_dma2 semaphore(%arg13 : memref<!tpu.dma_semaphore, #tpu.memory_space<semaphore_mem>>) src(%arg9 : memref<25088xf32, #tpu.memory_space<vmem>>) dst(%dma_wait3A_41 : memref<25088xf32, #tpu.memory_space<hbm>>)
    %parallel_loop3A_42 = arith.constant 0 : i32
    %parallel_loop3A_43 = arith.constant 25088 : i32
    %parallel_loop3A_44 = arith.constant 16 : i32
    scf.for %parallel_loop3A_184 = %parallel_loop3A_42 to %parallel_loop3A_43 step %parallel_loop3A_44  : i32 {
      %parallel_loop3A_185 = arith.index_cast %parallel_loop3A_184 : i32 to index
      %parallel_loop3A_186 = tpu.vector_load %arg7[%parallel_loop3A_185] {strides = array<i32>} : memref<25088xf32, #tpu.memory_space<vmem>>, vector<16xf32>,
      %parallel_loop3A_187 = arith.constant 3.200000e+01 : f32
      %parallel_loop3A_188 = vector.broadcast %parallel_loop3A_187 : f32 to vector<16xf32>
      %parallel_loop3A_189 = arith.mulf %parallel_loop3A_186, %parallel_loop3A_188 : vector<16xf32>
      %parallel_loop3A_190 = arith.constant 5.120000e+02 : f32
      %parallel_loop3A_191 = vector.broadcast %parallel_loop3A_190 : f32 to vector<16xf32>
      %parallel_loop3A_192 = arith.addf %parallel_loop3A_189, %parallel_loop3A_191 : vector<16xf32>
      %parallel_loop3A_193 = arith.constant 0.000000e+00 : f32
      %parallel_loop3A_194 = vector.broadcast %parallel_loop3A_193 : f32 to vector<16xf32>
      %parallel_loop3A_195 = arith.maximumf %parallel_loop3A_192, %parallel_loop3A_194 : vector<16xf32>
      %parallel_loop3A_196 = arith.constant 1.023000e+03 : f32
      %parallel_loop3A_197 = vector.broadcast %parallel_loop3A_196 : f32 to vector<16xf32>
      %parallel_loop3A_198 = arith.minimumf %parallel_loop3A_195, %parallel_loop3A_197 : vector<16xf32>
      %parallel_loop3A_199 = arith.fptosi %parallel_loop3A_198 : vector<16xf32> to vector<16xi32>
      %parallel_loop3A_200 = tpu.vector_load_idx %arg5[%parallel_loop3A_199] : memref<1024xf32, #tpu.memory_space<vmem>>[vector<16xi32>], vector<16xf32>,
      %parallel_loop3A_201 = arith.index_cast %parallel_loop3A_184 : i32 to index
      %parallel_loop3A_202 = tpu.vector_load %arg9[%parallel_loop3A_201] {strides = array<i32>} : memref<25088xf32, #tpu.memory_space<vmem>>, vector<16xf32>,
      tpu.vector_store %arg9[%parallel_loop3A_201], %parallel_loop3A_200 {strides = array<i32>} : memref<25088xf32, #tpu.memory_space<vmem>>, vector<16xf32>,
    } {sc.loop_unroll_factor = 16 : i64, sc.parallel_access}
    %add3A_45 = arith.constant 50176 : i32
    %add3A_46 = arith.addi %mul3A_2, %add3A_45 : i32
    %dma_start3A_47 = tpu.memref_slice %arg4[%add3A_46] : memref<9633792xf32, #tpu.memory_space<hbm>> -> memref<25088xf32, #tpu.memory_space<hbm>>
    %dma_start3A_48 = tpu.memref_slice %arg4[%add3A_46] : memref<9633792xf32, #tpu.memory_space<hbm>> -> memref<25088xf32, #tpu.memory_space<hbm>>
    tpu.enqueue_dma source(%arg9 : memref<25088xf32, #tpu.memory_space<vmem>>) target(%dma_start3A_48 : memref<25088xf32, #tpu.memory_space<hbm>>) target_semaphore(%arg13 : memref<!tpu.dma_semaphore, #tpu.memory_space<semaphore_mem>>)
    %add3A_49 = arith.constant 100352 : i32
    %add3A_50 = arith.addi %mul3A_2, %add3A_49 : i32
    %dma_start3A_51 = tpu.memref_slice %arg2[%add3A_50] : memref<9633792xf32, #tpu.memory_space<hbm>> -> memref<25088xf32, #tpu.memory_space<hbm>>
    %dma_start3A_52 = tpu.memref_slice %arg2[%add3A_50] : memref<9633792xf32, #tpu.memory_space<hbm>> -> memref<25088xf32, #tpu.memory_space<hbm>>
    tpu.enqueue_dma source(%dma_start3A_52 : memref<25088xf32, #tpu.memory_space<hbm>>) target(%arg7 : memref<25088xf32, #tpu.memory_space<vmem>>) target_semaphore(%arg11 : memref<!tpu.dma_semaphore, #tpu.memory_space<semaphore_mem>>)
    %dma_wait3A_53 = tpu.memref_slice %arg2[%add3A_35] : memref<9633792xf32, #tpu.memory_space<hbm>> -> memref<25088xf32, #tpu.memory_space<hbm>>
    %dma_wait3A_54 = tpu.memref_slice %arg2[%add3A_35] : memref<9633792xf32, #tpu.memory_space<hbm>> -> memref<25088xf32, #tpu.memory_space<hbm>>
    tpu.wait_dma2 semaphore(%arg12 : memref<!tpu.dma_semaphore, #tpu.memory_space<semaphore_mem>>) src(%dma_wait3A_54 : memref<25088xf32, #tpu.memory_space<hbm>>) dst(%arg8 : memref<25088xf32, #tpu.memory_space<vmem>>)
    %dma_wait3A_55 = tpu.memref_slice %arg4[%add3A_31] : memref<9633792xf32, #tpu.memory_space<hbm>> -> memref<25088xf32, #tpu.memory_space<hbm>>
    %dma_wait3A_56 = tpu.memref_slice %arg4[%add3A_31] : memref<9633792xf32, #tpu.memory_space<hbm>> -> memref<25088xf32, #tpu.memory_space<hbm>>
    tpu.wait_dma2 semaphore(%arg14 : memref<!tpu.dma_semaphore, #tpu.memory_space<semaphore_mem>>) src(%arg10 : memref<25088xf32, #tpu.memory_space<vmem>>) dst(%dma_wait3A_56 : memref<25088xf32, #tpu.memory_space<hbm>>)
    %parallel_loop3A_57 = arith.constant 0 : i32
    %parallel_loop3A_58 = arith.constant 25088 : i32
    %parallel_loop3A_59 = arith.constant 16 : i32
    scf.for %parallel_loop3A_184 = %parallel_loop3A_57 to %parallel_loop3A_58 step %parallel_loop3A_59  : i32 {
      %parallel_loop3A_185 = arith.index_cast %parallel_loop3A_184 : i32 to index
      %parallel_loop3A_186 = tpu.vector_load %arg8[%parallel_loop3A_185] {strides = array<i32>} : memref<25088xf32, #tpu.memory_space<vmem>>, vector<16xf32>,
      %parallel_loop3A_187 = arith.constant 3.200000e+01 : f32
      %parallel_loop3A_188 = vector.broadcast %parallel_loop3A_187 : f32 to vector<16xf32>
      %parallel_loop3A_189 = arith.mulf %parallel_loop3A_186, %parallel_loop3A_188 : vector<16xf32>
      %parallel_loop3A_190 = arith.constant 5.120000e+02 : f32
      %parallel_loop3A_191 = vector.broadcast %parallel_loop3A_190 : f32 to vector<16xf32>
      %parallel_loop3A_192 = arith.addf %parallel_loop3A_189, %parallel_loop3A_191 : vector<16xf32>
      %parallel_loop3A_193 = arith.constant 0.000000e+00 : f32
      %parallel_loop3A_194 = vector.broadcast %parallel_loop3A_193 : f32 to vector<16xf32>
      %parallel_loop3A_195 = arith.maximumf %parallel_loop3A_192, %parallel_loop3A_194 : vector<16xf32>
      %parallel_loop3A_196 = arith.constant 1.023000e+03 : f32
      %parallel_loop3A_197 = vector.broadcast %parallel_loop3A_196 : f32 to vector<16xf32>
      %parallel_loop3A_198 = arith.minimumf %parallel_loop3A_195, %parallel_loop3A_197 : vector<16xf32>
      %parallel_loop3A_199 = arith.fptosi %parallel_loop3A_198 : vector<16xf32> to vector<16xi32>
      %parallel_loop3A_200 = tpu.vector_load_idx %arg5[%parallel_loop3A_199] : memref<1024xf32, #tpu.memory_space<vmem>>[vector<16xi32>], vector<16xf32>,
      %parallel_loop3A_201 = arith.index_cast %parallel_loop3A_184 : i32 to index
      %parallel_loop3A_202 = tpu.vector_load %arg10[%parallel_loop3A_201] {strides = array<i32>} : memref<25088xf32, #tpu.memory_space<vmem>>, vector<16xf32>,
      tpu.vector_store %arg10[%parallel_loop3A_201], %parallel_loop3A_200 {strides = array<i32>} : memref<25088xf32, #tpu.memory_space<vmem>>, vector<16xf32>,
    } {sc.loop_unroll_factor = 16 : i64, sc.parallel_access}
    %add3A_60 = arith.constant 75264 : i32
    %add3A_61 = arith.addi %mul3A_2, %add3A_60 : i32
    %dma_start3A_62 = tpu.memref_slice %arg4[%add3A_61] : memref<9633792xf32, #tpu.memory_space<hbm>> -> memref<25088xf32, #tpu.memory_space<hbm>>
    %dma_start3A_63 = tpu.memref_slice %arg4[%add3A_61] : memref<9633792xf32, #tpu.memory_space<hbm>> -> memref<25088xf32, #tpu.memory_space<hbm>>
    tpu.enqueue_dma source(%arg10 : memref<25088xf32, #tpu.memory_space<vmem>>) target(%dma_start3A_63 : memref<25088xf32, #tpu.memory_space<hbm>>) target_semaphore(%arg14 : memref<!tpu.dma_semaphore, #tpu.memory_space<semaphore_mem>>)
    %add3A_64 = arith.constant 125440 : i32
    %add3A_65 = arith.addi %mul3A_2, %add3A_64 : i32
    %dma_start3A_66 = tpu.memref_slice %arg2[%add3A_65] : memref<9633792xf32, #tpu.memory_space<hbm>> -> memref<25088xf32, #tpu.memory_space<hbm>>
    %dma_start3A_67 = tpu.memref_slice %arg2[%add3A_65] : memref<9633792xf32, #tpu.memory_space<hbm>> -> memref<25088xf32, #tpu.memory_space<hbm>>
    tpu.enqueue_dma source(%dma_start3A_67 : memref<25088xf32, #tpu.memory_space<hbm>>) target(%arg8 : memref<25088xf32, #tpu.memory_space<vmem>>) target_semaphore(%arg12 : memref<!tpu.dma_semaphore, #tpu.memory_space<semaphore_mem>>)
    %dma_wait3A_68 = tpu.memref_slice %arg2[%add3A_50] : memref<9633792xf32, #tpu.memory_space<hbm>> -> memref<25088xf32, #tpu.memory_space<hbm>>
    %dma_wait3A_69 = tpu.memref_slice %arg2[%add3A_50] : memref<9633792xf32, #tpu.memory_space<hbm>> -> memref<25088xf32, #tpu.memory_space<hbm>>
    tpu.wait_dma2 semaphore(%arg11 : memref<!tpu.dma_semaphore, #tpu.memory_space<semaphore_mem>>) src(%dma_wait3A_69 : memref<25088xf32, #tpu.memory_space<hbm>>) dst(%arg7 : memref<25088xf32, #tpu.memory_space<vmem>>)
    %dma_wait3A_70 = tpu.memref_slice %arg4[%add3A_46] : memref<9633792xf32, #tpu.memory_space<hbm>> -> memref<25088xf32, #tpu.memory_space<hbm>>
    %dma_wait3A_71 = tpu.memref_slice %arg4[%add3A_46] : memref<9633792xf32, #tpu.memory_space<hbm>> -> memref<25088xf32, #tpu.memory_space<hbm>>
    tpu.wait_dma2 semaphore(%arg13 : memref<!tpu.dma_semaphore, #tpu.memory_space<semaphore_mem>>) src(%arg9 : memref<25088xf32, #tpu.memory_space<vmem>>) dst(%dma_wait3A_71 : memref<25088xf32, #tpu.memory_space<hbm>>)
    %parallel_loop3A_72 = arith.constant 0 : i32
    %parallel_loop3A_73 = arith.constant 25088 : i32
    %parallel_loop3A_74 = arith.constant 16 : i32
    scf.for %parallel_loop3A_184 = %parallel_loop3A_72 to %parallel_loop3A_73 step %parallel_loop3A_74  : i32 {
      %parallel_loop3A_185 = arith.index_cast %parallel_loop3A_184 : i32 to index
      %parallel_loop3A_186 = tpu.vector_load %arg7[%parallel_loop3A_185] {strides = array<i32>} : memref<25088xf32, #tpu.memory_space<vmem>>, vector<16xf32>,
      %parallel_loop3A_187 = arith.constant 3.200000e+01 : f32
      %parallel_loop3A_188 = vector.broadcast %parallel_loop3A_187 : f32 to vector<16xf32>
      %parallel_loop3A_189 = arith.mulf %parallel_loop3A_186, %parallel_loop3A_188 : vector<16xf32>
      %parallel_loop3A_190 = arith.constant 5.120000e+02 : f32
      %parallel_loop3A_191 = vector.broadcast %parallel_loop3A_190 : f32 to vector<16xf32>
      %parallel_loop3A_192 = arith.addf %parallel_loop3A_189, %parallel_loop3A_191 : vector<16xf32>
      %parallel_loop3A_193 = arith.constant 0.000000e+00 : f32
      %parallel_loop3A_194 = vector.broadcast %parallel_loop3A_193 : f32 to vector<16xf32>
      %parallel_loop3A_195 = arith.maximumf %parallel_loop3A_192, %parallel_loop3A_194 : vector<16xf32>
      %parallel_loop3A_196 = arith.constant 1.023000e+03 : f32
      %parallel_loop3A_197 = vector.broadcast %parallel_loop3A_196 : f32 to vector<16xf32>
      %parallel_loop3A_198 = arith.minimumf %parallel_loop3A_195, %parallel_loop3A_197 : vector<16xf32>
      %parallel_loop3A_199 = arith.fptosi %parallel_loop3A_198 : vector<16xf32> to vector<16xi32>
      %parallel_loop3A_200 = tpu.vector_load_idx %arg5[%parallel_loop3A_199] : memref<1024xf32, #tpu.memory_space<vmem>>[vector<16xi32>], vector<16xf32>,
      %parallel_loop3A_201 = arith.index_cast %parallel_loop3A_184 : i32 to index
      %parallel_loop3A_202 = tpu.vector_load %arg9[%parallel_loop3A_201] {strides = array<i32>} : memref<25088xf32, #tpu.memory_space<vmem>>, vector<16xf32>,
      tpu.vector_store %arg9[%parallel_loop3A_201], %parallel_loop3A_200 {strides = array<i32>} : memref<25088xf32, #tpu.memory_space<vmem>>, vector<16xf32>,
    } {sc.loop_unroll_factor = 16 : i64, sc.parallel_access}
    %add3A_75 = arith.constant 100352 : i32
    %add3A_76 = arith.addi %mul3A_2, %add3A_75 : i32
    %dma_start3A_77 = tpu.memref_slice %arg4[%add3A_76] : memref<9633792xf32, #tpu.memory_space<hbm>> -> memref<25088xf32, #tpu.memory_space<hbm>>
    %dma_start3A_78 = tpu.memref_slice %arg4[%add3A_76] : memref<9633792xf32, #tpu.memory_space<hbm>> -> memref<25088xf32, #tpu.memory_space<hbm>>
    tpu.enqueue_dma source(%arg9 : memref<25088xf32, #tpu.memory_space<vmem>>) target(%dma_start3A_78 : memref<25088xf32, #tpu.memory_space<hbm>>) target_semaphore(%arg13 : memref<!tpu.dma_semaphore, #tpu.memory_space<semaphore_mem>>)
    %add3A_79 = arith.constant 150528 : i32
    %add3A_80 = arith.addi %mul3A_2, %add3A_79 : i32
    %dma_start3A_81 = tpu.memref_slice %arg2[%add3A_80] : memref<9633792xf32, #tpu.memory_space<hbm>> -> memref<25088xf32, #tpu.memory_space<hbm>>
    %dma_start3A_82 = tpu.memref_slice %arg2[%add3A_80] : memref<9633792xf32, #tpu.memory_space<hbm>> -> memref<25088xf32, #tpu.memory_space<hbm>>
    tpu.enqueue_dma source(%dma_start3A_82 : memref<25088xf32, #tpu.memory_space<hbm>>) target(%arg7 : memref<25088xf32, #tpu.memory_space<vmem>>) target_semaphore(%arg11 : memref<!tpu.dma_semaphore, #tpu.memory_space<semaphore_mem>>)
    %dma_wait3A_83 = tpu.memref_slice %arg2[%add3A_65] : memref<9633792xf32, #tpu.memory_space<hbm>> -> memref<25088xf32, #tpu.memory_space<hbm>>
    %dma_wait3A_84 = tpu.memref_slice %arg2[%add3A_65] : memref<9633792xf32, #tpu.memory_space<hbm>> -> memref<25088xf32, #tpu.memory_space<hbm>>
    tpu.wait_dma2 semaphore(%arg12 : memref<!tpu.dma_semaphore, #tpu.memory_space<semaphore_mem>>) src(%dma_wait3A_84 : memref<25088xf32, #tpu.memory_space<hbm>>) dst(%arg8 : memref<25088xf32, #tpu.memory_space<vmem>>)
    %dma_wait3A_85 = tpu.memref_slice %arg4[%add3A_61] : memref<9633792xf32, #tpu.memory_space<hbm>> -> memref<25088xf32, #tpu.memory_space<hbm>>
    %dma_wait3A_86 = tpu.memref_slice %arg4[%add3A_61] : memref<9633792xf32, #tpu.memory_space<hbm>> -> memref<25088xf32, #tpu.memory_space<hbm>>
    tpu.wait_dma2 semaphore(%arg14 : memref<!tpu.dma_semaphore, #tpu.memory_space<semaphore_mem>>) src(%arg10 : memref<25088xf32, #tpu.memory_space<vmem>>) dst(%dma_wait3A_86 : memref<25088xf32, #tpu.memory_space<hbm>>)
    %parallel_loop3A_87 = arith.constant 0 : i32
    %parallel_loop3A_88 = arith.constant 25088 : i32
    %parallel_loop3A_89 = arith.constant 16 : i32
    scf.for %parallel_loop3A_184 = %parallel_loop3A_87 to %parallel_loop3A_88 step %parallel_loop3A_89  : i32 {
      %parallel_loop3A_185 = arith.index_cast %parallel_loop3A_184 : i32 to index
      %parallel_loop3A_186 = tpu.vector_load %arg8[%parallel_loop3A_185] {strides = array<i32>} : memref<25088xf32, #tpu.memory_space<vmem>>, vector<16xf32>,
      %parallel_loop3A_187 = arith.constant 3.200000e+01 : f32
      %parallel_loop3A_188 = vector.broadcast %parallel_loop3A_187 : f32 to vector<16xf32>
      %parallel_loop3A_189 = arith.mulf %parallel_loop3A_186, %parallel_loop3A_188 : vector<16xf32>
      %parallel_loop3A_190 = arith.constant 5.120000e+02 : f32
      %parallel_loop3A_191 = vector.broadcast %parallel_loop3A_190 : f32 to vector<16xf32>
      %parallel_loop3A_192 = arith.addf %parallel_loop3A_189, %parallel_loop3A_191 : vector<16xf32>
      %parallel_loop3A_193 = arith.constant 0.000000e+00 : f32
      %parallel_loop3A_194 = vector.broadcast %parallel_loop3A_193 : f32 to vector<16xf32>
      %parallel_loop3A_195 = arith.maximumf %parallel_loop3A_192, %parallel_loop3A_194 : vector<16xf32>
      %parallel_loop3A_196 = arith.constant 1.023000e+03 : f32
      %parallel_loop3A_197 = vector.broadcast %parallel_loop3A_196 : f32 to vector<16xf32>
      %parallel_loop3A_198 = arith.minimumf %parallel_loop3A_195, %parallel_loop3A_197 : vector<16xf32>
      %parallel_loop3A_199 = arith.fptosi %parallel_loop3A_198 : vector<16xf32> to vector<16xi32>
      %parallel_loop3A_200 = tpu.vector_load_idx %arg5[%parallel_loop3A_199] : memref<1024xf32, #tpu.memory_space<vmem>>[vector<16xi32>], vector<16xf32>,
      %parallel_loop3A_201 = arith.index_cast %parallel_loop3A_184 : i32 to index
      %parallel_loop3A_202 = tpu.vector_load %arg10[%parallel_loop3A_201] {strides = array<i32>} : memref<25088xf32, #tpu.memory_space<vmem>>, vector<16xf32>,
      tpu.vector_store %arg10[%parallel_loop3A_201], %parallel_loop3A_200 {strides = array<i32>} : memref<25088xf32, #tpu.memory_space<vmem>>, vector<16xf32>,
    } {sc.loop_unroll_factor = 16 : i64, sc.parallel_access}
    %add3A_90 = arith.constant 125440 : i32
    %add3A_91 = arith.addi %mul3A_2, %add3A_90 : i32
    %dma_start3A_92 = tpu.memref_slice %arg4[%add3A_91] : memref<9633792xf32, #tpu.memory_space<hbm>> -> memref<25088xf32, #tpu.memory_space<hbm>>
    %dma_start3A_93 = tpu.memref_slice %arg4[%add3A_91] : memref<9633792xf32, #tpu.memory_space<hbm>> -> memref<25088xf32, #tpu.memory_space<hbm>>
    tpu.enqueue_dma source(%arg10 : memref<25088xf32, #tpu.memory_space<vmem>>) target(%dma_start3A_93 : memref<25088xf32, #tpu.memory_space<hbm>>) target_semaphore(%arg14 : memref<!tpu.dma_semaphore, #tpu.memory_space<semaphore_mem>>)
    %add3A_94 = arith.constant 175616 : i32
    %add3A_95 = arith.addi %mul3A_2, %add3A_94 : i32
    %dma_start3A_96 = tpu.memref_slice %arg2[%add3A_95] : memref<9633792xf32, #tpu.memory_space<hbm>> -> memref<25088xf32, #tpu.memory_space<hbm>>
    %dma_start3A_97 = tpu.memref_slice %arg2[%add3A_95] : memref<9633792xf32, #tpu.memory_space<hbm>> -> memref<25088xf32, #tpu.memory_space<hbm>>
    tpu.enqueue_dma source(%dma_start3A_97 : memref<25088xf32, #tpu.memory_space<hbm>>) target(%arg8 : memref<25088xf32, #tpu.memory_space<vmem>>) target_semaphore(%arg12 : memref<!tpu.dma_semaphore, #tpu.memory_space<semaphore_mem>>)
    %dma_wait3A_98 = tpu.memref_slice %arg2[%add3A_80] : memref<9633792xf32, #tpu.memory_space<hbm>> -> memref<25088xf32, #tpu.memory_space<hbm>>
    %dma_wait3A_99 = tpu.memref_slice %arg2[%add3A_80] : memref<9633792xf32, #tpu.memory_space<hbm>> -> memref<25088xf32, #tpu.memory_space<hbm>>
    tpu.wait_dma2 semaphore(%arg11 : memref<!tpu.dma_semaphore, #tpu.memory_space<semaphore_mem>>) src(%dma_wait3A_99 : memref<25088xf32, #tpu.memory_space<hbm>>) dst(%arg7 : memref<25088xf32, #tpu.memory_space<vmem>>)
    %dma_wait3A_100 = tpu.memref_slice %arg4[%add3A_76] : memref<9633792xf32, #tpu.memory_space<hbm>> -> memref<25088xf32, #tpu.memory_space<hbm>>
    %dma_wait3A_101 = tpu.memref_slice %arg4[%add3A_76] : memref<9633792xf32, #tpu.memory_space<hbm>> -> memref<25088xf32, #tpu.memory_space<hbm>>
    tpu.wait_dma2 semaphore(%arg13 : memref<!tpu.dma_semaphore, #tpu.memory_space<semaphore_mem>>) src(%arg9 : memref<25088xf32, #tpu.memory_space<vmem>>) dst(%dma_wait3A_101 : memref<25088xf32, #tpu.memory_space<hbm>>)
    %parallel_loop3A_102 = arith.constant 0 : i32
    %parallel_loop3A_103 = arith.constant 25088 : i32
    %parallel_loop3A_104 = arith.constant 16 : i32
    scf.for %parallel_loop3A_184 = %parallel_loop3A_102 to %parallel_loop3A_103 step %parallel_loop3A_104  : i32 {
      %parallel_loop3A_185 = arith.index_cast %parallel_loop3A_184 : i32 to index
      %parallel_loop3A_186 = tpu.vector_load %arg7[%parallel_loop3A_185] {strides = array<i32>} : memref<25088xf32, #tpu.memory_space<vmem>>, vector<16xf32>,
      %parallel_loop3A_187 = arith.constant 3.200000e+01 : f32
      %parallel_loop3A_188 = vector.broadcast %parallel_loop3A_187 : f32 to vector<16xf32>
      %parallel_loop3A_189 = arith.mulf %parallel_loop3A_186, %parallel_loop3A_188 : vector<16xf32>
      %parallel_loop3A_190 = arith.constant 5.120000e+02 : f32
      %parallel_loop3A_191 = vector.broadcast %parallel_loop3A_190 : f32 to vector<16xf32>
      %parallel_loop3A_192 = arith.addf %parallel_loop3A_189, %parallel_loop3A_191 : vector<16xf32>
      %parallel_loop3A_193 = arith.constant 0.000000e+00 : f32
      %parallel_loop3A_194 = vector.broadcast %parallel_loop3A_193 : f32 to vector<16xf32>
      %parallel_loop3A_195 = arith.maximumf %parallel_loop3A_192, %parallel_loop3A_194 : vector<16xf32>
      %parallel_loop3A_196 = arith.constant 1.023000e+03 : f32
      %parallel_loop3A_197 = vector.broadcast %parallel_loop3A_196 : f32 to vector<16xf32>
      %parallel_loop3A_198 = arith.minimumf %parallel_loop3A_195, %parallel_loop3A_197 : vector<16xf32>
      %parallel_loop3A_199 = arith.fptosi %parallel_loop3A_198 : vector<16xf32> to vector<16xi32>
      %parallel_loop3A_200 = tpu.vector_load_idx %arg5[%parallel_loop3A_199] : memref<1024xf32, #tpu.memory_space<vmem>>[vector<16xi32>], vector<16xf32>,
      %parallel_loop3A_201 = arith.index_cast %parallel_loop3A_184 : i32 to index
      %parallel_loop3A_202 = tpu.vector_load %arg9[%parallel_loop3A_201] {strides = array<i32>} : memref<25088xf32, #tpu.memory_space<vmem>>, vector<16xf32>,
      tpu.vector_store %arg9[%parallel_loop3A_201], %parallel_loop3A_200 {strides = array<i32>} : memref<25088xf32, #tpu.memory_space<vmem>>, vector<16xf32>,
    } {sc.loop_unroll_factor = 16 : i64, sc.parallel_access}
    %add3A_105 = arith.constant 150528 : i32
    %add3A_106 = arith.addi %mul3A_2, %add3A_105 : i32
    %dma_start3A_107 = tpu.memref_slice %arg4[%add3A_106] : memref<9633792xf32, #tpu.memory_space<hbm>> -> memref<25088xf32, #tpu.memory_space<hbm>>
    %dma_start3A_108 = tpu.memref_slice %arg4[%add3A_106] : memref<9633792xf32, #tpu.memory_space<hbm>> -> memref<25088xf32, #tpu.memory_space<hbm>>
    tpu.enqueue_dma source(%arg9 : memref<25088xf32, #tpu.memory_space<vmem>>) target(%dma_start3A_108 : memref<25088xf32, #tpu.memory_space<hbm>>) target_semaphore(%arg13 : memref<!tpu.dma_semaphore, #tpu.memory_space<semaphore_mem>>)
    %add3A_109 = arith.constant 200704 : i32
    %add3A_110 = arith.addi %mul3A_2, %add3A_109 : i32
    %dma_start3A_111 = tpu.memref_slice %arg2[%add3A_110] : memref<9633792xf32, #tpu.memory_space<hbm>> -> memref<25088xf32, #tpu.memory_space<hbm>>
    %dma_start3A_112 = tpu.memref_slice %arg2[%add3A_110] : memref<9633792xf32, #tpu.memory_space<hbm>> -> memref<25088xf32, #tpu.memory_space<hbm>>
    tpu.enqueue_dma source(%dma_start3A_112 : memref<25088xf32, #tpu.memory_space<hbm>>) target(%arg7 : memref<25088xf32, #tpu.memory_space<vmem>>) target_semaphore(%arg11 : memref<!tpu.dma_semaphore, #tpu.memory_space<semaphore_mem>>)
    %dma_wait3A_113 = tpu.memref_slice %arg2[%add3A_95] : memref<9633792xf32, #tpu.memory_space<hbm>> -> memref<25088xf32, #tpu.memory_space<hbm>>
    %dma_wait3A_114 = tpu.memref_slice %arg2[%add3A_95] : memref<9633792xf32, #tpu.memory_space<hbm>> -> memref<25088xf32, #tpu.memory_space<hbm>>
    tpu.wait_dma2 semaphore(%arg12 : memref<!tpu.dma_semaphore, #tpu.memory_space<semaphore_mem>>) src(%dma_wait3A_114 : memref<25088xf32, #tpu.memory_space<hbm>>) dst(%arg8 : memref<25088xf32, #tpu.memory_space<vmem>>)
    %dma_wait3A_115 = tpu.memref_slice %arg4[%add3A_91] : memref<9633792xf32, #tpu.memory_space<hbm>> -> memref<25088xf32, #tpu.memory_space<hbm>>
    %dma_wait3A_116 = tpu.memref_slice %arg4[%add3A_91] : memref<9633792xf32, #tpu.memory_space<hbm>> -> memref<25088xf32, #tpu.memory_space<hbm>>
    tpu.wait_dma2 semaphore(%arg14 : memref<!tpu.dma_semaphore, #tpu.memory_space<semaphore_mem>>) src(%arg10 : memref<25088xf32, #tpu.memory_space<vmem>>) dst(%dma_wait3A_116 : memref<25088xf32, #tpu.memory_space<hbm>>)
    %parallel_loop3A_117 = arith.constant 0 : i32
    %parallel_loop3A_118 = arith.constant 25088 : i32
    %parallel_loop3A_119 = arith.constant 16 : i32
    scf.for %parallel_loop3A_184 = %parallel_loop3A_117 to %parallel_loop3A_118 step %parallel_loop3A_119  : i32 {
      %parallel_loop3A_185 = arith.index_cast %parallel_loop3A_184 : i32 to index
      %parallel_loop3A_186 = tpu.vector_load %arg8[%parallel_loop3A_185] {strides = array<i32>} : memref<25088xf32, #tpu.memory_space<vmem>>, vector<16xf32>,
      %parallel_loop3A_187 = arith.constant 3.200000e+01 : f32
      %parallel_loop3A_188 = vector.broadcast %parallel_loop3A_187 : f32 to vector<16xf32>
      %parallel_loop3A_189 = arith.mulf %parallel_loop3A_186, %parallel_loop3A_188 : vector<16xf32>
      %parallel_loop3A_190 = arith.constant 5.120000e+02 : f32
      %parallel_loop3A_191 = vector.broadcast %parallel_loop3A_190 : f32 to vector<16xf32>
      %parallel_loop3A_192 = arith.addf %parallel_loop3A_189, %parallel_loop3A_191 : vector<16xf32>
      %parallel_loop3A_193 = arith.constant 0.000000e+00 : f32
      %parallel_loop3A_194 = vector.broadcast %parallel_loop3A_193 : f32 to vector<16xf32>
      %parallel_loop3A_195 = arith.maximumf %parallel_loop3A_192, %parallel_loop3A_194 : vector<16xf32>
      %parallel_loop3A_196 = arith.constant 1.023000e+03 : f32
      %parallel_loop3A_197 = vector.broadcast %parallel_loop3A_196 : f32 to vector<16xf32>
      %parallel_loop3A_198 = arith.minimumf %parallel_loop3A_195, %parallel_loop3A_197 : vector<16xf32>
      %parallel_loop3A_199 = arith.fptosi %parallel_loop3A_198 : vector<16xf32> to vector<16xi32>
      %parallel_loop3A_200 = tpu.vector_load_idx %arg5[%parallel_loop3A_199] : memref<1024xf32, #tpu.memory_space<vmem>>[vector<16xi32>], vector<16xf32>,
      %parallel_loop3A_201 = arith.index_cast %parallel_loop3A_184 : i32 to index
      %parallel_loop3A_202 = tpu.vector_load %arg10[%parallel_loop3A_201] {strides = array<i32>} : memref<25088xf32, #tpu.memory_space<vmem>>, vector<16xf32>,
      tpu.vector_store %arg10[%parallel_loop3A_201], %parallel_loop3A_200 {strides = array<i32>} : memref<25088xf32, #tpu.memory_space<vmem>>, vector<16xf32>,
    } {sc.loop_unroll_factor = 16 : i64, sc.parallel_access}
    %add3A_120 = arith.constant 175616 : i32
    %add3A_121 = arith.addi %mul3A_2, %add3A_120 : i32
    %dma_start3A_122 = tpu.memref_slice %arg4[%add3A_121] : memref<9633792xf32, #tpu.memory_space<hbm>> -> memref<25088xf32, #tpu.memory_space<hbm>>
    %dma_start3A_123 = tpu.memref_slice %arg4[%add3A_121] : memref<9633792xf32, #tpu.memory_space<hbm>> -> memref<25088xf32, #tpu.memory_space<hbm>>
    tpu.enqueue_dma source(%arg10 : memref<25088xf32, #tpu.memory_space<vmem>>) target(%dma_start3A_123 : memref<25088xf32, #tpu.memory_space<hbm>>) target_semaphore(%arg14 : memref<!tpu.dma_semaphore, #tpu.memory_space<semaphore_mem>>)
    %add3A_124 = arith.constant 225792 : i32
    %add3A_125 = arith.addi %mul3A_2, %add3A_124 : i32
    %dma_start3A_126 = tpu.memref_slice %arg2[%add3A_125] : memref<9633792xf32, #tpu.memory_space<hbm>> -> memref<25088xf32, #tpu.memory_space<hbm>>
    %dma_start3A_127 = tpu.memref_slice %arg2[%add3A_125] : memref<9633792xf32, #tpu.memory_space<hbm>> -> memref<25088xf32, #tpu.memory_space<hbm>>
    tpu.enqueue_dma source(%dma_start3A_127 : memref<25088xf32, #tpu.memory_space<hbm>>) target(%arg8 : memref<25088xf32, #tpu.memory_space<vmem>>) target_semaphore(%arg12 : memref<!tpu.dma_semaphore, #tpu.memory_space<semaphore_mem>>)
    %dma_wait3A_128 = tpu.memref_slice %arg2[%add3A_110] : memref<9633792xf32, #tpu.memory_space<hbm>> -> memref<25088xf32, #tpu.memory_space<hbm>>
    %dma_wait3A_129 = tpu.memref_slice %arg2[%add3A_110] : memref<9633792xf32, #tpu.memory_space<hbm>> -> memref<25088xf32, #tpu.memory_space<hbm>>
    tpu.wait_dma2 semaphore(%arg11 : memref<!tpu.dma_semaphore, #tpu.memory_space<semaphore_mem>>) src(%dma_wait3A_129 : memref<25088xf32, #tpu.memory_space<hbm>>) dst(%arg7 : memref<25088xf32, #tpu.memory_space<vmem>>)
    %dma_wait3A_130 = tpu.memref_slice %arg4[%add3A_106] : memref<9633792xf32, #tpu.memory_space<hbm>> -> memref<25088xf32, #tpu.memory_space<hbm>>
    %dma_wait3A_131 = tpu.memref_slice %arg4[%add3A_106] : memref<9633792xf32, #tpu.memory_space<hbm>> -> memref<25088xf32, #tpu.memory_space<hbm>>
    tpu.wait_dma2 semaphore(%arg13 : memref<!tpu.dma_semaphore, #tpu.memory_space<semaphore_mem>>) src(%arg9 : memref<25088xf32, #tpu.memory_space<vmem>>) dst(%dma_wait3A_131 : memref<25088xf32, #tpu.memory_space<hbm>>)
    %parallel_loop3A_132 = arith.constant 0 : i32
    %parallel_loop3A_133 = arith.constant 25088 : i32
    %parallel_loop3A_134 = arith.constant 16 : i32
    scf.for %parallel_loop3A_184 = %parallel_loop3A_132 to %parallel_loop3A_133 step %parallel_loop3A_134  : i32 {
      %parallel_loop3A_185 = arith.index_cast %parallel_loop3A_184 : i32 to index
      %parallel_loop3A_186 = tpu.vector_load %arg7[%parallel_loop3A_185] {strides = array<i32>} : memref<25088xf32, #tpu.memory_space<vmem>>, vector<16xf32>,
      %parallel_loop3A_187 = arith.constant 3.200000e+01 : f32
      %parallel_loop3A_188 = vector.broadcast %parallel_loop3A_187 : f32 to vector<16xf32>
      %parallel_loop3A_189 = arith.mulf %parallel_loop3A_186, %parallel_loop3A_188 : vector<16xf32>
      %parallel_loop3A_190 = arith.constant 5.120000e+02 : f32
      %parallel_loop3A_191 = vector.broadcast %parallel_loop3A_190 : f32 to vector<16xf32>
      %parallel_loop3A_192 = arith.addf %parallel_loop3A_189, %parallel_loop3A_191 : vector<16xf32>
      %parallel_loop3A_193 = arith.constant 0.000000e+00 : f32
      %parallel_loop3A_194 = vector.broadcast %parallel_loop3A_193 : f32 to vector<16xf32>
      %parallel_loop3A_195 = arith.maximumf %parallel_loop3A_192, %parallel_loop3A_194 : vector<16xf32>
      %parallel_loop3A_196 = arith.constant 1.023000e+03 : f32
      %parallel_loop3A_197 = vector.broadcast %parallel_loop3A_196 : f32 to vector<16xf32>
      %parallel_loop3A_198 = arith.minimumf %parallel_loop3A_195, %parallel_loop3A_197 : vector<16xf32>
      %parallel_loop3A_199 = arith.fptosi %parallel_loop3A_198 : vector<16xf32> to vector<16xi32>
      %parallel_loop3A_200 = tpu.vector_load_idx %arg5[%parallel_loop3A_199] : memref<1024xf32, #tpu.memory_space<vmem>>[vector<16xi32>], vector<16xf32>,
      %parallel_loop3A_201 = arith.index_cast %parallel_loop3A_184 : i32 to index
      %parallel_loop3A_202 = tpu.vector_load %arg9[%parallel_loop3A_201] {strides = array<i32>} : memref<25088xf32, #tpu.memory_space<vmem>>, vector<16xf32>,
      tpu.vector_store %arg9[%parallel_loop3A_201], %parallel_loop3A_200 {strides = array<i32>} : memref<25088xf32, #tpu.memory_space<vmem>>, vector<16xf32>,
    } {sc.loop_unroll_factor = 16 : i64, sc.parallel_access}
    %add3A_135 = arith.constant 200704 : i32
    %add3A_136 = arith.addi %mul3A_2, %add3A_135 : i32
    %dma_start3A_137 = tpu.memref_slice %arg4[%add3A_136] : memref<9633792xf32, #tpu.memory_space<hbm>> -> memref<25088xf32, #tpu.memory_space<hbm>>
    %dma_start3A_138 = tpu.memref_slice %arg4[%add3A_136] : memref<9633792xf32, #tpu.memory_space<hbm>> -> memref<25088xf32, #tpu.memory_space<hbm>>
    tpu.enqueue_dma source(%arg9 : memref<25088xf32, #tpu.memory_space<vmem>>) target(%dma_start3A_138 : memref<25088xf32, #tpu.memory_space<hbm>>) target_semaphore(%arg13 : memref<!tpu.dma_semaphore, #tpu.memory_space<semaphore_mem>>)
    %add3A_139 = arith.constant 250880 : i32
    %add3A_140 = arith.addi %mul3A_2, %add3A_139 : i32
    %dma_start3A_141 = tpu.memref_slice %arg2[%add3A_140] : memref<9633792xf32, #tpu.memory_space<hbm>> -> memref<25088xf32, #tpu.memory_space<hbm>>
    %dma_start3A_142 = tpu.memref_slice %arg2[%add3A_140] : memref<9633792xf32, #tpu.memory_space<hbm>> -> memref<25088xf32, #tpu.memory_space<hbm>>
    tpu.enqueue_dma source(%dma_start3A_142 : memref<25088xf32, #tpu.memory_space<hbm>>) target(%arg7 : memref<25088xf32, #tpu.memory_space<vmem>>) target_semaphore(%arg11 : memref<!tpu.dma_semaphore, #tpu.memory_space<semaphore_mem>>)
    %dma_wait3A_143 = tpu.memref_slice %arg2[%add3A_125] : memref<9633792xf32, #tpu.memory_space<hbm>> -> memref<25088xf32, #tpu.memory_space<hbm>>
    %dma_wait3A_144 = tpu.memref_slice %arg2[%add3A_125] : memref<9633792xf32, #tpu.memory_space<hbm>> -> memref<25088xf32, #tpu.memory_space<hbm>>
    tpu.wait_dma2 semaphore(%arg12 : memref<!tpu.dma_semaphore, #tpu.memory_space<semaphore_mem>>) src(%dma_wait3A_144 : memref<25088xf32, #tpu.memory_space<hbm>>) dst(%arg8 : memref<25088xf32, #tpu.memory_space<vmem>>)
    %dma_wait3A_145 = tpu.memref_slice %arg4[%add3A_121] : memref<9633792xf32, #tpu.memory_space<hbm>> -> memref<25088xf32, #tpu.memory_space<hbm>>
    %dma_wait3A_146 = tpu.memref_slice %arg4[%add3A_121] : memref<9633792xf32, #tpu.memory_space<hbm>> -> memref<25088xf32, #tpu.memory_space<hbm>>
    tpu.wait_dma2 semaphore(%arg14 : memref<!tpu.dma_semaphore, #tpu.memory_space<semaphore_mem>>) src(%arg10 : memref<25088xf32, #tpu.memory_space<vmem>>) dst(%dma_wait3A_146 : memref<25088xf32, #tpu.memory_space<hbm>>)
    %parallel_loop3A_147 = arith.constant 0 : i32
    %parallel_loop3A_148 = arith.constant 25088 : i32
    %parallel_loop3A_149 = arith.constant 16 : i32
    scf.for %parallel_loop3A_184 = %parallel_loop3A_147 to %parallel_loop3A_148 step %parallel_loop3A_149  : i32 {
      %parallel_loop3A_185 = arith.index_cast %parallel_loop3A_184 : i32 to index
      %parallel_loop3A_186 = tpu.vector_load %arg8[%parallel_loop3A_185] {strides = array<i32>} : memref<25088xf32, #tpu.memory_space<vmem>>, vector<16xf32>,
      %parallel_loop3A_187 = arith.constant 3.200000e+01 : f32
      %parallel_loop3A_188 = vector.broadcast %parallel_loop3A_187 : f32 to vector<16xf32>
      %parallel_loop3A_189 = arith.mulf %parallel_loop3A_186, %parallel_loop3A_188 : vector<16xf32>
      %parallel_loop3A_190 = arith.constant 5.120000e+02 : f32
      %parallel_loop3A_191 = vector.broadcast %parallel_loop3A_190 : f32 to vector<16xf32>
      %parallel_loop3A_192 = arith.addf %parallel_loop3A_189, %parallel_loop3A_191 : vector<16xf32>
      %parallel_loop3A_193 = arith.constant 0.000000e+00 : f32
      %parallel_loop3A_194 = vector.broadcast %parallel_loop3A_193 : f32 to vector<16xf32>
      %parallel_loop3A_195 = arith.maximumf %parallel_loop3A_192, %parallel_loop3A_194 : vector<16xf32>
      %parallel_loop3A_196 = arith.constant 1.023000e+03 : f32
      %parallel_loop3A_197 = vector.broadcast %parallel_loop3A_196 : f32 to vector<16xf32>
      %parallel_loop3A_198 = arith.minimumf %parallel_loop3A_195, %parallel_loop3A_197 : vector<16xf32>
      %parallel_loop3A_199 = arith.fptosi %parallel_loop3A_198 : vector<16xf32> to vector<16xi32>
      %parallel_loop3A_200 = tpu.vector_load_idx %arg5[%parallel_loop3A_199] : memref<1024xf32, #tpu.memory_space<vmem>>[vector<16xi32>], vector<16xf32>,
      %parallel_loop3A_201 = arith.index_cast %parallel_loop3A_184 : i32 to index
      %parallel_loop3A_202 = tpu.vector_load %arg10[%parallel_loop3A_201] {strides = array<i32>} : memref<25088xf32, #tpu.memory_space<vmem>>, vector<16xf32>,
      tpu.vector_store %arg10[%parallel_loop3A_201], %parallel_loop3A_200 {strides = array<i32>} : memref<25088xf32, #tpu.memory_space<vmem>>, vector<16xf32>,
    } {sc.loop_unroll_factor = 16 : i64, sc.parallel_access}
    %add3A_150 = arith.constant 225792 : i32
    %add3A_151 = arith.addi %mul3A_2, %add3A_150 : i32
    %dma_start3A_152 = tpu.memref_slice %arg4[%add3A_151] : memref<9633792xf32, #tpu.memory_space<hbm>> -> memref<25088xf32, #tpu.memory_space<hbm>>
    %dma_start3A_153 = tpu.memref_slice %arg4[%add3A_151] : memref<9633792xf32, #tpu.memory_space<hbm>> -> memref<25088xf32, #tpu.memory_space<hbm>>
    tpu.enqueue_dma source(%arg10 : memref<25088xf32, #tpu.memory_space<vmem>>) target(%dma_start3A_153 : memref<25088xf32, #tpu.memory_space<hbm>>) target_semaphore(%arg14 : memref<!tpu.dma_semaphore, #tpu.memory_space<semaphore_mem>>)
    %add3A_154 = arith.constant 275968 : i32
    %add3A_155 = arith.addi %mul3A_2, %add3A_154 : i32
    %dma_start3A_156 = tpu.memref_slice %arg2[%add3A_155] : memref<9633792xf32, #tpu.memory_space<hbm>> -> memref<25088xf32, #tpu.memory_space<hbm>>
    %dma_start3A_157 = tpu.memref_slice %arg2[%add3A_155] : memref<9633792xf32, #tpu.memory_space<hbm>> -> memref<25088xf32, #tpu.memory_space<hbm>>
    tpu.enqueue_dma source(%dma_start3A_157 : memref<25088xf32, #tpu.memory_space<hbm>>) target(%arg8 : memref<25088xf32, #tpu.memory_space<vmem>>) target_semaphore(%arg12 : memref<!tpu.dma_semaphore, #tpu.memory_space<semaphore_mem>>)
    %dma_wait3A_158 = tpu.memref_slice %arg2[%add3A_140] : memref<9633792xf32, #tpu.memory_space<hbm>> -> memref<25088xf32, #tpu.memory_space<hbm>>
    %dma_wait3A_159 = tpu.memref_slice %arg2[%add3A_140] : memref<9633792xf32, #tpu.memory_space<hbm>> -> memref<25088xf32, #tpu.memory_space<hbm>>
    tpu.wait_dma2 semaphore(%arg11 : memref<!tpu.dma_semaphore, #tpu.memory_space<semaphore_mem>>) src(%dma_wait3A_159 : memref<25088xf32, #tpu.memory_space<hbm>>) dst(%arg7 : memref<25088xf32, #tpu.memory_space<vmem>>)
    %dma_wait3A_160 = tpu.memref_slice %arg4[%add3A_136] : memref<9633792xf32, #tpu.memory_space<hbm>> -> memref<25088xf32, #tpu.memory_space<hbm>>
    %dma_wait3A_161 = tpu.memref_slice %arg4[%add3A_136] : memref<9633792xf32, #tpu.memory_space<hbm>> -> memref<25088xf32, #tpu.memory_space<hbm>>
    tpu.wait_dma2 semaphore(%arg13 : memref<!tpu.dma_semaphore, #tpu.memory_space<semaphore_mem>>) src(%arg9 : memref<25088xf32, #tpu.memory_space<vmem>>) dst(%dma_wait3A_161 : memref<25088xf32, #tpu.memory_space<hbm>>)
    %parallel_loop3A_162 = arith.constant 0 : i32
    %parallel_loop3A_163 = arith.constant 25088 : i32
    %parallel_loop3A_164 = arith.constant 16 : i32
    scf.for %parallel_loop3A_184 = %parallel_loop3A_162 to %parallel_loop3A_163 step %parallel_loop3A_164  : i32 {
      %parallel_loop3A_185 = arith.index_cast %parallel_loop3A_184 : i32 to index
      %parallel_loop3A_186 = tpu.vector_load %arg7[%parallel_loop3A_185] {strides = array<i32>} : memref<25088xf32, #tpu.memory_space<vmem>>, vector<16xf32>,
      %parallel_loop3A_187 = arith.constant 3.200000e+01 : f32
      %parallel_loop3A_188 = vector.broadcast %parallel_loop3A_187 : f32 to vector<16xf32>
      %parallel_loop3A_189 = arith.mulf %parallel_loop3A_186, %parallel_loop3A_188 : vector<16xf32>
      %parallel_loop3A_190 = arith.constant 5.120000e+02 : f32
      %parallel_loop3A_191 = vector.broadcast %parallel_loop3A_190 : f32 to vector<16xf32>
      %parallel_loop3A_192 = arith.addf %parallel_loop3A_189, %parallel_loop3A_191 : vector<16xf32>
      %parallel_loop3A_193 = arith.constant 0.000000e+00 : f32
      %parallel_loop3A_194 = vector.broadcast %parallel_loop3A_193 : f32 to vector<16xf32>
      %parallel_loop3A_195 = arith.maximumf %parallel_loop3A_192, %parallel_loop3A_194 : vector<16xf32>
      %parallel_loop3A_196 = arith.constant 1.023000e+03 : f32
      %parallel_loop3A_197 = vector.broadcast %parallel_loop3A_196 : f32 to vector<16xf32>
      %parallel_loop3A_198 = arith.minimumf %parallel_loop3A_195, %parallel_loop3A_197 : vector<16xf32>
      %parallel_loop3A_199 = arith.fptosi %parallel_loop3A_198 : vector<16xf32> to vector<16xi32>
      %parallel_loop3A_200 = tpu.vector_load_idx %arg5[%parallel_loop3A_199] : memref<1024xf32, #tpu.memory_space<vmem>>[vector<16xi32>], vector<16xf32>,
      %parallel_loop3A_201 = arith.index_cast %parallel_loop3A_184 : i32 to index
      %parallel_loop3A_202 = tpu.vector_load %arg9[%parallel_loop3A_201] {strides = array<i32>} : memref<25088xf32, #tpu.memory_space<vmem>>, vector<16xf32>,
      tpu.vector_store %arg9[%parallel_loop3A_201], %parallel_loop3A_200 {strides = array<i32>} : memref<25088xf32, #tpu.memory_space<vmem>>, vector<16xf32>,
    } {sc.loop_unroll_factor = 16 : i64, sc.parallel_access}
    %add3A_165 = arith.constant 250880 : i32
    %add3A_166 = arith.addi %mul3A_2, %add3A_165 : i32
    %dma_start3A_167 = tpu.memref_slice %arg4[%add3A_166] : memref<9633792xf32, #tpu.memory_space<hbm>> -> memref<25088xf32, #tpu.memory_space<hbm>>
    %dma_start3A_168 = tpu.memref_slice %arg4[%add3A_166] : memref<9633792xf32, #tpu.memory_space<hbm>> -> memref<25088xf32, #tpu.memory_space<hbm>>
    tpu.enqueue_dma source(%arg9 : memref<25088xf32, #tpu.memory_space<vmem>>) target(%dma_start3A_168 : memref<25088xf32, #tpu.memory_space<hbm>>) target_semaphore(%arg13 : memref<!tpu.dma_semaphore, #tpu.memory_space<semaphore_mem>>)
    %dma_wait3A_169 = tpu.memref_slice %arg2[%add3A_155] : memref<9633792xf32, #tpu.memory_space<hbm>> -> memref<25088xf32, #tpu.memory_space<hbm>>
    %dma_wait3A_170 = tpu.memref_slice %arg2[%add3A_155] : memref<9633792xf32, #tpu.memory_space<hbm>> -> memref<25088xf32, #tpu.memory_space<hbm>>
    tpu.wait_dma2 semaphore(%arg12 : memref<!tpu.dma_semaphore, #tpu.memory_space<semaphore_mem>>) src(%dma_wait3A_170 : memref<25088xf32, #tpu.memory_space<hbm>>) dst(%arg8 : memref<25088xf32, #tpu.memory_space<vmem>>)
    %dma_wait3A_171 = tpu.memref_slice %arg4[%add3A_151] : memref<9633792xf32, #tpu.memory_space<hbm>> -> memref<25088xf32, #tpu.memory_space<hbm>>
    %dma_wait3A_172 = tpu.memref_slice %arg4[%add3A_151] : memref<9633792xf32, #tpu.memory_space<hbm>> -> memref<25088xf32, #tpu.memory_space<hbm>>
    tpu.wait_dma2 semaphore(%arg14 : memref<!tpu.dma_semaphore, #tpu.memory_space<semaphore_mem>>) src(%arg10 : memref<25088xf32, #tpu.memory_space<vmem>>) dst(%dma_wait3A_172 : memref<25088xf32, #tpu.memory_space<hbm>>)
    %parallel_loop3A_173 = arith.constant 0 : i32
    %parallel_loop3A_174 = arith.constant 25088 : i32
    %parallel_loop3A_175 = arith.constant 16 : i32
    scf.for %parallel_loop3A_184 = %parallel_loop3A_173 to %parallel_loop3A_174 step %parallel_loop3A_175  : i32 {
      %parallel_loop3A_185 = arith.index_cast %parallel_loop3A_184 : i32 to index
      %parallel_loop3A_186 = tpu.vector_load %arg8[%parallel_loop3A_185] {strides = array<i32>} : memref<25088xf32, #tpu.memory_space<vmem>>, vector<16xf32>,
      %parallel_loop3A_187 = arith.constant 3.200000e+01 : f32
      %parallel_loop3A_188 = vector.broadcast %parallel_loop3A_187 : f32 to vector<16xf32>
      %parallel_loop3A_189 = arith.mulf %parallel_loop3A_186, %parallel_loop3A_188 : vector<16xf32>
      %parallel_loop3A_190 = arith.constant 5.120000e+02 : f32
      %parallel_loop3A_191 = vector.broadcast %parallel_loop3A_190 : f32 to vector<16xf32>
      %parallel_loop3A_192 = arith.addf %parallel_loop3A_189, %parallel_loop3A_191 : vector<16xf32>
      %parallel_loop3A_193 = arith.constant 0.000000e+00 : f32
      %parallel_loop3A_194 = vector.broadcast %parallel_loop3A_193 : f32 to vector<16xf32>
      %parallel_loop3A_195 = arith.maximumf %parallel_loop3A_192, %parallel_loop3A_194 : vector<16xf32>
      %parallel_loop3A_196 = arith.constant 1.023000e+03 : f32
      %parallel_loop3A_197 = vector.broadcast %parallel_loop3A_196 : f32 to vector<16xf32>
      %parallel_loop3A_198 = arith.minimumf %parallel_loop3A_195, %parallel_loop3A_197 : vector<16xf32>
      %parallel_loop3A_199 = arith.fptosi %parallel_loop3A_198 : vector<16xf32> to vector<16xi32>
      %parallel_loop3A_200 = tpu.vector_load_idx %arg5[%parallel_loop3A_199] : memref<1024xf32, #tpu.memory_space<vmem>>[vector<16xi32>], vector<16xf32>,
      %parallel_loop3A_201 = arith.index_cast %parallel_loop3A_184 : i32 to index
      %parallel_loop3A_202 = tpu.vector_load %arg10[%parallel_loop3A_201] {strides = array<i32>} : memref<25088xf32, #tpu.memory_space<vmem>>, vector<16xf32>,
      tpu.vector_store %arg10[%parallel_loop3A_201], %parallel_loop3A_200 {strides = array<i32>} : memref<25088xf32, #tpu.memory_space<vmem>>, vector<16xf32>,
    } {sc.loop_unroll_factor = 16 : i64, sc.parallel_access}
    %add3A_176 = arith.constant 275968 : i32
    %add3A_177 = arith.addi %mul3A_2, %add3A_176 : i32
    %dma_start3A_178 = tpu.memref_slice %arg4[%add3A_177] : memref<9633792xf32, #tpu.memory_space<hbm>> -> memref<25088xf32, #tpu.memory_space<hbm>>
    %dma_start3A_179 = tpu.memref_slice %arg4[%add3A_177] : memref<9633792xf32, #tpu.memory_space<hbm>> -> memref<25088xf32, #tpu.memory_space<hbm>>
    tpu.enqueue_dma source(%arg10 : memref<25088xf32, #tpu.memory_space<vmem>>) target(%dma_start3A_179 : memref<25088xf32, #tpu.memory_space<hbm>>) target_semaphore(%arg14 : memref<!tpu.dma_semaphore, #tpu.memory_space<semaphore_mem>>)
    %dma_wait3A_180 = tpu.memref_slice %arg4[%add3A_166] : memref<9633792xf32, #tpu.memory_space<hbm>> -> memref<25088xf32, #tpu.memory_space<hbm>>
    %dma_wait3A_181 = tpu.memref_slice %arg4[%add3A_166] : memref<9633792xf32, #tpu.memory_space<hbm>> -> memref<25088xf32, #tpu.memory_space<hbm>>
    tpu.wait_dma2 semaphore(%arg13 : memref<!tpu.dma_semaphore, #tpu.memory_space<semaphore_mem>>) src(%arg9 : memref<25088xf32, #tpu.memory_space<vmem>>) dst(%dma_wait3A_181 : memref<25088xf32, #tpu.memory_space<hbm>>)
    %dma_wait3A_182 = tpu.memref_slice %arg4[%add3A_177] : memref<9633792xf32, #tpu.memory_space<hbm>> -> memref<25088xf32, #tpu.memory_space<hbm>>
    %dma_wait3A_183 = tpu.memref_slice %arg4[%add3A_177] : memref<9633792xf32, #tpu.memory_space<hbm>> -> memref<25088xf32, #tpu.memory_space<hbm>>
    tpu.wait_dma2 semaphore(%arg14 : memref<!tpu.dma_semaphore, #tpu.memory_space<semaphore_mem>>) src(%arg10 : memref<25088xf32, #tpu.memory_space<vmem>>) dst(%dma_wait3A_183 : memref<25088xf32, #tpu.memory_space<hbm>>)
    return
  }
}

</mosaic_0001>

<sc_bundles>
// kernel: _run.3.cloned.1.call-start
scs
__scs_entry_jumppad:
0x0: {  	(pc) =	sbr.rel $0x88, $3  }
0x1: {  	(tag) =	ssettag $0x0;
	lr =	simm.s32 $0x1  }
0x2: {  	[smem:$0x3F9F] =	sst lr;
	_ =	strace $0xD0000000  }
0x3: {  	_ = 	snop  }
0x4: {  	_ = 	snop  }
0x5: {  	_ = 	snop  }
0x6: {  	_ = 	snop  }
0x7: {  	_ = 	snop  }
__scs_overlays_trampoline_lowered:
0x8: {  	[smem:$0x3FAE] =	sst s0  }
0x9: {  	[smem:$0x3FAF] =	sst s1  }
0xa: {  	[smem:$0x3FB0] =	sst s2  }
0xb: {  	[smem:$0x3FB1] =	sst s3  }
0xc: {  	[smem:$0x3FB2] =	sst s4  }
0xd: {  	[smem:$0x3FB3] =	sst s5  }
0xe: {  	[smem:$0x3FB4] =	sst s6  }
0xf: {  	[smem:$0x3FB5] =	sst s7  }
0x10: {  	[smem:$0x3FB6] =	sst s8  }
0x11: {  	[smem:$0x3FB7] =	sst s9;
	s0 =	simm.s32 @!p0 $0x0  }
0x12: {  	s1 =	sld [smem:$0x3F9D];
	s0 =	simm.s32 @p0 $0x1  }
0x13: {  	[smem:$0x3FB8] =	sst s0;
	s0 =	simm.s32 @!p1 $0x0  }
0x14: {  	s2 =	sld [smem:$0x3F9C];
	s0 =	simm.s32 @p1 $0x1  }
0x15: {  	[smem:$0x3FB9] =	sst s0;
	s0 =	simm.s32 @!p2 $0x0  }
0x16: {  	s3 =	sld [smem:$0x3FDB];
	s0 =	simm.s32 @p2 $0x1  }
0x17: {  	s4 =	simm.s32 $0x1BF5;
	[smem:$0x3FBB] =	sst s0  }
0x18: {  	s0 =	sld [smem:$0x3F9E];
	_ =	swait.ge [sflag:s4], $0x0  }
0x19: {  	s7 =	sld [smem:$0x3F9F]  }
0x1a: {  	s8 =	sadd.s32 $0xFFFFE003, lr  }
0x1b: {  	s9 =	sadd.s32 $0xFFFFFEF7, lr;
	s5 =	simm.s32 $0xFFFFFFFF;
	p2 =	slt.u32 s8, $0xFFFFF086  }
0x1c: {  	p1 =	slt.u32 s9, $0xF7A;
	s5 =	simm.s32 @!p2 $0x0  }
0x1d: {  	s5 =	simm.s32 @p1 $0x1;
	p0 =	seq.s32 s7, s2  }
0x1e: {  	s7 =	smul.u32 @!p0 $0xF7A, s2;
	p2 =	seq.s32 @!p0 s5, $0x0  }
0x1f: {  	s9 =	smul.u32 $0xF7A, s1;
	s8 =	simm.s32 @!p0 $0x1BF5;
	p2 =	por !p2, p0  }
0x20: {  	[sflag:s8] =	ssyncset.s32 @!p0 $0xFFFFF086;
	s6 =	sadd.s32 @!p0 s3, s7;
	s7 =	simm.s32 @!p0 $0x108  }
0x21: {  	s3 =	sadd.s32 s3, s9;
	s6 =	sadd.s32 @!p0 $0x88, s6;
	s7 =	simm.s32 @p2 $0x1082  }
0x22: {  	[simem:s7], [sflag:s8] =	dma.local @!p0 [hbm:s6], $0xF7A  }
0x23: {  	s9 =	sor.u32 $0xD0000000, s2;
	s6 =	simm.s32 $0x108;
	_ =	swait.ge @!p0 [sflag:s8], $0x0  }
0x24: {  	s3 =	sadd.s32 $0x88, s3;
	s6 =	simm.s32 @!p1 $0x1082;
	[sflag:s4] =	ssyncset.s32 $0xFFFFF086  }
0x25: {  	[simem:s6], [sflag:s4] =	dma.local [hbm:s3], $0xF7A  }
0x26: {  	[smem:$0x3F9F] =	sst s1;
	(tag) =	ssettag s2;
	_ =	strace s9  }
0x27: {  	s1 =	sld [smem:$0x3FAF]  }
0x28: {  	s2 =	sld [smem:$0x3FB0]  }
0x29: {  	s4 =	sld [smem:$0x3FB2]  }
0x2a: {  	p0 =	seq.s32 s5, $0x0;
	s5 =	sld [smem:$0x3FB3]  }
0x2b: {  	s6 =	sld [smem:$0x3FB4]  }
0x2c: {  	s7 =	sld [smem:$0x3FB5]  }
0x2d: {  	s3 =	simm.s32 $0x108;
	s8 =	sld [smem:$0x3FB6]  }
0x2e: {  	s3 =	simm.s32 @!p0 $0x1082;
	s9 =	sld [smem:$0x3FB7]  }
0x2f: {  	lr =	sadd.s32 s0, s3;
	s0 =	sld [smem:$0x3FAE]  }
0x30: {  	s3 =	sld [smem:$0x3FB1]  }
0x31: {  	[smem:$0x3FBA] =	sst s10  }
0x32: {  	s10 =	sld [smem:$0x3FB8];
	_ =	sdelay $0x3  }
0x33: {  	p0 =	seq.s32 s10, $0x1;
	s10 =	sld [smem:$0x3FBA];
	_ =	sdelay $0x3  }
0x34: {  	[smem:$0x3FBA] =	sst s10  }
0x35: {  	s10 =	sld [smem:$0x3FB9];
	_ =	sdelay $0x3  }
0x36: {  	p1 =	seq.s32 s10, $0x1;
	s10 =	sld [smem:$0x3FBA];
	_ =	sdelay $0x3  }
0x37: {  	[smem:$0x3FBA] =	sst s10  }
0x38: {  	s10 =	sld [smem:$0x3FBB]  }
0x39: {  	_ = 	snop;
	(pc) =	sbr.ind lr, $3  }
0x3a: {  	_ = 	snop  }
0x3b: {  	_ = 	snop  }
0x3c: {  	p2 =	seq.s32 s10, $0x1;
	s10 =	sld [smem:$0x3FBA]  }
0x3d: {  	_ =	shalt  }
0x3e: {  	_ =	shalt  }
0x3f: {  	_ =	shalt  }
0x40: {  	_ =	shalt  }
0x41: {  	_ =	shalt  }
0x42: {  	_ =	shalt  }
0x43: {  	_ =	shalt  }
0x44: {  	_ =	shalt  }
0x45: {  	_ =	shalt  }
0x46: {  	_ =	shalt  }
0x47: {  	_ =	shalt  }
0x48: {  	_ =	shalt  }
0x49: {  	_ =	shalt  }
0x4a: {  	_ =	shalt  }
0x4b: {  	_ =	shalt  }
0x4c: {  	_ =	shalt  }
0x4d: {  	_ =	shalt  }
0x4e: {  	_ =	shalt  }
0x4f: {  	_ =	shalt  }
0x50: {  	_ =	shalt  }
0x51: {  	_ =	shalt  }
0x52: {  	_ =	shalt  }
0x53: {  	_ =	shalt  }
0x54: {  	_ =	shalt  }
0x55: {  	_ =	shalt  }
0x56: {  	_ =	shalt  }
0x57: {  	_ =	shalt  }
0x58: {  	_ =	shalt  }
0x59: {  	_ =	shalt  }
0x5a: {  	_ =	shalt  }
0x5b: {  	_ =	shalt  }
0x5c: {  	_ =	shalt  }
0x5d: {  	_ =	shalt  }
0x5e: {  	_ =	shalt  }
0x5f: {  	_ =	shalt  }
0x60: {  	_ =	shalt  }
0x61: {  	_ =	shalt  }
0x62: {  	_ =	shalt  }
0x63: {  	_ =	shalt  }
0x64: {  	_ =	shalt  }
0x65: {  	_ =	shalt  }
0x66: {  	_ =	shalt  }
0x67: {  	_ =	shalt  }
0x68: {  	_ =	shalt  }
0x69: {  	_ =	shalt  }
0x6a: {  	_ =	shalt  }
0x6b: {  	_ =	shalt  }
0x6c: {  	_ =	shalt  }
0x6d: {  	_ =	shalt  }
0x6e: {  	_ =	shalt  }
0x6f: {  	_ =	shalt  }
0x70: {  	_ =	shalt  }
0x71: {  	_ =	shalt  }
0x72: {  	_ =	shalt  }
0x73: {  	_ =	shalt  }
0x74: {  	_ =	shalt  }
0x75: {  	_ =	shalt  }
0x76: {  	_ =	shalt  }
0x77: {  	_ =	shalt  }
0x78: {  	_ =	shalt  }
0x79: {  	_ =	shalt  }
0x7a: {  	_ =	shalt  }
0x7b: {  	_ =	shalt  }
0x7c: {  	_ =	shalt  }
0x7d: {  	_ =	shalt  }
0x7e: {  	_ =	shalt  }
0x7f: {  	_ =	shalt  }
0x80: {  	_ =	shalt  }
0x81: {  	_ =	shalt  }
0x82: {  	_ =	shalt  }
0x83: {  	_ =	shalt  }
0x84: {  	_ =	shalt  }
0x85: {  	_ =	shalt  }
0x86: {  	_ =	shalt  }
0x87: {  	_ =	shalt  }
.Lfunc_end0:
.L_simem_size_0:
called_computation_lowered:
.L_overlay_start_0:
0x88: {  	s2 =	sld [smem:$0x3FD9]  }
0x89: {  	s3 =	sld [smem:$0x3FFE];
	_ =	sdelay $0x1  }
0x8a: {  	s1 =	srdreg.scid  }
0x8b: {  	s0 =	sand.u32 $0x1, s1  }
0x8c: {  	s18 =	sshll.u32 s0, $0xA;
	s2 =	sadd.s32 s3, s2  }
0x8d: {  	s2 =	sadd.s32 s2, s18  }
0x8e: {  	[smem:$0x3FC6] =	sst s2  }
0x8f: {  	_ = 	snop  }
0x90: {  	s2 =	sld [smem:$0x3FC9]  }
0x91: {  	s19 =	sld [smem:$0x3FC8]  }
0x92: {  	s4 =	sld [smem:$0x3FD0];
	(tm) =	ssettm $0x1  }
0x93: {  	s5 =	sld [smem:$0x3FFB];
	_ =	sdelay $0x3  }
0x94: {  	_ =	strace s5  }
0x95: {  	s5 =	sld [smem:$0x3FFC];
	_ =	sdelay $0x3  }
0x96: {  	_ =	strace s5  }
0x97: {  	s5 =	sld [smem:$0x3FFD];
	_ =	sdelay $0x3  }
0x98: {  	_ =	strace s5  }
0x99: {  	_ =	strace $0x8FFFFFFF  }
0x9a: {  	s20 =	sld [smem:$0x3FDB];
	_ =	sdelay $0x1  }
0x9b: {  	s6 =	simm.s32 $_scs_section_size  }
0x9c: {  	s7 =	simm.s32 $_size__tile_overlayer_lowered;
	s8 =	simm.s32 $_tile_overlayer_lowered  }
0x9d: {  	s23 =	simm.s32 $0x1BFF;
	s22 =	sshll.u32 s8, $0x1;
	s5 =	sadd.s32 s6, s20  }
0x9e: {  	s9 =	simm.s32 $0x0;
	s21 =	sshll.u32 s7, $0x1;
	s7 =	sadd.s32 s22, s5  }
0x9f: {  	[timem:s9], [sflag:s23] =	dma.local [hbm:s7], s21  }
0xa0: {  	_ =	swait.ge [sflag:s23], s21  }
0xa1: {  	s6 =	ssub.s32 $0x0, s21;
	[sflag:s23] =	ssyncset.done $0x0  }
0xa2: {  	[sflag:s23] =	ssyncadd.s32 s6;
	_ =	sdelay $0x1  }
0xa3: {  	s24 =	simm.s32 $0x1B8B  }
0xa4: {  	_ =	swait.ge [sflag:s24], $0x1  }
0xa5: {  	[sflag:s24] =	ssyncset.done $0x0  }
0xa6: {  	s25 =	simm.s32 $0x1B8E;
	[sflag:s24] =	ssyncadd.s32 $0xFFFFFFFF  }
0xa7: {  	s26 =	simm.s32 $execute0_lowered;
	[smem:$0x3FD2] =	sst s25  }
0xa8: {  	s6 =	sshll.u32 s26, $0x1;
	_ =	strace $0x80000046;
	[dreg:$0x1] =	wrdreg $0xFFFFFFFF  }
0xa9: {  	s28 =	simm.s32 $_size_execute0_lowered;
	s5 =	sadd.s32 s5, s6;
	[dreg:$0x0] =	wrdreg $0x0  }
0xaa: {  	s6 =	sshll.u32 s28, $0x1;
	[dreg:$0x2] =	wrdreg s5  }
0xab: {  	[dreg:$0x3] =	wrdreg s6  }
0xac: {  	[dreg:$0x4] =	wrdreg $0xC0  }
0xad: {  	_ =	task [dreg:s9], $0x5FFFF  }
0xae: {  	[dreg:$0x1] =	wrdreg $0xFFFFFFFF  }
0xaf: {  	[dreg:$0x0] =	wrdreg $0x60  }
0xb0: {  	[dreg:$0x2] =	wrdreg s2  }
0xb1: {  	[dreg:$0x3] =	wrdreg s19  }
0xb2: {  	[dreg:$0x4] =	wrdreg s4  }
0xb3: {  	[dreg:$0x5] =	wrdreg $0x9  }
0xb4: {  	_ =	task.clear_ibuf [dreg:s9], $0x6FFFF;
	_ =	strace $0x90000046  }
0xb5: {  	s29 =	simm.s32 $0x9;
	_ =	strace $0x80000048  }
0xb6: {  	_ =	swait.ge [sflag:s29], $0x1  }
0xb7: {  	[sflag:s29] =	ssyncadd.s32 $0xFFFFFFFF  }
0xb8: {  	_ =	strace $0x90000048  }
0xb9: {  	_ =	sfence  }
0xba: {  	s30 =	sld [smem:$0x0];
	_ =	sdelay $0x2  }
0xbb: {  	s31 =	sshll.u32 s1, $0xD;
	s1 =	sshrl.u32 s1, $0x2  }
0xbc: {  	s3 =	sand.u32 $0x4000, s31;
	s1 =	sadd.s32 s1, s30  }
0xbd: {  	s0 =	sor.u32 s3, s0;
	s1 =	sshll.u32 s1, $0x11  }
0xbe: {  	s0 =	sor.u32 s1, s0  }
0xbf: {  	s0 =	sadd.s32 $0x8F2B, s0  }
0xc0: {  	[sflag:s0] =	ssyncadd.remote.s32 $0x1  }
0xc1: {  	_ =	sfence.sel $0xFFFF  }
0xc2: {  	[dreg:$0x0] =	wrdreg $0xFFFFFFFF;
	(pc) =	sbr.abs _section_cstart, $3  }
0xc3: {  	[dreg:$0x1] =	wrdreg $0xFFFFFFFF  }
0xc4: {  	_ =	task.clear_ibuf [dreg:s9], $0x2FFFF;
	_ =	strace $0x9FFFFFFF  }
0xc5: {  	(tm) =	ssettm $0x7FFFFFFF  }
tec
execute0_lowered:
.L_overlay_start_1:
0x0: {  	(tag) =	ssettag $0x1  }
0x1: {  	s0 =	srdreg.scid  }
0x2: {  	s3 =	rddreg [dreg:$0x0];
	s2 =	sand.u32 $0x1, s0  }
0x3: {  	s1 =	stileid.u32;
	s11 =	rddreg [dreg:$0x2];
	s0 =	sshll.u32 s2, $0x4  }
0x4: {  	s30 =	simm.s32 $0x480;
	s2 =	ssub.s32 $0x2, s2;
	s0 =	sor.u32 s1, s0  }
0x5: {  	s1 =	simm.s32 $0x0;
	s5 =	sshrl.u32 s2, $0x1;
	s4 =	smul.u32 $0x49800, s0  }
0x6: {  	s31 =	simm.s32 $0x6680;
	[smem:$0x7FF] =	sst s1;
	s2 =	ssub.s32 s2, s5  }
0x7: {  	s0 =	simm.s32 $0x5;
	s29 =	smax.u32 s2, $0x1;
	s4 =	sshrl.u32 s4, $0x3  }
0x8: {  	s2 =	simm.s32 $0x2;
	s12 =	sadd.s32 s3, s4;
	s13 =	sadd.s32 $0xC40, s4  }
0x9: {  	s14 =	sadd.s32 s11, s4;
	s15 =	sadd.s32 $0x1880, s4;
	s16 =	sadd.s32 $0x24C0, s4  }
0xa: {  	v0 =	vimm.f32 $1.500000000e+01;
	vm0 =	vcmask $0x300;
	s18 =	sadd.s32 $0x3100, s4;
	s20 =	sadd.s32 $0x3D40, s4;
	s22 =	sadd.s32 $0x4980, s4  }
0xb: {  	vm14 =	vcmask $0x704;
	v0 =	vsel vm0, $0x0, v0;
	s23 =	sadd.s32 $0x55C0, s4;
	s24 =	sadd.s32 $0x6200, s4;
	s25 =	sadd.s32 $0x6E40, s4  }
0xc: {  	vm15 =	vcmask $0xB08;
	v0 =	vsel vm14, $0x3F800000, v0;
	s26 =	sadd.s32 $0x7A80, s4;
	s4 =	sadd.s32 $0x86C0, s4;
	[dreg:$0x4] =	wrdreg s12  }
0xd: {  	vm4 =	vcmask $0xF0C;
	v0 =	vsel vm15, $0x40000000, v0;
	s6 =	sadd.s32 s3, s13;
	[dreg:$0x6] =	wrdreg s14;
	s7 =	sadd.s32 s3, s15  }
0xe: {  	vm5 =	vcmask $0x1310;
	v0 =	vsel vm4, $0x40400000, v0;
	s5 =	sadd.s32 s11, s13;
	s17 =	sadd.s32 s3, s16;
	[dreg:$0x5] =	wrdreg s6  }
0xf: {  	vm6 =	vcmask $0x1714;
	v0 =	vsel vm5, $0x40800000, v0;
	s19 =	sadd.s32 s3, s18;
	s21 =	sadd.s32 s3, s20;
	[dreg:$0x7] =	wrdreg s7  }
0x10: {  	vm7 =	vcmask $0x1B18;
	v0 =	vsel vm6, $0x40A00000, v0;
	s13 =	sadd.s32 s3, s22;
	s14 =	sadd.s32 s11, s20;
	[dreg:$0x8] =	wrdreg s5  }
0x11: {  	vm8 =	vcmask $0x1F1C;
	v0 =	vsel vm7, $0x40C00000, v0;
	s20 =	sadd.s32 s11, s24;
	s28 =	sadd.s32 s11, s4;
	[dreg:$0x9] =	wrdreg s17  }
0x12: {  	vm9 =	vcmask $0x2320;
	v0 =	vsel vm8, $0x40E00000, v0;
	s6 =	sadd.s32 s11, s15;
	[dreg:$0xb] =	wrdreg s19;
	s5 =	sadd.s32 s11, s16  }
0x13: {  	vm10 =	vcmask $0x2724;
	[dreg:$0xd] =	wrdreg s21;
	s15 =	sadd.s32 s3, s23;
	s16 =	sadd.s32 s11, s22;
	v0 =	vsel vm9, $0x41000000, v0  }
0x14: {  	vm11 =	vcmask $0x2B28;
	s17 =	sadd.s32 s3, s24;
	s19 =	sadd.s32 s3, s25;
	s21 =	sadd.s32 s11, s25;
	v0 =	vsel vm10, $0x41100000, v0  }
0x15: {  	vm12 =	vcmask $0x2F2C;
	s24 =	sadd.s32 s3, s26;
	s25 =	sadd.s32 s3, s4;
	s26 =	sadd.s32 s11, s26;
	v0 =	vsel vm11, $0x41200000, v0  }
0x16: {  	vm13 =	vcmask $0x3330;
	s22 =	simm.s32 $0xC880;
	s3 =	simm.s32 $0x12A80;
	[dreg:$0xa] =	wrdreg s6;
	v0 =	vsel vm12, $0x41300000, v0  }
0x17: {  	vm14 =	vcmask $0x3734;
	s4 =	simm.s32 $0x3;
	[dreg:$0xc] =	wrdreg s5;
	s6 =	sadd.s32 s11, s18;
	v0 =	vsel vm13, $0x41400000, v0  }
0x18: {  	vm15 =	vcmask $0x3B38;
	s18 =	sadd.s32 s11, s23;
	s23 =	simm.s32 $0x1;
	[dreg:$0xe] =	wrdreg s6;
	v0 =	vsel vm14, $0x41500000, v0  }
0x19: {  	s5 =	simm.s32 $0x4;
	s6 =	simm.s32 $0x0;
	_ =	strace $0x80000047;
	v0 =	vsel vm15, $0x41600000, v0  }
.LBB2_1:
0x1a: {  	s7 =	rddreg [dreg:$0x4]  }
0x1b: {  	[tilespmem:s30], [sflag:$0x1] =	stream.linear.gather [hbm4b:s7+s1], $0x6200, $0x38;
	[tilespmem:$0x18C80] =	vst v63  }
0x1c: {  	s9 =	rddreg [dreg:$0x5]  }
0x1d: {  	[tilespmem:s31], [sflag:$0x2] =	stream.linear.gather [hbm4b:s9+s1], $0x6200, $0x38;
	[tilespmem:$0x18C80] =	vst v63  }
0x1e: {  	s10 =	rddreg [dreg:$0x1];
	s8 =	simm.s32 $0x400  }
0x1f: {  	[tilespmem:s8], [sflag:$0x5] =	stream.linear.gather [hbm4b:s10+s1], $0x80, $0x38;
	[tilespmem:$0x18C80] =	vst v63  }
0x20: {  	_ =	swait.ge [sflag:s0], $0x80  }
0x21: {  	[sflag:s0] =	ssyncset.done $0x0  }
0x22: {  	s11 =	scvt.s32.f32 s1;
	s12 =	simm.s32 $0x10;
	[sflag:s0] =	ssyncadd.s32 $0xFFFFFF80  }
0x23: {  	s8 =	scvt.s32.f32 s12;
	v9 =	vld [tilespmem:$0x400]  }
0x24: {  	v6 =	vadd.f32 s11, v0  }
0x25: {  	v11 =	vadd.f32 s8, v0  }
0x26: {  	v6 =	vmul.f32 $5.000000000e-01, v6  }
0x27: {  	v12 =	vmul.f32 $5.000000000e-01, v11  }
0x28: {  	v6 =	vadd.f32 $-2.557500000e+02, v6;
	v1 =	vbroadcast v9, $0x0;
	v2 =	vbroadcast v9, $0x1  }
0x29: {  	v3 =	vbroadcast v9, $0x2;
	v4 =	vbroadcast v9, $0x3  }
0x2a: {  	v17 =	vmax.f32 v6, $-1.280000000e+02;
	v5 =	vbroadcast v9, $0x4;
	v7 =	vbroadcast v9, $0x5  }
0x2b: {  	v18 =	vadd.f32 $-2.557500000e+02, v12;
	v8 =	vbroadcast v9, $0x6;
	v10 =	vbroadcast v9, $0x7  }
0x2c: {  	v17 =	vmin.f32 v17, $1.270000000e+02;
	v11 =	vbroadcast v9, $0x8;
	v15 =	vbroadcast v9, $0xB  }
0x2d: {  	v18 =	vmax.f32 v18, $-1.280000000e+02;
	v13 =	vbroadcast v9, $0x9;
	v14 =	vbroadcast v9, $0xA  }
0x2e: {  	v20 =	vmin.f32 v18, $1.270000000e+02;
	v19 =	vsub.f32 v17, v1;
	v21 =	vsub.f32 v17, v15  }
0x2f: {  	v16 =	vbroadcast v9, $0xC;
	v18 =	vsub.f32 v17, v10;
	v22 =	vsub.f32 v20, v1  }
0x30: {  	v12 =	vbroadcast v9, $0xD;
	v24 =	vsub.f32 v17, v2;
	v25 =	vsub.f32 v20, v13  }
0x31: {  	v6 =	vbroadcast v9, $0xE;
	v28 =	vsub.f32 v20, v14;
	v29 =	vsub.f32 v20, v11  }
0x32: {  	v9 =	vbroadcast v9, $0xF;
	v30 =	vsub.f32 v20, v16;
	v31 =	vsub.f32 v20, v5  }
0x33: {  	v33 =	vsub.f32 v20, v7;
	v35 =	vsub.f32 v20, v6  }
0x34: {  	v36 =	vsub.f32 v20, v9;
	v38 =	vsub.f32 v20, v8  }
0x35: {  	v40 =	vsub.f32 v20, v15;
	v54 =	vsub.f32 v17, v13  }
0x36: {  	v41 =	vsub.f32 v17, v16;
	v42 =	vsub.f32 v17, v8  }
0x37: {  	v44 =	vsub.f32 v17, v4;
	v46 =	vsub.f32 v17, v11  }
0x38: {  	v57 =	vsub.f32 v17, v6;
	v58 =	vsub.f32 v17, v3  }
0x39: {  	v23 =	vand.u32 $0x7FFFFFFF, v19;
	v26 =	vand.u32 $0x7FFFFFFF, v18;
	v27 =	vand.u32 $0x7FFFFFFF, v22  }
0x3a: {  	vm0 =	vclass.f32 v22, $0xFC;
	v18 =	vsub.f32 v17, v7;
	v24 =	vand.u32 $0x7FFFFFFF, v24  }
0x3b: {  	vm4 =	vclass.f32 v19, $0xFC;
	v19 =	vsub.f32 v20, v4;
	v29 =	vand.u32 $0x7FFFFFFF, v29  }
0x3c: {  	v28 =	vand.u32 $0x7FFFFFFF, v28;
	v30 =	vand.u32 $0x7FFFFFFF, v30;
	v25 =	vand.u32 $0x7FFFFFFF, v25  }
0x3d: {  	v33 =	vand.u32 $0x7FFFFFFF, v33;
	v40 =	vand.u32 $0x7FFFFFFF, v40;
	v31 =	vand.u32 $0x7FFFFFFF, v31  }
0x3e: {  	v42 =	vand.u32 $0x7FFFFFFF, v42;
	v38 =	vand.u32 $0x7FFFFFFF, v38;
	v55 =	vand.u32 $0x7FFFFFFF, v46  }
0x3f: {  	v56 =	vand.u32 $0x7FFFFFFF, v21;
	v21 =	vsub.f32 v17, v12;
	v62 =	vand.u32 $0x7FFFFFFF, v44  }
0x40: {  	v22 =	vnsel vm0, $0x0, v1;
	vm1 =	vlt.f32 v24, v23;
	v59 =	vnsel vm4, $0x0, v1  }
0x41: {  	v23 =	vmin.f32 v23, v24;
	v24 =	vand.u32 $0x7FFFFFFF, v58;
	v32 =	vand.u32 $0x7FFFFFFF, v18  }
0x42: {  	v18 =	vsub.f32 v20, v3;
	v37 =	vand.u32 $0x7FFFFFFF, v19;
	v19 =	vsub.f32 v20, v12  }
0x43: {  	v61 =	vsel vm1, v2, v59;
	vm11 =	vlt.f32 v24, v23;
	v23 =	vmin.f32 v23, v24  }
0x44: {  	v24 =	vsub.f32 v17, v14;
	vm13 =	vlt.f32 v62, v23;
	v23 =	vmin.f32 v23, v62  }
0x45: {  	v34 =	vand.u32 $0x7FFFFFFF, v18;
	v18 =	vsub.f32 v20, v10;
	v20 =	vsub.f32 v20, v2  }
0x46: {  	v53 =	vand.u32 $0x7FFFFFFF, v19;
	v19 =	vand.u32 $0x7FFFFFFF, v35;
	v35 =	vand.u32 $0x7FFFFFFF, v54  }
0x47: {  	v24 =	vand.u32 $0x7FFFFFFF, v24;
	v43 =	vand.u32 $0x7FFFFFFF, v20;
	v20 =	vsub.f32 v17, v5  }
0x48: {  	v39 =	vand.u32 $0x7FFFFFFF, v18;
	v18 =	vand.u32 $0x7FFFFFFF, v36;
	vm2 =	vlt.f32 v43, v27  }
0x49: {  	v27 =	vmin.f32 v27, v43;
	v22 =	vsel vm2, v2, v22;
	v45 =	vand.u32 $0x7FFFFFFF, v20  }
0x4a: {  	v20 =	vand.u32 $0x7FFFFFFF, v41;
	vm5 =	vlt.f32 v34, v27;
	v27 =	vmin.f32 v27, v34  }
0x4b: {  	v22 =	vsel vm5, v3, v22;
	vm6 =	vlt.f32 v37, v27;
	v27 =	vmin.f32 v27, v37  }
0x4c: {  	vm15 =	vlt.f32 v45, v23;
	v23 =	vmin.f32 v23, v45;
	v22 =	vsel vm6, v4, v22  }
0x4d: {  	vm7 =	vlt.f32 v31, v27;
	v27 =	vmin.f32 v27, v31;
	v31 =	vsel vm11, v3, v61  }
0x4e: {  	vm4 =	vlt.f32 v32, v23;
	v23 =	vmin.f32 v23, v32;
	v22 =	vsel vm7, v5, v22  }
0x4f: {  	vm8 =	vlt.f32 v33, v27;
	v27 =	vmin.f32 v27, v33;
	vm6 =	vlt.f32 v42, v23  }
0x50: {  	v23 =	vmin.f32 v23, v42;
	v22 =	vsel vm8, v7, v22;
	vm9 =	vlt.f32 v38, v27  }
0x51: {  	v27 =	vmin.f32 v27, v38;
	vm7 =	vlt.f32 v26, v23;
	v23 =	vmin.f32 v23, v26  }
0x52: {  	v22 =	vsel vm9, v8, v22;
	vm10 =	vlt.f32 v39, v27;
	v27 =	vmin.f32 v27, v39  }
0x53: {  	vm9 =	vlt.f32 v55, v23;
	v23 =	vmin.f32 v23, v55;
	v60 =	vsel vm10, v10, v22  }
0x54: {  	v22 =	vand.u32 $0x7FFFFFFF, v57;
	vm12 =	vlt.f32 v29, v27;
	v27 =	vmin.f32 v27, v29  }
0x55: {  	v29 =	vsel vm13, v4, v31;
	vm11 =	vlt.f32 v35, v23;
	v23 =	vmin.f32 v23, v35  }
0x56: {  	v63 =	vsel vm12, v11, v60;
	vm14 =	vlt.f32 v25, v27;
	v25 =	vmin.f32 v27, v25  }
0x57: {  	v27 =	vsel vm15, v5, v29;
	vm12 =	vlt.f32 v24, v23;
	v23 =	vmin.f32 v23, v24  }
0x58: {  	v29 =	vsel vm14, v13, v63;
	vm5 =	vlt.f32 v28, v25;
	v27 =	vsel vm4, v7, v27  }
0x59: {  	v25 =	vmin.f32 v25, v28;
	vm13 =	vlt.f32 v56, v23;
	v27 =	vsel vm6, v8, v27  }
0x5a: {  	vm8 =	vlt.f32 v40, v25;
	v25 =	vmin.f32 v25, v40;
	v26 =	vsel vm7, v10, v27  }
0x5b: {  	v29 =	vsel vm5, v14, v29;
	vm10 =	vlt.f32 v30, v25;
	v26 =	vsel vm9, v11, v26  }
0x5c: {  	v27 =	vsel vm8, v15, v29;
	v24 =	vmin.f32 v25, v30;
	v26 =	vsel vm11, v13, v26  }
0x5d: {  	v28 =	vsel vm10, v16, v27;
	v27 =	vmin.f32 v23, v56;
	v25 =	vsel vm12, v14, v26  }
0x5e: {  	vm15 =	vlt.f32 v53, v24;
	vm14 =	vlt.f32 v20, v27;
	v23 =	vsel vm13, v15, v25  }
0x5f: {  	s7 =	simm.s32 $0x10;
	s10 =	simm.s32 $0x20;
	s8 =	simm.s32 $0x30;
	v24 =	vmin.f32 v24, v53;
	v26 =	vsel vm14, v16, v23;
	v23 =	vsel vm15, v12, v28  }
.LBB2_2:
0x60: {  	s9 =	smov.u32 s10  }
0x61: {  	s11 =	scvt.s32.f32 s10;
	s12 =	sadd.s32 $0x10, s10;
	v20 =	vmin.f32 v27, v20;
	v21 =	vand.u32 $0x7FFFFFFF, v21;
	v17 =	vsub.f32 v17, v9;
	s9 =	sadd.s32 $0x20, s10  }
0x62: {  	p0 =	slt.u32 s10, $0x3E0;
	s12 =	scvt.s32.f32 s12;
	vm0 =	vlt.f32 v21, v20;
	v20 =	vmin.f32 v20, v21  }
0x63: {  	v21 =	vadd.f32 s11, v0;
	v25 =	vsel vm0, v12, v26;
	v17 =	vand.u32 $0x7FFFFFFF, v17  }
0x64: {  	v28 =	vmin.f32 v24, v19;
	v27 =	vmin.f32 v20, v22;
	v26 =	vadd.f32 s12, v0  }
0x65: {  	vm1 =	vlt.f32 v18, v28;
	vm0 =	vlt.f32 v17, v27;
	v21 =	vmul.f32 $5.000000000e-01, v21  }
0x66: {  	vm3 =	vlt.f32 v19, v24;
	vm2 =	vlt.f32 v22, v20;
	v17 =	vmul.f32 $5.000000000e-01, v26  }
0x67: {  	v20 =	vsel vm3, v6, v23;
	v19 =	vsel vm2, v6, v25;
	v18 =	vadd.f32 $-2.557500000e+02, v21  }
0x68: {  	v21 =	vadd.f32 $-2.557500000e+02, v17;
	v17 =	vsel vm0, v9, v19;
	v19 =	vsel vm1, v9, v20  }
0x69: {  	v18 =	vmax.f32 v18, $-1.280000000e+02;
	v20 =	vmul.f32 $6.250000000e-02, v17;
	v19 =	vmul.f32 $6.250000000e-02, v19  }
0x6a: {  	v17 =	vmin.f32 v18, $1.270000000e+02;
	v18 =	vmax.f32 v21, $-1.280000000e+02  }
0x6b: {  	v21 =	vsub.f32 v17, v1;
	v22 =	vsub.f32 v17, v15;
	v25 =	vmin.f32 v18, $1.270000000e+02;
	[tilespmem:s7+$0xFFFFFFF0] =	vst v20  }
0x6c: {  	v18 =	vsub.f32 v17, v10;
	v20 =	vsub.f32 v25, v1;
	[tilespmem:s7+$0x0] =	vst v19;
	s7 =	smov.u32 s8  }
0x6d: {  	v27 =	vsub.f32 v25, v13;
	v26 =	vand.u32 $0x7FFFFFFF, v21;
	v19 =	vsub.f32 v17, v2  }
0x6e: {  	v23 =	vand.u32 $0x7FFFFFFF, v18;
	v28 =	vand.u32 $0x7FFFFFFF, v20;
	vm0 =	vclass.f32 v20, $0xFC  }
0x6f: {  	v24 =	vsub.f32 v25, v14;
	v18 =	vsub.f32 v17, v7;
	v20 =	vnsel vm0, $0x0, v1  }
0x70: {  	v30 =	vsub.f32 v25, v16;
	v29 =	vand.u32 $0x7FFFFFFF, v19;
	v19 =	vsub.f32 v25, v11  }
0x71: {  	v31 =	vsub.f32 v25, v5;
	vm0 =	vclass.f32 v21, $0xFC;
	v21 =	vsub.f32 v25, v4  }
0x72: {  	v32 =	vand.u32 $0x7FFFFFFF, v18;
	v18 =	vsub.f32 v25, v3;
	v33 =	vand.u32 $0x7FFFFFFF, v19  }
0x73: {  	v34 =	vand.u32 $0x7FFFFFFF, v24;
	v24 =	vand.u32 $0x7FFFFFFF, v30;
	v19 =	vsub.f32 v25, v7  }
0x74: {  	v35 =	vsub.f32 v25, v6;
	v27 =	vand.u32 $0x7FFFFFFF, v27;
	v30 =	vand.u32 $0x7FFFFFFF, v18  }
0x75: {  	v18 =	vsub.f32 v25, v10;
	v36 =	vand.u32 $0x7FFFFFFF, v19;
	v19 =	vsub.f32 v25, v9  }
0x76: {  	v38 =	vsub.f32 v25, v12;
	v37 =	vand.u32 $0x7FFFFFFF, v21;
	v21 =	vsub.f32 v25, v8  }
0x77: {  	v40 =	vsub.f32 v25, v15;
	v39 =	vand.u32 $0x7FFFFFFF, v18;
	v18 =	vand.u32 $0x7FFFFFFF, v19  }
0x78: {  	v41 =	vsub.f32 v25, v2;
	v25 =	vand.u32 $0x7FFFFFFF, v38;
	v19 =	vand.u32 $0x7FFFFFFF, v35  }
0x79: {  	v40 =	vand.u32 $0x7FFFFFFF, v40;
	v38 =	vsub.f32 v17, v16;
	v35 =	vsub.f32 v17, v13  }
0x7a: {  	v42 =	vsub.f32 v17, v8;
	v41 =	vand.u32 $0x7FFFFFFF, v41;
	v31 =	vand.u32 $0x7FFFFFFF, v31  }
0x7b: {  	v43 =	vsub.f32 v17, v4;
	v44 =	vsub.f32 v17, v5;
	vm2 =	vlt.f32 v41, v28  }
0x7c: {  	v42 =	vand.u32 $0x7FFFFFFF, v42;
	vm1 =	vlt.f32 v29, v26;
	v45 =	vsel vm2, v2, v20  }
0x7d: {  	v46 =	vsub.f32 v17, v11;
	v44 =	vand.u32 $0x7FFFFFFF, v44;
	v20 =	vand.u32 $0x7FFFFFFF, v38  }
0x7e: {  	v28 =	vmin.f32 v28, v41;
	v38 =	vand.u32 $0x7FFFFFFF, v21;
	v35 =	vand.u32 $0x7FFFFFFF, v35  }
0x7f: {  	v41 =	vand.u32 $0x7FFFFFFF, v46;
	vm2 =	vlt.f32 v30, v28;
	v28 =	vmin.f32 v28, v30  }
0x80: {  	v30 =	vand.u32 $0x7FFFFFFF, v22;
	v22 =	vsel vm2, v3, v45;
	vm2 =	vlt.f32 v37, v28  }
0x81: {  	v28 =	vmin.f32 v28, v37;
	v22 =	vsel vm2, v4, v22;
	v21 =	vsub.f32 v17, v12  }
0x82: {  	v37 =	vsub.f32 v17, v6;
	vm2 =	vlt.f32 v31, v28;
	v28 =	vmin.f32 v28, v31  }
0x83: {  	v22 =	vsel vm2, v5, v22;
	vm2 =	vlt.f32 v36, v28;
	v28 =	vmin.f32 v28, v36  }
0x84: {  	v22 =	vsel vm2, v7, v22;
	vm2 =	vlt.f32 v38, v28;
	v28 =	vmin.f32 v28, v38  }
0x85: {  	v31 =	vsub.f32 v17, v3;
	v22 =	vsel vm2, v8, v22;
	vm2 =	vlt.f32 v39, v28  }
0x86: {  	v36 =	vnsel vm0, $0x0, v1;
	v28 =	vmin.f32 v28, v39;
	v38 =	vsel vm2, v10, v22  }
0x87: {  	v26 =	vmin.f32 v26, v29;
	v29 =	vand.u32 $0x7FFFFFFF, v31;
	v22 =	vand.u32 $0x7FFFFFFF, v37  }
0x88: {  	v31 =	vsel vm1, v2, v36;
	vm0 =	vlt.f32 v29, v26;
	vm1 =	vlt.f32 v33, v28  }
0x89: {  	v36 =	vand.u32 $0x7FFFFFFF, v43;
	v31 =	vsel vm0, v3, v31;
	v37 =	vsel vm1, v11, v38  }
0x8a: {  	v26 =	vmin.f32 v26, v29;
	v29 =	vsub.f32 v17, v14;
	v28 =	vmin.f32 v28, v33  }
0x8b: {  	vm0 =	vlt.f32 v36, v26;
	v26 =	vmin.f32 v26, v36;
	vm1 =	vlt.f32 v27, v28  }
0x8c: {  	v31 =	vsel vm0, v4, v31;
	vm0 =	vlt.f32 v44, v26;
	v27 =	vmin.f32 v28, v27  }
0x8d: {  	v26 =	vmin.f32 v26, v44;
	v28 =	vsel vm0, v5, v31;
	v31 =	vsel vm1, v13, v37  }
0x8e: {  	vm0 =	vlt.f32 v32, v26;
	v26 =	vmin.f32 v26, v32;
	vm1 =	vlt.f32 v34, v27  }
0x8f: {  	vm2 =	vlt.f32 v42, v26;
	v26 =	vmin.f32 v26, v42;
	v31 =	vsel vm1, v14, v31  }
0x90: {  	v27 =	vmin.f32 v27, v34;
	v28 =	vsel vm0, v7, v28;
	vm0 =	vlt.f32 v23, v26  }
0x91: {  	vm1 =	vlt.f32 v40, v27;
	v28 =	vsel vm2, v8, v28;
	v23 =	vmin.f32 v26, v23  }
0x92: {  	v27 =	vmin.f32 v27, v40;
	v26 =	vsel vm0, v10, v28;
	vm0 =	vlt.f32 v41, v23  }
0x93: {  	v23 =	vmin.f32 v23, v41;
	v26 =	vsel vm0, v11, v26;
	vm0 =	vlt.f32 v24, v27  }
0x94: {  	v28 =	vand.u32 $0x7FFFFFFF, v29;
	v29 =	vsel vm1, v15, v31;
	vm2 =	vlt.f32 v35, v23  }
.Ltmp0:
0x95: {  	v23 =	vmin.f32 v23, v35;
	v26 =	vsel vm2, v13, v26;
	v29 =	vsel vm0, v16, v29;
	(pc) =	sbr.rel @p0 .LBB2_2-.Ltmp0, $4  }
0x96: {  	v24 =	vmin.f32 v27, v24;
	vm0 =	vlt.f32 v28, v23;
	v23 =	vmin.f32 v23, v28  }
0x97: {  	v26 =	vsel vm0, v14, v26;
	vm0 =	vlt.f32 v30, v23;
	v27 =	vmin.f32 v23, v30  }
0x98: {  	vm1 =	vlt.f32 v25, v24;
	v23 =	vsel vm0, v15, v26;
	vm0 =	vlt.f32 v20, v27  }
0x99: {  	s10 =	smov.u32 s9;
	s8 =	sadd.s32 $0x20, s8;
	v24 =	vmin.f32 v24, v25;
	v26 =	vsel vm0, v16, v23;
	v23 =	vsel vm1, v12, v29  }
0x9a: {  	v1 =	vmin.f32 v27, v20;
	v2 =	vand.u32 $0x7FFFFFFF, v21  }
0x9b: {  	v3 =	vsub.f32 v17, v9;
	vm0 =	vlt.f32 v2, v1  }
0x9c: {  	v5 =	vmin.f32 v24, v19;
	v1 =	vmin.f32 v1, v2;
	v2 =	vsel vm0, v12, v26  }
0x9d: {  	v3 =	vand.u32 $0x7FFFFFFF, v3;
	v4 =	vmin.f32 v1, v22;
	vm14 =	vlt.f32 v22, v1  }
0x9e: {  	vm2 =	vlt.f32 v19, v24;
	vm1 =	vlt.f32 v3, v4;
	v1 =	vsel vm14, v6, v2  }
0x9f: {  	vm15 =	vlt.f32 v18, v5;
	v2 =	vsel vm2, v6, v23;
	v1 =	vsel vm1, v9, v1  }
0xa0: {  	v2 =	vsel vm15, v9, v2;
	v1 =	vmul.f32 $6.250000000e-02, v1  }
0xa1: {  	v2 =	vmul.f32 $6.250000000e-02, v2  }
0xa2: {  	[tilespmem:s7+$0xFFFFFFF0] =	vst v1  }
0xa3: {  	[tilespmem:s7+$0x0] =	vst v2  }
0xa4: {  	_ =	swait.ge [sflag:s23], $0x6200  }
0xa5: {  	[sflag:s23] =	ssyncset.done $0x0  }
0xa6: {  	s12 =	simm.s32 $0x500;
	[sflag:s23] =	ssyncadd.s32 $0xFFFF9E00  }
0xa7: {  	v1 =	vld [tilespmem:s12+$0xFFFFFF90]  }
0xa8: {  	v2 =	vld [tilespmem:s12+$0x10]  }
0xa9: {  	v3 =	vld [tilespmem:s12+$0x50]  }
0xaa: {  	v4 =	vld [tilespmem:s12+$0x60]  }
0xab: {  	v6 =	vld [tilespmem:s12+$0x0]  }
0xac: {  	v7 =	vld [tilespmem:s12+$0x40]  }
0xad: {  	v8 =	vld [tilespmem:s12+$0x30]  }
0xae: {  	v9 =	vld [tilespmem:s12+$0xFFFFFF80]  }
0xaf: {  	v11 =	vld [tilespmem:s12+$0x20]  }
0xb0: {  	v5 =	vld [tilespmem:s12+$0xFFFFFFD0];
	v1 =	vmul.f32 $3.200000000e+01, v1  }
0xb1: {  	v12 =	vld [tilespmem:s12+$0xFFFFFFA0];
	v2 =	vmul.f32 $3.200000000e+01, v2;
	v3 =	vmul.f32 $3.200000000e+01, v3  }
0xb2: {  	s8 =	simm.s32 $0x600;
	v15 =	vld [tilespmem:s12+$0xFFFFFFB0];
	v4 =	vmul.f32 $3.200000000e+01, v4;
	v6 =	vmul.f32 $3.200000000e+01, v6  }
0xb3: {  	v21 =	vld [tilespmem:s8+$0x60];
	v7 =	vmul.f32 $3.200000000e+01, v7;
	v8 =	vmul.f32 $3.200000000e+01, v8  }
0xb4: {  	v23 =	vld [tilespmem:s8+$0xFFFFFFD0];
	v9 =	vmul.f32 $3.200000000e+01, v9;
	v11 =	vmul.f32 $3.200000000e+01, v11  }
0xb5: {  	v5 =	vmul.f32 $3.200000000e+01, v5;
	v1 =	vadd.f32 $5.120000000e+02, v1;
	v2 =	vadd.f32 $5.120000000e+02, v2  }
0xb6: {  	v12 =	vmul.f32 $3.200000000e+01, v12;
	v3 =	vadd.f32 $5.120000000e+02, v3;
	v4 =	vadd.f32 $5.120000000e+02, v4  }
0xb7: {  	v15 =	vmul.f32 $3.200000000e+01, v15;
	v6 =	vadd.f32 $5.120000000e+02, v6;
	v8 =	vadd.f32 $5.120000000e+02, v8  }
0xb8: {  	v21 =	vmul.f32 $3.200000000e+01, v21;
	v9 =	vadd.f32 $5.120000000e+02, v9;
	v5 =	vadd.f32 $5.120000000e+02, v5  }
0xb9: {  	v23 =	vmul.f32 $3.200000000e+01, v23;
	v11 =	vadd.f32 $5.120000000e+02, v11;
	v15 =	vadd.f32 $5.120000000e+02, v15  }
0xba: {  	v7 =	vadd.f32 $5.120000000e+02, v7;
	v1 =	vmax.f32 v1, $0.0e+00;
	v2 =	vmax.f32 v2, $0.0e+00  }
0xbb: {  	v3 =	vmax.f32 v3, $0.0e+00;
	v4 =	vmax.f32 v4, $0.0e+00;
	v6 =	vmax.f32 v6, $0.0e+00  }
0xbc: {  	v10 =	vld [tilespmem:s12+$0xFFFFFFE0];
	v8 =	vmax.f32 v8, $0.0e+00;
	v5 =	vmax.f32 v5, $0.0e+00;
	v1 =	vmin.f32 v1, $1.023000000e+03  }
0xbd: {  	v13 =	vld [tilespmem:s12+$0xFFFFFFF0];
	v3 =	vmin.f32 v3, $1.023000000e+03;
	v2 =	vmin.f32 v2, $1.023000000e+03;
	v1 =	vtrunc.f32 v1  }
0xbe: {  	v4 =	vmin.f32 v4, $1.023000000e+03;
	v3 =	vtrunc.f32 v3;
	v2 =	vtrunc.f32 v2  }
0xbf: {  	v6 =	vmin.f32 v6, $1.023000000e+03;
	v4 =	vtrunc.f32 v4;
	v3 =	vcvt.f32.s32 v3  }
0xc0: {  	v15 =	vmax.f32 v15, $0.0e+00;
	v6 =	vtrunc.f32 v6;
	v1 =	vcvt.f32.s32 v1  }
0xc1: {  	v8 =	vmin.f32 v8, $1.023000000e+03;
	v14 =	vcvt.f32.s32 v4;
	v4 =	vmul.f32 $3.200000000e+01, v10;
	v10 =	vld [tilespmem:s12+$0x70]  }
0xc2: {  	v5 =	vmin.f32 v5, $1.023000000e+03;
	v16 =	vcvt.f32.s32 v6;
	v6 =	vmul.f32 $3.200000000e+01, v13;
	v13 =	vld [tilespmem:s12+$0xFFFFFFC0]  }
0xc3: {  	v15 =	vmin.f32 v15, $1.023000000e+03;
	v8 =	vtrunc.f32 v8;
	v5 =	vtrunc.f32 v5  }
0xc4: {  	v19 =	vld [tilespmem:s8+$0x20];
	v63 =	vtrunc.f32 v15;
	v4 =	vadd.f32 $5.120000000e+02, v4;
	v6 =	vadd.f32 $5.120000000e+02, v6  }
0xc5: {  	v9 =	vmax.f32 v9, $0.0e+00;
	v8 =	vcvt.f32.s32 v8;
	v5 =	vcvt.f32.s32 v5;
	v17 =	vld.idx.msk [tilespmem:v3+s1+$0x0], $0xffff  }
0xc6: {  	v4 =	vmax.f32 v4, $0.0e+00;
	v6 =	vmax.f32 v6, $0.0e+00;
	v10 =	vmul.f32 $3.200000000e+01, v10;
	v18 =	vld.idx.msk [tilespmem:v1+s1+$0x0], $0xffff  }
0xc7: {  	v4 =	vmin.f32 v4, $1.023000000e+03;
	v13 =	vmul.f32 $3.200000000e+01, v13;
	v1 =	vmax.f32 v11, $0.0e+00;
	v11 =	vld [tilespmem:s8+$0x10]  }
0xc8: {  	v3 =	vadd.f32 $5.120000000e+02, v12;
	v12 =	vld [tilespmem:s8+$0xFFFFFF90];
	v22 =	vtrunc.f32 v4;
	v4 =	vmax.f32 v7, $0.0e+00  }
0xc9: {  	v20 =	vld [tilespmem:s8+$0x50];
	v10 =	vadd.f32 $5.120000000e+02, v10;
	v1 =	vmin.f32 v1, $1.023000000e+03;
	v13 =	vadd.f32 $5.120000000e+02, v13  }
0xca: {  	v24 =	vld [tilespmem:s8+$0xFFFFFF80];
	v4 =	vmin.f32 v4, $1.023000000e+03;
	v1 =	vtrunc.f32 v1;
	v3 =	vmax.f32 v3, $0.0e+00  }
0xcb: {  	v25 =	vld [tilespmem:s8+$0xFFFFFFE0];
	v4 =	vtrunc.f32 v4;
	v10 =	vmax.f32 v10, $0.0e+00;
	v1 =	vcvt.f32.s32 v1  }
0xcc: {  	v29 =	vld [tilespmem:s8+$0x40];
	v3 =	vmin.f32 v3, $1.023000000e+03;
	v13 =	vmax.f32 v13, $0.0e+00;
	v7 =	vmul.f32 $3.200000000e+01, v11  }
0xcd: {  	v30 =	vld [tilespmem:s8+$0xFFFFFFA0];
	v11 =	vtrunc.f32 v3;
	v3 =	vmin.f32 v6, $1.023000000e+03;
	v6 =	vmul.f32 $3.200000000e+01, v12  }
0xce: {  	v8 =	vld.idx.msk [tilespmem:v8+s1+$0x0], $0xffff;
	v28 =	vcvt.f32.s32 v4;
	v4 =	vmul.f32 $3.200000000e+01, v20;
	v20 =	vadd.f32 $5.120000000e+02, v21  }
0xcf: {  	s7 =	simm.s32 $0xC900;
	v5 =	vld.idx.msk [tilespmem:v5+s1+$0x0], $0xffff;
	v10 =	vmin.f32 v10, $1.023000000e+03;
	v13 =	vmin.f32 v13, $1.023000000e+03;
	v27 =	vadd.f32 $5.120000000e+02, v6  }
0xd0: {  	v12 =	vld [tilespmem:s8+$0x0];
	v10 =	vtrunc.f32 v10;
	[tilespmem:s7+$0x50] =	vst v17;
	v17 =	vmax.f32 v20, $0.0e+00;
	v3 =	vtrunc.f32 v3  }
0xd1: {  	v14 =	vld.idx.msk [tilespmem:v14+s1+$0x0], $0xffff;
	v26 =	vcvt.f32.s32 v3;
	v3 =	vcvt.f32.s32 v2;
	v2 =	vmax.f32 v27, $0.0e+00  }
0xd2: {  	v11 =	vcvt.f32.s32 v11;
	v21 =	vld.idx.msk [tilespmem:v1+s1+$0x0], $0xffff;
	v1 =	vmin.f32 v2, $1.023000000e+03;
	v2 =	vadd.f32 $5.120000000e+02, v4  }
0xd3: {  	v13 =	vtrunc.f32 v13;
	v20 =	vld [tilespmem:s8+$0x70];
	v17 =	vmin.f32 v17, $1.023000000e+03;
	v1 =	vtrunc.f32 v1  }
0xd4: {  	v7 =	vadd.f32 $5.120000000e+02, v7;
	v27 =	vld.idx.msk [tilespmem:v16+s1+$0x0], $0xffff;
	v4 =	vcvt.f32.s32 v1;
	v1 =	vmax.f32 v2, $0.0e+00  }
0xd5: {  	v16 =	vld [tilespmem:s8+$0x30];
	v12 =	vmul.f32 $3.200000000e+01, v12;
	v2 =	vcvt.f32.s32 v22;
	v1 =	vmin.f32 v1, $1.023000000e+03  }
0xd6: {  	v6 =	vld [tilespmem:s8+$0xFFFFFFF0];
	v7 =	vmax.f32 v7, $0.0e+00;
	v22 =	vcvt.f32.s32 v10;
	v10 =	vtrunc.f32 v1  }
0xd7: {  	[tilespmem:s7+$0x60] =	vst v14;
	v13 =	vcvt.f32.s32 v13;
	v14 =	vld.idx.msk [tilespmem:v28+s1+$0x0], $0xffff;
	v7 =	vmin.f32 v7, $1.023000000e+03;
	v31 =	vcvt.f32.s32 v10  }
0xd8: {  	[tilespmem:s7+$0x30] =	vst v8;
	v11 =	vld.idx.msk [tilespmem:v11+s1+$0x0], $0xffff;
	v8 =	vadd.f32 $5.120000000e+02, v12;
	v12 =	vtrunc.f32 v17;
	v17 =	vmul.f32 $3.200000000e+01, v24  }
0xd9: {  	v26 =	vld.idx.msk [tilespmem:v26+s1+$0x0], $0xffff;
	v1 =	vtrunc.f32 v7;
	v7 =	vmin.f32 v9, $1.023000000e+03;
	v9 =	vmul.f32 $3.200000000e+01, v29  }
0xda: {  	v23 =	vadd.f32 $5.120000000e+02, v23;
	v15 =	vmul.f32 $3.200000000e+01, v16;
	[tilespmem:s7+$0x20] =	vst v21;
	v21 =	vmul.f32 $3.200000000e+01, v19;
	v10 =	vld [tilespmem:s8+$0xFFFFFFB0]  }
0xdb: {  	[tilespmem:s7+$0xFFFFFFD0] =	vst v5;
	v5 =	vmax.f32 v8, $0.0e+00;
	v19 =	vmul.f32 $3.200000000e+01, v30;
	v16 =	vtrunc.f32 v7;
	v7 =	vld.idx.msk [tilespmem:v2+s1+$0x0], $0xffff  }
0xdc: {  	[tilespmem:s7+$0xFFFFFF90] =	vst v18;
	v5 =	vmin.f32 v5, $1.023000000e+03;
	v18 =	vadd.f32 $5.120000000e+02, v15;
	v2 =	vcvt.f32.s32 v12;
	v12 =	vld.idx.msk [tilespmem:v22+s1+$0x0], $0xffff  }
0xdd: {  	s9 =	simm.s32 $0x100;
	[tilespmem:s7+$0x0] =	vst v27;
	v8 =	vadd.f32 $5.120000000e+02, v17;
	v5 =	vtrunc.f32 v5;
	v22 =	vmul.f32 $3.200000000e+01, v25;
	v15 =	vld.idx.msk [tilespmem:v31+s1+$0x0], $0xffff  }
0xde: {  	s10 =	simm.s32 $0xCA00;
	s11 =	simm.s32 $0x700;
	v17 =	vcvt.f32.s32 v63;
	v5 =	vcvt.f32.s32 v5;
	v24 =	vmax.f32 v18, $0.0e+00;
	[tilespmem:s7+$0xFFFFFFF0] =	vst v26;
	v18 =	vld [tilespmem:s8+$0xFFFFFFC0];
	s8 =	simm.s32 $0xCA00  }
.LBB2_4:
0xdf: {  	s9 =	sadd.s32 $0x100, s9;
	v22 =	vadd.f32 $5.120000000e+02, v22;
	v6 =	vmul.f32 $3.200000000e+01, v6;
	s10 =	sadd.s32 $0x100, s10;
	v16 =	vcvt.f32.s32 v16;
	v13 =	vld.idx.msk [tilespmem:v13+s1+$0x0], $0xffff  }
0xe0: {  	v21 =	vadd.f32 $5.120000000e+02, v21;
	v24 =	vmin.f32 v24, $1.023000000e+03;
	v25 =	vld [tilespmem:s11+$0xFFFFFF90];
	p0 =	slt.u32 s9, $0x6100;
	v20 =	vmul.f32 $3.200000000e+01, v20;
	[tilespmem:s7+$0xFFFFFFA0] =	vst v11  }
0xe1: {  	v11 =	vld.idx.msk [tilespmem:v4+s1+$0x0], $0xffff;
	v4 =	vmul.f32 $3.200000000e+01, v10;
	v10 =	vmax.f32 v22, $0.0e+00;
	v6 =	vadd.f32 $5.120000000e+02, v6;
	[tilespmem:s7+$0x70] =	vst v12  }
0xe2: {  	v12 =	vadd.f32 $5.120000000e+02, v19;
	v19 =	vmax.f32 v23, $0.0e+00;
	[tilespmem:s8+$0x50] =	vst v15;
	v15 =	vadd.f32 $5.120000000e+02, v20;
	v3 =	vld.idx.msk [tilespmem:v3+s1+$0x0], $0xffff  }
0xe3: {  	v19 =	vmin.f32 v19, $1.023000000e+03;
	v10 =	vmin.f32 v10, $1.023000000e+03;
	v20 =	vld [tilespmem:s11+$0x10];
	v4 =	vadd.f32 $5.120000000e+02, v4;
	[tilespmem:s7+$0x40] =	vst v14  }
0xe4: {  	v9 =	vadd.f32 $5.120000000e+02, v9;
	v14 =	vmax.f32 v21, $0.0e+00;
	v21 =	vtrunc.f32 v24;
	v17 =	vld.idx.msk [tilespmem:v17+s1+$0x0], $0xffff  }
0xe5: {  	v18 =	vmul.f32 $3.200000000e+01, v18;
	v14 =	vmin.f32 v14, $1.023000000e+03;
	v21 =	vcvt.f32.s32 v21;
	v16 =	vld.idx.msk [tilespmem:v16+s1+$0x0], $0xffff;
	[tilespmem:s7+$0xFFFFFFC0] =	vst v13  }
0xe6: {  	v15 =	vmax.f32 v15, $0.0e+00;
	v13 =	vtrunc.f32 v19;
	v14 =	vtrunc.f32 v14;
	v23 =	vld [tilespmem:s11+$0xFFFFFFD0]  }
0xe7: {  	v12 =	vmax.f32 v12, $0.0e+00;
	v18 =	vadd.f32 $5.120000000e+02, v18;
	v14 =	vcvt.f32.s32 v14;
	v19 =	vld [tilespmem:s11+$0x20]  }
0xe8: {  	v6 =	vmax.f32 v6, $0.0e+00;
	v4 =	vmax.f32 v4, $0.0e+00;
	v13 =	vcvt.f32.s32 v13;
	v22 =	vld [tilespmem:s11+$0x50];
	[tilespmem:s7+$0x10] =	vst v3  }
0xe9: {  	v9 =	vmax.f32 v9, $0.0e+00;
	v10 =	vtrunc.f32 v10;
	v12 =	vmin.f32 v12, $1.023000000e+03;
	v3 =	vld [tilespmem:s11+$0x60];
	[tilespmem:s7+$0xFFFFFFE0] =	vst v7  }
0xea: {  	v6 =	vmin.f32 v6, $1.023000000e+03;
	v12 =	vtrunc.f32 v12;
	v7 =	vmul.f32 $3.200000000e+01, v20;
	v24 =	vld [tilespmem:s11+$0xFFFFFF80];
	[tilespmem:s7+$0xFFFFFFB0] =	vst v17  }
0xeb: {  	v8 =	vmax.f32 v8, $0.0e+00;
	v9 =	vmin.f32 v9, $1.023000000e+03;
	v6 =	vtrunc.f32 v6;
	v17 =	vld [tilespmem:s11+$0xFFFFFFE0];
	[tilespmem:s7+$0xFFFFFF80] =	vst v16;
	s7 =	smov.u32 s8;
	s8 =	smov.u32 s10  }
0xec: {  	v9 =	vtrunc.f32 v9;
	v16 =	vmul.f32 $3.200000000e+01, v25;
	v7 =	vadd.f32 $5.120000000e+02, v7;
	v20 =	vld [tilespmem:s11+$0x0]  }
0xed: {  	v15 =	vmin.f32 v15, $1.023000000e+03;
	v18 =	vmax.f32 v18, $0.0e+00;
	v25 =	vcvt.f32.s32 v6;
	v21 =	vld.idx.msk [tilespmem:v21+s1+$0x0], $0xffff  }
0xee: {  	v27 =	vcvt.f32.s32 v9;
	v16 =	vadd.f32 $5.120000000e+02, v16;
	v6 =	vld [tilespmem:s11+$0xFFFFFFF0];
	v26 =	vmul.f32 $3.200000000e+01, v3  }
0xef: {  	v7 =	vmax.f32 v7, $0.0e+00;
	v22 =	vmul.f32 $3.200000000e+01, v22;
	v3 =	vcvt.f32.s32 v1;
	v9 =	vld [tilespmem:s11+$0x40]  }
0xf0: {  	v12 =	vcvt.f32.s32 v12;
	v1 =	vmax.f32 v16, $0.0e+00;
	v16 =	vadd.f32 $5.120000000e+02, v26;
	v14 =	vld.idx.msk [tilespmem:v14+s1+$0x0], $0xffff  }
0xf1: {  	v15 =	vtrunc.f32 v15;
	v22 =	vadd.f32 $5.120000000e+02, v22;
	v1 =	vmin.f32 v1, $1.023000000e+03;
	v13 =	vld.idx.msk [tilespmem:v13+s1+$0x0], $0xffff  }
0xf2: {  	v18 =	vmin.f32 v18, $1.023000000e+03;
	v26 =	vmin.f32 v4, $1.023000000e+03;
	v1 =	vtrunc.f32 v1;
	v5 =	vld.idx.msk [tilespmem:v5+s1+$0x0], $0xffff  }
0xf3: {  	v4 =	vcvt.f32.s32 v1;
	v1 =	vmax.f32 v22, $0.0e+00;
	v22 =	vcvt.f32.s32 v10;
	v28 =	vld [tilespmem:s11+$0x30];
	[tilespmem:s7+$0xFFFFFF90] =	vst v11  }
0xf4: {  	v15 =	vcvt.f32.s32 v15;
	v20 =	vmul.f32 $3.200000000e+01, v20;
	v1 =	vmin.f32 v1, $1.023000000e+03;
	v29 =	vld [tilespmem:s11+$0xFFFFFFA0];
	[tilespmem:s7+$0x30] =	vst v21  }
0xf5: {  	v18 =	vtrunc.f32 v18;
	v7 =	vmin.f32 v7, $1.023000000e+03;
	v10 =	vtrunc.f32 v1;
	v30 =	vld.idx.msk [tilespmem:v2+s1+$0x0], $0xffff  }
0xf6: {  	v1 =	vtrunc.f32 v7;
	v31 =	vcvt.f32.s32 v10;
	v2 =	vmin.f32 v8, $1.023000000e+03;
	v25 =	vld.idx.msk [tilespmem:v25+s1+$0x0], $0xffff;
	[tilespmem:s7+$0x20] =	vst v14  }
0xf7: {  	v26 =	vtrunc.f32 v26;
	v9 =	vmul.f32 $3.200000000e+01, v9;
	v7 =	vmax.f32 v16, $0.0e+00;
	v10 =	vld [tilespmem:s11+$0xFFFFFFB0];
	[tilespmem:s7+$0xFFFFFFD0] =	vst v13  }
0xf8: {  	v7 =	vmin.f32 v7, $1.023000000e+03;
	v16 =	vtrunc.f32 v2;
	v8 =	vmul.f32 $3.200000000e+01, v28;
	v11 =	vld.idx.msk [tilespmem:v12+s1+$0x0], $0xffff;
	[tilespmem:s7+$0x0] =	vst v5  }
0xf9: {  	v2 =	vtrunc.f32 v7;
	v13 =	vcvt.f32.s32 v18;
	v5 =	vadd.f32 $5.120000000e+02, v20;
	v7 =	vld.idx.msk [tilespmem:v22+s1+$0x0], $0xffff  }
.Ltmp1:
0xfa: {  	v14 =	vmul.f32 $3.200000000e+01, v24;
	v2 =	vcvt.f32.s32 v2;
	v18 =	vadd.f32 $5.120000000e+02, v8;
	v12 =	vld.idx.msk [tilespmem:v15+s1+$0x0], $0xffff;
	(pc) =	sbr.rel @p0 .LBB2_4-.Ltmp1, $4  }
0xfb: {  	v21 =	vmul.f32 $3.200000000e+01, v19;
	v22 =	vmul.f32 $3.200000000e+01, v17;
	v5 =	vmax.f32 v5, $0.0e+00;
	v20 =	vld [tilespmem:s11+$0x70];
	[tilespmem:s7+$0x60] =	vst v30  }
0xfc: {  	v19 =	vmul.f32 $3.200000000e+01, v29;
	v17 =	vmul.f32 $3.200000000e+01, v23;
	v5 =	vmin.f32 v5, $1.023000000e+03;
	v15 =	vld.idx.msk [tilespmem:v31+s1+$0x0], $0xffff  }
0xfd: {  	v8 =	vadd.f32 $5.120000000e+02, v14;
	v5 =	vtrunc.f32 v5;
	v24 =	vmax.f32 v18, $0.0e+00;
	[tilespmem:s7+$0xFFFFFFF0] =	vst v25;
	v14 =	vld.idx.msk [tilespmem:v27+s1+$0x0], $0xffff  }
0xfe: {  	v23 =	vadd.f32 $5.120000000e+02, v17;
	v17 =	vcvt.f32.s32 v26;
	v5 =	vcvt.f32.s32 v5;
	v18 =	vld [tilespmem:s11+$0xFFFFFFC0];
	s11 =	sadd.s32 $0x100, s11  }
0xff: {  	v22 =	vadd.f32 $5.120000000e+02, v22;
	v6 =	vmul.f32 $3.200000000e+01, v6;
	v16 =	vcvt.f32.s32 v16  }
0x100: {  	v21 =	vadd.f32 $5.120000000e+02, v21;
	v24 =	vmin.f32 v24, $1.023000000e+03;
	v10 =	vmul.f32 $3.200000000e+01, v10  }
0x101: {  	v19 =	vadd.f32 $5.120000000e+02, v19;
	v9 =	vadd.f32 $5.120000000e+02, v9;
	v8 =	vmax.f32 v8, $0.0e+00  }
0x102: {  	v1 =	vcvt.f32.s32 v1;
	v20 =	vmul.f32 $3.200000000e+01, v20;
	v23 =	vmax.f32 v23, $0.0e+00  }
0x103: {  	v24 =	vtrunc.f32 v24;
	v8 =	vmin.f32 v8, $1.023000000e+03;
	v22 =	vmax.f32 v22, $0.0e+00  }
0x104: {  	v6 =	vadd.f32 $5.120000000e+02, v6;
	v10 =	vadd.f32 $5.120000000e+02, v10;
	v23 =	vmin.f32 v23, $1.023000000e+03  }
0x105: {  	[tilespmem:s7+$0x70] =	vst v12;
	v21 =	vmax.f32 v21, $0.0e+00;
	v24 =	vcvt.f32.s32 v24;
	v12 =	vmax.f32 v19, $0.0e+00  }
0x106: {  	v13 =	vld.idx.msk [tilespmem:v13+s1+$0x0], $0xffff;
	v9 =	vmax.f32 v9, $0.0e+00;
	v8 =	vtrunc.f32 v8;
	v20 =	vadd.f32 $5.120000000e+02, v20  }
0x107: {  	[tilespmem:s7+$0xFFFFFFA0] =	vst v11;
	v3 =	vld.idx.msk [tilespmem:v3+s1+$0x0], $0xffff;
	v21 =	vmin.f32 v21, $1.023000000e+03;
	v11 =	vtrunc.f32 v23;
	v18 =	vmul.f32 $3.200000000e+01, v18  }
0x108: {  	v4 =	vld.idx.msk [tilespmem:v4+s1+$0x0], $0xffff;
	[tilespmem:s7+$0xFFFFFFE0] =	vst v7;
	v9 =	vmin.f32 v9, $1.023000000e+03;
	v21 =	vtrunc.f32 v21;
	v11 =	vcvt.f32.s32 v11  }
0x109: {  	v2 =	vld.idx.msk [tilespmem:v2+s1+$0x0], $0xffff;
	[tilespmem:s8+$0x50] =	vst v15;
	v6 =	vmax.f32 v6, $0.0e+00;
	v7 =	vtrunc.f32 v9;
	v21 =	vcvt.f32.s32 v21  }
0x10a: {  	v5 =	vld.idx.msk [tilespmem:v5+s1+$0x0], $0xffff;
	[tilespmem:s7+$0x40] =	vst v14;
	v20 =	vmax.f32 v20, $0.0e+00;
	v6 =	vmin.f32 v6, $1.023000000e+03;
	v7 =	vcvt.f32.s32 v7  }
0x10b: {  	v15 =	vld.idx.msk [tilespmem:v17+s1+$0x0], $0xffff;
	[tilespmem:s7+$0xFFFFFFC0] =	vst v13;
	v17 =	vadd.f32 $5.120000000e+02, v18;
	v6 =	vtrunc.f32 v6;
	v13 =	vmin.f32 v20, $1.023000000e+03  }
0x10c: {  	v12 =	vmin.f32 v12, $1.023000000e+03;
	[tilespmem:s7+$0x10] =	vst v3;
	v14 =	vld.idx.msk [tilespmem:v16+s1+$0x0], $0xffff;
	v6 =	vcvt.f32.s32 v6;
	v13 =	vtrunc.f32 v13  }
0x10d: {  	v12 =	vtrunc.f32 v12;
	[tilespmem:s8+$0xFFFFFF90] =	vst v4;
	v1 =	vld.idx.msk [tilespmem:v1+s1+$0x0], $0xffff;
	v3 =	vmax.f32 v17, $0.0e+00;
	v13 =	vcvt.f32.s32 v13  }
0x10e: {  	v8 =	vcvt.f32.s32 v8;
	v12 =	vcvt.f32.s32 v12;
	[tilespmem:s8+$0x60] =	vst v2;
	v3 =	vmin.f32 v3, $1.023000000e+03;
	v11 =	vld.idx.msk [tilespmem:v11+s1+$0x0], $0xffff  }
0x10f: {  	v10 =	vmax.f32 v10, $0.0e+00;
	[tilespmem:s8+$0x0] =	vst v5;
	v17 =	vmin.f32 v22, $1.023000000e+03;
	v3 =	vtrunc.f32 v3;
	v9 =	vld.idx.msk [tilespmem:v21+s1+$0x0], $0xffff  }
0x110: {  	v10 =	vmin.f32 v10, $1.023000000e+03;
	[tilespmem:s7+$0xFFFFFFB0] =	vst v15;
	v15 =	vtrunc.f32 v17;
	v3 =	vcvt.f32.s32 v3;
	v5 =	vld.idx.msk [tilespmem:v7+s1+$0x0], $0xffff  }
0x111: {  	v10 =	vtrunc.f32 v10;
	v16 =	vld.idx.msk [tilespmem:v24+s1+$0x0], $0xffff;
	v4 =	vcvt.f32.s32 v15;
	[tilespmem:s7+$0xFFFFFF80] =	vst v14  }
0x112: {  	v10 =	vcvt.f32.s32 v10;
	[tilespmem:s8+$0x10] =	vst v1;
	v6 =	vld.idx.msk [tilespmem:v6+s1+$0x0], $0xffff  }
0x113: {  	[tilespmem:s8+$0xFFFFFFD0] =	vst v11;
	v11 =	vld.idx.msk [tilespmem:v13+s1+$0x0], $0xffff  }
0x114: {  	[tilespmem:s8+$0x20] =	vst v9;
	v9 =	vld.idx.msk [tilespmem:v12+s1+$0x0], $0xffff  }
0x115: {  	[tilespmem:s8+$0x40] =	vst v5;
	v5 =	vld.idx.msk [tilespmem:v8+s1+$0x0], $0xffff  }
0x116: {  	[tilespmem:s8+$0x30] =	vst v16;
	v2 =	vld.idx.msk [tilespmem:v3+s1+$0x0], $0xffff  }
0x117: {  	v3 =	vld.idx.msk [tilespmem:v4+s1+$0x0], $0xffff;
	[tilespmem:s8+$0xFFFFFFF0] =	vst v6  }
0x118: {  	v4 =	vld.idx.msk [tilespmem:v10+s1+$0x0], $0xffff;
	[tilespmem:s8+$0x70] =	vst v11  }
0x119: {  	[tilespmem:s8+$0xFFFFFFA0] =	vst v9  }
0x11a: {  	[tilespmem:s8+$0xFFFFFF80] =	vst v5  }
0x11b: {  	[tilespmem:s8+$0xFFFFFFC0] =	vst v2  }
0x11c: {  	[tilespmem:s8+$0xFFFFFFE0] =	vst v3  }
0x11d: {  	[tilespmem:s8+$0xFFFFFFB0] =	vst v4  }
0x11e: {  	s7 =	rddreg [dreg:$0x6]  }
0x11f: {  	[hbm4b:s7+s1] =	stream.linear.scatter [tilespmem:s22], [sflag:$0x3], $0x6200, $0x38;
	[tilespmem:$0x18C80] =	vst v63  }
0x120: {  	s10 =	rddreg [dreg:$0x7]  }
0x121: {  	[tilespmem:s30], [sflag:$0x1] =	stream.linear.gather [hbm4b:s10+s1], $0x6200, $0x38;
	[tilespmem:$0x18C80] =	vst v63  }
0x122: {  	_ =	swait.ge [sflag:s2], $0x6200  }
0x123: {  	[sflag:s2] =	ssyncset.done $0x0  }
0x124: {  	s11 =	simm.s32 $0x6700;
	[sflag:s2] =	ssyncadd.s32 $0xFFFF9E00  }
0x125: {  	v1 =	vld [tilespmem:s11+$0xFFFFFF90]  }
0x126: {  	v2 =	vld [tilespmem:s11+$0x10]  }
0x127: {  	v3 =	vld [tilespmem:s11+$0x50]  }
0x128: {  	v4 =	vld [tilespmem:s11+$0x60]  }
0x129: {  	v6 =	vld [tilespmem:s11+$0x0]  }
0x12a: {  	v7 =	vld [tilespmem:s11+$0x40]  }
0x12b: {  	v8 =	vld [tilespmem:s11+$0x30]  }
0x12c: {  	v9 =	vld [tilespmem:s11+$0xFFFFFF80]  }
0x12d: {  	v11 =	vld [tilespmem:s11+$0x20]  }
0x12e: {  	v5 =	vld [tilespmem:s11+$0xFFFFFFD0];
	v1 =	vmul.f32 $3.200000000e+01, v1  }
0x12f: {  	v12 =	vld [tilespmem:s11+$0xFFFFFFA0];
	v2 =	vmul.f32 $3.200000000e+01, v2;
	v3 =	vmul.f32 $3.200000000e+01, v3  }
0x130: {  	s12 =	simm.s32 $0x6800;
	v15 =	vld [tilespmem:s11+$0xFFFFFFB0];
	v4 =	vmul.f32 $3.200000000e+01, v4;
	v6 =	vmul.f32 $3.200000000e+01, v6  }
0x131: {  	v21 =	vld [tilespmem:s12+$0x60];
	v7 =	vmul.f32 $3.200000000e+01, v7;
	v8 =	vmul.f32 $3.200000000e+01, v8  }
0x132: {  	v23 =	vld [tilespmem:s12+$0xFFFFFFD0];
	v9 =	vmul.f32 $3.200000000e+01, v9;
	v11 =	vmul.f32 $3.200000000e+01, v11  }
0x133: {  	v5 =	vmul.f32 $3.200000000e+01, v5;
	v1 =	vadd.f32 $5.120000000e+02, v1;
	v2 =	vadd.f32 $5.120000000e+02, v2  }
0x134: {  	v12 =	vmul.f32 $3.200000000e+01, v12;
	v3 =	vadd.f32 $5.120000000e+02, v3;
	v4 =	vadd.f32 $5.120000000e+02, v4  }
0x135: {  	v15 =	vmul.f32 $3.200000000e+01, v15;
	v6 =	vadd.f32 $5.120000000e+02, v6;
	v8 =	vadd.f32 $5.120000000e+02, v8  }
0x136: {  	v21 =	vmul.f32 $3.200000000e+01, v21;
	v9 =	vadd.f32 $5.120000000e+02, v9;
	v5 =	vadd.f32 $5.120000000e+02, v5  }
0x137: {  	v23 =	vmul.f32 $3.200000000e+01, v23;
	v11 =	vadd.f32 $5.120000000e+02, v11;
	v15 =	vadd.f32 $5.120000000e+02, v15  }
0x138: {  	v7 =	vadd.f32 $5.120000000e+02, v7;
	v1 =	vmax.f32 v1, $0.0e+00;
	v2 =	vmax.f32 v2, $0.0e+00  }
0x139: {  	v3 =	vmax.f32 v3, $0.0e+00;
	v4 =	vmax.f32 v4, $0.0e+00;
	v6 =	vmax.f32 v6, $0.0e+00  }
0x13a: {  	v10 =	vld [tilespmem:s11+$0xFFFFFFE0];
	v8 =	vmax.f32 v8, $0.0e+00;
	v5 =	vmax.f32 v5, $0.0e+00;
	v1 =	vmin.f32 v1, $1.023000000e+03  }
0x13b: {  	v13 =	vld [tilespmem:s11+$0xFFFFFFF0];
	v3 =	vmin.f32 v3, $1.023000000e+03;
	v2 =	vmin.f32 v2, $1.023000000e+03;
	v1 =	vtrunc.f32 v1  }
0x13c: {  	v4 =	vmin.f32 v4, $1.023000000e+03;
	v3 =	vtrunc.f32 v3;
	v2 =	vtrunc.f32 v2  }
0x13d: {  	v6 =	vmin.f32 v6, $1.023000000e+03;
	v4 =	vtrunc.f32 v4;
	v3 =	vcvt.f32.s32 v3  }
0x13e: {  	v15 =	vmax.f32 v15, $0.0e+00;
	v6 =	vtrunc.f32 v6;
	v1 =	vcvt.f32.s32 v1  }
0x13f: {  	v8 =	vmin.f32 v8, $1.023000000e+03;
	v14 =	vcvt.f32.s32 v4;
	v4 =	vmul.f32 $3.200000000e+01, v10;
	v10 =	vld [tilespmem:s11+$0x70]  }
0x140: {  	v5 =	vmin.f32 v5, $1.023000000e+03;
	v16 =	vcvt.f32.s32 v6;
	v6 =	vmul.f32 $3.200000000e+01, v13;
	v13 =	vld [tilespmem:s11+$0xFFFFFFC0]  }
0x141: {  	v15 =	vmin.f32 v15, $1.023000000e+03;
	v8 =	vtrunc.f32 v8;
	v5 =	vtrunc.f32 v5  }
0x142: {  	v19 =	vld [tilespmem:s12+$0x20];
	v63 =	vtrunc.f32 v15;
	v4 =	vadd.f32 $5.120000000e+02, v4;
	v6 =	vadd.f32 $5.120000000e+02, v6  }
0x143: {  	v9 =	vmax.f32 v9, $0.0e+00;
	v8 =	vcvt.f32.s32 v8;
	v5 =	vcvt.f32.s32 v5;
	v17 =	vld.idx.msk [tilespmem:v3+s1+$0x0], $0xffff  }
0x144: {  	v4 =	vmax.f32 v4, $0.0e+00;
	v6 =	vmax.f32 v6, $0.0e+00;
	v10 =	vmul.f32 $3.200000000e+01, v10;
	v18 =	vld.idx.msk [tilespmem:v1+s1+$0x0], $0xffff  }
0x145: {  	v4 =	vmin.f32 v4, $1.023000000e+03;
	v13 =	vmul.f32 $3.200000000e+01, v13;
	v1 =	vmax.f32 v11, $0.0e+00;
	v11 =	vld [tilespmem:s12+$0x10]  }
0x146: {  	v3 =	vadd.f32 $5.120000000e+02, v12;
	v12 =	vld [tilespmem:s12+$0xFFFFFF90];
	v22 =	vtrunc.f32 v4;
	v4 =	vmax.f32 v7, $0.0e+00  }
0x147: {  	v20 =	vld [tilespmem:s12+$0x50];
	v10 =	vadd.f32 $5.120000000e+02, v10;
	v1 =	vmin.f32 v1, $1.023000000e+03;
	v13 =	vadd.f32 $5.120000000e+02, v13  }
0x148: {  	v24 =	vld [tilespmem:s12+$0xFFFFFF80];
	v4 =	vmin.f32 v4, $1.023000000e+03;
	v1 =	vtrunc.f32 v1;
	v3 =	vmax.f32 v3, $0.0e+00  }
0x149: {  	v25 =	vld [tilespmem:s12+$0xFFFFFFE0];
	v4 =	vtrunc.f32 v4;
	v10 =	vmax.f32 v10, $0.0e+00;
	v1 =	vcvt.f32.s32 v1  }
0x14a: {  	v29 =	vld [tilespmem:s12+$0x40];
	v3 =	vmin.f32 v3, $1.023000000e+03;
	v13 =	vmax.f32 v13, $0.0e+00;
	v7 =	vmul.f32 $3.200000000e+01, v11  }
0x14b: {  	v30 =	vld [tilespmem:s12+$0xFFFFFFA0];
	v11 =	vtrunc.f32 v3;
	v3 =	vmin.f32 v6, $1.023000000e+03;
	v6 =	vmul.f32 $3.200000000e+01, v12  }
0x14c: {  	v8 =	vld.idx.msk [tilespmem:v8+s1+$0x0], $0xffff;
	v28 =	vcvt.f32.s32 v4;
	v4 =	vmul.f32 $3.200000000e+01, v20;
	v20 =	vadd.f32 $5.120000000e+02, v21  }
0x14d: {  	s7 =	simm.s32 $0x12B00;
	v5 =	vld.idx.msk [tilespmem:v5+s1+$0x0], $0xffff;
	v10 =	vmin.f32 v10, $1.023000000e+03;
	v13 =	vmin.f32 v13, $1.023000000e+03;
	v27 =	vadd.f32 $5.120000000e+02, v6  }
0x14e: {  	v12 =	vld [tilespmem:s12+$0x0];
	v10 =	vtrunc.f32 v10;
	[tilespmem:s7+$0x50] =	vst v17;
	v17 =	vmax.f32 v20, $0.0e+00;
	v3 =	vtrunc.f32 v3  }
0x14f: {  	v14 =	vld.idx.msk [tilespmem:v14+s1+$0x0], $0xffff;
	v26 =	vcvt.f32.s32 v3;
	v3 =	vcvt.f32.s32 v2;
	v2 =	vmax.f32 v27, $0.0e+00  }
0x150: {  	v11 =	vcvt.f32.s32 v11;
	v21 =	vld.idx.msk [tilespmem:v1+s1+$0x0], $0xffff;
	v1 =	vmin.f32 v2, $1.023000000e+03;
	v2 =	vadd.f32 $5.120000000e+02, v4  }
0x151: {  	v13 =	vtrunc.f32 v13;
	v20 =	vld [tilespmem:s12+$0x70];
	v17 =	vmin.f32 v17, $1.023000000e+03;
	v1 =	vtrunc.f32 v1  }
0x152: {  	v7 =	vadd.f32 $5.120000000e+02, v7;
	v27 =	vld.idx.msk [tilespmem:v16+s1+$0x0], $0xffff;
	v4 =	vcvt.f32.s32 v1;
	v1 =	vmax.f32 v2, $0.0e+00  }
0x153: {  	v16 =	vld [tilespmem:s12+$0x30];
	v12 =	vmul.f32 $3.200000000e+01, v12;
	v2 =	vcvt.f32.s32 v22;
	v1 =	vmin.f32 v1, $1.023000000e+03  }
0x154: {  	v6 =	vld [tilespmem:s12+$0xFFFFFFF0];
	v7 =	vmax.f32 v7, $0.0e+00;
	v22 =	vcvt.f32.s32 v10;
	v10 =	vtrunc.f32 v1  }
0x155: {  	[tilespmem:s7+$0x60] =	vst v14;
	v13 =	vcvt.f32.s32 v13;
	v14 =	vld.idx.msk [tilespmem:v28+s1+$0x0], $0xffff;
	v7 =	vmin.f32 v7, $1.023000000e+03;
	v31 =	vcvt.f32.s32 v10  }
0x156: {  	[tilespmem:s7+$0x30] =	vst v8;
	v11 =	vld.idx.msk [tilespmem:v11+s1+$0x0], $0xffff;
	v8 =	vadd.f32 $5.120000000e+02, v12;
	v12 =	vtrunc.f32 v17;
	v17 =	vmul.f32 $3.200000000e+01, v24  }
0x157: {  	v26 =	vld.idx.msk [tilespmem:v26+s1+$0x0], $0xffff;
	v1 =	vtrunc.f32 v7;
	v7 =	vmin.f32 v9, $1.023000000e+03;
	v9 =	vmul.f32 $3.200000000e+01, v29  }
0x158: {  	v23 =	vadd.f32 $5.120000000e+02, v23;
	v15 =	vmul.f32 $3.200000000e+01, v16;
	[tilespmem:s7+$0x20] =	vst v21;
	v21 =	vmul.f32 $3.200000000e+01, v19;
	v10 =	vld [tilespmem:s12+$0xFFFFFFB0]  }
0x159: {  	[tilespmem:s7+$0xFFFFFFD0] =	vst v5;
	v5 =	vmax.f32 v8, $0.0e+00;
	v19 =	vmul.f32 $3.200000000e+01, v30;
	v16 =	vtrunc.f32 v7;
	v7 =	vld.idx.msk [tilespmem:v2+s1+$0x0], $0xffff  }
0x15a: {  	[tilespmem:s7+$0xFFFFFF90] =	vst v18;
	v5 =	vmin.f32 v5, $1.023000000e+03;
	v18 =	vadd.f32 $5.120000000e+02, v15;
	v2 =	vcvt.f32.s32 v12;
	v12 =	vld.idx.msk [tilespmem:v22+s1+$0x0], $0xffff  }
0x15b: {  	s9 =	simm.s32 $0x100;
	[tilespmem:s7+$0x0] =	vst v27;
	v8 =	vadd.f32 $5.120000000e+02, v17;
	v5 =	vtrunc.f32 v5;
	v22 =	vmul.f32 $3.200000000e+01, v25;
	v15 =	vld.idx.msk [tilespmem:v31+s1+$0x0], $0xffff  }
0x15c: {  	s8 =	simm.s32 $0x12C00;
	s10 =	simm.s32 $0x12C00;
	s11 =	simm.s32 $0x6900;
	v17 =	vcvt.f32.s32 v63;
	v5 =	vcvt.f32.s32 v5;
	v24 =	vmax.f32 v18, $0.0e+00;
	[tilespmem:s7+$0xFFFFFFF0] =	vst v26;
	v18 =	vld [tilespmem:s12+$0xFFFFFFC0]  }
.LBB2_6:
0x15d: {  	s9 =	sadd.s32 $0x100, s9;
	v22 =	vadd.f32 $5.120000000e+02, v22;
	v6 =	vmul.f32 $3.200000000e+01, v6;
	s10 =	sadd.s32 $0x100, s10;
	v16 =	vcvt.f32.s32 v16;
	v13 =	vld.idx.msk [tilespmem:v13+s1+$0x0], $0xffff  }
0x15e: {  	v21 =	vadd.f32 $5.120000000e+02, v21;
	v24 =	vmin.f32 v24, $1.023000000e+03;
	v25 =	vld [tilespmem:s11+$0xFFFFFF90];
	p0 =	slt.u32 s9, $0x6100;
	v20 =	vmul.f32 $3.200000000e+01, v20;
	[tilespmem:s7+$0xFFFFFFA0] =	vst v11  }
0x15f: {  	v11 =	vld.idx.msk [tilespmem:v4+s1+$0x0], $0xffff;
	v4 =	vmul.f32 $3.200000000e+01, v10;
	v10 =	vmax.f32 v22, $0.0e+00;
	v6 =	vadd.f32 $5.120000000e+02, v6;
	[tilespmem:s7+$0x70] =	vst v12  }
0x160: {  	v12 =	vadd.f32 $5.120000000e+02, v19;
	v19 =	vmax.f32 v23, $0.0e+00;
	[tilespmem:s8+$0x50] =	vst v15;
	v15 =	vadd.f32 $5.120000000e+02, v20;
	v3 =	vld.idx.msk [tilespmem:v3+s1+$0x0], $0xffff  }
0x161: {  	v19 =	vmin.f32 v19, $1.023000000e+03;
	v10 =	vmin.f32 v10, $1.023000000e+03;
	v20 =	vld [tilespmem:s11+$0x10];
	v4 =	vadd.f32 $5.120000000e+02, v4;
	[tilespmem:s7+$0x40] =	vst v14  }
0x162: {  	v9 =	vadd.f32 $5.120000000e+02, v9;
	v14 =	vmax.f32 v21, $0.0e+00;
	v21 =	vtrunc.f32 v24;
	v17 =	vld.idx.msk [tilespmem:v17+s1+$0x0], $0xffff  }
0x163: {  	v18 =	vmul.f32 $3.200000000e+01, v18;
	v14 =	vmin.f32 v14, $1.023000000e+03;
	v21 =	vcvt.f32.s32 v21;
	v16 =	vld.idx.msk [tilespmem:v16+s1+$0x0], $0xffff;
	[tilespmem:s7+$0xFFFFFFC0] =	vst v13  }
0x164: {  	v15 =	vmax.f32 v15, $0.0e+00;
	v13 =	vtrunc.f32 v19;
	v14 =	vtrunc.f32 v14;
	v23 =	vld [tilespmem:s11+$0xFFFFFFD0]  }
0x165: {  	v12 =	vmax.f32 v12, $0.0e+00;
	v18 =	vadd.f32 $5.120000000e+02, v18;
	v14 =	vcvt.f32.s32 v14;
	v19 =	vld [tilespmem:s11+$0x20]  }
0x166: {  	v6 =	vmax.f32 v6, $0.0e+00;
	v4 =	vmax.f32 v4, $0.0e+00;
	v13 =	vcvt.f32.s32 v13;
	v22 =	vld [tilespmem:s11+$0x50];
	[tilespmem:s7+$0x10] =	vst v3  }
0x167: {  	v9 =	vmax.f32 v9, $0.0e+00;
	v10 =	vtrunc.f32 v10;
	v12 =	vmin.f32 v12, $1.023000000e+03;
	v3 =	vld [tilespmem:s11+$0x60];
	[tilespmem:s7+$0xFFFFFFE0] =	vst v7  }
0x168: {  	v6 =	vmin.f32 v6, $1.023000000e+03;
	v12 =	vtrunc.f32 v12;
	v7 =	vmul.f32 $3.200000000e+01, v20;
	v24 =	vld [tilespmem:s11+$0xFFFFFF80];
	[tilespmem:s7+$0xFFFFFFB0] =	vst v17  }
0x169: {  	v8 =	vmax.f32 v8, $0.0e+00;
	v9 =	vmin.f32 v9, $1.023000000e+03;
	v6 =	vtrunc.f32 v6;
	v17 =	vld [tilespmem:s11+$0xFFFFFFE0];
	[tilespmem:s7+$0xFFFFFF80] =	vst v16;
	s7 =	smov.u32 s8;
	s8 =	smov.u32 s10  }
0x16a: {  	v9 =	vtrunc.f32 v9;
	v16 =	vmul.f32 $3.200000000e+01, v25;
	v7 =	vadd.f32 $5.120000000e+02, v7;
	v20 =	vld [tilespmem:s11+$0x0]  }
0x16b: {  	v15 =	vmin.f32 v15, $1.023000000e+03;
	v18 =	vmax.f32 v18, $0.0e+00;
	v25 =	vcvt.f32.s32 v6;
	v21 =	vld.idx.msk [tilespmem:v21+s1+$0x0], $0xffff  }
0x16c: {  	v27 =	vcvt.f32.s32 v9;
	v16 =	vadd.f32 $5.120000000e+02, v16;
	v6 =	vld [tilespmem:s11+$0xFFFFFFF0];
	v26 =	vmul.f32 $3.200000000e+01, v3  }
0x16d: {  	v7 =	vmax.f32 v7, $0.0e+00;
	v22 =	vmul.f32 $3.200000000e+01, v22;
	v3 =	vcvt.f32.s32 v1;
	v9 =	vld [tilespmem:s11+$0x40]  }
0x16e: {  	v12 =	vcvt.f32.s32 v12;
	v1 =	vmax.f32 v16, $0.0e+00;
	v16 =	vadd.f32 $5.120000000e+02, v26;
	v14 =	vld.idx.msk [tilespmem:v14+s1+$0x0], $0xffff  }
0x16f: {  	v15 =	vtrunc.f32 v15;
	v22 =	vadd.f32 $5.120000000e+02, v22;
	v1 =	vmin.f32 v1, $1.023000000e+03;
	v13 =	vld.idx.msk [tilespmem:v13+s1+$0x0], $0xffff  }
0x170: {  	v18 =	vmin.f32 v18, $1.023000000e+03;
	v26 =	vmin.f32 v4, $1.023000000e+03;
	v1 =	vtrunc.f32 v1;
	v5 =	vld.idx.msk [tilespmem:v5+s1+$0x0], $0xffff  }
0x171: {  	v4 =	vcvt.f32.s32 v1;
	v1 =	vmax.f32 v22, $0.0e+00;
	v22 =	vcvt.f32.s32 v10;
	v28 =	vld [tilespmem:s11+$0x30];
	[tilespmem:s7+$0xFFFFFF90] =	vst v11  }
0x172: {  	v15 =	vcvt.f32.s32 v15;
	v20 =	vmul.f32 $3.200000000e+01, v20;
	v1 =	vmin.f32 v1, $1.023000000e+03;
	v29 =	vld [tilespmem:s11+$0xFFFFFFA0];
	[tilespmem:s7+$0x30] =	vst v21  }
0x173: {  	v18 =	vtrunc.f32 v18;
	v7 =	vmin.f32 v7, $1.023000000e+03;
	v10 =	vtrunc.f32 v1;
	v30 =	vld.idx.msk [tilespmem:v2+s1+$0x0], $0xffff  }
0x174: {  	v1 =	vtrunc.f32 v7;
	v31 =	vcvt.f32.s32 v10;
	v2 =	vmin.f32 v8, $1.023000000e+03;
	v25 =	vld.idx.msk [tilespmem:v25+s1+$0x0], $0xffff;
	[tilespmem:s7+$0x20] =	vst v14  }
0x175: {  	v26 =	vtrunc.f32 v26;
	v9 =	vmul.f32 $3.200000000e+01, v9;
	v7 =	vmax.f32 v16, $0.0e+00;
	v10 =	vld [tilespmem:s11+$0xFFFFFFB0];
	[tilespmem:s7+$0xFFFFFFD0] =	vst v13  }
0x176: {  	v7 =	vmin.f32 v7, $1.023000000e+03;
	v16 =	vtrunc.f32 v2;
	v8 =	vmul.f32 $3.200000000e+01, v28;
	v11 =	vld.idx.msk [tilespmem:v12+s1+$0x0], $0xffff;
	[tilespmem:s7+$0x0] =	vst v5  }
0x177: {  	v2 =	vtrunc.f32 v7;
	v13 =	vcvt.f32.s32 v18;
	v5 =	vadd.f32 $5.120000000e+02, v20;
	v7 =	vld.idx.msk [tilespmem:v22+s1+$0x0], $0xffff  }
.Ltmp2:
0x178: {  	v14 =	vmul.f32 $3.200000000e+01, v24;
	v2 =	vcvt.f32.s32 v2;
	v18 =	vadd.f32 $5.120000000e+02, v8;
	v12 =	vld.idx.msk [tilespmem:v15+s1+$0x0], $0xffff;
	(pc) =	sbr.rel @p0 .LBB2_6-.Ltmp2, $4  }
0x179: {  	v21 =	vmul.f32 $3.200000000e+01, v19;
	v22 =	vmul.f32 $3.200000000e+01, v17;
	v5 =	vmax.f32 v5, $0.0e+00;
	v20 =	vld [tilespmem:s11+$0x70];
	[tilespmem:s7+$0x60] =	vst v30  }
0x17a: {  	v19 =	vmul.f32 $3.200000000e+01, v29;
	v17 =	vmul.f32 $3.200000000e+01, v23;
	v5 =	vmin.f32 v5, $1.023000000e+03;
	v15 =	vld.idx.msk [tilespmem:v31+s1+$0x0], $0xffff  }
0x17b: {  	v8 =	vadd.f32 $5.120000000e+02, v14;
	v5 =	vtrunc.f32 v5;
	v24 =	vmax.f32 v18, $0.0e+00;
	[tilespmem:s7+$0xFFFFFFF0] =	vst v25;
	v14 =	vld.idx.msk [tilespmem:v27+s1+$0x0], $0xffff  }
0x17c: {  	v23 =	vadd.f32 $5.120000000e+02, v17;
	v17 =	vcvt.f32.s32 v26;
	v5 =	vcvt.f32.s32 v5;
	v18 =	vld [tilespmem:s11+$0xFFFFFFC0];
	s11 =	sadd.s32 $0x100, s11  }
0x17d: {  	v22 =	vadd.f32 $5.120000000e+02, v22;
	v6 =	vmul.f32 $3.200000000e+01, v6;
	v16 =	vcvt.f32.s32 v16  }
0x17e: {  	v21 =	vadd.f32 $5.120000000e+02, v21;
	v24 =	vmin.f32 v24, $1.023000000e+03;
	v10 =	vmul.f32 $3.200000000e+01, v10  }
0x17f: {  	v19 =	vadd.f32 $5.120000000e+02, v19;
	v9 =	vadd.f32 $5.120000000e+02, v9;
	v8 =	vmax.f32 v8, $0.0e+00  }
0x180: {  	v1 =	vcvt.f32.s32 v1;
	v20 =	vmul.f32 $3.200000000e+01, v20;
	v23 =	vmax.f32 v23, $0.0e+00  }
0x181: {  	v24 =	vtrunc.f32 v24;
	v8 =	vmin.f32 v8, $1.023000000e+03;
	v22 =	vmax.f32 v22, $0.0e+00  }
0x182: {  	v6 =	vadd.f32 $5.120000000e+02, v6;
	v10 =	vadd.f32 $5.120000000e+02, v10;
	v23 =	vmin.f32 v23, $1.023000000e+03  }
0x183: {  	[tilespmem:s7+$0x70] =	vst v12;
	v21 =	vmax.f32 v21, $0.0e+00;
	v24 =	vcvt.f32.s32 v24;
	v12 =	vmax.f32 v19, $0.0e+00  }
0x184: {  	v13 =	vld.idx.msk [tilespmem:v13+s1+$0x0], $0xffff;
	v9 =	vmax.f32 v9, $0.0e+00;
	v8 =	vtrunc.f32 v8;
	v20 =	vadd.f32 $5.120000000e+02, v20  }
0x185: {  	[tilespmem:s7+$0xFFFFFFA0] =	vst v11;
	v3 =	vld.idx.msk [tilespmem:v3+s1+$0x0], $0xffff;
	v21 =	vmin.f32 v21, $1.023000000e+03;
	v11 =	vtrunc.f32 v23;
	v18 =	vmul.f32 $3.200000000e+01, v18  }
0x186: {  	v4 =	vld.idx.msk [tilespmem:v4+s1+$0x0], $0xffff;
	[tilespmem:s7+$0xFFFFFFE0] =	vst v7;
	v9 =	vmin.f32 v9, $1.023000000e+03;
	v21 =	vtrunc.f32 v21;
	v11 =	vcvt.f32.s32 v11  }
0x187: {  	v2 =	vld.idx.msk [tilespmem:v2+s1+$0x0], $0xffff;
	[tilespmem:s8+$0x50] =	vst v15;
	v6 =	vmax.f32 v6, $0.0e+00;
	v7 =	vtrunc.f32 v9;
	v21 =	vcvt.f32.s32 v21  }
0x188: {  	v5 =	vld.idx.msk [tilespmem:v5+s1+$0x0], $0xffff;
	[tilespmem:s7+$0x40] =	vst v14;
	v20 =	vmax.f32 v20, $0.0e+00;
	v6 =	vmin.f32 v6, $1.023000000e+03;
	v7 =	vcvt.f32.s32 v7  }
0x189: {  	v15 =	vld.idx.msk [tilespmem:v17+s1+$0x0], $0xffff;
	[tilespmem:s7+$0xFFFFFFC0] =	vst v13;
	v17 =	vadd.f32 $5.120000000e+02, v18;
	v6 =	vtrunc.f32 v6;
	v13 =	vmin.f32 v20, $1.023000000e+03  }
0x18a: {  	v12 =	vmin.f32 v12, $1.023000000e+03;
	[tilespmem:s7+$0x10] =	vst v3;
	v14 =	vld.idx.msk [tilespmem:v16+s1+$0x0], $0xffff;
	v6 =	vcvt.f32.s32 v6;
	v13 =	vtrunc.f32 v13  }
0x18b: {  	v12 =	vtrunc.f32 v12;
	[tilespmem:s8+$0xFFFFFF90] =	vst v4;
	v1 =	vld.idx.msk [tilespmem:v1+s1+$0x0], $0xffff;
	v3 =	vmax.f32 v17, $0.0e+00;
	v13 =	vcvt.f32.s32 v13  }
0x18c: {  	v8 =	vcvt.f32.s32 v8;
	v12 =	vcvt.f32.s32 v12;
	[tilespmem:s8+$0x60] =	vst v2;
	v3 =	vmin.f32 v3, $1.023000000e+03;
	v11 =	vld.idx.msk [tilespmem:v11+s1+$0x0], $0xffff  }
0x18d: {  	v10 =	vmax.f32 v10, $0.0e+00;
	[tilespmem:s8+$0x0] =	vst v5;
	v17 =	vmin.f32 v22, $1.023000000e+03;
	v3 =	vtrunc.f32 v3;
	v9 =	vld.idx.msk [tilespmem:v21+s1+$0x0], $0xffff  }
0x18e: {  	v10 =	vmin.f32 v10, $1.023000000e+03;
	[tilespmem:s7+$0xFFFFFFB0] =	vst v15;
	v15 =	vtrunc.f32 v17;
	v3 =	vcvt.f32.s32 v3;
	v5 =	vld.idx.msk [tilespmem:v7+s1+$0x0], $0xffff  }
0x18f: {  	v10 =	vtrunc.f32 v10;
	v16 =	vld.idx.msk [tilespmem:v24+s1+$0x0], $0xffff;
	v4 =	vcvt.f32.s32 v15;
	[tilespmem:s7+$0xFFFFFF80] =	vst v14  }
0x190: {  	v10 =	vcvt.f32.s32 v10;
	[tilespmem:s8+$0x10] =	vst v1;
	v6 =	vld.idx.msk [tilespmem:v6+s1+$0x0], $0xffff  }
0x191: {  	[tilespmem:s8+$0xFFFFFFD0] =	vst v11;
	v11 =	vld.idx.msk [tilespmem:v13+s1+$0x0], $0xffff  }
0x192: {  	[tilespmem:s8+$0x20] =	vst v9;
	v9 =	vld.idx.msk [tilespmem:v12+s1+$0x0], $0xffff  }
0x193: {  	[tilespmem:s8+$0x40] =	vst v5;
	v5 =	vld.idx.msk [tilespmem:v8+s1+$0x0], $0xffff  }
0x194: {  	[tilespmem:s8+$0x30] =	vst v16;
	v2 =	vld.idx.msk [tilespmem:v3+s1+$0x0], $0xffff  }
0x195: {  	v3 =	vld.idx.msk [tilespmem:v4+s1+$0x0], $0xffff;
	[tilespmem:s8+$0xFFFFFFF0] =	vst v6  }
0x196: {  	v4 =	vld.idx.msk [tilespmem:v10+s1+$0x0], $0xffff;
	[tilespmem:s8+$0x70] =	vst v11  }
0x197: {  	[tilespmem:s8+$0xFFFFFFA0] =	vst v9  }
0x198: {  	[tilespmem:s8+$0xFFFFFF80] =	vst v5  }
0x199: {  	[tilespmem:s8+$0xFFFFFFC0] =	vst v2  }
0x19a: {  	[tilespmem:s8+$0xFFFFFFE0] =	vst v3  }
0x19b: {  	[tilespmem:s8+$0xFFFFFFB0] =	vst v4  }
0x19c: {  	s7 =	rddreg [dreg:$0x8]  }
0x19d: {  	[hbm4b:s7+s1] =	stream.linear.scatter [tilespmem:s3], [sflag:$0x4], $0x6200, $0x38;
	[tilespmem:$0x18C80] =	vst v63  }
0x19e: {  	s10 =	rddreg [dreg:$0x9]  }
0x19f: {  	[tilespmem:s31], [sflag:$0x2] =	stream.linear.gather [hbm4b:s10+s1], $0x6200, $0x38;
	[tilespmem:$0x18C80] =	vst v63  }
0x1a0: {  	_ =	swait.ge [sflag:s23], $0x6200  }
0x1a1: {  	[sflag:s23] =	ssyncset.done $0x0  }
0x1a2: {  	[sflag:s23] =	ssyncadd.s32 $0xFFFF9E00  }
0x1a3: {  	_ =	swait.ge [sflag:s4], $0x6200  }
0x1a4: {  	[sflag:s4] =	ssyncset.done $0x0  }
0x1a5: {  	s11 =	simm.s32 $0x500;
	[sflag:s4] =	ssyncadd.s32 $0xFFFF9E00  }
0x1a6: {  	v1 =	vld [tilespmem:s11+$0xFFFFFF90]  }
0x1a7: {  	v2 =	vld [tilespmem:s11+$0x10]  }
0x1a8: {  	v3 =	vld [tilespmem:s11+$0x50]  }
0x1a9: {  	v4 =	vld [tilespmem:s11+$0x60]  }
0x1aa: {  	v6 =	vld [tilespmem:s11+$0x0]  }
0x1ab: {  	v7 =	vld [tilespmem:s11+$0x40]  }
0x1ac: {  	v8 =	vld [tilespmem:s11+$0x30]  }
0x1ad: {  	v9 =	vld [tilespmem:s11+$0xFFFFFF80]  }
0x1ae: {  	v11 =	vld [tilespmem:s11+$0x20]  }
0x1af: {  	v5 =	vld [tilespmem:s11+$0xFFFFFFD0];
	v1 =	vmul.f32 $3.200000000e+01, v1  }
0x1b0: {  	v12 =	vld [tilespmem:s11+$0xFFFFFFA0];
	v2 =	vmul.f32 $3.200000000e+01, v2;
	v3 =	vmul.f32 $3.200000000e+01, v3  }
0x1b1: {  	s12 =	simm.s32 $0x600;
	v15 =	vld [tilespmem:s11+$0xFFFFFFB0];
	v4 =	vmul.f32 $3.200000000e+01, v4;
	v6 =	vmul.f32 $3.200000000e+01, v6  }
0x1b2: {  	v21 =	vld [tilespmem:s12+$0x60];
	v7 =	vmul.f32 $3.200000000e+01, v7;
	v8 =	vmul.f32 $3.200000000e+01, v8  }
0x1b3: {  	v23 =	vld [tilespmem:s12+$0xFFFFFFD0];
	v9 =	vmul.f32 $3.200000000e+01, v9;
	v11 =	vmul.f32 $3.200000000e+01, v11  }
0x1b4: {  	v5 =	vmul.f32 $3.200000000e+01, v5;
	v1 =	vadd.f32 $5.120000000e+02, v1;
	v2 =	vadd.f32 $5.120000000e+02, v2  }
0x1b5: {  	v12 =	vmul.f32 $3.200000000e+01, v12;
	v3 =	vadd.f32 $5.120000000e+02, v3;
	v4 =	vadd.f32 $5.120000000e+02, v4  }
0x1b6: {  	v15 =	vmul.f32 $3.200000000e+01, v15;
	v6 =	vadd.f32 $5.120000000e+02, v6;
	v8 =	vadd.f32 $5.120000000e+02, v8  }
0x1b7: {  	v21 =	vmul.f32 $3.200000000e+01, v21;
	v9 =	vadd.f32 $5.120000000e+02, v9;
	v5 =	vadd.f32 $5.120000000e+02, v5  }
0x1b8: {  	v23 =	vmul.f32 $3.200000000e+01, v23;
	v11 =	vadd.f32 $5.120000000e+02, v11;
	v15 =	vadd.f32 $5.120000000e+02, v15  }
0x1b9: {  	v7 =	vadd.f32 $5.120000000e+02, v7;
	v1 =	vmax.f32 v1, $0.0e+00;
	v2 =	vmax.f32 v2, $0.0e+00  }
0x1ba: {  	v3 =	vmax.f32 v3, $0.0e+00;
	v4 =	vmax.f32 v4, $0.0e+00;
	v6 =	vmax.f32 v6, $0.0e+00  }
0x1bb: {  	v10 =	vld [tilespmem:s11+$0xFFFFFFE0];
	v8 =	vmax.f32 v8, $0.0e+00;
	v5 =	vmax.f32 v5, $0.0e+00;
	v1 =	vmin.f32 v1, $1.023000000e+03  }
0x1bc: {  	v13 =	vld [tilespmem:s11+$0xFFFFFFF0];
	v3 =	vmin.f32 v3, $1.023000000e+03;
	v2 =	vmin.f32 v2, $1.023000000e+03;
	v1 =	vtrunc.f32 v1  }
0x1bd: {  	v4 =	vmin.f32 v4, $1.023000000e+03;
	v3 =	vtrunc.f32 v3;
	v2 =	vtrunc.f32 v2  }
0x1be: {  	v6 =	vmin.f32 v6, $1.023000000e+03;
	v4 =	vtrunc.f32 v4;
	v3 =	vcvt.f32.s32 v3  }
0x1bf: {  	v15 =	vmax.f32 v15, $0.0e+00;
	v6 =	vtrunc.f32 v6;
	v1 =	vcvt.f32.s32 v1  }
0x1c0: {  	v8 =	vmin.f32 v8, $1.023000000e+03;
	v14 =	vcvt.f32.s32 v4;
	v4 =	vmul.f32 $3.200000000e+01, v10;
	v10 =	vld [tilespmem:s11+$0x70]  }
0x1c1: {  	v5 =	vmin.f32 v5, $1.023000000e+03;
	v16 =	vcvt.f32.s32 v6;
	v6 =	vmul.f32 $3.200000000e+01, v13;
	v13 =	vld [tilespmem:s11+$0xFFFFFFC0]  }
0x1c2: {  	v15 =	vmin.f32 v15, $1.023000000e+03;
	v8 =	vtrunc.f32 v8;
	v5 =	vtrunc.f32 v5  }
0x1c3: {  	v19 =	vld [tilespmem:s12+$0x20];
	v63 =	vtrunc.f32 v15;
	v4 =	vadd.f32 $5.120000000e+02, v4;
	v6 =	vadd.f32 $5.120000000e+02, v6  }
0x1c4: {  	v9 =	vmax.f32 v9, $0.0e+00;
	v8 =	vcvt.f32.s32 v8;
	v5 =	vcvt.f32.s32 v5;
	v17 =	vld.idx.msk [tilespmem:v3+s1+$0x0], $0xffff  }
0x1c5: {  	v4 =	vmax.f32 v4, $0.0e+00;
	v6 =	vmax.f32 v6, $0.0e+00;
	v10 =	vmul.f32 $3.200000000e+01, v10;
	v18 =	vld.idx.msk [tilespmem:v1+s1+$0x0], $0xffff  }
0x1c6: {  	v4 =	vmin.f32 v4, $1.023000000e+03;
	v13 =	vmul.f32 $3.200000000e+01, v13;
	v1 =	vmax.f32 v11, $0.0e+00;
	v11 =	vld [tilespmem:s12+$0x10]  }
0x1c7: {  	v3 =	vadd.f32 $5.120000000e+02, v12;
	v12 =	vld [tilespmem:s12+$0xFFFFFF90];
	v22 =	vtrunc.f32 v4;
	v4 =	vmax.f32 v7, $0.0e+00  }
0x1c8: {  	v20 =	vld [tilespmem:s12+$0x50];
	v10 =	vadd.f32 $5.120000000e+02, v10;
	v1 =	vmin.f32 v1, $1.023000000e+03;
	v13 =	vadd.f32 $5.120000000e+02, v13  }
0x1c9: {  	v24 =	vld [tilespmem:s12+$0xFFFFFF80];
	v4 =	vmin.f32 v4, $1.023000000e+03;
	v1 =	vtrunc.f32 v1;
	v3 =	vmax.f32 v3, $0.0e+00  }
0x1ca: {  	v25 =	vld [tilespmem:s12+$0xFFFFFFE0];
	v4 =	vtrunc.f32 v4;
	v10 =	vmax.f32 v10, $0.0e+00;
	v1 =	vcvt.f32.s32 v1  }
0x1cb: {  	v29 =	vld [tilespmem:s12+$0x40];
	v3 =	vmin.f32 v3, $1.023000000e+03;
	v13 =	vmax.f32 v13, $0.0e+00;
	v7 =	vmul.f32 $3.200000000e+01, v11  }
0x1cc: {  	v30 =	vld [tilespmem:s12+$0xFFFFFFA0];
	v11 =	vtrunc.f32 v3;
	v3 =	vmin.f32 v6, $1.023000000e+03;
	v6 =	vmul.f32 $3.200000000e+01, v12  }
0x1cd: {  	v8 =	vld.idx.msk [tilespmem:v8+s1+$0x0], $0xffff;
	v28 =	vcvt.f32.s32 v4;
	v4 =	vmul.f32 $3.200000000e+01, v20;
	v20 =	vadd.f32 $5.120000000e+02, v21  }
0x1ce: {  	s7 =	simm.s32 $0xC900;
	v5 =	vld.idx.msk [tilespmem:v5+s1+$0x0], $0xffff;
	v10 =	vmin.f32 v10, $1.023000000e+03;
	v13 =	vmin.f32 v13, $1.023000000e+03;
	v27 =	vadd.f32 $5.120000000e+02, v6  }
0x1cf: {  	v12 =	vld [tilespmem:s12+$0x0];
	v10 =	vtrunc.f32 v10;
	[tilespmem:s7+$0x50] =	vst v17;
	v17 =	vmax.f32 v20, $0.0e+00;
	v3 =	vtrunc.f32 v3  }
0x1d0: {  	v14 =	vld.idx.msk [tilespmem:v14+s1+$0x0], $0xffff;
	v26 =	vcvt.f32.s32 v3;
	v3 =	vcvt.f32.s32 v2;
	v2 =	vmax.f32 v27, $0.0e+00  }
0x1d1: {  	v11 =	vcvt.f32.s32 v11;
	v21 =	vld.idx.msk [tilespmem:v1+s1+$0x0], $0xffff;
	v1 =	vmin.f32 v2, $1.023000000e+03;
	v2 =	vadd.f32 $5.120000000e+02, v4  }
0x1d2: {  	v13 =	vtrunc.f32 v13;
	v20 =	vld [tilespmem:s12+$0x70];
	v17 =	vmin.f32 v17, $1.023000000e+03;
	v1 =	vtrunc.f32 v1  }
0x1d3: {  	v7 =	vadd.f32 $5.120000000e+02, v7;
	v27 =	vld.idx.msk [tilespmem:v16+s1+$0x0], $0xffff;
	v4 =	vcvt.f32.s32 v1;
	v1 =	vmax.f32 v2, $0.0e+00  }
0x1d4: {  	v16 =	vld [tilespmem:s12+$0x30];
	v12 =	vmul.f32 $3.200000000e+01, v12;
	v2 =	vcvt.f32.s32 v22;
	v1 =	vmin.f32 v1, $1.023000000e+03  }
0x1d5: {  	v6 =	vld [tilespmem:s12+$0xFFFFFFF0];
	v7 =	vmax.f32 v7, $0.0e+00;
	v22 =	vcvt.f32.s32 v10;
	v10 =	vtrunc.f32 v1  }
0x1d6: {  	[tilespmem:s7+$0x60] =	vst v14;
	v13 =	vcvt.f32.s32 v13;
	v14 =	vld.idx.msk [tilespmem:v28+s1+$0x0], $0xffff;
	v7 =	vmin.f32 v7, $1.023000000e+03;
	v31 =	vcvt.f32.s32 v10  }
0x1d7: {  	[tilespmem:s7+$0x30] =	vst v8;
	v11 =	vld.idx.msk [tilespmem:v11+s1+$0x0], $0xffff;
	v8 =	vadd.f32 $5.120000000e+02, v12;
	v12 =	vtrunc.f32 v17;
	v17 =	vmul.f32 $3.200000000e+01, v24  }
0x1d8: {  	v26 =	vld.idx.msk [tilespmem:v26+s1+$0x0], $0xffff;
	v1 =	vtrunc.f32 v7;
	v7 =	vmin.f32 v9, $1.023000000e+03;
	v9 =	vmul.f32 $3.200000000e+01, v29  }
0x1d9: {  	v23 =	vadd.f32 $5.120000000e+02, v23;
	v15 =	vmul.f32 $3.200000000e+01, v16;
	[tilespmem:s7+$0x20] =	vst v21;
	v21 =	vmul.f32 $3.200000000e+01, v19;
	v10 =	vld [tilespmem:s12+$0xFFFFFFB0]  }
0x1da: {  	[tilespmem:s7+$0xFFFFFFD0] =	vst v5;
	v5 =	vmax.f32 v8, $0.0e+00;
	v19 =	vmul.f32 $3.200000000e+01, v30;
	v16 =	vtrunc.f32 v7;
	v7 =	vld.idx.msk [tilespmem:v2+s1+$0x0], $0xffff  }
0x1db: {  	[tilespmem:s7+$0xFFFFFF90] =	vst v18;
	v5 =	vmin.f32 v5, $1.023000000e+03;
	v18 =	vadd.f32 $5.120000000e+02, v15;
	v2 =	vcvt.f32.s32 v12;
	v12 =	vld.idx.msk [tilespmem:v22+s1+$0x0], $0xffff  }
0x1dc: {  	s9 =	simm.s32 $0x100;
	[tilespmem:s7+$0x0] =	vst v27;
	v8 =	vadd.f32 $5.120000000e+02, v17;
	v5 =	vtrunc.f32 v5;
	v22 =	vmul.f32 $3.200000000e+01, v25;
	v15 =	vld.idx.msk [tilespmem:v31+s1+$0x0], $0xffff  }
0x1dd: {  	s8 =	simm.s32 $0xCA00;
	s10 =	simm.s32 $0xCA00;
	s11 =	simm.s32 $0x700;
	v17 =	vcvt.f32.s32 v63;
	v5 =	vcvt.f32.s32 v5;
	v24 =	vmax.f32 v18, $0.0e+00;
	[tilespmem:s7+$0xFFFFFFF0] =	vst v26;
	v18 =	vld [tilespmem:s12+$0xFFFFFFC0]  }
.LBB2_8:
0x1de: {  	s9 =	sadd.s32 $0x100, s9;
	v22 =	vadd.f32 $5.120000000e+02, v22;
	v6 =	vmul.f32 $3.200000000e+01, v6;
	s10 =	sadd.s32 $0x100, s10;
	v16 =	vcvt.f32.s32 v16;
	v13 =	vld.idx.msk [tilespmem:v13+s1+$0x0], $0xffff  }
0x1df: {  	v21 =	vadd.f32 $5.120000000e+02, v21;
	v24 =	vmin.f32 v24, $1.023000000e+03;
	v25 =	vld [tilespmem:s11+$0xFFFFFF90];
	p0 =	slt.u32 s9, $0x6100;
	v20 =	vmul.f32 $3.200000000e+01, v20;
	[tilespmem:s7+$0xFFFFFFA0] =	vst v11  }
0x1e0: {  	v11 =	vld.idx.msk [tilespmem:v4+s1+$0x0], $0xffff;
	v4 =	vmul.f32 $3.200000000e+01, v10;
	v10 =	vmax.f32 v22, $0.0e+00;
	v6 =	vadd.f32 $5.120000000e+02, v6;
	[tilespmem:s7+$0x70] =	vst v12  }
0x1e1: {  	v12 =	vadd.f32 $5.120000000e+02, v19;
	v19 =	vmax.f32 v23, $0.0e+00;
	[tilespmem:s8+$0x50] =	vst v15;
	v15 =	vadd.f32 $5.120000000e+02, v20;
	v3 =	vld.idx.msk [tilespmem:v3+s1+$0x0], $0xffff  }
0x1e2: {  	v19 =	vmin.f32 v19, $1.023000000e+03;
	v10 =	vmin.f32 v10, $1.023000000e+03;
	v20 =	vld [tilespmem:s11+$0x10];
	v4 =	vadd.f32 $5.120000000e+02, v4;
	[tilespmem:s7+$0x40] =	vst v14  }
0x1e3: {  	v9 =	vadd.f32 $5.120000000e+02, v9;
	v14 =	vmax.f32 v21, $0.0e+00;
	v21 =	vtrunc.f32 v24;
	v17 =	vld.idx.msk [tilespmem:v17+s1+$0x0], $0xffff  }
0x1e4: {  	v18 =	vmul.f32 $3.200000000e+01, v18;
	v14 =	vmin.f32 v14, $1.023000000e+03;
	v21 =	vcvt.f32.s32 v21;
	v16 =	vld.idx.msk [tilespmem:v16+s1+$0x0], $0xffff;
	[tilespmem:s7+$0xFFFFFFC0] =	vst v13  }
0x1e5: {  	v15 =	vmax.f32 v15, $0.0e+00;
	v13 =	vtrunc.f32 v19;
	v14 =	vtrunc.f32 v14;
	v23 =	vld [tilespmem:s11+$0xFFFFFFD0]  }
0x1e6: {  	v12 =	vmax.f32 v12, $0.0e+00;
	v18 =	vadd.f32 $5.120000000e+02, v18;
	v14 =	vcvt.f32.s32 v14;
	v19 =	vld [tilespmem:s11+$0x20]  }
0x1e7: {  	v6 =	vmax.f32 v6, $0.0e+00;
	v4 =	vmax.f32 v4, $0.0e+00;
	v13 =	vcvt.f32.s32 v13;
	v22 =	vld [tilespmem:s11+$0x50];
	[tilespmem:s7+$0x10] =	vst v3  }
0x1e8: {  	v9 =	vmax.f32 v9, $0.0e+00;
	v10 =	vtrunc.f32 v10;
	v12 =	vmin.f32 v12, $1.023000000e+03;
	v3 =	vld [tilespmem:s11+$0x60];
	[tilespmem:s7+$0xFFFFFFE0] =	vst v7  }
0x1e9: {  	v6 =	vmin.f32 v6, $1.023000000e+03;
	v12 =	vtrunc.f32 v12;
	v7 =	vmul.f32 $3.200000000e+01, v20;
	v24 =	vld [tilespmem:s11+$0xFFFFFF80];
	[tilespmem:s7+$0xFFFFFFB0] =	vst v17  }
0x1ea: {  	v8 =	vmax.f32 v8, $0.0e+00;
	v9 =	vmin.f32 v9, $1.023000000e+03;
	v6 =	vtrunc.f32 v6;
	v17 =	vld [tilespmem:s11+$0xFFFFFFE0];
	[tilespmem:s7+$0xFFFFFF80] =	vst v16;
	s7 =	smov.u32 s8;
	s8 =	smov.u32 s10  }
0x1eb: {  	v9 =	vtrunc.f32 v9;
	v16 =	vmul.f32 $3.200000000e+01, v25;
	v7 =	vadd.f32 $5.120000000e+02, v7;
	v20 =	vld [tilespmem:s11+$0x0]  }
0x1ec: {  	v15 =	vmin.f32 v15, $1.023000000e+03;
	v18 =	vmax.f32 v18, $0.0e+00;
	v25 =	vcvt.f32.s32 v6;
	v21 =	vld.idx.msk [tilespmem:v21+s1+$0x0], $0xffff  }
0x1ed: {  	v27 =	vcvt.f32.s32 v9;
	v16 =	vadd.f32 $5.120000000e+02, v16;
	v6 =	vld [tilespmem:s11+$0xFFFFFFF0];
	v26 =	vmul.f32 $3.200000000e+01, v3  }
0x1ee: {  	v7 =	vmax.f32 v7, $0.0e+00;
	v22 =	vmul.f32 $3.200000000e+01, v22;
	v3 =	vcvt.f32.s32 v1;
	v9 =	vld [tilespmem:s11+$0x40]  }
0x1ef: {  	v12 =	vcvt.f32.s32 v12;
	v1 =	vmax.f32 v16, $0.0e+00;
	v16 =	vadd.f32 $5.120000000e+02, v26;
	v14 =	vld.idx.msk [tilespmem:v14+s1+$0x0], $0xffff  }
0x1f0: {  	v15 =	vtrunc.f32 v15;
	v22 =	vadd.f32 $5.120000000e+02, v22;
	v1 =	vmin.f32 v1, $1.023000000e+03;
	v13 =	vld.idx.msk [tilespmem:v13+s1+$0x0], $0xffff  }
0x1f1: {  	v18 =	vmin.f32 v18, $1.023000000e+03;
	v26 =	vmin.f32 v4, $1.023000000e+03;
	v1 =	vtrunc.f32 v1;
	v5 =	vld.idx.msk [tilespmem:v5+s1+$0x0], $0xffff  }
0x1f2: {  	v4 =	vcvt.f32.s32 v1;
	v1 =	vmax.f32 v22, $0.0e+00;
	v22 =	vcvt.f32.s32 v10;
	v28 =	vld [tilespmem:s11+$0x30];
	[tilespmem:s7+$0xFFFFFF90] =	vst v11  }
0x1f3: {  	v15 =	vcvt.f32.s32 v15;
	v20 =	vmul.f32 $3.200000000e+01, v20;
	v1 =	vmin.f32 v1, $1.023000000e+03;
	v29 =	vld [tilespmem:s11+$0xFFFFFFA0];
	[tilespmem:s7+$0x30] =	vst v21  }
0x1f4: {  	v18 =	vtrunc.f32 v18;
	v7 =	vmin.f32 v7, $1.023000000e+03;
	v10 =	vtrunc.f32 v1;
	v30 =	vld.idx.msk [tilespmem:v2+s1+$0x0], $0xffff  }
0x1f5: {  	v1 =	vtrunc.f32 v7;
	v31 =	vcvt.f32.s32 v10;
	v2 =	vmin.f32 v8, $1.023000000e+03;
	v25 =	vld.idx.msk [tilespmem:v25+s1+$0x0], $0xffff;
	[tilespmem:s7+$0x20] =	vst v14  }
0x1f6: {  	v26 =	vtrunc.f32 v26;
	v9 =	vmul.f32 $3.200000000e+01, v9;
	v7 =	vmax.f32 v16, $0.0e+00;
	v10 =	vld [tilespmem:s11+$0xFFFFFFB0];
	[tilespmem:s7+$0xFFFFFFD0] =	vst v13  }
0x1f7: {  	v7 =	vmin.f32 v7, $1.023000000e+03;
	v16 =	vtrunc.f32 v2;
	v8 =	vmul.f32 $3.200000000e+01, v28;
	v11 =	vld.idx.msk [tilespmem:v12+s1+$0x0], $0xffff;
	[tilespmem:s7+$0x0] =	vst v5  }
0x1f8: {  	v2 =	vtrunc.f32 v7;
	v13 =	vcvt.f32.s32 v18;
	v5 =	vadd.f32 $5.120000000e+02, v20;
	v7 =	vld.idx.msk [tilespmem:v22+s1+$0x0], $0xffff  }
.Ltmp3:
0x1f9: {  	v14 =	vmul.f32 $3.200000000e+01, v24;
	v2 =	vcvt.f32.s32 v2;
	v18 =	vadd.f32 $5.120000000e+02, v8;
	v12 =	vld.idx.msk [tilespmem:v15+s1+$0x0], $0xffff;
	(pc) =	sbr.rel @p0 .LBB2_8-.Ltmp3, $4  }
0x1fa: {  	v21 =	vmul.f32 $3.200000000e+01, v19;
	v22 =	vmul.f32 $3.200000000e+01, v17;
	v5 =	vmax.f32 v5, $0.0e+00;
	v20 =	vld [tilespmem:s11+$0x70];
	[tilespmem:s7+$0x60] =	vst v30  }
0x1fb: {  	v19 =	vmul.f32 $3.200000000e+01, v29;
	v17 =	vmul.f32 $3.200000000e+01, v23;
	v5 =	vmin.f32 v5, $1.023000000e+03;
	v15 =	vld.idx.msk [tilespmem:v31+s1+$0x0], $0xffff  }
0x1fc: {  	v8 =	vadd.f32 $5.120000000e+02, v14;
	v5 =	vtrunc.f32 v5;
	v24 =	vmax.f32 v18, $0.0e+00;
	[tilespmem:s7+$0xFFFFFFF0] =	vst v25;
	v14 =	vld.idx.msk [tilespmem:v27+s1+$0x0], $0xffff  }
0x1fd: {  	v23 =	vadd.f32 $5.120000000e+02, v17;
	v17 =	vcvt.f32.s32 v26;
	v5 =	vcvt.f32.s32 v5;
	v18 =	vld [tilespmem:s11+$0xFFFFFFC0];
	s11 =	sadd.s32 $0x100, s11  }
0x1fe: {  	v22 =	vadd.f32 $5.120000000e+02, v22;
	v6 =	vmul.f32 $3.200000000e+01, v6;
	v16 =	vcvt.f32.s32 v16  }
0x1ff: {  	v21 =	vadd.f32 $5.120000000e+02, v21;
	v24 =	vmin.f32 v24, $1.023000000e+03;
	v10 =	vmul.f32 $3.200000000e+01, v10  }
0x200: {  	v19 =	vadd.f32 $5.120000000e+02, v19;
	v9 =	vadd.f32 $5.120000000e+02, v9;
	v8 =	vmax.f32 v8, $0.0e+00  }
0x201: {  	v1 =	vcvt.f32.s32 v1;
	v20 =	vmul.f32 $3.200000000e+01, v20;
	v23 =	vmax.f32 v23, $0.0e+00  }
0x202: {  	v24 =	vtrunc.f32 v24;
	v8 =	vmin.f32 v8, $1.023000000e+03;
	v22 =	vmax.f32 v22, $0.0e+00  }
0x203: {  	v6 =	vadd.f32 $5.120000000e+02, v6;
	v10 =	vadd.f32 $5.120000000e+02, v10;
	v23 =	vmin.f32 v23, $1.023000000e+03  }
0x204: {  	[tilespmem:s7+$0x70] =	vst v12;
	v21 =	vmax.f32 v21, $0.0e+00;
	v24 =	vcvt.f32.s32 v24;
	v12 =	vmax.f32 v19, $0.0e+00  }
0x205: {  	v13 =	vld.idx.msk [tilespmem:v13+s1+$0x0], $0xffff;
	v9 =	vmax.f32 v9, $0.0e+00;
	v8 =	vtrunc.f32 v8;
	v20 =	vadd.f32 $5.120000000e+02, v20  }
0x206: {  	[tilespmem:s7+$0xFFFFFFA0] =	vst v11;
	v3 =	vld.idx.msk [tilespmem:v3+s1+$0x0], $0xffff;
	v21 =	vmin.f32 v21, $1.023000000e+03;
	v11 =	vtrunc.f32 v23;
	v18 =	vmul.f32 $3.200000000e+01, v18  }
0x207: {  	v4 =	vld.idx.msk [tilespmem:v4+s1+$0x0], $0xffff;
	[tilespmem:s7+$0xFFFFFFE0] =	vst v7;
	v9 =	vmin.f32 v9, $1.023000000e+03;
	v21 =	vtrunc.f32 v21;
	v11 =	vcvt.f32.s32 v11  }
0x208: {  	v2 =	vld.idx.msk [tilespmem:v2+s1+$0x0], $0xffff;
	[tilespmem:s8+$0x50] =	vst v15;
	v6 =	vmax.f32 v6, $0.0e+00;
	v7 =	vtrunc.f32 v9;
	v21 =	vcvt.f32.s32 v21  }
0x209: {  	v5 =	vld.idx.msk [tilespmem:v5+s1+$0x0], $0xffff;
	[tilespmem:s7+$0x40] =	vst v14;
	v20 =	vmax.f32 v20, $0.0e+00;
	v6 =	vmin.f32 v6, $1.023000000e+03;
	v7 =	vcvt.f32.s32 v7  }
0x20a: {  	v15 =	vld.idx.msk [tilespmem:v17+s1+$0x0], $0xffff;
	[tilespmem:s7+$0xFFFFFFC0] =	vst v13;
	v17 =	vadd.f32 $5.120000000e+02, v18;
	v6 =	vtrunc.f32 v6;
	v13 =	vmin.f32 v20, $1.023000000e+03  }
0x20b: {  	v12 =	vmin.f32 v12, $1.023000000e+03;
	[tilespmem:s7+$0x10] =	vst v3;
	v14 =	vld.idx.msk [tilespmem:v16+s1+$0x0], $0xffff;
	v6 =	vcvt.f32.s32 v6;
	v13 =	vtrunc.f32 v13  }
0x20c: {  	v12 =	vtrunc.f32 v12;
	[tilespmem:s8+$0xFFFFFF90] =	vst v4;
	v1 =	vld.idx.msk [tilespmem:v1+s1+$0x0], $0xffff;
	v3 =	vmax.f32 v17, $0.0e+00;
	v13 =	vcvt.f32.s32 v13  }
0x20d: {  	v8 =	vcvt.f32.s32 v8;
	v12 =	vcvt.f32.s32 v12;
	[tilespmem:s8+$0x60] =	vst v2;
	v3 =	vmin.f32 v3, $1.023000000e+03;
	v11 =	vld.idx.msk [tilespmem:v11+s1+$0x0], $0xffff  }
0x20e: {  	v10 =	vmax.f32 v10, $0.0e+00;
	[tilespmem:s8+$0x0] =	vst v5;
	v17 =	vmin.f32 v22, $1.023000000e+03;
	v3 =	vtrunc.f32 v3;
	v9 =	vld.idx.msk [tilespmem:v21+s1+$0x0], $0xffff  }
0x20f: {  	v10 =	vmin.f32 v10, $1.023000000e+03;
	[tilespmem:s7+$0xFFFFFFB0] =	vst v15;
	v15 =	vtrunc.f32 v17;
	v3 =	vcvt.f32.s32 v3;
	v5 =	vld.idx.msk [tilespmem:v7+s1+$0x0], $0xffff  }
0x210: {  	v10 =	vtrunc.f32 v10;
	v16 =	vld.idx.msk [tilespmem:v24+s1+$0x0], $0xffff;
	v4 =	vcvt.f32.s32 v15;
	[tilespmem:s7+$0xFFFFFF80] =	vst v14  }
0x211: {  	v10 =	vcvt.f32.s32 v10;
	[tilespmem:s8+$0x10] =	vst v1;
	v6 =	vld.idx.msk [tilespmem:v6+s1+$0x0], $0xffff  }
0x212: {  	[tilespmem:s8+$0xFFFFFFD0] =	vst v11;
	v11 =	vld.idx.msk [tilespmem:v13+s1+$0x0], $0xffff  }
0x213: {  	[tilespmem:s8+$0x20] =	vst v9;
	v9 =	vld.idx.msk [tilespmem:v12+s1+$0x0], $0xffff  }
0x214: {  	[tilespmem:s8+$0x40] =	vst v5;
	v5 =	vld.idx.msk [tilespmem:v8+s1+$0x0], $0xffff  }
0x215: {  	[tilespmem:s8+$0x30] =	vst v16;
	v2 =	vld.idx.msk [tilespmem:v3+s1+$0x0], $0xffff  }
0x216: {  	v3 =	vld.idx.msk [tilespmem:v4+s1+$0x0], $0xffff;
	[tilespmem:s8+$0xFFFFFFF0] =	vst v6  }
0x217: {  	v4 =	vld.idx.msk [tilespmem:v10+s1+$0x0], $0xffff;
	[tilespmem:s8+$0x70] =	vst v11  }
0x218: {  	[tilespmem:s8+$0xFFFFFFA0] =	vst v9  }
0x219: {  	[tilespmem:s8+$0xFFFFFF80] =	vst v5  }
0x21a: {  	[tilespmem:s8+$0xFFFFFFC0] =	vst v2  }
0x21b: {  	[tilespmem:s8+$0xFFFFFFE0] =	vst v3  }
0x21c: {  	[tilespmem:s8+$0xFFFFFFB0] =	vst v4  }
0x21d: {  	s7 =	rddreg [dreg:$0xa]  }
0x21e: {  	[hbm4b:s7+s1] =	stream.linear.scatter [tilespmem:s22], [sflag:$0x3], $0x6200, $0x38;
	[tilespmem:$0x18C80] =	vst v63  }
0x21f: {  	s10 =	rddreg [dreg:$0xb]  }
0x220: {  	[tilespmem:s30], [sflag:$0x1] =	stream.linear.gather [hbm4b:s10+s1], $0x6200, $0x38;
	[tilespmem:$0x18C80] =	vst v63  }
0x221: {  	_ =	swait.ge [sflag:s2], $0x6200  }
0x222: {  	[sflag:s2] =	ssyncset.done $0x0  }
0x223: {  	[sflag:s2] =	ssyncadd.s32 $0xFFFF9E00  }
0x224: {  	_ =	swait.ge [sflag:s5], $0x6200  }
0x225: {  	[sflag:s5] =	ssyncset.done $0x0  }
0x226: {  	s11 =	simm.s32 $0x6700;
	[sflag:s5] =	ssyncadd.s32 $0xFFFF9E00  }
0x227: {  	v1 =	vld [tilespmem:s11+$0xFFFFFF90]  }
0x228: {  	v2 =	vld [tilespmem:s11+$0x10]  }
0x229: {  	v3 =	vld [tilespmem:s11+$0x50]  }
0x22a: {  	v4 =	vld [tilespmem:s11+$0x60]  }
0x22b: {  	v6 =	vld [tilespmem:s11+$0x0]  }
0x22c: {  	v7 =	vld [tilespmem:s11+$0x40]  }
0x22d: {  	v8 =	vld [tilespmem:s11+$0x30]  }
0x22e: {  	v9 =	vld [tilespmem:s11+$0xFFFFFF80]  }
0x22f: {  	v11 =	vld [tilespmem:s11+$0x20]  }
0x230: {  	v5 =	vld [tilespmem:s11+$0xFFFFFFD0];
	v1 =	vmul.f32 $3.200000000e+01, v1  }
0x231: {  	v12 =	vld [tilespmem:s11+$0xFFFFFFA0];
	v2 =	vmul.f32 $3.200000000e+01, v2;
	v3 =	vmul.f32 $3.200000000e+01, v3  }
0x232: {  	s12 =	simm.s32 $0x6800;
	v15 =	vld [tilespmem:s11+$0xFFFFFFB0];
	v4 =	vmul.f32 $3.200000000e+01, v4;
	v6 =	vmul.f32 $3.200000000e+01, v6  }
0x233: {  	v21 =	vld [tilespmem:s12+$0x60];
	v7 =	vmul.f32 $3.200000000e+01, v7;
	v8 =	vmul.f32 $3.200000000e+01, v8  }
0x234: {  	v23 =	vld [tilespmem:s12+$0xFFFFFFD0];
	v9 =	vmul.f32 $3.200000000e+01, v9;
	v11 =	vmul.f32 $3.200000000e+01, v11  }
0x235: {  	v5 =	vmul.f32 $3.200000000e+01, v5;
	v1 =	vadd.f32 $5.120000000e+02, v1;
	v2 =	vadd.f32 $5.120000000e+02, v2  }
0x236: {  	v12 =	vmul.f32 $3.200000000e+01, v12;
	v3 =	vadd.f32 $5.120000000e+02, v3;
	v4 =	vadd.f32 $5.120000000e+02, v4  }
0x237: {  	v15 =	vmul.f32 $3.200000000e+01, v15;
	v6 =	vadd.f32 $5.120000000e+02, v6;
	v8 =	vadd.f32 $5.120000000e+02, v8  }
0x238: {  	v21 =	vmul.f32 $3.200000000e+01, v21;
	v9 =	vadd.f32 $5.120000000e+02, v9;
	v5 =	vadd.f32 $5.120000000e+02, v5  }
0x239: {  	v23 =	vmul.f32 $3.200000000e+01, v23;
	v11 =	vadd.f32 $5.120000000e+02, v11;
	v15 =	vadd.f32 $5.120000000e+02, v15  }
0x23a: {  	v7 =	vadd.f32 $5.120000000e+02, v7;
	v1 =	vmax.f32 v1, $0.0e+00;
	v2 =	vmax.f32 v2, $0.0e+00  }
0x23b: {  	v3 =	vmax.f32 v3, $0.0e+00;
	v4 =	vmax.f32 v4, $0.0e+00;
	v6 =	vmax.f32 v6, $0.0e+00  }
0x23c: {  	v10 =	vld [tilespmem:s11+$0xFFFFFFE0];
	v8 =	vmax.f32 v8, $0.0e+00;
	v5 =	vmax.f32 v5, $0.0e+00;
	v1 =	vmin.f32 v1, $1.023000000e+03  }
0x23d: {  	v13 =	vld [tilespmem:s11+$0xFFFFFFF0];
	v3 =	vmin.f32 v3, $1.023000000e+03;
	v2 =	vmin.f32 v2, $1.023000000e+03;
	v1 =	vtrunc.f32 v1  }
0x23e: {  	v4 =	vmin.f32 v4, $1.023000000e+03;
	v3 =	vtrunc.f32 v3;
	v2 =	vtrunc.f32 v2  }
0x23f: {  	v6 =	vmin.f32 v6, $1.023000000e+03;
	v4 =	vtrunc.f32 v4;
	v3 =	vcvt.f32.s32 v3  }
0x240: {  	v15 =	vmax.f32 v15, $0.0e+00;
	v6 =	vtrunc.f32 v6;
	v1 =	vcvt.f32.s32 v1  }
0x241: {  	v8 =	vmin.f32 v8, $1.023000000e+03;
	v14 =	vcvt.f32.s32 v4;
	v4 =	vmul.f32 $3.200000000e+01, v10;
	v10 =	vld [tilespmem:s11+$0x70]  }
0x242: {  	v5 =	vmin.f32 v5, $1.023000000e+03;
	v16 =	vcvt.f32.s32 v6;
	v6 =	vmul.f32 $3.200000000e+01, v13;
	v13 =	vld [tilespmem:s11+$0xFFFFFFC0]  }
0x243: {  	v15 =	vmin.f32 v15, $1.023000000e+03;
	v8 =	vtrunc.f32 v8;
	v5 =	vtrunc.f32 v5  }
0x244: {  	v19 =	vld [tilespmem:s12+$0x20];
	v63 =	vtrunc.f32 v15;
	v4 =	vadd.f32 $5.120000000e+02, v4;
	v6 =	vadd.f32 $5.120000000e+02, v6  }
0x245: {  	v9 =	vmax.f32 v9, $0.0e+00;
	v8 =	vcvt.f32.s32 v8;
	v5 =	vcvt.f32.s32 v5;
	v17 =	vld.idx.msk [tilespmem:v3+s1+$0x0], $0xffff  }
0x246: {  	v4 =	vmax.f32 v4, $0.0e+00;
	v6 =	vmax.f32 v6, $0.0e+00;
	v10 =	vmul.f32 $3.200000000e+01, v10;
	v18 =	vld.idx.msk [tilespmem:v1+s1+$0x0], $0xffff  }
0x247: {  	v4 =	vmin.f32 v4, $1.023000000e+03;
	v13 =	vmul.f32 $3.200000000e+01, v13;
	v1 =	vmax.f32 v11, $0.0e+00;
	v11 =	vld [tilespmem:s12+$0x10]  }
0x248: {  	v3 =	vadd.f32 $5.120000000e+02, v12;
	v12 =	vld [tilespmem:s12+$0xFFFFFF90];
	v22 =	vtrunc.f32 v4;
	v4 =	vmax.f32 v7, $0.0e+00  }
0x249: {  	v20 =	vld [tilespmem:s12+$0x50];
	v10 =	vadd.f32 $5.120000000e+02, v10;
	v1 =	vmin.f32 v1, $1.023000000e+03;
	v13 =	vadd.f32 $5.120000000e+02, v13  }
0x24a: {  	v24 =	vld [tilespmem:s12+$0xFFFFFF80];
	v4 =	vmin.f32 v4, $1.023000000e+03;
	v1 =	vtrunc.f32 v1;
	v3 =	vmax.f32 v3, $0.0e+00  }
0x24b: {  	v25 =	vld [tilespmem:s12+$0xFFFFFFE0];
	v4 =	vtrunc.f32 v4;
	v10 =	vmax.f32 v10, $0.0e+00;
	v1 =	vcvt.f32.s32 v1  }
0x24c: {  	v29 =	vld [tilespmem:s12+$0x40];
	v3 =	vmin.f32 v3, $1.023000000e+03;
	v13 =	vmax.f32 v13, $0.0e+00;
	v7 =	vmul.f32 $3.200000000e+01, v11  }
0x24d: {  	v30 =	vld [tilespmem:s12+$0xFFFFFFA0];
	v11 =	vtrunc.f32 v3;
	v3 =	vmin.f32 v6, $1.023000000e+03;
	v6 =	vmul.f32 $3.200000000e+01, v12  }
0x24e: {  	v8 =	vld.idx.msk [tilespmem:v8+s1+$0x0], $0xffff;
	v28 =	vcvt.f32.s32 v4;
	v4 =	vmul.f32 $3.200000000e+01, v20;
	v20 =	vadd.f32 $5.120000000e+02, v21  }
0x24f: {  	s7 =	simm.s32 $0x12B00;
	v5 =	vld.idx.msk [tilespmem:v5+s1+$0x0], $0xffff;
	v10 =	vmin.f32 v10, $1.023000000e+03;
	v13 =	vmin.f32 v13, $1.023000000e+03;
	v27 =	vadd.f32 $5.120000000e+02, v6  }
0x250: {  	v12 =	vld [tilespmem:s12+$0x0];
	v10 =	vtrunc.f32 v10;
	[tilespmem:s7+$0x50] =	vst v17;
	v17 =	vmax.f32 v20, $0.0e+00;
	v3 =	vtrunc.f32 v3  }
0x251: {  	v14 =	vld.idx.msk [tilespmem:v14+s1+$0x0], $0xffff;
	v26 =	vcvt.f32.s32 v3;
	v3 =	vcvt.f32.s32 v2;
	v2 =	vmax.f32 v27, $0.0e+00  }
0x252: {  	v11 =	vcvt.f32.s32 v11;
	v21 =	vld.idx.msk [tilespmem:v1+s1+$0x0], $0xffff;
	v1 =	vmin.f32 v2, $1.023000000e+03;
	v2 =	vadd.f32 $5.120000000e+02, v4  }
0x253: {  	v13 =	vtrunc.f32 v13;
	v20 =	vld [tilespmem:s12+$0x70];
	v17 =	vmin.f32 v17, $1.023000000e+03;
	v1 =	vtrunc.f32 v1  }
0x254: {  	v7 =	vadd.f32 $5.120000000e+02, v7;
	v27 =	vld.idx.msk [tilespmem:v16+s1+$0x0], $0xffff;
	v4 =	vcvt.f32.s32 v1;
	v1 =	vmax.f32 v2, $0.0e+00  }
0x255: {  	v16 =	vld [tilespmem:s12+$0x30];
	v12 =	vmul.f32 $3.200000000e+01, v12;
	v2 =	vcvt.f32.s32 v22;
	v1 =	vmin.f32 v1, $1.023000000e+03  }
0x256: {  	v6 =	vld [tilespmem:s12+$0xFFFFFFF0];
	v7 =	vmax.f32 v7, $0.0e+00;
	v22 =	vcvt.f32.s32 v10;
	v10 =	vtrunc.f32 v1  }
0x257: {  	[tilespmem:s7+$0x60] =	vst v14;
	v13 =	vcvt.f32.s32 v13;
	v14 =	vld.idx.msk [tilespmem:v28+s1+$0x0], $0xffff;
	v7 =	vmin.f32 v7, $1.023000000e+03;
	v31 =	vcvt.f32.s32 v10  }
0x258: {  	[tilespmem:s7+$0x30] =	vst v8;
	v11 =	vld.idx.msk [tilespmem:v11+s1+$0x0], $0xffff;
	v8 =	vadd.f32 $5.120000000e+02, v12;
	v12 =	vtrunc.f32 v17;
	v17 =	vmul.f32 $3.200000000e+01, v24  }
0x259: {  	v26 =	vld.idx.msk [tilespmem:v26+s1+$0x0], $0xffff;
	v1 =	vtrunc.f32 v7;
	v7 =	vmin.f32 v9, $1.023000000e+03;
	v9 =	vmul.f32 $3.200000000e+01, v29  }
0x25a: {  	v23 =	vadd.f32 $5.120000000e+02, v23;
	v15 =	vmul.f32 $3.200000000e+01, v16;
	[tilespmem:s7+$0x20] =	vst v21;
	v21 =	vmul.f32 $3.200000000e+01, v19;
	v10 =	vld [tilespmem:s12+$0xFFFFFFB0]  }
0x25b: {  	[tilespmem:s7+$0xFFFFFFD0] =	vst v5;
	v5 =	vmax.f32 v8, $0.0e+00;
	v19 =	vmul.f32 $3.200000000e+01, v30;
	v16 =	vtrunc.f32 v7;
	v7 =	vld.idx.msk [tilespmem:v2+s1+$0x0], $0xffff  }
0x25c: {  	[tilespmem:s7+$0xFFFFFF90] =	vst v18;
	v5 =	vmin.f32 v5, $1.023000000e+03;
	v18 =	vadd.f32 $5.120000000e+02, v15;
	v2 =	vcvt.f32.s32 v12;
	v12 =	vld.idx.msk [tilespmem:v22+s1+$0x0], $0xffff  }
0x25d: {  	s9 =	simm.s32 $0x100;
	[tilespmem:s7+$0x0] =	vst v27;
	v8 =	vadd.f32 $5.120000000e+02, v17;
	v5 =	vtrunc.f32 v5;
	v22 =	vmul.f32 $3.200000000e+01, v25;
	v15 =	vld.idx.msk [tilespmem:v31+s1+$0x0], $0xffff  }
0x25e: {  	s8 =	simm.s32 $0x12C00;
	s10 =	simm.s32 $0x12C00;
	s11 =	simm.s32 $0x6900;
	v17 =	vcvt.f32.s32 v63;
	v5 =	vcvt.f32.s32 v5;
	v24 =	vmax.f32 v18, $0.0e+00;
	[tilespmem:s7+$0xFFFFFFF0] =	vst v26;
	v18 =	vld [tilespmem:s12+$0xFFFFFFC0]  }
.LBB2_10:
0x25f: {  	s9 =	sadd.s32 $0x100, s9;
	v22 =	vadd.f32 $5.120000000e+02, v22;
	v6 =	vmul.f32 $3.200000000e+01, v6;
	s10 =	sadd.s32 $0x100, s10;
	v16 =	vcvt.f32.s32 v16;
	v13 =	vld.idx.msk [tilespmem:v13+s1+$0x0], $0xffff  }
0x260: {  	v21 =	vadd.f32 $5.120000000e+02, v21;
	v24 =	vmin.f32 v24, $1.023000000e+03;
	v25 =	vld [tilespmem:s11+$0xFFFFFF90];
	p0 =	slt.u32 s9, $0x6100;
	v20 =	vmul.f32 $3.200000000e+01, v20;
	[tilespmem:s7+$0xFFFFFFA0] =	vst v11  }
0x261: {  	v11 =	vld.idx.msk [tilespmem:v4+s1+$0x0], $0xffff;
	v4 =	vmul.f32 $3.200000000e+01, v10;
	v10 =	vmax.f32 v22, $0.0e+00;
	v6 =	vadd.f32 $5.120000000e+02, v6;
	[tilespmem:s7+$0x70] =	vst v12  }
0x262: {  	v12 =	vadd.f32 $5.120000000e+02, v19;
	v19 =	vmax.f32 v23, $0.0e+00;
	[tilespmem:s8+$0x50] =	vst v15;
	v15 =	vadd.f32 $5.120000000e+02, v20;
	v3 =	vld.idx.msk [tilespmem:v3+s1+$0x0], $0xffff  }
0x263: {  	v19 =	vmin.f32 v19, $1.023000000e+03;
	v10 =	vmin.f32 v10, $1.023000000e+03;
	v20 =	vld [tilespmem:s11+$0x10];
	v4 =	vadd.f32 $5.120000000e+02, v4;
	[tilespmem:s7+$0x40] =	vst v14  }
0x264: {  	v9 =	vadd.f32 $5.120000000e+02, v9;
	v14 =	vmax.f32 v21, $0.0e+00;
	v21 =	vtrunc.f32 v24;
	v17 =	vld.idx.msk [tilespmem:v17+s1+$0x0], $0xffff  }
0x265: {  	v18 =	vmul.f32 $3.200000000e+01, v18;
	v14 =	vmin.f32 v14, $1.023000000e+03;
	v21 =	vcvt.f32.s32 v21;
	v16 =	vld.idx.msk [tilespmem:v16+s1+$0x0], $0xffff;
	[tilespmem:s7+$0xFFFFFFC0] =	vst v13  }
0x266: {  	v15 =	vmax.f32 v15, $0.0e+00;
	v13 =	vtrunc.f32 v19;
	v14 =	vtrunc.f32 v14;
	v23 =	vld [tilespmem:s11+$0xFFFFFFD0]  }
0x267: {  	v12 =	vmax.f32 v12, $0.0e+00;
	v18 =	vadd.f32 $5.120000000e+02, v18;
	v14 =	vcvt.f32.s32 v14;
	v19 =	vld [tilespmem:s11+$0x20]  }
0x268: {  	v6 =	vmax.f32 v6, $0.0e+00;
	v4 =	vmax.f32 v4, $0.0e+00;
	v13 =	vcvt.f32.s32 v13;
	v22 =	vld [tilespmem:s11+$0x50];
	[tilespmem:s7+$0x10] =	vst v3  }
0x269: {  	v9 =	vmax.f32 v9, $0.0e+00;
	v10 =	vtrunc.f32 v10;
	v12 =	vmin.f32 v12, $1.023000000e+03;
	v3 =	vld [tilespmem:s11+$0x60];
	[tilespmem:s7+$0xFFFFFFE0] =	vst v7  }
0x26a: {  	v6 =	vmin.f32 v6, $1.023000000e+03;
	v12 =	vtrunc.f32 v12;
	v7 =	vmul.f32 $3.200000000e+01, v20;
	v24 =	vld [tilespmem:s11+$0xFFFFFF80];
	[tilespmem:s7+$0xFFFFFFB0] =	vst v17  }
0x26b: {  	v8 =	vmax.f32 v8, $0.0e+00;
	v9 =	vmin.f32 v9, $1.023000000e+03;
	v6 =	vtrunc.f32 v6;
	v17 =	vld [tilespmem:s11+$0xFFFFFFE0];
	[tilespmem:s7+$0xFFFFFF80] =	vst v16;
	s7 =	smov.u32 s8;
	s8 =	smov.u32 s10  }
0x26c: {  	v9 =	vtrunc.f32 v9;
	v16 =	vmul.f32 $3.200000000e+01, v25;
	v7 =	vadd.f32 $5.120000000e+02, v7;
	v20 =	vld [tilespmem:s11+$0x0]  }
0x26d: {  	v15 =	vmin.f32 v15, $1.023000000e+03;
	v18 =	vmax.f32 v18, $0.0e+00;
	v25 =	vcvt.f32.s32 v6;
	v21 =	vld.idx.msk [tilespmem:v21+s1+$0x0], $0xffff  }
0x26e: {  	v27 =	vcvt.f32.s32 v9;
	v16 =	vadd.f32 $5.120000000e+02, v16;
	v6 =	vld [tilespmem:s11+$0xFFFFFFF0];
	v26 =	vmul.f32 $3.200000000e+01, v3  }
0x26f: {  	v7 =	vmax.f32 v7, $0.0e+00;
	v22 =	vmul.f32 $3.200000000e+01, v22;
	v3 =	vcvt.f32.s32 v1;
	v9 =	vld [tilespmem:s11+$0x40]  }
0x270: {  	v12 =	vcvt.f32.s32 v12;
	v1 =	vmax.f32 v16, $0.0e+00;
	v16 =	vadd.f32 $5.120000000e+02, v26;
	v14 =	vld.idx.msk [tilespmem:v14+s1+$0x0], $0xffff  }
0x271: {  	v15 =	vtrunc.f32 v15;
	v22 =	vadd.f32 $5.120000000e+02, v22;
	v1 =	vmin.f32 v1, $1.023000000e+03;
	v13 =	vld.idx.msk [tilespmem:v13+s1+$0x0], $0xffff  }
0x272: {  	v18 =	vmin.f32 v18, $1.023000000e+03;
	v26 =	vmin.f32 v4, $1.023000000e+03;
	v1 =	vtrunc.f32 v1;
	v5 =	vld.idx.msk [tilespmem:v5+s1+$0x0], $0xffff  }
0x273: {  	v4 =	vcvt.f32.s32 v1;
	v1 =	vmax.f32 v22, $0.0e+00;
	v22 =	vcvt.f32.s32 v10;
	v28 =	vld [tilespmem:s11+$0x30];
	[tilespmem:s7+$0xFFFFFF90] =	vst v11  }
0x274: {  	v15 =	vcvt.f32.s32 v15;
	v20 =	vmul.f32 $3.200000000e+01, v20;
	v1 =	vmin.f32 v1, $1.023000000e+03;
	v29 =	vld [tilespmem:s11+$0xFFFFFFA0];
	[tilespmem:s7+$0x30] =	vst v21  }
0x275: {  	v18 =	vtrunc.f32 v18;
	v7 =	vmin.f32 v7, $1.023000000e+03;
	v10 =	vtrunc.f32 v1;
	v30 =	vld.idx.msk [tilespmem:v2+s1+$0x0], $0xffff  }
0x276: {  	v1 =	vtrunc.f32 v7;
	v31 =	vcvt.f32.s32 v10;
	v2 =	vmin.f32 v8, $1.023000000e+03;
	v25 =	vld.idx.msk [tilespmem:v25+s1+$0x0], $0xffff;
	[tilespmem:s7+$0x20] =	vst v14  }
0x277: {  	v26 =	vtrunc.f32 v26;
	v9 =	vmul.f32 $3.200000000e+01, v9;
	v7 =	vmax.f32 v16, $0.0e+00;
	v10 =	vld [tilespmem:s11+$0xFFFFFFB0];
	[tilespmem:s7+$0xFFFFFFD0] =	vst v13  }
0x278: {  	v7 =	vmin.f32 v7, $1.023000000e+03;
	v16 =	vtrunc.f32 v2;
	v8 =	vmul.f32 $3.200000000e+01, v28;
	v11 =	vld.idx.msk [tilespmem:v12+s1+$0x0], $0xffff;
	[tilespmem:s7+$0x0] =	vst v5  }
0x279: {  	v2 =	vtrunc.f32 v7;
	v13 =	vcvt.f32.s32 v18;
	v5 =	vadd.f32 $5.120000000e+02, v20;
	v7 =	vld.idx.msk [tilespmem:v22+s1+$0x0], $0xffff  }
.Ltmp4:
0x27a: {  	v14 =	vmul.f32 $3.200000000e+01, v24;
	v2 =	vcvt.f32.s32 v2;
	v18 =	vadd.f32 $5.120000000e+02, v8;
	v12 =	vld.idx.msk [tilespmem:v15+s1+$0x0], $0xffff;
	(pc) =	sbr.rel @p0 .LBB2_10-.Ltmp4, $4  }
0x27b: {  	v21 =	vmul.f32 $3.200000000e+01, v19;
	v22 =	vmul.f32 $3.200000000e+01, v17;
	v5 =	vmax.f32 v5, $0.0e+00;
	v20 =	vld [tilespmem:s11+$0x70];
	[tilespmem:s7+$0x60] =	vst v30  }
0x27c: {  	v19 =	vmul.f32 $3.200000000e+01, v29;
	v17 =	vmul.f32 $3.200000000e+01, v23;
	v5 =	vmin.f32 v5, $1.023000000e+03;
	v15 =	vld.idx.msk [tilespmem:v31+s1+$0x0], $0xffff  }
0x27d: {  	v8 =	vadd.f32 $5.120000000e+02, v14;
	v5 =	vtrunc.f32 v5;
	v24 =	vmax.f32 v18, $0.0e+00;
	[tilespmem:s7+$0xFFFFFFF0] =	vst v25;
	v14 =	vld.idx.msk [tilespmem:v27+s1+$0x0], $0xffff  }
0x27e: {  	v23 =	vadd.f32 $5.120000000e+02, v17;
	v17 =	vcvt.f32.s32 v26;
	v5 =	vcvt.f32.s32 v5;
	v18 =	vld [tilespmem:s11+$0xFFFFFFC0];
	s11 =	sadd.s32 $0x100, s11  }
0x27f: {  	v22 =	vadd.f32 $5.120000000e+02, v22;
	v6 =	vmul.f32 $3.200000000e+01, v6;
	v16 =	vcvt.f32.s32 v16  }
0x280: {  	v21 =	vadd.f32 $5.120000000e+02, v21;
	v24 =	vmin.f32 v24, $1.023000000e+03;
	v10 =	vmul.f32 $3.200000000e+01, v10  }
0x281: {  	v19 =	vadd.f32 $5.120000000e+02, v19;
	v9 =	vadd.f32 $5.120000000e+02, v9;
	v8 =	vmax.f32 v8, $0.0e+00  }
0x282: {  	v1 =	vcvt.f32.s32 v1;
	v20 =	vmul.f32 $3.200000000e+01, v20;
	v23 =	vmax.f32 v23, $0.0e+00  }
0x283: {  	v24 =	vtrunc.f32 v24;
	v8 =	vmin.f32 v8, $1.023000000e+03;
	v22 =	vmax.f32 v22, $0.0e+00  }
0x284: {  	v6 =	vadd.f32 $5.120000000e+02, v6;
	v10 =	vadd.f32 $5.120000000e+02, v10;
	v23 =	vmin.f32 v23, $1.023000000e+03  }
0x285: {  	[tilespmem:s7+$0x70] =	vst v12;
	v21 =	vmax.f32 v21, $0.0e+00;
	v24 =	vcvt.f32.s32 v24;
	v12 =	vmax.f32 v19, $0.0e+00  }
0x286: {  	v13 =	vld.idx.msk [tilespmem:v13+s1+$0x0], $0xffff;
	v9 =	vmax.f32 v9, $0.0e+00;
	v8 =	vtrunc.f32 v8;
	v20 =	vadd.f32 $5.120000000e+02, v20  }
0x287: {  	[tilespmem:s7+$0xFFFFFFA0] =	vst v11;
	v3 =	vld.idx.msk [tilespmem:v3+s1+$0x0], $0xffff;
	v21 =	vmin.f32 v21, $1.023000000e+03;
	v11 =	vtrunc.f32 v23;
	v18 =	vmul.f32 $3.200000000e+01, v18  }
0x288: {  	v4 =	vld.idx.msk [tilespmem:v4+s1+$0x0], $0xffff;
	[tilespmem:s7+$0xFFFFFFE0] =	vst v7;
	v9 =	vmin.f32 v9, $1.023000000e+03;
	v21 =	vtrunc.f32 v21;
	v11 =	vcvt.f32.s32 v11  }
0x289: {  	v2 =	vld.idx.msk [tilespmem:v2+s1+$0x0], $0xffff;
	[tilespmem:s8+$0x50] =	vst v15;
	v6 =	vmax.f32 v6, $0.0e+00;
	v7 =	vtrunc.f32 v9;
	v21 =	vcvt.f32.s32 v21  }
0x28a: {  	v5 =	vld.idx.msk [tilespmem:v5+s1+$0x0], $0xffff;
	[tilespmem:s7+$0x40] =	vst v14;
	v20 =	vmax.f32 v20, $0.0e+00;
	v6 =	vmin.f32 v6, $1.023000000e+03;
	v7 =	vcvt.f32.s32 v7  }
0x28b: {  	v15 =	vld.idx.msk [tilespmem:v17+s1+$0x0], $0xffff;
	[tilespmem:s7+$0xFFFFFFC0] =	vst v13;
	v17 =	vadd.f32 $5.120000000e+02, v18;
	v6 =	vtrunc.f32 v6;
	v13 =	vmin.f32 v20, $1.023000000e+03  }
0x28c: {  	v12 =	vmin.f32 v12, $1.023000000e+03;
	[tilespmem:s7+$0x10] =	vst v3;
	v14 =	vld.idx.msk [tilespmem:v16+s1+$0x0], $0xffff;
	v6 =	vcvt.f32.s32 v6;
	v13 =	vtrunc.f32 v13  }
0x28d: {  	v12 =	vtrunc.f32 v12;
	[tilespmem:s8+$0xFFFFFF90] =	vst v4;
	v1 =	vld.idx.msk [tilespmem:v1+s1+$0x0], $0xffff;
	v3 =	vmax.f32 v17, $0.0e+00;
	v13 =	vcvt.f32.s32 v13  }
0x28e: {  	v8 =	vcvt.f32.s32 v8;
	v12 =	vcvt.f32.s32 v12;
	[tilespmem:s8+$0x60] =	vst v2;
	v3 =	vmin.f32 v3, $1.023000000e+03;
	v11 =	vld.idx.msk [tilespmem:v11+s1+$0x0], $0xffff  }
0x28f: {  	v10 =	vmax.f32 v10, $0.0e+00;
	[tilespmem:s8+$0x0] =	vst v5;
	v17 =	vmin.f32 v22, $1.023000000e+03;
	v3 =	vtrunc.f32 v3;
	v9 =	vld.idx.msk [tilespmem:v21+s1+$0x0], $0xffff  }
0x290: {  	v10 =	vmin.f32 v10, $1.023000000e+03;
	[tilespmem:s7+$0xFFFFFFB0] =	vst v15;
	v15 =	vtrunc.f32 v17;
	v3 =	vcvt.f32.s32 v3;
	v5 =	vld.idx.msk [tilespmem:v7+s1+$0x0], $0xffff  }
0x291: {  	v10 =	vtrunc.f32 v10;
	v16 =	vld.idx.msk [tilespmem:v24+s1+$0x0], $0xffff;
	v4 =	vcvt.f32.s32 v15;
	[tilespmem:s7+$0xFFFFFF80] =	vst v14  }
0x292: {  	v10 =	vcvt.f32.s32 v10;
	[tilespmem:s8+$0x10] =	vst v1;
	v6 =	vld.idx.msk [tilespmem:v6+s1+$0x0], $0xffff  }
0x293: {  	[tilespmem:s8+$0xFFFFFFD0] =	vst v11;
	v11 =	vld.idx.msk [tilespmem:v13+s1+$0x0], $0xffff  }
0x294: {  	[tilespmem:s8+$0x20] =	vst v9;
	v9 =	vld.idx.msk [tilespmem:v12+s1+$0x0], $0xffff  }
0x295: {  	[tilespmem:s8+$0x40] =	vst v5;
	v5 =	vld.idx.msk [tilespmem:v8+s1+$0x0], $0xffff  }
0x296: {  	[tilespmem:s8+$0x30] =	vst v16;
	v2 =	vld.idx.msk [tilespmem:v3+s1+$0x0], $0xffff  }
0x297: {  	v3 =	vld.idx.msk [tilespmem:v4+s1+$0x0], $0xffff;
	[tilespmem:s8+$0xFFFFFFF0] =	vst v6  }
0x298: {  	v4 =	vld.idx.msk [tilespmem:v10+s1+$0x0], $0xffff;
	[tilespmem:s8+$0x70] =	vst v11  }
0x299: {  	[tilespmem:s8+$0xFFFFFFA0] =	vst v9  }
0x29a: {  	[tilespmem:s8+$0xFFFFFF80] =	vst v5  }
0x29b: {  	[tilespmem:s8+$0xFFFFFFC0] =	vst v2  }
0x29c: {  	[tilespmem:s8+$0xFFFFFFE0] =	vst v3  }
0x29d: {  	[tilespmem:s8+$0xFFFFFFB0] =	vst v4  }
0x29e: {  	s7 =	rddreg [dreg:$0xc]  }
0x29f: {  	[hbm4b:s7+s1] =	stream.linear.scatter [tilespmem:s3], [sflag:$0x4], $0x6200, $0x38;
	[tilespmem:$0x18C80] =	vst v63  }
0x2a0: {  	s10 =	rddreg [dreg:$0xd]  }
0x2a1: {  	[tilespmem:s31], [sflag:$0x2] =	stream.linear.gather [hbm4b:s10+s1], $0x6200, $0x38;
	[tilespmem:$0x18C80] =	vst v63  }
0x2a2: {  	_ =	swait.ge [sflag:s23], $0x6200  }
0x2a3: {  	[sflag:s23] =	ssyncset.done $0x0  }
0x2a4: {  	[sflag:s23] =	ssyncadd.s32 $0xFFFF9E00  }
0x2a5: {  	_ =	swait.ge [sflag:s4], $0x6200  }
0x2a6: {  	[sflag:s4] =	ssyncset.done $0x0  }
0x2a7: {  	s11 =	simm.s32 $0x500;
	[sflag:s4] =	ssyncadd.s32 $0xFFFF9E00  }
0x2a8: {  	v1 =	vld [tilespmem:s11+$0xFFFFFF90]  }
0x2a9: {  	v2 =	vld [tilespmem:s11+$0x10]  }
0x2aa: {  	v3 =	vld [tilespmem:s11+$0x50]  }
0x2ab: {  	v4 =	vld [tilespmem:s11+$0x60]  }
0x2ac: {  	v6 =	vld [tilespmem:s11+$0x0]  }
0x2ad: {  	v7 =	vld [tilespmem:s11+$0x40]  }
0x2ae: {  	v8 =	vld [tilespmem:s11+$0x30]  }
0x2af: {  	v9 =	vld [tilespmem:s11+$0xFFFFFF80]  }
0x2b0: {  	v11 =	vld [tilespmem:s11+$0x20]  }
0x2b1: {  	v5 =	vld [tilespmem:s11+$0xFFFFFFD0];
	v1 =	vmul.f32 $3.200000000e+01, v1  }
0x2b2: {  	v12 =	vld [tilespmem:s11+$0xFFFFFFA0];
	v2 =	vmul.f32 $3.200000000e+01, v2;
	v3 =	vmul.f32 $3.200000000e+01, v3  }
0x2b3: {  	s12 =	simm.s32 $0x600;
	v15 =	vld [tilespmem:s11+$0xFFFFFFB0];
	v4 =	vmul.f32 $3.200000000e+01, v4;
	v6 =	vmul.f32 $3.200000000e+01, v6  }
0x2b4: {  	v21 =	vld [tilespmem:s12+$0x60];
	v7 =	vmul.f32 $3.200000000e+01, v7;
	v8 =	vmul.f32 $3.200000000e+01, v8  }
0x2b5: {  	v23 =	vld [tilespmem:s12+$0xFFFFFFD0];
	v9 =	vmul.f32 $3.200000000e+01, v9;
	v11 =	vmul.f32 $3.200000000e+01, v11  }
0x2b6: {  	v5 =	vmul.f32 $3.200000000e+01, v5;
	v1 =	vadd.f32 $5.120000000e+02, v1;
	v2 =	vadd.f32 $5.120000000e+02, v2  }
0x2b7: {  	v12 =	vmul.f32 $3.200000000e+01, v12;
	v3 =	vadd.f32 $5.120000000e+02, v3;
	v4 =	vadd.f32 $5.120000000e+02, v4  }
0x2b8: {  	v15 =	vmul.f32 $3.200000000e+01, v15;
	v6 =	vadd.f32 $5.120000000e+02, v6;
	v8 =	vadd.f32 $5.120000000e+02, v8  }
0x2b9: {  	v21 =	vmul.f32 $3.200000000e+01, v21;
	v9 =	vadd.f32 $5.120000000e+02, v9;
	v5 =	vadd.f32 $5.120000000e+02, v5  }
0x2ba: {  	v23 =	vmul.f32 $3.200000000e+01, v23;
	v11 =	vadd.f32 $5.120000000e+02, v11;
	v15 =	vadd.f32 $5.120000000e+02, v15  }
0x2bb: {  	v7 =	vadd.f32 $5.120000000e+02, v7;
	v1 =	vmax.f32 v1, $0.0e+00;
	v2 =	vmax.f32 v2, $0.0e+00  }
0x2bc: {  	v3 =	vmax.f32 v3, $0.0e+00;
	v4 =	vmax.f32 v4, $0.0e+00;
	v6 =	vmax.f32 v6, $0.0e+00  }
0x2bd: {  	v10 =	vld [tilespmem:s11+$0xFFFFFFE0];
	v8 =	vmax.f32 v8, $0.0e+00;
	v5 =	vmax.f32 v5, $0.0e+00;
	v1 =	vmin.f32 v1, $1.023000000e+03  }
0x2be: {  	v13 =	vld [tilespmem:s11+$0xFFFFFFF0];
	v3 =	vmin.f32 v3, $1.023000000e+03;
	v2 =	vmin.f32 v2, $1.023000000e+03;
	v1 =	vtrunc.f32 v1  }
0x2bf: {  	v4 =	vmin.f32 v4, $1.023000000e+03;
	v3 =	vtrunc.f32 v3;
	v2 =	vtrunc.f32 v2  }
0x2c0: {  	v6 =	vmin.f32 v6, $1.023000000e+03;
	v4 =	vtrunc.f32 v4;
	v3 =	vcvt.f32.s32 v3  }
0x2c1: {  	v15 =	vmax.f32 v15, $0.0e+00;
	v6 =	vtrunc.f32 v6;
	v1 =	vcvt.f32.s32 v1  }
0x2c2: {  	v8 =	vmin.f32 v8, $1.023000000e+03;
	v14 =	vcvt.f32.s32 v4;
	v4 =	vmul.f32 $3.200000000e+01, v10;
	v10 =	vld [tilespmem:s11+$0x70]  }
0x2c3: {  	v5 =	vmin.f32 v5, $1.023000000e+03;
	v16 =	vcvt.f32.s32 v6;
	v6 =	vmul.f32 $3.200000000e+01, v13;
	v13 =	vld [tilespmem:s11+$0xFFFFFFC0]  }
0x2c4: {  	v15 =	vmin.f32 v15, $1.023000000e+03;
	v8 =	vtrunc.f32 v8;
	v5 =	vtrunc.f32 v5  }
0x2c5: {  	v19 =	vld [tilespmem:s12+$0x20];
	v63 =	vtrunc.f32 v15;
	v4 =	vadd.f32 $5.120000000e+02, v4;
	v6 =	vadd.f32 $5.120000000e+02, v6  }
0x2c6: {  	v9 =	vmax.f32 v9, $0.0e+00;
	v8 =	vcvt.f32.s32 v8;
	v5 =	vcvt.f32.s32 v5;
	v17 =	vld.idx.msk [tilespmem:v3+s1+$0x0], $0xffff  }
0x2c7: {  	v4 =	vmax.f32 v4, $0.0e+00;
	v6 =	vmax.f32 v6, $0.0e+00;
	v10 =	vmul.f32 $3.200000000e+01, v10;
	v18 =	vld.idx.msk [tilespmem:v1+s1+$0x0], $0xffff  }
0x2c8: {  	v4 =	vmin.f32 v4, $1.023000000e+03;
	v13 =	vmul.f32 $3.200000000e+01, v13;
	v1 =	vmax.f32 v11, $0.0e+00;
	v11 =	vld [tilespmem:s12+$0x10]  }
0x2c9: {  	v3 =	vadd.f32 $5.120000000e+02, v12;
	v12 =	vld [tilespmem:s12+$0xFFFFFF90];
	v22 =	vtrunc.f32 v4;
	v4 =	vmax.f32 v7, $0.0e+00  }
0x2ca: {  	v20 =	vld [tilespmem:s12+$0x50];
	v10 =	vadd.f32 $5.120000000e+02, v10;
	v1 =	vmin.f32 v1, $1.023000000e+03;
	v13 =	vadd.f32 $5.120000000e+02, v13  }
0x2cb: {  	v24 =	vld [tilespmem:s12+$0xFFFFFF80];
	v4 =	vmin.f32 v4, $1.023000000e+03;
	v1 =	vtrunc.f32 v1;
	v3 =	vmax.f32 v3, $0.0e+00  }
0x2cc: {  	v25 =	vld [tilespmem:s12+$0xFFFFFFE0];
	v4 =	vtrunc.f32 v4;
	v10 =	vmax.f32 v10, $0.0e+00;
	v1 =	vcvt.f32.s32 v1  }
0x2cd: {  	v29 =	vld [tilespmem:s12+$0x40];
	v3 =	vmin.f32 v3, $1.023000000e+03;
	v13 =	vmax.f32 v13, $0.0e+00;
	v7 =	vmul.f32 $3.200000000e+01, v11  }
0x2ce: {  	v30 =	vld [tilespmem:s12+$0xFFFFFFA0];
	v11 =	vtrunc.f32 v3;
	v3 =	vmin.f32 v6, $1.023000000e+03;
	v6 =	vmul.f32 $3.200000000e+01, v12  }
0x2cf: {  	v8 =	vld.idx.msk [tilespmem:v8+s1+$0x0], $0xffff;
	v28 =	vcvt.f32.s32 v4;
	v4 =	vmul.f32 $3.200000000e+01, v20;
	v20 =	vadd.f32 $5.120000000e+02, v21  }
0x2d0: {  	s7 =	simm.s32 $0xC900;
	v5 =	vld.idx.msk [tilespmem:v5+s1+$0x0], $0xffff;
	v10 =	vmin.f32 v10, $1.023000000e+03;
	v13 =	vmin.f32 v13, $1.023000000e+03;
	v27 =	vadd.f32 $5.120000000e+02, v6  }
0x2d1: {  	v12 =	vld [tilespmem:s12+$0x0];
	v10 =	vtrunc.f32 v10;
	[tilespmem:s7+$0x50] =	vst v17;
	v17 =	vmax.f32 v20, $0.0e+00;
	v3 =	vtrunc.f32 v3  }
0x2d2: {  	v14 =	vld.idx.msk [tilespmem:v14+s1+$0x0], $0xffff;
	v26 =	vcvt.f32.s32 v3;
	v3 =	vcvt.f32.s32 v2;
	v2 =	vmax.f32 v27, $0.0e+00  }
0x2d3: {  	v11 =	vcvt.f32.s32 v11;
	v21 =	vld.idx.msk [tilespmem:v1+s1+$0x0], $0xffff;
	v1 =	vmin.f32 v2, $1.023000000e+03;
	v2 =	vadd.f32 $5.120000000e+02, v4  }
0x2d4: {  	v13 =	vtrunc.f32 v13;
	v20 =	vld [tilespmem:s12+$0x70];
	v17 =	vmin.f32 v17, $1.023000000e+03;
	v1 =	vtrunc.f32 v1  }
0x2d5: {  	v7 =	vadd.f32 $5.120000000e+02, v7;
	v27 =	vld.idx.msk [tilespmem:v16+s1+$0x0], $0xffff;
	v4 =	vcvt.f32.s32 v1;
	v1 =	vmax.f32 v2, $0.0e+00  }
0x2d6: {  	v16 =	vld [tilespmem:s12+$0x30];
	v12 =	vmul.f32 $3.200000000e+01, v12;
	v2 =	vcvt.f32.s32 v22;
	v1 =	vmin.f32 v1, $1.023000000e+03  }
0x2d7: {  	v6 =	vld [tilespmem:s12+$0xFFFFFFF0];
	v7 =	vmax.f32 v7, $0.0e+00;
	v22 =	vcvt.f32.s32 v10;
	v10 =	vtrunc.f32 v1  }
0x2d8: {  	[tilespmem:s7+$0x60] =	vst v14;
	v13 =	vcvt.f32.s32 v13;
	v14 =	vld.idx.msk [tilespmem:v28+s1+$0x0], $0xffff;
	v7 =	vmin.f32 v7, $1.023000000e+03;
	v31 =	vcvt.f32.s32 v10  }
0x2d9: {  	[tilespmem:s7+$0x30] =	vst v8;
	v11 =	vld.idx.msk [tilespmem:v11+s1+$0x0], $0xffff;
	v8 =	vadd.f32 $5.120000000e+02, v12;
	v12 =	vtrunc.f32 v17;
	v17 =	vmul.f32 $3.200000000e+01, v24  }
0x2da: {  	v26 =	vld.idx.msk [tilespmem:v26+s1+$0x0], $0xffff;
	v1 =	vtrunc.f32 v7;
	v7 =	vmin.f32 v9, $1.023000000e+03;
	v9 =	vmul.f32 $3.200000000e+01, v29  }
0x2db: {  	v23 =	vadd.f32 $5.120000000e+02, v23;
	v15 =	vmul.f32 $3.200000000e+01, v16;
	[tilespmem:s7+$0x20] =	vst v21;
	v21 =	vmul.f32 $3.200000000e+01, v19;
	v10 =	vld [tilespmem:s12+$0xFFFFFFB0]  }
0x2dc: {  	[tilespmem:s7+$0xFFFFFFD0] =	vst v5;
	v5 =	vmax.f32 v8, $0.0e+00;
	v19 =	vmul.f32 $3.200000000e+01, v30;
	v16 =	vtrunc.f32 v7;
	v7 =	vld.idx.msk [tilespmem:v2+s1+$0x0], $0xffff  }
0x2dd: {  	[tilespmem:s7+$0xFFFFFF90] =	vst v18;
	v5 =	vmin.f32 v5, $1.023000000e+03;
	v18 =	vadd.f32 $5.120000000e+02, v15;
	v2 =	vcvt.f32.s32 v12;
	v12 =	vld.idx.msk [tilespmem:v22+s1+$0x0], $0xffff  }
0x2de: {  	s9 =	simm.s32 $0x100;
	[tilespmem:s7+$0x0] =	vst v27;
	v8 =	vadd.f32 $5.120000000e+02, v17;
	v5 =	vtrunc.f32 v5;
	v22 =	vmul.f32 $3.200000000e+01, v25;
	v15 =	vld.idx.msk [tilespmem:v31+s1+$0x0], $0xffff  }
0x2df: {  	s8 =	simm.s32 $0xCA00;
	s10 =	simm.s32 $0xCA00;
	s11 =	simm.s32 $0x700;
	v17 =	vcvt.f32.s32 v63;
	v5 =	vcvt.f32.s32 v5;
	v24 =	vmax.f32 v18, $0.0e+00;
	[tilespmem:s7+$0xFFFFFFF0] =	vst v26;
	v18 =	vld [tilespmem:s12+$0xFFFFFFC0]  }
.LBB2_12:
0x2e0: {  	s9 =	sadd.s32 $0x100, s9;
	v22 =	vadd.f32 $5.120000000e+02, v22;
	v6 =	vmul.f32 $3.200000000e+01, v6;
	s10 =	sadd.s32 $0x100, s10;
	v16 =	vcvt.f32.s32 v16;
	v13 =	vld.idx.msk [tilespmem:v13+s1+$0x0], $0xffff  }
0x2e1: {  	v21 =	vadd.f32 $5.120000000e+02, v21;
	v24 =	vmin.f32 v24, $1.023000000e+03;
	v25 =	vld [tilespmem:s11+$0xFFFFFF90];
	p0 =	slt.u32 s9, $0x6100;
	v20 =	vmul.f32 $3.200000000e+01, v20;
	[tilespmem:s7+$0xFFFFFFA0] =	vst v11  }
0x2e2: {  	v11 =	vld.idx.msk [tilespmem:v4+s1+$0x0], $0xffff;
	v4 =	vmul.f32 $3.200000000e+01, v10;
	v10 =	vmax.f32 v22, $0.0e+00;
	v6 =	vadd.f32 $5.120000000e+02, v6;
	[tilespmem:s7+$0x70] =	vst v12  }
0x2e3: {  	v12 =	vadd.f32 $5.120000000e+02, v19;
	v19 =	vmax.f32 v23, $0.0e+00;
	[tilespmem:s8+$0x50] =	vst v15;
	v15 =	vadd.f32 $5.120000000e+02, v20;
	v3 =	vld.idx.msk [tilespmem:v3+s1+$0x0], $0xffff  }
0x2e4: {  	v19 =	vmin.f32 v19, $1.023000000e+03;
	v10 =	vmin.f32 v10, $1.023000000e+03;
	v20 =	vld [tilespmem:s11+$0x10];
	v4 =	vadd.f32 $5.120000000e+02, v4;
	[tilespmem:s7+$0x40] =	vst v14  }
0x2e5: {  	v9 =	vadd.f32 $5.120000000e+02, v9;
	v14 =	vmax.f32 v21, $0.0e+00;
	v21 =	vtrunc.f32 v24;
	v17 =	vld.idx.msk [tilespmem:v17+s1+$0x0], $0xffff  }
0x2e6: {  	v18 =	vmul.f32 $3.200000000e+01, v18;
	v14 =	vmin.f32 v14, $1.023000000e+03;
	v21 =	vcvt.f32.s32 v21;
	v16 =	vld.idx.msk [tilespmem:v16+s1+$0x0], $0xffff;
	[tilespmem:s7+$0xFFFFFFC0] =	vst v13  }
0x2e7: {  	v15 =	vmax.f32 v15, $0.0e+00;
	v13 =	vtrunc.f32 v19;
	v14 =	vtrunc.f32 v14;
	v23 =	vld [tilespmem:s11+$0xFFFFFFD0]  }
0x2e8: {  	v12 =	vmax.f32 v12, $0.0e+00;
	v18 =	vadd.f32 $5.120000000e+02, v18;
	v14 =	vcvt.f32.s32 v14;
	v19 =	vld [tilespmem:s11+$0x20]  }
0x2e9: {  	v6 =	vmax.f32 v6, $0.0e+00;
	v4 =	vmax.f32 v4, $0.0e+00;
	v13 =	vcvt.f32.s32 v13;
	v22 =	vld [tilespmem:s11+$0x50];
	[tilespmem:s7+$0x10] =	vst v3  }
0x2ea: {  	v9 =	vmax.f32 v9, $0.0e+00;
	v10 =	vtrunc.f32 v10;
	v12 =	vmin.f32 v12, $1.023000000e+03;
	v3 =	vld [tilespmem:s11+$0x60];
	[tilespmem:s7+$0xFFFFFFE0] =	vst v7  }
0x2eb: {  	v6 =	vmin.f32 v6, $1.023000000e+03;
	v12 =	vtrunc.f32 v12;
	v7 =	vmul.f32 $3.200000000e+01, v20;
	v24 =	vld [tilespmem:s11+$0xFFFFFF80];
	[tilespmem:s7+$0xFFFFFFB0] =	vst v17  }
0x2ec: {  	v8 =	vmax.f32 v8, $0.0e+00;
	v9 =	vmin.f32 v9, $1.023000000e+03;
	v6 =	vtrunc.f32 v6;
	v17 =	vld [tilespmem:s11+$0xFFFFFFE0];
	[tilespmem:s7+$0xFFFFFF80] =	vst v16;
	s7 =	smov.u32 s8;
	s8 =	smov.u32 s10  }
0x2ed: {  	v9 =	vtrunc.f32 v9;
	v16 =	vmul.f32 $3.200000000e+01, v25;
	v7 =	vadd.f32 $5.120000000e+02, v7;
	v20 =	vld [tilespmem:s11+$0x0]  }
0x2ee: {  	v15 =	vmin.f32 v15, $1.023000000e+03;
	v18 =	vmax.f32 v18, $0.0e+00;
	v25 =	vcvt.f32.s32 v6;
	v21 =	vld.idx.msk [tilespmem:v21+s1+$0x0], $0xffff  }
0x2ef: {  	v27 =	vcvt.f32.s32 v9;
	v16 =	vadd.f32 $5.120000000e+02, v16;
	v6 =	vld [tilespmem:s11+$0xFFFFFFF0];
	v26 =	vmul.f32 $3.200000000e+01, v3  }
0x2f0: {  	v7 =	vmax.f32 v7, $0.0e+00;
	v22 =	vmul.f32 $3.200000000e+01, v22;
	v3 =	vcvt.f32.s32 v1;
	v9 =	vld [tilespmem:s11+$0x40]  }
0x2f1: {  	v12 =	vcvt.f32.s32 v12;
	v1 =	vmax.f32 v16, $0.0e+00;
	v16 =	vadd.f32 $5.120000000e+02, v26;
	v14 =	vld.idx.msk [tilespmem:v14+s1+$0x0], $0xffff  }
0x2f2: {  	v15 =	vtrunc.f32 v15;
	v22 =	vadd.f32 $5.120000000e+02, v22;
	v1 =	vmin.f32 v1, $1.023000000e+03;
	v13 =	vld.idx.msk [tilespmem:v13+s1+$0x0], $0xffff  }
0x2f3: {  	v18 =	vmin.f32 v18, $1.023000000e+03;
	v26 =	vmin.f32 v4, $1.023000000e+03;
	v1 =	vtrunc.f32 v1;
	v5 =	vld.idx.msk [tilespmem:v5+s1+$0x0], $0xffff  }
0x2f4: {  	v4 =	vcvt.f32.s32 v1;
	v1 =	vmax.f32 v22, $0.0e+00;
	v22 =	vcvt.f32.s32 v10;
	v28 =	vld [tilespmem:s11+$0x30];
	[tilespmem:s7+$0xFFFFFF90] =	vst v11  }
0x2f5: {  	v15 =	vcvt.f32.s32 v15;
	v20 =	vmul.f32 $3.200000000e+01, v20;
	v1 =	vmin.f32 v1, $1.023000000e+03;
	v29 =	vld [tilespmem:s11+$0xFFFFFFA0];
	[tilespmem:s7+$0x30] =	vst v21  }
0x2f6: {  	v18 =	vtrunc.f32 v18;
	v7 =	vmin.f32 v7, $1.023000000e+03;
	v10 =	vtrunc.f32 v1;
	v30 =	vld.idx.msk [tilespmem:v2+s1+$0x0], $0xffff  }
0x2f7: {  	v1 =	vtrunc.f32 v7;
	v31 =	vcvt.f32.s32 v10;
	v2 =	vmin.f32 v8, $1.023000000e+03;
	v25 =	vld.idx.msk [tilespmem:v25+s1+$0x0], $0xffff;
	[tilespmem:s7+$0x20] =	vst v14  }
0x2f8: {  	v26 =	vtrunc.f32 v26;
	v9 =	vmul.f32 $3.200000000e+01, v9;
	v7 =	vmax.f32 v16, $0.0e+00;
	v10 =	vld [tilespmem:s11+$0xFFFFFFB0];
	[tilespmem:s7+$0xFFFFFFD0] =	vst v13  }
0x2f9: {  	v7 =	vmin.f32 v7, $1.023000000e+03;
	v16 =	vtrunc.f32 v2;
	v8 =	vmul.f32 $3.200000000e+01, v28;
	v11 =	vld.idx.msk [tilespmem:v12+s1+$0x0], $0xffff;
	[tilespmem:s7+$0x0] =	vst v5  }
0x2fa: {  	v2 =	vtrunc.f32 v7;
	v13 =	vcvt.f32.s32 v18;
	v5 =	vadd.f32 $5.120000000e+02, v20;
	v7 =	vld.idx.msk [tilespmem:v22+s1+$0x0], $0xffff  }
.Ltmp5:
0x2fb: {  	v14 =	vmul.f32 $3.200000000e+01, v24;
	v2 =	vcvt.f32.s32 v2;
	v18 =	vadd.f32 $5.120000000e+02, v8;
	v12 =	vld.idx.msk [tilespmem:v15+s1+$0x0], $0xffff;
	(pc) =	sbr.rel @p0 .LBB2_12-.Ltmp5, $4  }
0x2fc: {  	v21 =	vmul.f32 $3.200000000e+01, v19;
	v22 =	vmul.f32 $3.200000000e+01, v17;
	v5 =	vmax.f32 v5, $0.0e+00;
	v20 =	vld [tilespmem:s11+$0x70];
	[tilespmem:s7+$0x60] =	vst v30  }
0x2fd: {  	v19 =	vmul.f32 $3.200000000e+01, v29;
	v17 =	vmul.f32 $3.200000000e+01, v23;
	v5 =	vmin.f32 v5, $1.023000000e+03;
	v15 =	vld.idx.msk [tilespmem:v31+s1+$0x0], $0xffff  }
0x2fe: {  	v8 =	vadd.f32 $5.120000000e+02, v14;
	v5 =	vtrunc.f32 v5;
	v24 =	vmax.f32 v18, $0.0e+00;
	[tilespmem:s7+$0xFFFFFFF0] =	vst v25;
	v14 =	vld.idx.msk [tilespmem:v27+s1+$0x0], $0xffff  }
0x2ff: {  	v23 =	vadd.f32 $5.120000000e+02, v17;
	v17 =	vcvt.f32.s32 v26;
	v5 =	vcvt.f32.s32 v5;
	v18 =	vld [tilespmem:s11+$0xFFFFFFC0];
	s11 =	sadd.s32 $0x100, s11  }
0x300: {  	v22 =	vadd.f32 $5.120000000e+02, v22;
	v6 =	vmul.f32 $3.200000000e+01, v6;
	v16 =	vcvt.f32.s32 v16  }
0x301: {  	v21 =	vadd.f32 $5.120000000e+02, v21;
	v24 =	vmin.f32 v24, $1.023000000e+03;
	v10 =	vmul.f32 $3.200000000e+01, v10  }
0x302: {  	v19 =	vadd.f32 $5.120000000e+02, v19;
	v9 =	vadd.f32 $5.120000000e+02, v9;
	v8 =	vmax.f32 v8, $0.0e+00  }
0x303: {  	v1 =	vcvt.f32.s32 v1;
	v20 =	vmul.f32 $3.200000000e+01, v20;
	v23 =	vmax.f32 v23, $0.0e+00  }
0x304: {  	v24 =	vtrunc.f32 v24;
	v8 =	vmin.f32 v8, $1.023000000e+03;
	v22 =	vmax.f32 v22, $0.0e+00  }
0x305: {  	v6 =	vadd.f32 $5.120000000e+02, v6;
	v10 =	vadd.f32 $5.120000000e+02, v10;
	v23 =	vmin.f32 v23, $1.023000000e+03  }
0x306: {  	[tilespmem:s7+$0x70] =	vst v12;
	v21 =	vmax.f32 v21, $0.0e+00;
	v24 =	vcvt.f32.s32 v24;
	v12 =	vmax.f32 v19, $0.0e+00  }
0x307: {  	v13 =	vld.idx.msk [tilespmem:v13+s1+$0x0], $0xffff;
	v9 =	vmax.f32 v9, $0.0e+00;
	v8 =	vtrunc.f32 v8;
	v20 =	vadd.f32 $5.120000000e+02, v20  }
0x308: {  	[tilespmem:s7+$0xFFFFFFA0] =	vst v11;
	v3 =	vld.idx.msk [tilespmem:v3+s1+$0x0], $0xffff;
	v21 =	vmin.f32 v21, $1.023000000e+03;
	v11 =	vtrunc.f32 v23;
	v18 =	vmul.f32 $3.200000000e+01, v18  }
0x309: {  	v4 =	vld.idx.msk [tilespmem:v4+s1+$0x0], $0xffff;
	[tilespmem:s7+$0xFFFFFFE0] =	vst v7;
	v9 =	vmin.f32 v9, $1.023000000e+03;
	v21 =	vtrunc.f32 v21;
	v11 =	vcvt.f32.s32 v11  }
0x30a: {  	v2 =	vld.idx.msk [tilespmem:v2+s1+$0x0], $0xffff;
	[tilespmem:s8+$0x50] =	vst v15;
	v6 =	vmax.f32 v6, $0.0e+00;
	v7 =	vtrunc.f32 v9;
	v21 =	vcvt.f32.s32 v21  }
0x30b: {  	v5 =	vld.idx.msk [tilespmem:v5+s1+$0x0], $0xffff;
	[tilespmem:s7+$0x40] =	vst v14;
	v20 =	vmax.f32 v20, $0.0e+00;
	v6 =	vmin.f32 v6, $1.023000000e+03;
	v7 =	vcvt.f32.s32 v7  }
0x30c: {  	v15 =	vld.idx.msk [tilespmem:v17+s1+$0x0], $0xffff;
	[tilespmem:s7+$0xFFFFFFC0] =	vst v13;
	v17 =	vadd.f32 $5.120000000e+02, v18;
	v6 =	vtrunc.f32 v6;
	v13 =	vmin.f32 v20, $1.023000000e+03  }
0x30d: {  	v12 =	vmin.f32 v12, $1.023000000e+03;
	[tilespmem:s7+$0x10] =	vst v3;
	v14 =	vld.idx.msk [tilespmem:v16+s1+$0x0], $0xffff;
	v6 =	vcvt.f32.s32 v6;
	v13 =	vtrunc.f32 v13  }
0x30e: {  	v12 =	vtrunc.f32 v12;
	[tilespmem:s8+$0xFFFFFF90] =	vst v4;
	v1 =	vld.idx.msk [tilespmem:v1+s1+$0x0], $0xffff;
	v3 =	vmax.f32 v17, $0.0e+00;
	v13 =	vcvt.f32.s32 v13  }
0x30f: {  	v8 =	vcvt.f32.s32 v8;
	v12 =	vcvt.f32.s32 v12;
	[tilespmem:s8+$0x60] =	vst v2;
	v3 =	vmin.f32 v3, $1.023000000e+03;
	v11 =	vld.idx.msk [tilespmem:v11+s1+$0x0], $0xffff  }
0x310: {  	v10 =	vmax.f32 v10, $0.0e+00;
	[tilespmem:s8+$0x0] =	vst v5;
	v17 =	vmin.f32 v22, $1.023000000e+03;
	v3 =	vtrunc.f32 v3;
	v9 =	vld.idx.msk [tilespmem:v21+s1+$0x0], $0xffff  }
0x311: {  	v10 =	vmin.f32 v10, $1.023000000e+03;
	[tilespmem:s7+$0xFFFFFFB0] =	vst v15;
	v15 =	vtrunc.f32 v17;
	v3 =	vcvt.f32.s32 v3;
	v5 =	vld.idx.msk [tilespmem:v7+s1+$0x0], $0xffff  }
0x312: {  	v10 =	vtrunc.f32 v10;
	v16 =	vld.idx.msk [tilespmem:v24+s1+$0x0], $0xffff;
	v4 =	vcvt.f32.s32 v15;
	[tilespmem:s7+$0xFFFFFF80] =	vst v14  }
0x313: {  	v10 =	vcvt.f32.s32 v10;
	[tilespmem:s8+$0x10] =	vst v1;
	v6 =	vld.idx.msk [tilespmem:v6+s1+$0x0], $0xffff  }
0x314: {  	[tilespmem:s8+$0xFFFFFFD0] =	vst v11;
	v11 =	vld.idx.msk [tilespmem:v13+s1+$0x0], $0xffff  }
0x315: {  	[tilespmem:s8+$0x20] =	vst v9;
	v9 =	vld.idx.msk [tilespmem:v12+s1+$0x0], $0xffff  }
0x316: {  	[tilespmem:s8+$0x40] =	vst v5;
	v5 =	vld.idx.msk [tilespmem:v8+s1+$0x0], $0xffff  }
0x317: {  	[tilespmem:s8+$0x30] =	vst v16;
	v2 =	vld.idx.msk [tilespmem:v3+s1+$0x0], $0xffff  }
0x318: {  	v3 =	vld.idx.msk [tilespmem:v4+s1+$0x0], $0xffff;
	[tilespmem:s8+$0xFFFFFFF0] =	vst v6  }
0x319: {  	v4 =	vld.idx.msk [tilespmem:v10+s1+$0x0], $0xffff;
	[tilespmem:s8+$0x70] =	vst v11  }
0x31a: {  	[tilespmem:s8+$0xFFFFFFA0] =	vst v9  }
0x31b: {  	[tilespmem:s8+$0xFFFFFF80] =	vst v5  }
0x31c: {  	[tilespmem:s8+$0xFFFFFFC0] =	vst v2  }
0x31d: {  	[tilespmem:s8+$0xFFFFFFE0] =	vst v3  }
0x31e: {  	[tilespmem:s8+$0xFFFFFFB0] =	vst v4  }
0x31f: {  	s7 =	rddreg [dreg:$0xe]  }
0x320: {  	[hbm4b:s7+s1] =	stream.linear.scatter [tilespmem:s22], [sflag:$0x3], $0x6200, $0x38;
	[tilespmem:$0x18C80] =	vst v63  }
0x321: {  	_ = 	snop  }
0x322: {  	[tilespmem:s30], [sflag:$0x1] =	stream.linear.gather [hbm4b:s13+s1], $0x6200, $0x38;
	[tilespmem:$0x18C80] =	vst v63  }
0x323: {  	_ =	swait.ge [sflag:s2], $0x6200  }
0x324: {  	[sflag:s2] =	ssyncset.done $0x0  }
0x325: {  	[sflag:s2] =	ssyncadd.s32 $0xFFFF9E00  }
0x326: {  	_ =	swait.ge [sflag:s5], $0x6200  }
0x327: {  	[sflag:s5] =	ssyncset.done $0x0  }
0x328: {  	s11 =	simm.s32 $0x6700;
	[sflag:s5] =	ssyncadd.s32 $0xFFFF9E00  }
0x329: {  	v1 =	vld [tilespmem:s11+$0xFFFFFF90]  }
0x32a: {  	v2 =	vld [tilespmem:s11+$0x10]  }
0x32b: {  	v3 =	vld [tilespmem:s11+$0x50]  }
0x32c: {  	v4 =	vld [tilespmem:s11+$0x60]  }
0x32d: {  	v6 =	vld [tilespmem:s11+$0x0]  }
0x32e: {  	v7 =	vld [tilespmem:s11+$0x40]  }
0x32f: {  	v8 =	vld [tilespmem:s11+$0x30]  }
0x330: {  	v9 =	vld [tilespmem:s11+$0xFFFFFF80]  }
0x331: {  	v11 =	vld [tilespmem:s11+$0x20]  }
0x332: {  	v5 =	vld [tilespmem:s11+$0xFFFFFFD0];
	v1 =	vmul.f32 $3.200000000e+01, v1  }
0x333: {  	v12 =	vld [tilespmem:s11+$0xFFFFFFA0];
	v2 =	vmul.f32 $3.200000000e+01, v2;
	v3 =	vmul.f32 $3.200000000e+01, v3  }
0x334: {  	s12 =	simm.s32 $0x6800;
	v15 =	vld [tilespmem:s11+$0xFFFFFFB0];
	v4 =	vmul.f32 $3.200000000e+01, v4;
	v6 =	vmul.f32 $3.200000000e+01, v6  }
0x335: {  	v21 =	vld [tilespmem:s12+$0x60];
	v7 =	vmul.f32 $3.200000000e+01, v7;
	v8 =	vmul.f32 $3.200000000e+01, v8  }
0x336: {  	v23 =	vld [tilespmem:s12+$0xFFFFFFD0];
	v9 =	vmul.f32 $3.200000000e+01, v9;
	v11 =	vmul.f32 $3.200000000e+01, v11  }
0x337: {  	v5 =	vmul.f32 $3.200000000e+01, v5;
	v1 =	vadd.f32 $5.120000000e+02, v1;
	v2 =	vadd.f32 $5.120000000e+02, v2  }
0x338: {  	v12 =	vmul.f32 $3.200000000e+01, v12;
	v3 =	vadd.f32 $5.120000000e+02, v3;
	v4 =	vadd.f32 $5.120000000e+02, v4  }
0x339: {  	v15 =	vmul.f32 $3.200000000e+01, v15;
	v6 =	vadd.f32 $5.120000000e+02, v6;
	v8 =	vadd.f32 $5.120000000e+02, v8  }
0x33a: {  	v21 =	vmul.f32 $3.200000000e+01, v21;
	v9 =	vadd.f32 $5.120000000e+02, v9;
	v5 =	vadd.f32 $5.120000000e+02, v5  }
0x33b: {  	v23 =	vmul.f32 $3.200000000e+01, v23;
	v11 =	vadd.f32 $5.120000000e+02, v11;
	v15 =	vadd.f32 $5.120000000e+02, v15  }
0x33c: {  	v7 =	vadd.f32 $5.120000000e+02, v7;
	v1 =	vmax.f32 v1, $0.0e+00;
	v2 =	vmax.f32 v2, $0.0e+00  }
0x33d: {  	v3 =	vmax.f32 v3, $0.0e+00;
	v4 =	vmax.f32 v4, $0.0e+00;
	v6 =	vmax.f32 v6, $0.0e+00  }
0x33e: {  	v10 =	vld [tilespmem:s11+$0xFFFFFFE0];
	v8 =	vmax.f32 v8, $0.0e+00;
	v5 =	vmax.f32 v5, $0.0e+00;
	v1 =	vmin.f32 v1, $1.023000000e+03  }
0x33f: {  	v13 =	vld [tilespmem:s11+$0xFFFFFFF0];
	v3 =	vmin.f32 v3, $1.023000000e+03;
	v2 =	vmin.f32 v2, $1.023000000e+03;
	v1 =	vtrunc.f32 v1  }
0x340: {  	v4 =	vmin.f32 v4, $1.023000000e+03;
	v3 =	vtrunc.f32 v3;
	v2 =	vtrunc.f32 v2  }
0x341: {  	v6 =	vmin.f32 v6, $1.023000000e+03;
	v4 =	vtrunc.f32 v4;
	v3 =	vcvt.f32.s32 v3  }
0x342: {  	v15 =	vmax.f32 v15, $0.0e+00;
	v6 =	vtrunc.f32 v6;
	v1 =	vcvt.f32.s32 v1  }
0x343: {  	v8 =	vmin.f32 v8, $1.023000000e+03;
	v14 =	vcvt.f32.s32 v4;
	v4 =	vmul.f32 $3.200000000e+01, v10;
	v10 =	vld [tilespmem:s11+$0x70]  }
0x344: {  	v5 =	vmin.f32 v5, $1.023000000e+03;
	v16 =	vcvt.f32.s32 v6;
	v6 =	vmul.f32 $3.200000000e+01, v13;
	v13 =	vld [tilespmem:s11+$0xFFFFFFC0]  }
0x345: {  	v15 =	vmin.f32 v15, $1.023000000e+03;
	v8 =	vtrunc.f32 v8;
	v5 =	vtrunc.f32 v5  }
0x346: {  	v19 =	vld [tilespmem:s12+$0x20];
	v63 =	vtrunc.f32 v15;
	v4 =	vadd.f32 $5.120000000e+02, v4;
	v6 =	vadd.f32 $5.120000000e+02, v6  }
0x347: {  	v9 =	vmax.f32 v9, $0.0e+00;
	v8 =	vcvt.f32.s32 v8;
	v5 =	vcvt.f32.s32 v5;
	v17 =	vld.idx.msk [tilespmem:v3+s1+$0x0], $0xffff  }
0x348: {  	v4 =	vmax.f32 v4, $0.0e+00;
	v6 =	vmax.f32 v6, $0.0e+00;
	v10 =	vmul.f32 $3.200000000e+01, v10;
	v18 =	vld.idx.msk [tilespmem:v1+s1+$0x0], $0xffff  }
0x349: {  	v4 =	vmin.f32 v4, $1.023000000e+03;
	v13 =	vmul.f32 $3.200000000e+01, v13;
	v1 =	vmax.f32 v11, $0.0e+00;
	v11 =	vld [tilespmem:s12+$0x10]  }
0x34a: {  	v3 =	vadd.f32 $5.120000000e+02, v12;
	v12 =	vld [tilespmem:s12+$0xFFFFFF90];
	v22 =	vtrunc.f32 v4;
	v4 =	vmax.f32 v7, $0.0e+00  }
0x34b: {  	v20 =	vld [tilespmem:s12+$0x50];
	v10 =	vadd.f32 $5.120000000e+02, v10;
	v1 =	vmin.f32 v1, $1.023000000e+03;
	v13 =	vadd.f32 $5.120000000e+02, v13  }
0x34c: {  	v24 =	vld [tilespmem:s12+$0xFFFFFF80];
	v4 =	vmin.f32 v4, $1.023000000e+03;
	v1 =	vtrunc.f32 v1;
	v3 =	vmax.f32 v3, $0.0e+00  }
0x34d: {  	v25 =	vld [tilespmem:s12+$0xFFFFFFE0];
	v4 =	vtrunc.f32 v4;
	v10 =	vmax.f32 v10, $0.0e+00;
	v1 =	vcvt.f32.s32 v1  }
0x34e: {  	v29 =	vld [tilespmem:s12+$0x40];
	v3 =	vmin.f32 v3, $1.023000000e+03;
	v13 =	vmax.f32 v13, $0.0e+00;
	v7 =	vmul.f32 $3.200000000e+01, v11  }
0x34f: {  	v30 =	vld [tilespmem:s12+$0xFFFFFFA0];
	v11 =	vtrunc.f32 v3;
	v3 =	vmin.f32 v6, $1.023000000e+03;
	v6 =	vmul.f32 $3.200000000e+01, v12  }
0x350: {  	v8 =	vld.idx.msk [tilespmem:v8+s1+$0x0], $0xffff;
	v28 =	vcvt.f32.s32 v4;
	v4 =	vmul.f32 $3.200000000e+01, v20;
	v20 =	vadd.f32 $5.120000000e+02, v21  }
0x351: {  	s7 =	simm.s32 $0x12B00;
	v5 =	vld.idx.msk [tilespmem:v5+s1+$0x0], $0xffff;
	v10 =	vmin.f32 v10, $1.023000000e+03;
	v13 =	vmin.f32 v13, $1.023000000e+03;
	v27 =	vadd.f32 $5.120000000e+02, v6  }
0x352: {  	v12 =	vld [tilespmem:s12+$0x0];
	v10 =	vtrunc.f32 v10;
	[tilespmem:s7+$0x50] =	vst v17;
	v17 =	vmax.f32 v20, $0.0e+00;
	v3 =	vtrunc.f32 v3  }
0x353: {  	v14 =	vld.idx.msk [tilespmem:v14+s1+$0x0], $0xffff;
	v26 =	vcvt.f32.s32 v3;
	v3 =	vcvt.f32.s32 v2;
	v2 =	vmax.f32 v27, $0.0e+00  }
0x354: {  	v11 =	vcvt.f32.s32 v11;
	v21 =	vld.idx.msk [tilespmem:v1+s1+$0x0], $0xffff;
	v1 =	vmin.f32 v2, $1.023000000e+03;
	v2 =	vadd.f32 $5.120000000e+02, v4  }
0x355: {  	v13 =	vtrunc.f32 v13;
	v20 =	vld [tilespmem:s12+$0x70];
	v17 =	vmin.f32 v17, $1.023000000e+03;
	v1 =	vtrunc.f32 v1  }
0x356: {  	v7 =	vadd.f32 $5.120000000e+02, v7;
	v27 =	vld.idx.msk [tilespmem:v16+s1+$0x0], $0xffff;
	v4 =	vcvt.f32.s32 v1;
	v1 =	vmax.f32 v2, $0.0e+00  }
0x357: {  	v16 =	vld [tilespmem:s12+$0x30];
	v12 =	vmul.f32 $3.200000000e+01, v12;
	v2 =	vcvt.f32.s32 v22;
	v1 =	vmin.f32 v1, $1.023000000e+03  }
0x358: {  	v6 =	vld [tilespmem:s12+$0xFFFFFFF0];
	v7 =	vmax.f32 v7, $0.0e+00;
	v22 =	vcvt.f32.s32 v10;
	v10 =	vtrunc.f32 v1  }
0x359: {  	[tilespmem:s7+$0x60] =	vst v14;
	v13 =	vcvt.f32.s32 v13;
	v14 =	vld.idx.msk [tilespmem:v28+s1+$0x0], $0xffff;
	v7 =	vmin.f32 v7, $1.023000000e+03;
	v31 =	vcvt.f32.s32 v10  }
0x35a: {  	[tilespmem:s7+$0x30] =	vst v8;
	v11 =	vld.idx.msk [tilespmem:v11+s1+$0x0], $0xffff;
	v8 =	vadd.f32 $5.120000000e+02, v12;
	v12 =	vtrunc.f32 v17;
	v17 =	vmul.f32 $3.200000000e+01, v24  }
0x35b: {  	v26 =	vld.idx.msk [tilespmem:v26+s1+$0x0], $0xffff;
	v1 =	vtrunc.f32 v7;
	v7 =	vmin.f32 v9, $1.023000000e+03;
	v9 =	vmul.f32 $3.200000000e+01, v29  }
0x35c: {  	v23 =	vadd.f32 $5.120000000e+02, v23;
	v15 =	vmul.f32 $3.200000000e+01, v16;
	[tilespmem:s7+$0x20] =	vst v21;
	v21 =	vmul.f32 $3.200000000e+01, v19;
	v10 =	vld [tilespmem:s12+$0xFFFFFFB0]  }
0x35d: {  	[tilespmem:s7+$0xFFFFFFD0] =	vst v5;
	v5 =	vmax.f32 v8, $0.0e+00;
	v19 =	vmul.f32 $3.200000000e+01, v30;
	v16 =	vtrunc.f32 v7;
	v7 =	vld.idx.msk [tilespmem:v2+s1+$0x0], $0xffff  }
0x35e: {  	[tilespmem:s7+$0xFFFFFF90] =	vst v18;
	v5 =	vmin.f32 v5, $1.023000000e+03;
	v18 =	vadd.f32 $5.120000000e+02, v15;
	v2 =	vcvt.f32.s32 v12;
	v12 =	vld.idx.msk [tilespmem:v22+s1+$0x0], $0xffff  }
0x35f: {  	s9 =	simm.s32 $0x100;
	[tilespmem:s7+$0x0] =	vst v27;
	v8 =	vadd.f32 $5.120000000e+02, v17;
	v5 =	vtrunc.f32 v5;
	v22 =	vmul.f32 $3.200000000e+01, v25;
	v15 =	vld.idx.msk [tilespmem:v31+s1+$0x0], $0xffff  }
0x360: {  	s10 =	simm.s32 $0x12C00;
	s8 =	simm.s32 $0x12C00;
	s11 =	simm.s32 $0x6900;
	v17 =	vcvt.f32.s32 v63;
	v5 =	vcvt.f32.s32 v5;
	v24 =	vmax.f32 v18, $0.0e+00;
	[tilespmem:s7+$0xFFFFFFF0] =	vst v26;
	v18 =	vld [tilespmem:s12+$0xFFFFFFC0]  }
.LBB2_14:
0x361: {  	s9 =	sadd.s32 $0x100, s9;
	v22 =	vadd.f32 $5.120000000e+02, v22;
	v6 =	vmul.f32 $3.200000000e+01, v6;
	s10 =	sadd.s32 $0x100, s10;
	v16 =	vcvt.f32.s32 v16;
	v13 =	vld.idx.msk [tilespmem:v13+s1+$0x0], $0xffff  }
0x362: {  	v21 =	vadd.f32 $5.120000000e+02, v21;
	v24 =	vmin.f32 v24, $1.023000000e+03;
	v25 =	vld [tilespmem:s11+$0xFFFFFF90];
	p0 =	slt.u32 s9, $0x6100;
	v20 =	vmul.f32 $3.200000000e+01, v20;
	[tilespmem:s7+$0xFFFFFFA0] =	vst v11  }
0x363: {  	v11 =	vld.idx.msk [tilespmem:v4+s1+$0x0], $0xffff;
	v4 =	vmul.f32 $3.200000000e+01, v10;
	v10 =	vmax.f32 v22, $0.0e+00;
	v6 =	vadd.f32 $5.120000000e+02, v6;
	[tilespmem:s7+$0x70] =	vst v12  }
0x364: {  	v12 =	vadd.f32 $5.120000000e+02, v19;
	v19 =	vmax.f32 v23, $0.0e+00;
	[tilespmem:s8+$0x50] =	vst v15;
	v15 =	vadd.f32 $5.120000000e+02, v20;
	v3 =	vld.idx.msk [tilespmem:v3+s1+$0x0], $0xffff  }
0x365: {  	v19 =	vmin.f32 v19, $1.023000000e+03;
	v10 =	vmin.f32 v10, $1.023000000e+03;
	v20 =	vld [tilespmem:s11+$0x10];
	v4 =	vadd.f32 $5.120000000e+02, v4;
	[tilespmem:s7+$0x40] =	vst v14  }
0x366: {  	v9 =	vadd.f32 $5.120000000e+02, v9;
	v14 =	vmax.f32 v21, $0.0e+00;
	v21 =	vtrunc.f32 v24;
	v17 =	vld.idx.msk [tilespmem:v17+s1+$0x0], $0xffff  }
0x367: {  	v18 =	vmul.f32 $3.200000000e+01, v18;
	v14 =	vmin.f32 v14, $1.023000000e+03;
	v21 =	vcvt.f32.s32 v21;
	v16 =	vld.idx.msk [tilespmem:v16+s1+$0x0], $0xffff;
	[tilespmem:s7+$0xFFFFFFC0] =	vst v13  }
0x368: {  	v15 =	vmax.f32 v15, $0.0e+00;
	v13 =	vtrunc.f32 v19;
	v14 =	vtrunc.f32 v14;
	v23 =	vld [tilespmem:s11+$0xFFFFFFD0]  }
0x369: {  	v12 =	vmax.f32 v12, $0.0e+00;
	v18 =	vadd.f32 $5.120000000e+02, v18;
	v14 =	vcvt.f32.s32 v14;
	v19 =	vld [tilespmem:s11+$0x20]  }
0x36a: {  	v6 =	vmax.f32 v6, $0.0e+00;
	v4 =	vmax.f32 v4, $0.0e+00;
	v13 =	vcvt.f32.s32 v13;
	v22 =	vld [tilespmem:s11+$0x50];
	[tilespmem:s7+$0x10] =	vst v3  }
0x36b: {  	v9 =	vmax.f32 v9, $0.0e+00;
	v10 =	vtrunc.f32 v10;
	v12 =	vmin.f32 v12, $1.023000000e+03;
	v3 =	vld [tilespmem:s11+$0x60];
	[tilespmem:s7+$0xFFFFFFE0] =	vst v7  }
0x36c: {  	v6 =	vmin.f32 v6, $1.023000000e+03;
	v12 =	vtrunc.f32 v12;
	v7 =	vmul.f32 $3.200000000e+01, v20;
	v24 =	vld [tilespmem:s11+$0xFFFFFF80];
	[tilespmem:s7+$0xFFFFFFB0] =	vst v17  }
0x36d: {  	v8 =	vmax.f32 v8, $0.0e+00;
	v9 =	vmin.f32 v9, $1.023000000e+03;
	v6 =	vtrunc.f32 v6;
	v17 =	vld [tilespmem:s11+$0xFFFFFFE0];
	[tilespmem:s7+$0xFFFFFF80] =	vst v16;
	s7 =	smov.u32 s8;
	s8 =	smov.u32 s10  }
0x36e: {  	v9 =	vtrunc.f32 v9;
	v16 =	vmul.f32 $3.200000000e+01, v25;
	v7 =	vadd.f32 $5.120000000e+02, v7;
	v20 =	vld [tilespmem:s11+$0x0]  }
0x36f: {  	v15 =	vmin.f32 v15, $1.023000000e+03;
	v18 =	vmax.f32 v18, $0.0e+00;
	v25 =	vcvt.f32.s32 v6;
	v21 =	vld.idx.msk [tilespmem:v21+s1+$0x0], $0xffff  }
0x370: {  	v27 =	vcvt.f32.s32 v9;
	v16 =	vadd.f32 $5.120000000e+02, v16;
	v6 =	vld [tilespmem:s11+$0xFFFFFFF0];
	v26 =	vmul.f32 $3.200000000e+01, v3  }
0x371: {  	v7 =	vmax.f32 v7, $0.0e+00;
	v22 =	vmul.f32 $3.200000000e+01, v22;
	v3 =	vcvt.f32.s32 v1;
	v9 =	vld [tilespmem:s11+$0x40]  }
0x372: {  	v12 =	vcvt.f32.s32 v12;
	v1 =	vmax.f32 v16, $0.0e+00;
	v16 =	vadd.f32 $5.120000000e+02, v26;
	v14 =	vld.idx.msk [tilespmem:v14+s1+$0x0], $0xffff  }
0x373: {  	v15 =	vtrunc.f32 v15;
	v22 =	vadd.f32 $5.120000000e+02, v22;
	v1 =	vmin.f32 v1, $1.023000000e+03;
	v13 =	vld.idx.msk [tilespmem:v13+s1+$0x0], $0xffff  }
0x374: {  	v18 =	vmin.f32 v18, $1.023000000e+03;
	v26 =	vmin.f32 v4, $1.023000000e+03;
	v1 =	vtrunc.f32 v1;
	v5 =	vld.idx.msk [tilespmem:v5+s1+$0x0], $0xffff  }
0x375: {  	v4 =	vcvt.f32.s32 v1;
	v1 =	vmax.f32 v22, $0.0e+00;
	v22 =	vcvt.f32.s32 v10;
	v28 =	vld [tilespmem:s11+$0x30];
	[tilespmem:s7+$0xFFFFFF90] =	vst v11  }
0x376: {  	v15 =	vcvt.f32.s32 v15;
	v20 =	vmul.f32 $3.200000000e+01, v20;
	v1 =	vmin.f32 v1, $1.023000000e+03;
	v29 =	vld [tilespmem:s11+$0xFFFFFFA0];
	[tilespmem:s7+$0x30] =	vst v21  }
0x377: {  	v18 =	vtrunc.f32 v18;
	v7 =	vmin.f32 v7, $1.023000000e+03;
	v10 =	vtrunc.f32 v1;
	v30 =	vld.idx.msk [tilespmem:v2+s1+$0x0], $0xffff  }
0x378: {  	v1 =	vtrunc.f32 v7;
	v31 =	vcvt.f32.s32 v10;
	v2 =	vmin.f32 v8, $1.023000000e+03;
	v25 =	vld.idx.msk [tilespmem:v25+s1+$0x0], $0xffff;
	[tilespmem:s7+$0x20] =	vst v14  }
0x379: {  	v26 =	vtrunc.f32 v26;
	v9 =	vmul.f32 $3.200000000e+01, v9;
	v7 =	vmax.f32 v16, $0.0e+00;
	v10 =	vld [tilespmem:s11+$0xFFFFFFB0];
	[tilespmem:s7+$0xFFFFFFD0] =	vst v13  }
0x37a: {  	v7 =	vmin.f32 v7, $1.023000000e+03;
	v16 =	vtrunc.f32 v2;
	v8 =	vmul.f32 $3.200000000e+01, v28;
	v11 =	vld.idx.msk [tilespmem:v12+s1+$0x0], $0xffff;
	[tilespmem:s7+$0x0] =	vst v5  }
0x37b: {  	v2 =	vtrunc.f32 v7;
	v13 =	vcvt.f32.s32 v18;
	v5 =	vadd.f32 $5.120000000e+02, v20;
	v7 =	vld.idx.msk [tilespmem:v22+s1+$0x0], $0xffff  }
.Ltmp6:
0x37c: {  	v14 =	vmul.f32 $3.200000000e+01, v24;
	v2 =	vcvt.f32.s32 v2;
	v18 =	vadd.f32 $5.120000000e+02, v8;
	v12 =	vld.idx.msk [tilespmem:v15+s1+$0x0], $0xffff;
	(pc) =	sbr.rel @p0 .LBB2_14-.Ltmp6, $4  }
0x37d: {  	v21 =	vmul.f32 $3.200000000e+01, v19;
	v22 =	vmul.f32 $3.200000000e+01, v17;
	v5 =	vmax.f32 v5, $0.0e+00;
	v20 =	vld [tilespmem:s11+$0x70];
	[tilespmem:s7+$0x60] =	vst v30  }
0x37e: {  	v19 =	vmul.f32 $3.200000000e+01, v29;
	v17 =	vmul.f32 $3.200000000e+01, v23;
	v5 =	vmin.f32 v5, $1.023000000e+03;
	v15 =	vld.idx.msk [tilespmem:v31+s1+$0x0], $0xffff  }
0x37f: {  	v8 =	vadd.f32 $5.120000000e+02, v14;
	v5 =	vtrunc.f32 v5;
	v24 =	vmax.f32 v18, $0.0e+00;
	[tilespmem:s7+$0xFFFFFFF0] =	vst v25;
	v14 =	vld.idx.msk [tilespmem:v27+s1+$0x0], $0xffff  }
0x380: {  	v23 =	vadd.f32 $5.120000000e+02, v17;
	v17 =	vcvt.f32.s32 v26;
	v5 =	vcvt.f32.s32 v5;
	v18 =	vld [tilespmem:s11+$0xFFFFFFC0];
	s11 =	sadd.s32 $0x100, s11  }
0x381: {  	v22 =	vadd.f32 $5.120000000e+02, v22;
	v6 =	vmul.f32 $3.200000000e+01, v6;
	v16 =	vcvt.f32.s32 v16  }
0x382: {  	v21 =	vadd.f32 $5.120000000e+02, v21;
	v24 =	vmin.f32 v24, $1.023000000e+03;
	v10 =	vmul.f32 $3.200000000e+01, v10  }
0x383: {  	v19 =	vadd.f32 $5.120000000e+02, v19;
	v9 =	vadd.f32 $5.120000000e+02, v9;
	v8 =	vmax.f32 v8, $0.0e+00  }
0x384: {  	v1 =	vcvt.f32.s32 v1;
	v20 =	vmul.f32 $3.200000000e+01, v20;
	v23 =	vmax.f32 v23, $0.0e+00  }
0x385: {  	v24 =	vtrunc.f32 v24;
	v8 =	vmin.f32 v8, $1.023000000e+03;
	v22 =	vmax.f32 v22, $0.0e+00  }
0x386: {  	v6 =	vadd.f32 $5.120000000e+02, v6;
	v10 =	vadd.f32 $5.120000000e+02, v10;
	v23 =	vmin.f32 v23, $1.023000000e+03  }
0x387: {  	[tilespmem:s7+$0x70] =	vst v12;
	v21 =	vmax.f32 v21, $0.0e+00;
	v24 =	vcvt.f32.s32 v24;
	v12 =	vmax.f32 v19, $0.0e+00  }
0x388: {  	v13 =	vld.idx.msk [tilespmem:v13+s1+$0x0], $0xffff;
	v9 =	vmax.f32 v9, $0.0e+00;
	v8 =	vtrunc.f32 v8;
	v20 =	vadd.f32 $5.120000000e+02, v20  }
0x389: {  	[tilespmem:s7+$0xFFFFFFA0] =	vst v11;
	v3 =	vld.idx.msk [tilespmem:v3+s1+$0x0], $0xffff;
	v21 =	vmin.f32 v21, $1.023000000e+03;
	v11 =	vtrunc.f32 v23;
	v18 =	vmul.f32 $3.200000000e+01, v18  }
0x38a: {  	v4 =	vld.idx.msk [tilespmem:v4+s1+$0x0], $0xffff;
	[tilespmem:s7+$0xFFFFFFE0] =	vst v7;
	v9 =	vmin.f32 v9, $1.023000000e+03;
	v21 =	vtrunc.f32 v21;
	v11 =	vcvt.f32.s32 v11  }
0x38b: {  	v2 =	vld.idx.msk [tilespmem:v2+s1+$0x0], $0xffff;
	[tilespmem:s8+$0x50] =	vst v15;
	v6 =	vmax.f32 v6, $0.0e+00;
	v7 =	vtrunc.f32 v9;
	v21 =	vcvt.f32.s32 v21  }
0x38c: {  	v5 =	vld.idx.msk [tilespmem:v5+s1+$0x0], $0xffff;
	[tilespmem:s7+$0x40] =	vst v14;
	v20 =	vmax.f32 v20, $0.0e+00;
	v6 =	vmin.f32 v6, $1.023000000e+03;
	v7 =	vcvt.f32.s32 v7  }
0x38d: {  	v15 =	vld.idx.msk [tilespmem:v17+s1+$0x0], $0xffff;
	[tilespmem:s7+$0xFFFFFFC0] =	vst v13;
	v17 =	vadd.f32 $5.120000000e+02, v18;
	v6 =	vtrunc.f32 v6;
	v13 =	vmin.f32 v20, $1.023000000e+03  }
0x38e: {  	v12 =	vmin.f32 v12, $1.023000000e+03;
	[tilespmem:s7+$0x10] =	vst v3;
	v14 =	vld.idx.msk [tilespmem:v16+s1+$0x0], $0xffff;
	v6 =	vcvt.f32.s32 v6;
	v13 =	vtrunc.f32 v13  }
0x38f: {  	v12 =	vtrunc.f32 v12;
	[tilespmem:s8+$0xFFFFFF90] =	vst v4;
	v1 =	vld.idx.msk [tilespmem:v1+s1+$0x0], $0xffff;
	v3 =	vmax.f32 v17, $0.0e+00;
	v13 =	vcvt.f32.s32 v13  }
0x390: {  	v8 =	vcvt.f32.s32 v8;
	v12 =	vcvt.f32.s32 v12;
	[tilespmem:s8+$0x60] =	vst v2;
	v3 =	vmin.f32 v3, $1.023000000e+03;
	v11 =	vld.idx.msk [tilespmem:v11+s1+$0x0], $0xffff  }
0x391: {  	v10 =	vmax.f32 v10, $0.0e+00;
	[tilespmem:s8+$0x0] =	vst v5;
	v17 =	vmin.f32 v22, $1.023000000e+03;
	v3 =	vtrunc.f32 v3;
	v9 =	vld.idx.msk [tilespmem:v21+s1+$0x0], $0xffff  }
0x392: {  	v10 =	vmin.f32 v10, $1.023000000e+03;
	[tilespmem:s7+$0xFFFFFFB0] =	vst v15;
	v15 =	vtrunc.f32 v17;
	v3 =	vcvt.f32.s32 v3;
	v5 =	vld.idx.msk [tilespmem:v7+s1+$0x0], $0xffff  }
0x393: {  	v10 =	vtrunc.f32 v10;
	v16 =	vld.idx.msk [tilespmem:v24+s1+$0x0], $0xffff;
	v4 =	vcvt.f32.s32 v15;
	[tilespmem:s7+$0xFFFFFF80] =	vst v14  }
0x394: {  	v10 =	vcvt.f32.s32 v10;
	[tilespmem:s8+$0x10] =	vst v1;
	v6 =	vld.idx.msk [tilespmem:v6+s1+$0x0], $0xffff  }
0x395: {  	[tilespmem:s8+$0xFFFFFFD0] =	vst v11;
	v11 =	vld.idx.msk [tilespmem:v13+s1+$0x0], $0xffff  }
0x396: {  	[tilespmem:s8+$0x20] =	vst v9;
	v9 =	vld.idx.msk [tilespmem:v12+s1+$0x0], $0xffff  }
0x397: {  	[tilespmem:s8+$0x40] =	vst v5;
	v5 =	vld.idx.msk [tilespmem:v8+s1+$0x0], $0xffff  }
0x398: {  	[tilespmem:s8+$0x30] =	vst v16;
	v2 =	vld.idx.msk [tilespmem:v3+s1+$0x0], $0xffff  }
0x399: {  	v3 =	vld.idx.msk [tilespmem:v4+s1+$0x0], $0xffff;
	[tilespmem:s8+$0xFFFFFFF0] =	vst v6  }
0x39a: {  	v4 =	vld.idx.msk [tilespmem:v10+s1+$0x0], $0xffff;
	[tilespmem:s8+$0x70] =	vst v11  }
0x39b: {  	[tilespmem:s8+$0xFFFFFFA0] =	vst v9  }
0x39c: {  	[tilespmem:s8+$0xFFFFFF80] =	vst v5  }
0x39d: {  	[tilespmem:s8+$0xFFFFFFC0] =	vst v2  }
0x39e: {  	[tilespmem:s8+$0xFFFFFFE0] =	vst v3  }
0x39f: {  	[tilespmem:s8+$0xFFFFFFB0] =	vst v4  }
0x3a0: {  	[hbm4b:s14+s1] =	stream.linear.scatter [tilespmem:s3], [sflag:$0x4], $0x6200, $0x38;
	[tilespmem:$0x18C80] =	vst v63  }
0x3a1: {  	_ = 	snop  }
0x3a2: {  	[tilespmem:s31], [sflag:$0x2] =	stream.linear.gather [hbm4b:s15+s1], $0x6200, $0x38;
	[tilespmem:$0x18C80] =	vst v63  }
0x3a3: {  	_ =	swait.ge [sflag:s23], $0x6200  }
0x3a4: {  	[sflag:s23] =	ssyncset.done $0x0  }
0x3a5: {  	[sflag:s23] =	ssyncadd.s32 $0xFFFF9E00  }
0x3a6: {  	_ =	swait.ge [sflag:s4], $0x6200  }
0x3a7: {  	[sflag:s4] =	ssyncset.done $0x0  }
0x3a8: {  	s11 =	simm.s32 $0x500;
	[sflag:s4] =	ssyncadd.s32 $0xFFFF9E00  }
0x3a9: {  	v1 =	vld [tilespmem:s11+$0xFFFFFF90]  }
0x3aa: {  	v2 =	vld [tilespmem:s11+$0x10]  }
0x3ab: {  	v3 =	vld [tilespmem:s11+$0x50]  }
0x3ac: {  	v4 =	vld [tilespmem:s11+$0x60]  }
0x3ad: {  	v6 =	vld [tilespmem:s11+$0x0]  }
0x3ae: {  	v7 =	vld [tilespmem:s11+$0x40]  }
0x3af: {  	v8 =	vld [tilespmem:s11+$0x30]  }
0x3b0: {  	v9 =	vld [tilespmem:s11+$0xFFFFFF80]  }
0x3b1: {  	v11 =	vld [tilespmem:s11+$0x20]  }
0x3b2: {  	v5 =	vld [tilespmem:s11+$0xFFFFFFD0];
	v1 =	vmul.f32 $3.200000000e+01, v1  }
0x3b3: {  	v12 =	vld [tilespmem:s11+$0xFFFFFFA0];
	v2 =	vmul.f32 $3.200000000e+01, v2;
	v3 =	vmul.f32 $3.200000000e+01, v3  }
0x3b4: {  	s12 =	simm.s32 $0x600;
	v15 =	vld [tilespmem:s11+$0xFFFFFFB0];
	v4 =	vmul.f32 $3.200000000e+01, v4;
	v6 =	vmul.f32 $3.200000000e+01, v6  }
0x3b5: {  	v21 =	vld [tilespmem:s12+$0x60];
	v7 =	vmul.f32 $3.200000000e+01, v7;
	v8 =	vmul.f32 $3.200000000e+01, v8  }
0x3b6: {  	v23 =	vld [tilespmem:s12+$0xFFFFFFD0];
	v9 =	vmul.f32 $3.200000000e+01, v9;
	v11 =	vmul.f32 $3.200000000e+01, v11  }
0x3b7: {  	v5 =	vmul.f32 $3.200000000e+01, v5;
	v1 =	vadd.f32 $5.120000000e+02, v1;
	v2 =	vadd.f32 $5.120000000e+02, v2  }
0x3b8: {  	v12 =	vmul.f32 $3.200000000e+01, v12;
	v3 =	vadd.f32 $5.120000000e+02, v3;
	v4 =	vadd.f32 $5.120000000e+02, v4  }
0x3b9: {  	v15 =	vmul.f32 $3.200000000e+01, v15;
	v6 =	vadd.f32 $5.120000000e+02, v6;
	v8 =	vadd.f32 $5.120000000e+02, v8  }
0x3ba: {  	v21 =	vmul.f32 $3.200000000e+01, v21;
	v9 =	vadd.f32 $5.120000000e+02, v9;
	v5 =	vadd.f32 $5.120000000e+02, v5  }
0x3bb: {  	v23 =	vmul.f32 $3.200000000e+01, v23;
	v11 =	vadd.f32 $5.120000000e+02, v11;
	v15 =	vadd.f32 $5.120000000e+02, v15  }
0x3bc: {  	v7 =	vadd.f32 $5.120000000e+02, v7;
	v1 =	vmax.f32 v1, $0.0e+00;
	v2 =	vmax.f32 v2, $0.0e+00  }
0x3bd: {  	v3 =	vmax.f32 v3, $0.0e+00;
	v4 =	vmax.f32 v4, $0.0e+00;
	v6 =	vmax.f32 v6, $0.0e+00  }
0x3be: {  	v10 =	vld [tilespmem:s11+$0xFFFFFFE0];
	v8 =	vmax.f32 v8, $0.0e+00;
	v5 =	vmax.f32 v5, $0.0e+00;
	v1 =	vmin.f32 v1, $1.023000000e+03  }
0x3bf: {  	v13 =	vld [tilespmem:s11+$0xFFFFFFF0];
	v3 =	vmin.f32 v3, $1.023000000e+03;
	v2 =	vmin.f32 v2, $1.023000000e+03;
	v1 =	vtrunc.f32 v1  }
0x3c0: {  	v4 =	vmin.f32 v4, $1.023000000e+03;
	v3 =	vtrunc.f32 v3;
	v2 =	vtrunc.f32 v2  }
0x3c1: {  	v6 =	vmin.f32 v6, $1.023000000e+03;
	v4 =	vtrunc.f32 v4;
	v3 =	vcvt.f32.s32 v3  }
0x3c2: {  	v15 =	vmax.f32 v15, $0.0e+00;
	v6 =	vtrunc.f32 v6;
	v1 =	vcvt.f32.s32 v1  }
0x3c3: {  	v8 =	vmin.f32 v8, $1.023000000e+03;
	v14 =	vcvt.f32.s32 v4;
	v4 =	vmul.f32 $3.200000000e+01, v10;
	v10 =	vld [tilespmem:s11+$0x70]  }
0x3c4: {  	v5 =	vmin.f32 v5, $1.023000000e+03;
	v16 =	vcvt.f32.s32 v6;
	v6 =	vmul.f32 $3.200000000e+01, v13;
	v13 =	vld [tilespmem:s11+$0xFFFFFFC0]  }
0x3c5: {  	v15 =	vmin.f32 v15, $1.023000000e+03;
	v8 =	vtrunc.f32 v8;
	v5 =	vtrunc.f32 v5  }
0x3c6: {  	v19 =	vld [tilespmem:s12+$0x20];
	v63 =	vtrunc.f32 v15;
	v4 =	vadd.f32 $5.120000000e+02, v4;
	v6 =	vadd.f32 $5.120000000e+02, v6  }
0x3c7: {  	v9 =	vmax.f32 v9, $0.0e+00;
	v8 =	vcvt.f32.s32 v8;
	v5 =	vcvt.f32.s32 v5;
	v17 =	vld.idx.msk [tilespmem:v3+s1+$0x0], $0xffff  }
0x3c8: {  	v4 =	vmax.f32 v4, $0.0e+00;
	v6 =	vmax.f32 v6, $0.0e+00;
	v10 =	vmul.f32 $3.200000000e+01, v10;
	v18 =	vld.idx.msk [tilespmem:v1+s1+$0x0], $0xffff  }
0x3c9: {  	v4 =	vmin.f32 v4, $1.023000000e+03;
	v13 =	vmul.f32 $3.200000000e+01, v13;
	v1 =	vmax.f32 v11, $0.0e+00;
	v11 =	vld [tilespmem:s12+$0x10]  }
0x3ca: {  	v3 =	vadd.f32 $5.120000000e+02, v12;
	v12 =	vld [tilespmem:s12+$0xFFFFFF90];
	v22 =	vtrunc.f32 v4;
	v4 =	vmax.f32 v7, $0.0e+00  }
0x3cb: {  	v20 =	vld [tilespmem:s12+$0x50];
	v10 =	vadd.f32 $5.120000000e+02, v10;
	v1 =	vmin.f32 v1, $1.023000000e+03;
	v13 =	vadd.f32 $5.120000000e+02, v13  }
0x3cc: {  	v24 =	vld [tilespmem:s12+$0xFFFFFF80];
	v4 =	vmin.f32 v4, $1.023000000e+03;
	v1 =	vtrunc.f32 v1;
	v3 =	vmax.f32 v3, $0.0e+00  }
0x3cd: {  	v25 =	vld [tilespmem:s12+$0xFFFFFFE0];
	v4 =	vtrunc.f32 v4;
	v10 =	vmax.f32 v10, $0.0e+00;
	v1 =	vcvt.f32.s32 v1  }
0x3ce: {  	v29 =	vld [tilespmem:s12+$0x40];
	v3 =	vmin.f32 v3, $1.023000000e+03;
	v13 =	vmax.f32 v13, $0.0e+00;
	v7 =	vmul.f32 $3.200000000e+01, v11  }
0x3cf: {  	v30 =	vld [tilespmem:s12+$0xFFFFFFA0];
	v11 =	vtrunc.f32 v3;
	v3 =	vmin.f32 v6, $1.023000000e+03;
	v6 =	vmul.f32 $3.200000000e+01, v12  }
0x3d0: {  	v8 =	vld.idx.msk [tilespmem:v8+s1+$0x0], $0xffff;
	v28 =	vcvt.f32.s32 v4;
	v4 =	vmul.f32 $3.200000000e+01, v20;
	v20 =	vadd.f32 $5.120000000e+02, v21  }
0x3d1: {  	s7 =	simm.s32 $0xC900;
	v5 =	vld.idx.msk [tilespmem:v5+s1+$0x0], $0xffff;
	v10 =	vmin.f32 v10, $1.023000000e+03;
	v13 =	vmin.f32 v13, $1.023000000e+03;
	v27 =	vadd.f32 $5.120000000e+02, v6  }
0x3d2: {  	v12 =	vld [tilespmem:s12+$0x0];
	v10 =	vtrunc.f32 v10;
	[tilespmem:s7+$0x50] =	vst v17;
	v17 =	vmax.f32 v20, $0.0e+00;
	v3 =	vtrunc.f32 v3  }
0x3d3: {  	v14 =	vld.idx.msk [tilespmem:v14+s1+$0x0], $0xffff;
	v26 =	vcvt.f32.s32 v3;
	v3 =	vcvt.f32.s32 v2;
	v2 =	vmax.f32 v27, $0.0e+00  }
0x3d4: {  	v11 =	vcvt.f32.s32 v11;
	v21 =	vld.idx.msk [tilespmem:v1+s1+$0x0], $0xffff;
	v1 =	vmin.f32 v2, $1.023000000e+03;
	v2 =	vadd.f32 $5.120000000e+02, v4  }
0x3d5: {  	v13 =	vtrunc.f32 v13;
	v20 =	vld [tilespmem:s12+$0x70];
	v17 =	vmin.f32 v17, $1.023000000e+03;
	v1 =	vtrunc.f32 v1  }
0x3d6: {  	v7 =	vadd.f32 $5.120000000e+02, v7;
	v27 =	vld.idx.msk [tilespmem:v16+s1+$0x0], $0xffff;
	v4 =	vcvt.f32.s32 v1;
	v1 =	vmax.f32 v2, $0.0e+00  }
0x3d7: {  	v16 =	vld [tilespmem:s12+$0x30];
	v12 =	vmul.f32 $3.200000000e+01, v12;
	v2 =	vcvt.f32.s32 v22;
	v1 =	vmin.f32 v1, $1.023000000e+03  }
0x3d8: {  	v6 =	vld [tilespmem:s12+$0xFFFFFFF0];
	v7 =	vmax.f32 v7, $0.0e+00;
	v22 =	vcvt.f32.s32 v10;
	v10 =	vtrunc.f32 v1  }
0x3d9: {  	[tilespmem:s7+$0x60] =	vst v14;
	v13 =	vcvt.f32.s32 v13;
	v14 =	vld.idx.msk [tilespmem:v28+s1+$0x0], $0xffff;
	v7 =	vmin.f32 v7, $1.023000000e+03;
	v31 =	vcvt.f32.s32 v10  }
0x3da: {  	[tilespmem:s7+$0x30] =	vst v8;
	v11 =	vld.idx.msk [tilespmem:v11+s1+$0x0], $0xffff;
	v8 =	vadd.f32 $5.120000000e+02, v12;
	v12 =	vtrunc.f32 v17;
	v17 =	vmul.f32 $3.200000000e+01, v24  }
0x3db: {  	v26 =	vld.idx.msk [tilespmem:v26+s1+$0x0], $0xffff;
	v1 =	vtrunc.f32 v7;
	v7 =	vmin.f32 v9, $1.023000000e+03;
	v9 =	vmul.f32 $3.200000000e+01, v29  }
0x3dc: {  	v23 =	vadd.f32 $5.120000000e+02, v23;
	v15 =	vmul.f32 $3.200000000e+01, v16;
	[tilespmem:s7+$0x20] =	vst v21;
	v21 =	vmul.f32 $3.200000000e+01, v19;
	v10 =	vld [tilespmem:s12+$0xFFFFFFB0]  }
0x3dd: {  	[tilespmem:s7+$0xFFFFFFD0] =	vst v5;
	v5 =	vmax.f32 v8, $0.0e+00;
	v19 =	vmul.f32 $3.200000000e+01, v30;
	v16 =	vtrunc.f32 v7;
	v7 =	vld.idx.msk [tilespmem:v2+s1+$0x0], $0xffff  }
0x3de: {  	[tilespmem:s7+$0xFFFFFF90] =	vst v18;
	v5 =	vmin.f32 v5, $1.023000000e+03;
	v18 =	vadd.f32 $5.120000000e+02, v15;
	v2 =	vcvt.f32.s32 v12;
	v12 =	vld.idx.msk [tilespmem:v22+s1+$0x0], $0xffff  }
0x3df: {  	s9 =	simm.s32 $0x100;
	[tilespmem:s7+$0x0] =	vst v27;
	v8 =	vadd.f32 $5.120000000e+02, v17;
	v5 =	vtrunc.f32 v5;
	v22 =	vmul.f32 $3.200000000e+01, v25;
	v15 =	vld.idx.msk [tilespmem:v31+s1+$0x0], $0xffff  }
0x3e0: {  	s10 =	simm.s32 $0xCA00;
	s8 =	simm.s32 $0xCA00;
	s11 =	simm.s32 $0x700;
	v17 =	vcvt.f32.s32 v63;
	v5 =	vcvt.f32.s32 v5;
	v24 =	vmax.f32 v18, $0.0e+00;
	[tilespmem:s7+$0xFFFFFFF0] =	vst v26;
	v18 =	vld [tilespmem:s12+$0xFFFFFFC0]  }
.LBB2_16:
0x3e1: {  	s9 =	sadd.s32 $0x100, s9;
	v22 =	vadd.f32 $5.120000000e+02, v22;
	v6 =	vmul.f32 $3.200000000e+01, v6;
	s10 =	sadd.s32 $0x100, s10;
	v16 =	vcvt.f32.s32 v16;
	v13 =	vld.idx.msk [tilespmem:v13+s1+$0x0], $0xffff  }
0x3e2: {  	v21 =	vadd.f32 $5.120000000e+02, v21;
	v24 =	vmin.f32 v24, $1.023000000e+03;
	v25 =	vld [tilespmem:s11+$0xFFFFFF90];
	p0 =	slt.u32 s9, $0x6100;
	v20 =	vmul.f32 $3.200000000e+01, v20;
	[tilespmem:s7+$0xFFFFFFA0] =	vst v11  }
0x3e3: {  	v11 =	vld.idx.msk [tilespmem:v4+s1+$0x0], $0xffff;
	v4 =	vmul.f32 $3.200000000e+01, v10;
	v10 =	vmax.f32 v22, $0.0e+00;
	v6 =	vadd.f32 $5.120000000e+02, v6;
	[tilespmem:s7+$0x70] =	vst v12  }
0x3e4: {  	v12 =	vadd.f32 $5.120000000e+02, v19;
	v19 =	vmax.f32 v23, $0.0e+00;
	[tilespmem:s8+$0x50] =	vst v15;
	v15 =	vadd.f32 $5.120000000e+02, v20;
	v3 =	vld.idx.msk [tilespmem:v3+s1+$0x0], $0xffff  }
0x3e5: {  	v19 =	vmin.f32 v19, $1.023000000e+03;
	v10 =	vmin.f32 v10, $1.023000000e+03;
	v20 =	vld [tilespmem:s11+$0x10];
	v4 =	vadd.f32 $5.120000000e+02, v4;
	[tilespmem:s7+$0x40] =	vst v14  }
0x3e6: {  	v9 =	vadd.f32 $5.120000000e+02, v9;
	v14 =	vmax.f32 v21, $0.0e+00;
	v21 =	vtrunc.f32 v24;
	v17 =	vld.idx.msk [tilespmem:v17+s1+$0x0], $0xffff  }
0x3e7: {  	v18 =	vmul.f32 $3.200000000e+01, v18;
	v14 =	vmin.f32 v14, $1.023000000e+03;
	v21 =	vcvt.f32.s32 v21;
	v16 =	vld.idx.msk [tilespmem:v16+s1+$0x0], $0xffff;
	[tilespmem:s7+$0xFFFFFFC0] =	vst v13  }
0x3e8: {  	v15 =	vmax.f32 v15, $0.0e+00;
	v13 =	vtrunc.f32 v19;
	v14 =	vtrunc.f32 v14;
	v23 =	vld [tilespmem:s11+$0xFFFFFFD0]  }
0x3e9: {  	v12 =	vmax.f32 v12, $0.0e+00;
	v18 =	vadd.f32 $5.120000000e+02, v18;
	v14 =	vcvt.f32.s32 v14;
	v19 =	vld [tilespmem:s11+$0x20]  }
0x3ea: {  	v6 =	vmax.f32 v6, $0.0e+00;
	v4 =	vmax.f32 v4, $0.0e+00;
	v13 =	vcvt.f32.s32 v13;
	v22 =	vld [tilespmem:s11+$0x50];
	[tilespmem:s7+$0x10] =	vst v3  }
0x3eb: {  	v9 =	vmax.f32 v9, $0.0e+00;
	v10 =	vtrunc.f32 v10;
	v12 =	vmin.f32 v12, $1.023000000e+03;
	v3 =	vld [tilespmem:s11+$0x60];
	[tilespmem:s7+$0xFFFFFFE0] =	vst v7  }
0x3ec: {  	v6 =	vmin.f32 v6, $1.023000000e+03;
	v12 =	vtrunc.f32 v12;
	v7 =	vmul.f32 $3.200000000e+01, v20;
	v24 =	vld [tilespmem:s11+$0xFFFFFF80];
	[tilespmem:s7+$0xFFFFFFB0] =	vst v17  }
0x3ed: {  	v8 =	vmax.f32 v8, $0.0e+00;
	v9 =	vmin.f32 v9, $1.023000000e+03;
	v6 =	vtrunc.f32 v6;
	v17 =	vld [tilespmem:s11+$0xFFFFFFE0];
	[tilespmem:s7+$0xFFFFFF80] =	vst v16;
	s7 =	smov.u32 s8;
	s8 =	smov.u32 s10  }
0x3ee: {  	v9 =	vtrunc.f32 v9;
	v16 =	vmul.f32 $3.200000000e+01, v25;
	v7 =	vadd.f32 $5.120000000e+02, v7;
	v20 =	vld [tilespmem:s11+$0x0]  }
0x3ef: {  	v15 =	vmin.f32 v15, $1.023000000e+03;
	v18 =	vmax.f32 v18, $0.0e+00;
	v25 =	vcvt.f32.s32 v6;
	v21 =	vld.idx.msk [tilespmem:v21+s1+$0x0], $0xffff  }
0x3f0: {  	v27 =	vcvt.f32.s32 v9;
	v16 =	vadd.f32 $5.120000000e+02, v16;
	v6 =	vld [tilespmem:s11+$0xFFFFFFF0];
	v26 =	vmul.f32 $3.200000000e+01, v3  }
0x3f1: {  	v7 =	vmax.f32 v7, $0.0e+00;
	v22 =	vmul.f32 $3.200000000e+01, v22;
	v3 =	vcvt.f32.s32 v1;
	v9 =	vld [tilespmem:s11+$0x40]  }
0x3f2: {  	v12 =	vcvt.f32.s32 v12;
	v1 =	vmax.f32 v16, $0.0e+00;
	v16 =	vadd.f32 $5.120000000e+02, v26;
	v14 =	vld.idx.msk [tilespmem:v14+s1+$0x0], $0xffff  }
0x3f3: {  	v15 =	vtrunc.f32 v15;
	v22 =	vadd.f32 $5.120000000e+02, v22;
	v1 =	vmin.f32 v1, $1.023000000e+03;
	v13 =	vld.idx.msk [tilespmem:v13+s1+$0x0], $0xffff  }
0x3f4: {  	v18 =	vmin.f32 v18, $1.023000000e+03;
	v26 =	vmin.f32 v4, $1.023000000e+03;
	v1 =	vtrunc.f32 v1;
	v5 =	vld.idx.msk [tilespmem:v5+s1+$0x0], $0xffff  }
0x3f5: {  	v4 =	vcvt.f32.s32 v1;
	v1 =	vmax.f32 v22, $0.0e+00;
	v22 =	vcvt.f32.s32 v10;
	v28 =	vld [tilespmem:s11+$0x30];
	[tilespmem:s7+$0xFFFFFF90] =	vst v11  }
0x3f6: {  	v15 =	vcvt.f32.s32 v15;
	v20 =	vmul.f32 $3.200000000e+01, v20;
	v1 =	vmin.f32 v1, $1.023000000e+03;
	v29 =	vld [tilespmem:s11+$0xFFFFFFA0];
	[tilespmem:s7+$0x30] =	vst v21  }
0x3f7: {  	v18 =	vtrunc.f32 v18;
	v7 =	vmin.f32 v7, $1.023000000e+03;
	v10 =	vtrunc.f32 v1;
	v30 =	vld.idx.msk [tilespmem:v2+s1+$0x0], $0xffff  }
0x3f8: {  	v1 =	vtrunc.f32 v7;
	v31 =	vcvt.f32.s32 v10;
	v2 =	vmin.f32 v8, $1.023000000e+03;
	v25 =	vld.idx.msk [tilespmem:v25+s1+$0x0], $0xffff;
	[tilespmem:s7+$0x20] =	vst v14  }
0x3f9: {  	v26 =	vtrunc.f32 v26;
	v9 =	vmul.f32 $3.200000000e+01, v9;
	v7 =	vmax.f32 v16, $0.0e+00;
	v10 =	vld [tilespmem:s11+$0xFFFFFFB0];
	[tilespmem:s7+$0xFFFFFFD0] =	vst v13  }
0x3fa: {  	v7 =	vmin.f32 v7, $1.023000000e+03;
	v16 =	vtrunc.f32 v2;
	v8 =	vmul.f32 $3.200000000e+01, v28;
	v11 =	vld.idx.msk [tilespmem:v12+s1+$0x0], $0xffff;
	[tilespmem:s7+$0x0] =	vst v5  }
0x3fb: {  	v2 =	vtrunc.f32 v7;
	v13 =	vcvt.f32.s32 v18;
	v5 =	vadd.f32 $5.120000000e+02, v20;
	v7 =	vld.idx.msk [tilespmem:v22+s1+$0x0], $0xffff  }
.Ltmp7:
0x3fc: {  	v14 =	vmul.f32 $3.200000000e+01, v24;
	v2 =	vcvt.f32.s32 v2;
	v18 =	vadd.f32 $5.120000000e+02, v8;
	v12 =	vld.idx.msk [tilespmem:v15+s1+$0x0], $0xffff;
	(pc) =	sbr.rel @p0 .LBB2_16-.Ltmp7, $4  }
0x3fd: {  	v21 =	vmul.f32 $3.200000000e+01, v19;
	v22 =	vmul.f32 $3.200000000e+01, v17;
	v5 =	vmax.f32 v5, $0.0e+00;
	v20 =	vld [tilespmem:s11+$0x70];
	[tilespmem:s7+$0x60] =	vst v30  }
0x3fe: {  	v19 =	vmul.f32 $3.200000000e+01, v29;
	v17 =	vmul.f32 $3.200000000e+01, v23;
	v5 =	vmin.f32 v5, $1.023000000e+03;
	v15 =	vld.idx.msk [tilespmem:v31+s1+$0x0], $0xffff  }
0x3ff: {  	v8 =	vadd.f32 $5.120000000e+02, v14;
	v5 =	vtrunc.f32 v5;
	v24 =	vmax.f32 v18, $0.0e+00;
	[tilespmem:s7+$0xFFFFFFF0] =	vst v25;
	v14 =	vld.idx.msk [tilespmem:v27+s1+$0x0], $0xffff  }
0x400: {  	v23 =	vadd.f32 $5.120000000e+02, v17;
	v17 =	vcvt.f32.s32 v26;
	v5 =	vcvt.f32.s32 v5;
	v18 =	vld [tilespmem:s11+$0xFFFFFFC0];
	s11 =	sadd.s32 $0x100, s11  }
0x401: {  	v22 =	vadd.f32 $5.120000000e+02, v22;
	v6 =	vmul.f32 $3.200000000e+01, v6;
	v16 =	vcvt.f32.s32 v16  }
0x402: {  	v21 =	vadd.f32 $5.120000000e+02, v21;
	v24 =	vmin.f32 v24, $1.023000000e+03;
	v10 =	vmul.f32 $3.200000000e+01, v10  }
0x403: {  	v19 =	vadd.f32 $5.120000000e+02, v19;
	v9 =	vadd.f32 $5.120000000e+02, v9;
	v8 =	vmax.f32 v8, $0.0e+00  }
0x404: {  	v1 =	vcvt.f32.s32 v1;
	v20 =	vmul.f32 $3.200000000e+01, v20;
	v23 =	vmax.f32 v23, $0.0e+00  }
0x405: {  	v24 =	vtrunc.f32 v24;
	v8 =	vmin.f32 v8, $1.023000000e+03;
	v22 =	vmax.f32 v22, $0.0e+00  }
0x406: {  	v6 =	vadd.f32 $5.120000000e+02, v6;
	v10 =	vadd.f32 $5.120000000e+02, v10;
	v23 =	vmin.f32 v23, $1.023000000e+03  }
0x407: {  	[tilespmem:s7+$0x70] =	vst v12;
	v21 =	vmax.f32 v21, $0.0e+00;
	v24 =	vcvt.f32.s32 v24;
	v12 =	vmax.f32 v19, $0.0e+00  }
0x408: {  	v13 =	vld.idx.msk [tilespmem:v13+s1+$0x0], $0xffff;
	v9 =	vmax.f32 v9, $0.0e+00;
	v8 =	vtrunc.f32 v8;
	v20 =	vadd.f32 $5.120000000e+02, v20  }
0x409: {  	[tilespmem:s7+$0xFFFFFFA0] =	vst v11;
	v3 =	vld.idx.msk [tilespmem:v3+s1+$0x0], $0xffff;
	v21 =	vmin.f32 v21, $1.023000000e+03;
	v11 =	vtrunc.f32 v23;
	v18 =	vmul.f32 $3.200000000e+01, v18  }
0x40a: {  	v4 =	vld.idx.msk [tilespmem:v4+s1+$0x0], $0xffff;
	[tilespmem:s7+$0xFFFFFFE0] =	vst v7;
	v9 =	vmin.f32 v9, $1.023000000e+03;
	v21 =	vtrunc.f32 v21;
	v11 =	vcvt.f32.s32 v11  }
0x40b: {  	v2 =	vld.idx.msk [tilespmem:v2+s1+$0x0], $0xffff;
	[tilespmem:s8+$0x50] =	vst v15;
	v6 =	vmax.f32 v6, $0.0e+00;
	v7 =	vtrunc.f32 v9;
	v21 =	vcvt.f32.s32 v21  }
0x40c: {  	v5 =	vld.idx.msk [tilespmem:v5+s1+$0x0], $0xffff;
	[tilespmem:s7+$0x40] =	vst v14;
	v20 =	vmax.f32 v20, $0.0e+00;
	v6 =	vmin.f32 v6, $1.023000000e+03;
	v7 =	vcvt.f32.s32 v7  }
0x40d: {  	v15 =	vld.idx.msk [tilespmem:v17+s1+$0x0], $0xffff;
	[tilespmem:s7+$0xFFFFFFC0] =	vst v13;
	v17 =	vadd.f32 $5.120000000e+02, v18;
	v6 =	vtrunc.f32 v6;
	v13 =	vmin.f32 v20, $1.023000000e+03  }
0x40e: {  	v12 =	vmin.f32 v12, $1.023000000e+03;
	[tilespmem:s7+$0x10] =	vst v3;
	v14 =	vld.idx.msk [tilespmem:v16+s1+$0x0], $0xffff;
	v6 =	vcvt.f32.s32 v6;
	v13 =	vtrunc.f32 v13  }
0x40f: {  	v12 =	vtrunc.f32 v12;
	[tilespmem:s8+$0xFFFFFF90] =	vst v4;
	v1 =	vld.idx.msk [tilespmem:v1+s1+$0x0], $0xffff;
	v3 =	vmax.f32 v17, $0.0e+00;
	v13 =	vcvt.f32.s32 v13  }
0x410: {  	v8 =	vcvt.f32.s32 v8;
	v12 =	vcvt.f32.s32 v12;
	[tilespmem:s8+$0x60] =	vst v2;
	v3 =	vmin.f32 v3, $1.023000000e+03;
	v11 =	vld.idx.msk [tilespmem:v11+s1+$0x0], $0xffff  }
0x411: {  	v10 =	vmax.f32 v10, $0.0e+00;
	[tilespmem:s8+$0x0] =	vst v5;
	v17 =	vmin.f32 v22, $1.023000000e+03;
	v3 =	vtrunc.f32 v3;
	v9 =	vld.idx.msk [tilespmem:v21+s1+$0x0], $0xffff  }
0x412: {  	v10 =	vmin.f32 v10, $1.023000000e+03;
	[tilespmem:s7+$0xFFFFFFB0] =	vst v15;
	v15 =	vtrunc.f32 v17;
	v3 =	vcvt.f32.s32 v3;
	v5 =	vld.idx.msk [tilespmem:v7+s1+$0x0], $0xffff  }
0x413: {  	v10 =	vtrunc.f32 v10;
	v16 =	vld.idx.msk [tilespmem:v24+s1+$0x0], $0xffff;
	v4 =	vcvt.f32.s32 v15;
	[tilespmem:s7+$0xFFFFFF80] =	vst v14  }
0x414: {  	v10 =	vcvt.f32.s32 v10;
	[tilespmem:s8+$0x10] =	vst v1;
	v6 =	vld.idx.msk [tilespmem:v6+s1+$0x0], $0xffff  }
0x415: {  	[tilespmem:s8+$0xFFFFFFD0] =	vst v11;
	v11 =	vld.idx.msk [tilespmem:v13+s1+$0x0], $0xffff  }
0x416: {  	[tilespmem:s8+$0x20] =	vst v9;
	v9 =	vld.idx.msk [tilespmem:v12+s1+$0x0], $0xffff  }
0x417: {  	[tilespmem:s8+$0x40] =	vst v5;
	v5 =	vld.idx.msk [tilespmem:v8+s1+$0x0], $0xffff  }
0x418: {  	[tilespmem:s8+$0x30] =	vst v16;
	v2 =	vld.idx.msk [tilespmem:v3+s1+$0x0], $0xffff  }
0x419: {  	v3 =	vld.idx.msk [tilespmem:v4+s1+$0x0], $0xffff;
	[tilespmem:s8+$0xFFFFFFF0] =	vst v6  }
0x41a: {  	v4 =	vld.idx.msk [tilespmem:v10+s1+$0x0], $0xffff;
	[tilespmem:s8+$0x70] =	vst v11  }
0x41b: {  	[tilespmem:s8+$0xFFFFFFA0] =	vst v9  }
0x41c: {  	[tilespmem:s8+$0xFFFFFF80] =	vst v5  }
0x41d: {  	[tilespmem:s8+$0xFFFFFFC0] =	vst v2  }
0x41e: {  	[tilespmem:s8+$0xFFFFFFE0] =	vst v3  }
0x41f: {  	[tilespmem:s8+$0xFFFFFFB0] =	vst v4  }
0x420: {  	[hbm4b:s16+s1] =	stream.linear.scatter [tilespmem:s22], [sflag:$0x3], $0x6200, $0x38;
	[tilespmem:$0x18C80] =	vst v63  }
0x421: {  	_ = 	snop  }
0x422: {  	[tilespmem:s30], [sflag:$0x1] =	stream.linear.gather [hbm4b:s17+s1], $0x6200, $0x38;
	[tilespmem:$0x18C80] =	vst v63  }
0x423: {  	_ =	swait.ge [sflag:s2], $0x6200  }
0x424: {  	[sflag:s2] =	ssyncset.done $0x0  }
0x425: {  	[sflag:s2] =	ssyncadd.s32 $0xFFFF9E00  }
0x426: {  	_ =	swait.ge [sflag:s5], $0x6200  }
0x427: {  	[sflag:s5] =	ssyncset.done $0x0  }
0x428: {  	s11 =	simm.s32 $0x6700;
	[sflag:s5] =	ssyncadd.s32 $0xFFFF9E00  }
0x429: {  	v1 =	vld [tilespmem:s11+$0xFFFFFF90]  }
0x42a: {  	v2 =	vld [tilespmem:s11+$0x10]  }
0x42b: {  	v3 =	vld [tilespmem:s11+$0x50]  }
0x42c: {  	v4 =	vld [tilespmem:s11+$0x60]  }
0x42d: {  	v6 =	vld [tilespmem:s11+$0x0]  }
0x42e: {  	v7 =	vld [tilespmem:s11+$0x40]  }
0x42f: {  	v8 =	vld [tilespmem:s11+$0x30]  }
0x430: {  	v9 =	vld [tilespmem:s11+$0xFFFFFF80]  }
0x431: {  	v11 =	vld [tilespmem:s11+$0x20]  }
0x432: {  	v5 =	vld [tilespmem:s11+$0xFFFFFFD0];
	v1 =	vmul.f32 $3.200000000e+01, v1  }
0x433: {  	v12 =	vld [tilespmem:s11+$0xFFFFFFA0];
	v2 =	vmul.f32 $3.200000000e+01, v2;
	v3 =	vmul.f32 $3.200000000e+01, v3  }
0x434: {  	s12 =	simm.s32 $0x6800;
	v15 =	vld [tilespmem:s11+$0xFFFFFFB0];
	v4 =	vmul.f32 $3.200000000e+01, v4;
	v6 =	vmul.f32 $3.200000000e+01, v6  }
0x435: {  	v21 =	vld [tilespmem:s12+$0x60];
	v7 =	vmul.f32 $3.200000000e+01, v7;
	v8 =	vmul.f32 $3.200000000e+01, v8  }
0x436: {  	v23 =	vld [tilespmem:s12+$0xFFFFFFD0];
	v9 =	vmul.f32 $3.200000000e+01, v9;
	v11 =	vmul.f32 $3.200000000e+01, v11  }
0x437: {  	v5 =	vmul.f32 $3.200000000e+01, v5;
	v1 =	vadd.f32 $5.120000000e+02, v1;
	v2 =	vadd.f32 $5.120000000e+02, v2  }
0x438: {  	v12 =	vmul.f32 $3.200000000e+01, v12;
	v3 =	vadd.f32 $5.120000000e+02, v3;
	v4 =	vadd.f32 $5.120000000e+02, v4  }
0x439: {  	v15 =	vmul.f32 $3.200000000e+01, v15;
	v6 =	vadd.f32 $5.120000000e+02, v6;
	v8 =	vadd.f32 $5.120000000e+02, v8  }
0x43a: {  	v21 =	vmul.f32 $3.200000000e+01, v21;
	v9 =	vadd.f32 $5.120000000e+02, v9;
	v5 =	vadd.f32 $5.120000000e+02, v5  }
0x43b: {  	v23 =	vmul.f32 $3.200000000e+01, v23;
	v11 =	vadd.f32 $5.120000000e+02, v11;
	v15 =	vadd.f32 $5.120000000e+02, v15  }
0x43c: {  	v7 =	vadd.f32 $5.120000000e+02, v7;
	v1 =	vmax.f32 v1, $0.0e+00;
	v2 =	vmax.f32 v2, $0.0e+00  }
0x43d: {  	v3 =	vmax.f32 v3, $0.0e+00;
	v4 =	vmax.f32 v4, $0.0e+00;
	v6 =	vmax.f32 v6, $0.0e+00  }
0x43e: {  	v10 =	vld [tilespmem:s11+$0xFFFFFFE0];
	v8 =	vmax.f32 v8, $0.0e+00;
	v5 =	vmax.f32 v5, $0.0e+00;
	v1 =	vmin.f32 v1, $1.023000000e+03  }
0x43f: {  	v13 =	vld [tilespmem:s11+$0xFFFFFFF0];
	v3 =	vmin.f32 v3, $1.023000000e+03;
	v2 =	vmin.f32 v2, $1.023000000e+03;
	v1 =	vtrunc.f32 v1  }
0x440: {  	v4 =	vmin.f32 v4, $1.023000000e+03;
	v3 =	vtrunc.f32 v3;
	v2 =	vtrunc.f32 v2  }
0x441: {  	v6 =	vmin.f32 v6, $1.023000000e+03;
	v4 =	vtrunc.f32 v4;
	v3 =	vcvt.f32.s32 v3  }
0x442: {  	v15 =	vmax.f32 v15, $0.0e+00;
	v6 =	vtrunc.f32 v6;
	v1 =	vcvt.f32.s32 v1  }
0x443: {  	v8 =	vmin.f32 v8, $1.023000000e+03;
	v14 =	vcvt.f32.s32 v4;
	v4 =	vmul.f32 $3.200000000e+01, v10;
	v10 =	vld [tilespmem:s11+$0x70]  }
0x444: {  	v5 =	vmin.f32 v5, $1.023000000e+03;
	v16 =	vcvt.f32.s32 v6;
	v6 =	vmul.f32 $3.200000000e+01, v13;
	v13 =	vld [tilespmem:s11+$0xFFFFFFC0]  }
0x445: {  	v15 =	vmin.f32 v15, $1.023000000e+03;
	v8 =	vtrunc.f32 v8;
	v5 =	vtrunc.f32 v5  }
0x446: {  	v19 =	vld [tilespmem:s12+$0x20];
	v63 =	vtrunc.f32 v15;
	v4 =	vadd.f32 $5.120000000e+02, v4;
	v6 =	vadd.f32 $5.120000000e+02, v6  }
0x447: {  	v9 =	vmax.f32 v9, $0.0e+00;
	v8 =	vcvt.f32.s32 v8;
	v5 =	vcvt.f32.s32 v5;
	v17 =	vld.idx.msk [tilespmem:v3+s1+$0x0], $0xffff  }
0x448: {  	v4 =	vmax.f32 v4, $0.0e+00;
	v6 =	vmax.f32 v6, $0.0e+00;
	v10 =	vmul.f32 $3.200000000e+01, v10;
	v18 =	vld.idx.msk [tilespmem:v1+s1+$0x0], $0xffff  }
0x449: {  	v4 =	vmin.f32 v4, $1.023000000e+03;
	v13 =	vmul.f32 $3.200000000e+01, v13;
	v1 =	vmax.f32 v11, $0.0e+00;
	v11 =	vld [tilespmem:s12+$0x10]  }
0x44a: {  	v3 =	vadd.f32 $5.120000000e+02, v12;
	v12 =	vld [tilespmem:s12+$0xFFFFFF90];
	v22 =	vtrunc.f32 v4;
	v4 =	vmax.f32 v7, $0.0e+00  }
0x44b: {  	v20 =	vld [tilespmem:s12+$0x50];
	v10 =	vadd.f32 $5.120000000e+02, v10;
	v1 =	vmin.f32 v1, $1.023000000e+03;
	v13 =	vadd.f32 $5.120000000e+02, v13  }
0x44c: {  	v24 =	vld [tilespmem:s12+$0xFFFFFF80];
	v4 =	vmin.f32 v4, $1.023000000e+03;
	v1 =	vtrunc.f32 v1;
	v3 =	vmax.f32 v3, $0.0e+00  }
0x44d: {  	v25 =	vld [tilespmem:s12+$0xFFFFFFE0];
	v4 =	vtrunc.f32 v4;
	v10 =	vmax.f32 v10, $0.0e+00;
	v1 =	vcvt.f32.s32 v1  }
0x44e: {  	v29 =	vld [tilespmem:s12+$0x40];
	v3 =	vmin.f32 v3, $1.023000000e+03;
	v13 =	vmax.f32 v13, $0.0e+00;
	v7 =	vmul.f32 $3.200000000e+01, v11  }
0x44f: {  	v30 =	vld [tilespmem:s12+$0xFFFFFFA0];
	v11 =	vtrunc.f32 v3;
	v3 =	vmin.f32 v6, $1.023000000e+03;
	v6 =	vmul.f32 $3.200000000e+01, v12  }
0x450: {  	v8 =	vld.idx.msk [tilespmem:v8+s1+$0x0], $0xffff;
	v28 =	vcvt.f32.s32 v4;
	v4 =	vmul.f32 $3.200000000e+01, v20;
	v20 =	vadd.f32 $5.120000000e+02, v21  }
0x451: {  	s7 =	simm.s32 $0x12B00;
	v5 =	vld.idx.msk [tilespmem:v5+s1+$0x0], $0xffff;
	v10 =	vmin.f32 v10, $1.023000000e+03;
	v13 =	vmin.f32 v13, $1.023000000e+03;
	v27 =	vadd.f32 $5.120000000e+02, v6  }
0x452: {  	v12 =	vld [tilespmem:s12+$0x0];
	v10 =	vtrunc.f32 v10;
	[tilespmem:s7+$0x50] =	vst v17;
	v17 =	vmax.f32 v20, $0.0e+00;
	v3 =	vtrunc.f32 v3  }
0x453: {  	v14 =	vld.idx.msk [tilespmem:v14+s1+$0x0], $0xffff;
	v26 =	vcvt.f32.s32 v3;
	v3 =	vcvt.f32.s32 v2;
	v2 =	vmax.f32 v27, $0.0e+00  }
0x454: {  	v11 =	vcvt.f32.s32 v11;
	v21 =	vld.idx.msk [tilespmem:v1+s1+$0x0], $0xffff;
	v1 =	vmin.f32 v2, $1.023000000e+03;
	v2 =	vadd.f32 $5.120000000e+02, v4  }
0x455: {  	v13 =	vtrunc.f32 v13;
	v20 =	vld [tilespmem:s12+$0x70];
	v17 =	vmin.f32 v17, $1.023000000e+03;
	v1 =	vtrunc.f32 v1  }
0x456: {  	v7 =	vadd.f32 $5.120000000e+02, v7;
	v27 =	vld.idx.msk [tilespmem:v16+s1+$0x0], $0xffff;
	v4 =	vcvt.f32.s32 v1;
	v1 =	vmax.f32 v2, $0.0e+00  }
0x457: {  	v16 =	vld [tilespmem:s12+$0x30];
	v12 =	vmul.f32 $3.200000000e+01, v12;
	v2 =	vcvt.f32.s32 v22;
	v1 =	vmin.f32 v1, $1.023000000e+03  }
0x458: {  	v6 =	vld [tilespmem:s12+$0xFFFFFFF0];
	v7 =	vmax.f32 v7, $0.0e+00;
	v22 =	vcvt.f32.s32 v10;
	v10 =	vtrunc.f32 v1  }
0x459: {  	[tilespmem:s7+$0x60] =	vst v14;
	v13 =	vcvt.f32.s32 v13;
	v14 =	vld.idx.msk [tilespmem:v28+s1+$0x0], $0xffff;
	v7 =	vmin.f32 v7, $1.023000000e+03;
	v31 =	vcvt.f32.s32 v10  }
0x45a: {  	[tilespmem:s7+$0x30] =	vst v8;
	v11 =	vld.idx.msk [tilespmem:v11+s1+$0x0], $0xffff;
	v8 =	vadd.f32 $5.120000000e+02, v12;
	v12 =	vtrunc.f32 v17;
	v17 =	vmul.f32 $3.200000000e+01, v24  }
0x45b: {  	v26 =	vld.idx.msk [tilespmem:v26+s1+$0x0], $0xffff;
	v1 =	vtrunc.f32 v7;
	v7 =	vmin.f32 v9, $1.023000000e+03;
	v9 =	vmul.f32 $3.200000000e+01, v29  }
0x45c: {  	v23 =	vadd.f32 $5.120000000e+02, v23;
	v15 =	vmul.f32 $3.200000000e+01, v16;
	[tilespmem:s7+$0x20] =	vst v21;
	v21 =	vmul.f32 $3.200000000e+01, v19;
	v10 =	vld [tilespmem:s12+$0xFFFFFFB0]  }
0x45d: {  	[tilespmem:s7+$0xFFFFFFD0] =	vst v5;
	v5 =	vmax.f32 v8, $0.0e+00;
	v19 =	vmul.f32 $3.200000000e+01, v30;
	v16 =	vtrunc.f32 v7;
	v7 =	vld.idx.msk [tilespmem:v2+s1+$0x0], $0xffff  }
0x45e: {  	[tilespmem:s7+$0xFFFFFF90] =	vst v18;
	v5 =	vmin.f32 v5, $1.023000000e+03;
	v18 =	vadd.f32 $5.120000000e+02, v15;
	v2 =	vcvt.f32.s32 v12;
	v12 =	vld.idx.msk [tilespmem:v22+s1+$0x0], $0xffff  }
0x45f: {  	s9 =	simm.s32 $0x100;
	[tilespmem:s7+$0x0] =	vst v27;
	v8 =	vadd.f32 $5.120000000e+02, v17;
	v5 =	vtrunc.f32 v5;
	v22 =	vmul.f32 $3.200000000e+01, v25;
	v15 =	vld.idx.msk [tilespmem:v31+s1+$0x0], $0xffff  }
0x460: {  	s10 =	simm.s32 $0x12C00;
	s8 =	simm.s32 $0x12C00;
	s11 =	simm.s32 $0x6900;
	v17 =	vcvt.f32.s32 v63;
	v5 =	vcvt.f32.s32 v5;
	v24 =	vmax.f32 v18, $0.0e+00;
	[tilespmem:s7+$0xFFFFFFF0] =	vst v26;
	v18 =	vld [tilespmem:s12+$0xFFFFFFC0]  }
.LBB2_18:
0x461: {  	s9 =	sadd.s32 $0x100, s9;
	v22 =	vadd.f32 $5.120000000e+02, v22;
	v6 =	vmul.f32 $3.200000000e+01, v6;
	s10 =	sadd.s32 $0x100, s10;
	v16 =	vcvt.f32.s32 v16;
	v13 =	vld.idx.msk [tilespmem:v13+s1+$0x0], $0xffff  }
0x462: {  	v21 =	vadd.f32 $5.120000000e+02, v21;
	v24 =	vmin.f32 v24, $1.023000000e+03;
	v25 =	vld [tilespmem:s11+$0xFFFFFF90];
	p0 =	slt.u32 s9, $0x6100;
	v20 =	vmul.f32 $3.200000000e+01, v20;
	[tilespmem:s7+$0xFFFFFFA0] =	vst v11  }
0x463: {  	v11 =	vld.idx.msk [tilespmem:v4+s1+$0x0], $0xffff;
	v4 =	vmul.f32 $3.200000000e+01, v10;
	v10 =	vmax.f32 v22, $0.0e+00;
	v6 =	vadd.f32 $5.120000000e+02, v6;
	[tilespmem:s7+$0x70] =	vst v12  }
0x464: {  	v12 =	vadd.f32 $5.120000000e+02, v19;
	v19 =	vmax.f32 v23, $0.0e+00;
	[tilespmem:s8+$0x50] =	vst v15;
	v15 =	vadd.f32 $5.120000000e+02, v20;
	v3 =	vld.idx.msk [tilespmem:v3+s1+$0x0], $0xffff  }
0x465: {  	v19 =	vmin.f32 v19, $1.023000000e+03;
	v10 =	vmin.f32 v10, $1.023000000e+03;
	v20 =	vld [tilespmem:s11+$0x10];
	v4 =	vadd.f32 $5.120000000e+02, v4;
	[tilespmem:s7+$0x40] =	vst v14  }
0x466: {  	v9 =	vadd.f32 $5.120000000e+02, v9;
	v14 =	vmax.f32 v21, $0.0e+00;
	v21 =	vtrunc.f32 v24;
	v17 =	vld.idx.msk [tilespmem:v17+s1+$0x0], $0xffff  }
0x467: {  	v18 =	vmul.f32 $3.200000000e+01, v18;
	v14 =	vmin.f32 v14, $1.023000000e+03;
	v21 =	vcvt.f32.s32 v21;
	v16 =	vld.idx.msk [tilespmem:v16+s1+$0x0], $0xffff;
	[tilespmem:s7+$0xFFFFFFC0] =	vst v13  }
0x468: {  	v15 =	vmax.f32 v15, $0.0e+00;
	v13 =	vtrunc.f32 v19;
	v14 =	vtrunc.f32 v14;
	v23 =	vld [tilespmem:s11+$0xFFFFFFD0]  }
0x469: {  	v12 =	vmax.f32 v12, $0.0e+00;
	v18 =	vadd.f32 $5.120000000e+02, v18;
	v14 =	vcvt.f32.s32 v14;
	v19 =	vld [tilespmem:s11+$0x20]  }
0x46a: {  	v6 =	vmax.f32 v6, $0.0e+00;
	v4 =	vmax.f32 v4, $0.0e+00;
	v13 =	vcvt.f32.s32 v13;
	v22 =	vld [tilespmem:s11+$0x50];
	[tilespmem:s7+$0x10] =	vst v3  }
0x46b: {  	v9 =	vmax.f32 v9, $0.0e+00;
	v10 =	vtrunc.f32 v10;
	v12 =	vmin.f32 v12, $1.023000000e+03;
	v3 =	vld [tilespmem:s11+$0x60];
	[tilespmem:s7+$0xFFFFFFE0] =	vst v7  }
0x46c: {  	v6 =	vmin.f32 v6, $1.023000000e+03;
	v12 =	vtrunc.f32 v12;
	v7 =	vmul.f32 $3.200000000e+01, v20;
	v24 =	vld [tilespmem:s11+$0xFFFFFF80];
	[tilespmem:s7+$0xFFFFFFB0] =	vst v17  }
0x46d: {  	v8 =	vmax.f32 v8, $0.0e+00;
	v9 =	vmin.f32 v9, $1.023000000e+03;
	v6 =	vtrunc.f32 v6;
	v17 =	vld [tilespmem:s11+$0xFFFFFFE0];
	[tilespmem:s7+$0xFFFFFF80] =	vst v16;
	s7 =	smov.u32 s8;
	s8 =	smov.u32 s10  }
0x46e: {  	v9 =	vtrunc.f32 v9;
	v16 =	vmul.f32 $3.200000000e+01, v25;
	v7 =	vadd.f32 $5.120000000e+02, v7;
	v20 =	vld [tilespmem:s11+$0x0]  }
0x46f: {  	v15 =	vmin.f32 v15, $1.023000000e+03;
	v18 =	vmax.f32 v18, $0.0e+00;
	v25 =	vcvt.f32.s32 v6;
	v21 =	vld.idx.msk [tilespmem:v21+s1+$0x0], $0xffff  }
0x470: {  	v27 =	vcvt.f32.s32 v9;
	v16 =	vadd.f32 $5.120000000e+02, v16;
	v6 =	vld [tilespmem:s11+$0xFFFFFFF0];
	v26 =	vmul.f32 $3.200000000e+01, v3  }
0x471: {  	v7 =	vmax.f32 v7, $0.0e+00;
	v22 =	vmul.f32 $3.200000000e+01, v22;
	v3 =	vcvt.f32.s32 v1;
	v9 =	vld [tilespmem:s11+$0x40]  }
0x472: {  	v12 =	vcvt.f32.s32 v12;
	v1 =	vmax.f32 v16, $0.0e+00;
	v16 =	vadd.f32 $5.120000000e+02, v26;
	v14 =	vld.idx.msk [tilespmem:v14+s1+$0x0], $0xffff  }
0x473: {  	v15 =	vtrunc.f32 v15;
	v22 =	vadd.f32 $5.120000000e+02, v22;
	v1 =	vmin.f32 v1, $1.023000000e+03;
	v13 =	vld.idx.msk [tilespmem:v13+s1+$0x0], $0xffff  }
0x474: {  	v18 =	vmin.f32 v18, $1.023000000e+03;
	v26 =	vmin.f32 v4, $1.023000000e+03;
	v1 =	vtrunc.f32 v1;
	v5 =	vld.idx.msk [tilespmem:v5+s1+$0x0], $0xffff  }
0x475: {  	v4 =	vcvt.f32.s32 v1;
	v1 =	vmax.f32 v22, $0.0e+00;
	v22 =	vcvt.f32.s32 v10;
	v28 =	vld [tilespmem:s11+$0x30];
	[tilespmem:s7+$0xFFFFFF90] =	vst v11  }
0x476: {  	v15 =	vcvt.f32.s32 v15;
	v20 =	vmul.f32 $3.200000000e+01, v20;
	v1 =	vmin.f32 v1, $1.023000000e+03;
	v29 =	vld [tilespmem:s11+$0xFFFFFFA0];
	[tilespmem:s7+$0x30] =	vst v21  }
0x477: {  	v18 =	vtrunc.f32 v18;
	v7 =	vmin.f32 v7, $1.023000000e+03;
	v10 =	vtrunc.f32 v1;
	v30 =	vld.idx.msk [tilespmem:v2+s1+$0x0], $0xffff  }
0x478: {  	v1 =	vtrunc.f32 v7;
	v31 =	vcvt.f32.s32 v10;
	v2 =	vmin.f32 v8, $1.023000000e+03;
	v25 =	vld.idx.msk [tilespmem:v25+s1+$0x0], $0xffff;
	[tilespmem:s7+$0x20] =	vst v14  }
0x479: {  	v26 =	vtrunc.f32 v26;
	v9 =	vmul.f32 $3.200000000e+01, v9;
	v7 =	vmax.f32 v16, $0.0e+00;
	v10 =	vld [tilespmem:s11+$0xFFFFFFB0];
	[tilespmem:s7+$0xFFFFFFD0] =	vst v13  }
0x47a: {  	v7 =	vmin.f32 v7, $1.023000000e+03;
	v16 =	vtrunc.f32 v2;
	v8 =	vmul.f32 $3.200000000e+01, v28;
	v11 =	vld.idx.msk [tilespmem:v12+s1+$0x0], $0xffff;
	[tilespmem:s7+$0x0] =	vst v5  }
0x47b: {  	v2 =	vtrunc.f32 v7;
	v13 =	vcvt.f32.s32 v18;
	v5 =	vadd.f32 $5.120000000e+02, v20;
	v7 =	vld.idx.msk [tilespmem:v22+s1+$0x0], $0xffff  }
.Ltmp8:
0x47c: {  	v14 =	vmul.f32 $3.200000000e+01, v24;
	v2 =	vcvt.f32.s32 v2;
	v18 =	vadd.f32 $5.120000000e+02, v8;
	v12 =	vld.idx.msk [tilespmem:v15+s1+$0x0], $0xffff;
	(pc) =	sbr.rel @p0 .LBB2_18-.Ltmp8, $4  }
0x47d: {  	v21 =	vmul.f32 $3.200000000e+01, v19;
	v22 =	vmul.f32 $3.200000000e+01, v17;
	v5 =	vmax.f32 v5, $0.0e+00;
	v20 =	vld [tilespmem:s11+$0x70];
	[tilespmem:s7+$0x60] =	vst v30  }
0x47e: {  	v19 =	vmul.f32 $3.200000000e+01, v29;
	v17 =	vmul.f32 $3.200000000e+01, v23;
	v5 =	vmin.f32 v5, $1.023000000e+03;
	v15 =	vld.idx.msk [tilespmem:v31+s1+$0x0], $0xffff  }
0x47f: {  	v8 =	vadd.f32 $5.120000000e+02, v14;
	v5 =	vtrunc.f32 v5;
	v24 =	vmax.f32 v18, $0.0e+00;
	[tilespmem:s7+$0xFFFFFFF0] =	vst v25;
	v14 =	vld.idx.msk [tilespmem:v27+s1+$0x0], $0xffff  }
0x480: {  	v23 =	vadd.f32 $5.120000000e+02, v17;
	v17 =	vcvt.f32.s32 v26;
	v5 =	vcvt.f32.s32 v5;
	v18 =	vld [tilespmem:s11+$0xFFFFFFC0];
	s11 =	sadd.s32 $0x100, s11  }
0x481: {  	v22 =	vadd.f32 $5.120000000e+02, v22;
	v6 =	vmul.f32 $3.200000000e+01, v6;
	v16 =	vcvt.f32.s32 v16  }
0x482: {  	v21 =	vadd.f32 $5.120000000e+02, v21;
	v24 =	vmin.f32 v24, $1.023000000e+03;
	v10 =	vmul.f32 $3.200000000e+01, v10  }
0x483: {  	v19 =	vadd.f32 $5.120000000e+02, v19;
	v9 =	vadd.f32 $5.120000000e+02, v9;
	v8 =	vmax.f32 v8, $0.0e+00  }
0x484: {  	v1 =	vcvt.f32.s32 v1;
	v20 =	vmul.f32 $3.200000000e+01, v20;
	v23 =	vmax.f32 v23, $0.0e+00  }
0x485: {  	v24 =	vtrunc.f32 v24;
	v8 =	vmin.f32 v8, $1.023000000e+03;
	v22 =	vmax.f32 v22, $0.0e+00  }
0x486: {  	v6 =	vadd.f32 $5.120000000e+02, v6;
	v10 =	vadd.f32 $5.120000000e+02, v10;
	v23 =	vmin.f32 v23, $1.023000000e+03  }
0x487: {  	[tilespmem:s7+$0x70] =	vst v12;
	v21 =	vmax.f32 v21, $0.0e+00;
	v24 =	vcvt.f32.s32 v24;
	v12 =	vmax.f32 v19, $0.0e+00  }
0x488: {  	v13 =	vld.idx.msk [tilespmem:v13+s1+$0x0], $0xffff;
	v9 =	vmax.f32 v9, $0.0e+00;
	v8 =	vtrunc.f32 v8;
	v20 =	vadd.f32 $5.120000000e+02, v20  }
0x489: {  	[tilespmem:s7+$0xFFFFFFA0] =	vst v11;
	v3 =	vld.idx.msk [tilespmem:v3+s1+$0x0], $0xffff;
	v21 =	vmin.f32 v21, $1.023000000e+03;
	v11 =	vtrunc.f32 v23;
	v18 =	vmul.f32 $3.200000000e+01, v18  }
0x48a: {  	v4 =	vld.idx.msk [tilespmem:v4+s1+$0x0], $0xffff;
	[tilespmem:s7+$0xFFFFFFE0] =	vst v7;
	v9 =	vmin.f32 v9, $1.023000000e+03;
	v21 =	vtrunc.f32 v21;
	v11 =	vcvt.f32.s32 v11  }
0x48b: {  	v2 =	vld.idx.msk [tilespmem:v2+s1+$0x0], $0xffff;
	[tilespmem:s8+$0x50] =	vst v15;
	v6 =	vmax.f32 v6, $0.0e+00;
	v7 =	vtrunc.f32 v9;
	v21 =	vcvt.f32.s32 v21  }
0x48c: {  	v5 =	vld.idx.msk [tilespmem:v5+s1+$0x0], $0xffff;
	[tilespmem:s7+$0x40] =	vst v14;
	v20 =	vmax.f32 v20, $0.0e+00;
	v6 =	vmin.f32 v6, $1.023000000e+03;
	v7 =	vcvt.f32.s32 v7  }
0x48d: {  	v15 =	vld.idx.msk [tilespmem:v17+s1+$0x0], $0xffff;
	[tilespmem:s7+$0xFFFFFFC0] =	vst v13;
	v17 =	vadd.f32 $5.120000000e+02, v18;
	v6 =	vtrunc.f32 v6;
	v13 =	vmin.f32 v20, $1.023000000e+03  }
0x48e: {  	v12 =	vmin.f32 v12, $1.023000000e+03;
	[tilespmem:s7+$0x10] =	vst v3;
	v14 =	vld.idx.msk [tilespmem:v16+s1+$0x0], $0xffff;
	v6 =	vcvt.f32.s32 v6;
	v13 =	vtrunc.f32 v13  }
0x48f: {  	v12 =	vtrunc.f32 v12;
	[tilespmem:s8+$0xFFFFFF90] =	vst v4;
	v1 =	vld.idx.msk [tilespmem:v1+s1+$0x0], $0xffff;
	v3 =	vmax.f32 v17, $0.0e+00;
	v13 =	vcvt.f32.s32 v13  }
0x490: {  	v8 =	vcvt.f32.s32 v8;
	v12 =	vcvt.f32.s32 v12;
	[tilespmem:s8+$0x60] =	vst v2;
	v3 =	vmin.f32 v3, $1.023000000e+03;
	v11 =	vld.idx.msk [tilespmem:v11+s1+$0x0], $0xffff  }
0x491: {  	v10 =	vmax.f32 v10, $0.0e+00;
	[tilespmem:s8+$0x0] =	vst v5;
	v17 =	vmin.f32 v22, $1.023000000e+03;
	v3 =	vtrunc.f32 v3;
	v9 =	vld.idx.msk [tilespmem:v21+s1+$0x0], $0xffff  }
0x492: {  	v10 =	vmin.f32 v10, $1.023000000e+03;
	[tilespmem:s7+$0xFFFFFFB0] =	vst v15;
	v15 =	vtrunc.f32 v17;
	v3 =	vcvt.f32.s32 v3;
	v5 =	vld.idx.msk [tilespmem:v7+s1+$0x0], $0xffff  }
0x493: {  	v10 =	vtrunc.f32 v10;
	v16 =	vld.idx.msk [tilespmem:v24+s1+$0x0], $0xffff;
	v4 =	vcvt.f32.s32 v15;
	[tilespmem:s7+$0xFFFFFF80] =	vst v14  }
0x494: {  	v10 =	vcvt.f32.s32 v10;
	[tilespmem:s8+$0x10] =	vst v1;
	v6 =	vld.idx.msk [tilespmem:v6+s1+$0x0], $0xffff  }
0x495: {  	[tilespmem:s8+$0xFFFFFFD0] =	vst v11;
	v11 =	vld.idx.msk [tilespmem:v13+s1+$0x0], $0xffff  }
0x496: {  	[tilespmem:s8+$0x20] =	vst v9;
	v9 =	vld.idx.msk [tilespmem:v12+s1+$0x0], $0xffff  }
0x497: {  	[tilespmem:s8+$0x40] =	vst v5;
	v5 =	vld.idx.msk [tilespmem:v8+s1+$0x0], $0xffff  }
0x498: {  	[tilespmem:s8+$0x30] =	vst v16;
	v2 =	vld.idx.msk [tilespmem:v3+s1+$0x0], $0xffff  }
0x499: {  	v3 =	vld.idx.msk [tilespmem:v4+s1+$0x0], $0xffff;
	[tilespmem:s8+$0xFFFFFFF0] =	vst v6  }
0x49a: {  	v4 =	vld.idx.msk [tilespmem:v10+s1+$0x0], $0xffff;
	[tilespmem:s8+$0x70] =	vst v11  }
0x49b: {  	[tilespmem:s8+$0xFFFFFFA0] =	vst v9  }
0x49c: {  	[tilespmem:s8+$0xFFFFFF80] =	vst v5  }
0x49d: {  	[tilespmem:s8+$0xFFFFFFC0] =	vst v2  }
0x49e: {  	[tilespmem:s8+$0xFFFFFFE0] =	vst v3  }
0x49f: {  	[tilespmem:s8+$0xFFFFFFB0] =	vst v4  }
0x4a0: {  	[hbm4b:s18+s1] =	stream.linear.scatter [tilespmem:s3], [sflag:$0x4], $0x6200, $0x38;
	[tilespmem:$0x18C80] =	vst v63  }
0x4a1: {  	_ = 	snop  }
0x4a2: {  	[tilespmem:s31], [sflag:$0x2] =	stream.linear.gather [hbm4b:s19+s1], $0x6200, $0x38;
	[tilespmem:$0x18C80] =	vst v63  }
0x4a3: {  	_ =	swait.ge [sflag:s23], $0x6200  }
0x4a4: {  	[sflag:s23] =	ssyncset.done $0x0  }
0x4a5: {  	[sflag:s23] =	ssyncadd.s32 $0xFFFF9E00  }
0x4a6: {  	_ =	swait.ge [sflag:s4], $0x6200  }
0x4a7: {  	[sflag:s4] =	ssyncset.done $0x0  }
0x4a8: {  	s11 =	simm.s32 $0x500;
	[sflag:s4] =	ssyncadd.s32 $0xFFFF9E00  }
0x4a9: {  	v1 =	vld [tilespmem:s11+$0xFFFFFF90]  }
0x4aa: {  	v2 =	vld [tilespmem:s11+$0x10]  }
0x4ab: {  	v3 =	vld [tilespmem:s11+$0x50]  }
0x4ac: {  	v4 =	vld [tilespmem:s11+$0x60]  }
0x4ad: {  	v6 =	vld [tilespmem:s11+$0x0]  }
0x4ae: {  	v7 =	vld [tilespmem:s11+$0x40]  }
0x4af: {  	v8 =	vld [tilespmem:s11+$0x30]  }
0x4b0: {  	v9 =	vld [tilespmem:s11+$0xFFFFFF80]  }
0x4b1: {  	v11 =	vld [tilespmem:s11+$0x20]  }
0x4b2: {  	v5 =	vld [tilespmem:s11+$0xFFFFFFD0];
	v1 =	vmul.f32 $3.200000000e+01, v1  }
0x4b3: {  	v12 =	vld [tilespmem:s11+$0xFFFFFFA0];
	v2 =	vmul.f32 $3.200000000e+01, v2;
	v3 =	vmul.f32 $3.200000000e+01, v3  }
0x4b4: {  	s12 =	simm.s32 $0x600;
	v15 =	vld [tilespmem:s11+$0xFFFFFFB0];
	v4 =	vmul.f32 $3.200000000e+01, v4;
	v6 =	vmul.f32 $3.200000000e+01, v6  }
0x4b5: {  	v21 =	vld [tilespmem:s12+$0x60];
	v7 =	vmul.f32 $3.200000000e+01, v7;
	v8 =	vmul.f32 $3.200000000e+01, v8  }
0x4b6: {  	v23 =	vld [tilespmem:s12+$0xFFFFFFD0];
	v9 =	vmul.f32 $3.200000000e+01, v9;
	v11 =	vmul.f32 $3.200000000e+01, v11  }
0x4b7: {  	v5 =	vmul.f32 $3.200000000e+01, v5;
	v1 =	vadd.f32 $5.120000000e+02, v1;
	v2 =	vadd.f32 $5.120000000e+02, v2  }
0x4b8: {  	v12 =	vmul.f32 $3.200000000e+01, v12;
	v3 =	vadd.f32 $5.120000000e+02, v3;
	v4 =	vadd.f32 $5.120000000e+02, v4  }
0x4b9: {  	v15 =	vmul.f32 $3.200000000e+01, v15;
	v6 =	vadd.f32 $5.120000000e+02, v6;
	v8 =	vadd.f32 $5.120000000e+02, v8  }
0x4ba: {  	v21 =	vmul.f32 $3.200000000e+01, v21;
	v9 =	vadd.f32 $5.120000000e+02, v9;
	v5 =	vadd.f32 $5.120000000e+02, v5  }
0x4bb: {  	v23 =	vmul.f32 $3.200000000e+01, v23;
	v11 =	vadd.f32 $5.120000000e+02, v11;
	v15 =	vadd.f32 $5.120000000e+02, v15  }
0x4bc: {  	v7 =	vadd.f32 $5.120000000e+02, v7;
	v1 =	vmax.f32 v1, $0.0e+00;
	v2 =	vmax.f32 v2, $0.0e+00  }
0x4bd: {  	v3 =	vmax.f32 v3, $0.0e+00;
	v4 =	vmax.f32 v4, $0.0e+00;
	v6 =	vmax.f32 v6, $0.0e+00  }
0x4be: {  	v10 =	vld [tilespmem:s11+$0xFFFFFFE0];
	v8 =	vmax.f32 v8, $0.0e+00;
	v5 =	vmax.f32 v5, $0.0e+00;
	v1 =	vmin.f32 v1, $1.023000000e+03  }
0x4bf: {  	v13 =	vld [tilespmem:s11+$0xFFFFFFF0];
	v3 =	vmin.f32 v3, $1.023000000e+03;
	v2 =	vmin.f32 v2, $1.023000000e+03;
	v1 =	vtrunc.f32 v1  }
0x4c0: {  	v4 =	vmin.f32 v4, $1.023000000e+03;
	v3 =	vtrunc.f32 v3;
	v2 =	vtrunc.f32 v2  }
0x4c1: {  	v6 =	vmin.f32 v6, $1.023000000e+03;
	v4 =	vtrunc.f32 v4;
	v3 =	vcvt.f32.s32 v3  }
0x4c2: {  	v15 =	vmax.f32 v15, $0.0e+00;
	v6 =	vtrunc.f32 v6;
	v1 =	vcvt.f32.s32 v1  }
0x4c3: {  	v8 =	vmin.f32 v8, $1.023000000e+03;
	v14 =	vcvt.f32.s32 v4;
	v4 =	vmul.f32 $3.200000000e+01, v10;
	v10 =	vld [tilespmem:s11+$0x70]  }
0x4c4: {  	v5 =	vmin.f32 v5, $1.023000000e+03;
	v16 =	vcvt.f32.s32 v6;
	v6 =	vmul.f32 $3.200000000e+01, v13;
	v13 =	vld [tilespmem:s11+$0xFFFFFFC0]  }
0x4c5: {  	v15 =	vmin.f32 v15, $1.023000000e+03;
	v8 =	vtrunc.f32 v8;
	v5 =	vtrunc.f32 v5  }
0x4c6: {  	v19 =	vld [tilespmem:s12+$0x20];
	v63 =	vtrunc.f32 v15;
	v4 =	vadd.f32 $5.120000000e+02, v4;
	v6 =	vadd.f32 $5.120000000e+02, v6  }
0x4c7: {  	v9 =	vmax.f32 v9, $0.0e+00;
	v8 =	vcvt.f32.s32 v8;
	v5 =	vcvt.f32.s32 v5;
	v17 =	vld.idx.msk [tilespmem:v3+s1+$0x0], $0xffff  }
0x4c8: {  	v4 =	vmax.f32 v4, $0.0e+00;
	v6 =	vmax.f32 v6, $0.0e+00;
	v10 =	vmul.f32 $3.200000000e+01, v10;
	v18 =	vld.idx.msk [tilespmem:v1+s1+$0x0], $0xffff  }
0x4c9: {  	v4 =	vmin.f32 v4, $1.023000000e+03;
	v13 =	vmul.f32 $3.200000000e+01, v13;
	v1 =	vmax.f32 v11, $0.0e+00;
	v11 =	vld [tilespmem:s12+$0x10]  }
0x4ca: {  	v3 =	vadd.f32 $5.120000000e+02, v12;
	v12 =	vld [tilespmem:s12+$0xFFFFFF90];
	v22 =	vtrunc.f32 v4;
	v4 =	vmax.f32 v7, $0.0e+00  }
0x4cb: {  	v20 =	vld [tilespmem:s12+$0x50];
	v10 =	vadd.f32 $5.120000000e+02, v10;
	v1 =	vmin.f32 v1, $1.023000000e+03;
	v13 =	vadd.f32 $5.120000000e+02, v13  }
0x4cc: {  	v24 =	vld [tilespmem:s12+$0xFFFFFF80];
	v4 =	vmin.f32 v4, $1.023000000e+03;
	v1 =	vtrunc.f32 v1;
	v3 =	vmax.f32 v3, $0.0e+00  }
0x4cd: {  	v25 =	vld [tilespmem:s12+$0xFFFFFFE0];
	v4 =	vtrunc.f32 v4;
	v10 =	vmax.f32 v10, $0.0e+00;
	v1 =	vcvt.f32.s32 v1  }
0x4ce: {  	v29 =	vld [tilespmem:s12+$0x40];
	v3 =	vmin.f32 v3, $1.023000000e+03;
	v13 =	vmax.f32 v13, $0.0e+00;
	v7 =	vmul.f32 $3.200000000e+01, v11  }
0x4cf: {  	v30 =	vld [tilespmem:s12+$0xFFFFFFA0];
	v11 =	vtrunc.f32 v3;
	v3 =	vmin.f32 v6, $1.023000000e+03;
	v6 =	vmul.f32 $3.200000000e+01, v12  }
0x4d0: {  	v8 =	vld.idx.msk [tilespmem:v8+s1+$0x0], $0xffff;
	v28 =	vcvt.f32.s32 v4;
	v4 =	vmul.f32 $3.200000000e+01, v20;
	v20 =	vadd.f32 $5.120000000e+02, v21  }
0x4d1: {  	s7 =	simm.s32 $0xC900;
	v5 =	vld.idx.msk [tilespmem:v5+s1+$0x0], $0xffff;
	v10 =	vmin.f32 v10, $1.023000000e+03;
	v13 =	vmin.f32 v13, $1.023000000e+03;
	v27 =	vadd.f32 $5.120000000e+02, v6  }
0x4d2: {  	v12 =	vld [tilespmem:s12+$0x0];
	v10 =	vtrunc.f32 v10;
	[tilespmem:s7+$0x50] =	vst v17;
	v17 =	vmax.f32 v20, $0.0e+00;
	v3 =	vtrunc.f32 v3  }
0x4d3: {  	v14 =	vld.idx.msk [tilespmem:v14+s1+$0x0], $0xffff;
	v26 =	vcvt.f32.s32 v3;
	v3 =	vcvt.f32.s32 v2;
	v2 =	vmax.f32 v27, $0.0e+00  }
0x4d4: {  	v11 =	vcvt.f32.s32 v11;
	v21 =	vld.idx.msk [tilespmem:v1+s1+$0x0], $0xffff;
	v1 =	vmin.f32 v2, $1.023000000e+03;
	v2 =	vadd.f32 $5.120000000e+02, v4  }
0x4d5: {  	v13 =	vtrunc.f32 v13;
	v20 =	vld [tilespmem:s12+$0x70];
	v17 =	vmin.f32 v17, $1.023000000e+03;
	v1 =	vtrunc.f32 v1  }
0x4d6: {  	v7 =	vadd.f32 $5.120000000e+02, v7;
	v27 =	vld.idx.msk [tilespmem:v16+s1+$0x0], $0xffff;
	v4 =	vcvt.f32.s32 v1;
	v1 =	vmax.f32 v2, $0.0e+00  }
0x4d7: {  	v16 =	vld [tilespmem:s12+$0x30];
	v12 =	vmul.f32 $3.200000000e+01, v12;
	v2 =	vcvt.f32.s32 v22;
	v1 =	vmin.f32 v1, $1.023000000e+03  }
0x4d8: {  	v6 =	vld [tilespmem:s12+$0xFFFFFFF0];
	v7 =	vmax.f32 v7, $0.0e+00;
	v22 =	vcvt.f32.s32 v10;
	v10 =	vtrunc.f32 v1  }
0x4d9: {  	[tilespmem:s7+$0x60] =	vst v14;
	v13 =	vcvt.f32.s32 v13;
	v14 =	vld.idx.msk [tilespmem:v28+s1+$0x0], $0xffff;
	v7 =	vmin.f32 v7, $1.023000000e+03;
	v31 =	vcvt.f32.s32 v10  }
0x4da: {  	[tilespmem:s7+$0x30] =	vst v8;
	v11 =	vld.idx.msk [tilespmem:v11+s1+$0x0], $0xffff;
	v8 =	vadd.f32 $5.120000000e+02, v12;
	v12 =	vtrunc.f32 v17;
	v17 =	vmul.f32 $3.200000000e+01, v24  }
0x4db: {  	v26 =	vld.idx.msk [tilespmem:v26+s1+$0x0], $0xffff;
	v1 =	vtrunc.f32 v7;
	v7 =	vmin.f32 v9, $1.023000000e+03;
	v9 =	vmul.f32 $3.200000000e+01, v29  }
0x4dc: {  	v23 =	vadd.f32 $5.120000000e+02, v23;
	v15 =	vmul.f32 $3.200000000e+01, v16;
	[tilespmem:s7+$0x20] =	vst v21;
	v21 =	vmul.f32 $3.200000000e+01, v19;
	v10 =	vld [tilespmem:s12+$0xFFFFFFB0]  }
0x4dd: {  	[tilespmem:s7+$0xFFFFFFD0] =	vst v5;
	v5 =	vmax.f32 v8, $0.0e+00;
	v19 =	vmul.f32 $3.200000000e+01, v30;
	v16 =	vtrunc.f32 v7;
	v7 =	vld.idx.msk [tilespmem:v2+s1+$0x0], $0xffff  }
0x4de: {  	[tilespmem:s7+$0xFFFFFF90] =	vst v18;
	v5 =	vmin.f32 v5, $1.023000000e+03;
	v18 =	vadd.f32 $5.120000000e+02, v15;
	v2 =	vcvt.f32.s32 v12;
	v12 =	vld.idx.msk [tilespmem:v22+s1+$0x0], $0xffff  }
0x4df: {  	s9 =	simm.s32 $0x100;
	[tilespmem:s7+$0x0] =	vst v27;
	v8 =	vadd.f32 $5.120000000e+02, v17;
	v5 =	vtrunc.f32 v5;
	v22 =	vmul.f32 $3.200000000e+01, v25;
	v15 =	vld.idx.msk [tilespmem:v31+s1+$0x0], $0xffff  }
0x4e0: {  	s10 =	simm.s32 $0xCA00;
	s8 =	simm.s32 $0xCA00;
	s11 =	simm.s32 $0x700;
	v17 =	vcvt.f32.s32 v63;
	v5 =	vcvt.f32.s32 v5;
	v24 =	vmax.f32 v18, $0.0e+00;
	[tilespmem:s7+$0xFFFFFFF0] =	vst v26;
	v18 =	vld [tilespmem:s12+$0xFFFFFFC0]  }
.LBB2_20:
0x4e1: {  	s9 =	sadd.s32 $0x100, s9;
	v22 =	vadd.f32 $5.120000000e+02, v22;
	v6 =	vmul.f32 $3.200000000e+01, v6;
	s10 =	sadd.s32 $0x100, s10;
	v16 =	vcvt.f32.s32 v16;
	v13 =	vld.idx.msk [tilespmem:v13+s1+$0x0], $0xffff  }
0x4e2: {  	v21 =	vadd.f32 $5.120000000e+02, v21;
	v24 =	vmin.f32 v24, $1.023000000e+03;
	v25 =	vld [tilespmem:s11+$0xFFFFFF90];
	p0 =	slt.u32 s9, $0x6100;
	v20 =	vmul.f32 $3.200000000e+01, v20;
	[tilespmem:s7+$0xFFFFFFA0] =	vst v11  }
0x4e3: {  	v11 =	vld.idx.msk [tilespmem:v4+s1+$0x0], $0xffff;
	v4 =	vmul.f32 $3.200000000e+01, v10;
	v10 =	vmax.f32 v22, $0.0e+00;
	v6 =	vadd.f32 $5.120000000e+02, v6;
	[tilespmem:s7+$0x70] =	vst v12  }
0x4e4: {  	v12 =	vadd.f32 $5.120000000e+02, v19;
	v19 =	vmax.f32 v23, $0.0e+00;
	[tilespmem:s8+$0x50] =	vst v15;
	v15 =	vadd.f32 $5.120000000e+02, v20;
	v3 =	vld.idx.msk [tilespmem:v3+s1+$0x0], $0xffff  }
0x4e5: {  	v19 =	vmin.f32 v19, $1.023000000e+03;
	v10 =	vmin.f32 v10, $1.023000000e+03;
	v20 =	vld [tilespmem:s11+$0x10];
	v4 =	vadd.f32 $5.120000000e+02, v4;
	[tilespmem:s7+$0x40] =	vst v14  }
0x4e6: {  	v9 =	vadd.f32 $5.120000000e+02, v9;
	v14 =	vmax.f32 v21, $0.0e+00;
	v21 =	vtrunc.f32 v24;
	v17 =	vld.idx.msk [tilespmem:v17+s1+$0x0], $0xffff  }
0x4e7: {  	v18 =	vmul.f32 $3.200000000e+01, v18;
	v14 =	vmin.f32 v14, $1.023000000e+03;
	v21 =	vcvt.f32.s32 v21;
	v16 =	vld.idx.msk [tilespmem:v16+s1+$0x0], $0xffff;
	[tilespmem:s7+$0xFFFFFFC0] =	vst v13  }
0x4e8: {  	v15 =	vmax.f32 v15, $0.0e+00;
	v13 =	vtrunc.f32 v19;
	v14 =	vtrunc.f32 v14;
	v23 =	vld [tilespmem:s11+$0xFFFFFFD0]  }
0x4e9: {  	v12 =	vmax.f32 v12, $0.0e+00;
	v18 =	vadd.f32 $5.120000000e+02, v18;
	v14 =	vcvt.f32.s32 v14;
	v19 =	vld [tilespmem:s11+$0x20]  }
0x4ea: {  	v6 =	vmax.f32 v6, $0.0e+00;
	v4 =	vmax.f32 v4, $0.0e+00;
	v13 =	vcvt.f32.s32 v13;
	v22 =	vld [tilespmem:s11+$0x50];
	[tilespmem:s7+$0x10] =	vst v3  }
0x4eb: {  	v9 =	vmax.f32 v9, $0.0e+00;
	v10 =	vtrunc.f32 v10;
	v12 =	vmin.f32 v12, $1.023000000e+03;
	v3 =	vld [tilespmem:s11+$0x60];
	[tilespmem:s7+$0xFFFFFFE0] =	vst v7  }
0x4ec: {  	v6 =	vmin.f32 v6, $1.023000000e+03;
	v12 =	vtrunc.f32 v12;
	v7 =	vmul.f32 $3.200000000e+01, v20;
	v24 =	vld [tilespmem:s11+$0xFFFFFF80];
	[tilespmem:s7+$0xFFFFFFB0] =	vst v17  }
0x4ed: {  	v8 =	vmax.f32 v8, $0.0e+00;
	v9 =	vmin.f32 v9, $1.023000000e+03;
	v6 =	vtrunc.f32 v6;
	v17 =	vld [tilespmem:s11+$0xFFFFFFE0];
	[tilespmem:s7+$0xFFFFFF80] =	vst v16;
	s7 =	smov.u32 s8;
	s8 =	smov.u32 s10  }
0x4ee: {  	v9 =	vtrunc.f32 v9;
	v16 =	vmul.f32 $3.200000000e+01, v25;
	v7 =	vadd.f32 $5.120000000e+02, v7;
	v20 =	vld [tilespmem:s11+$0x0]  }
0x4ef: {  	v15 =	vmin.f32 v15, $1.023000000e+03;
	v18 =	vmax.f32 v18, $0.0e+00;
	v25 =	vcvt.f32.s32 v6;
	v21 =	vld.idx.msk [tilespmem:v21+s1+$0x0], $0xffff  }
0x4f0: {  	v27 =	vcvt.f32.s32 v9;
	v16 =	vadd.f32 $5.120000000e+02, v16;
	v6 =	vld [tilespmem:s11+$0xFFFFFFF0];
	v26 =	vmul.f32 $3.200000000e+01, v3  }
0x4f1: {  	v7 =	vmax.f32 v7, $0.0e+00;
	v22 =	vmul.f32 $3.200000000e+01, v22;
	v3 =	vcvt.f32.s32 v1;
	v9 =	vld [tilespmem:s11+$0x40]  }
0x4f2: {  	v12 =	vcvt.f32.s32 v12;
	v1 =	vmax.f32 v16, $0.0e+00;
	v16 =	vadd.f32 $5.120000000e+02, v26;
	v14 =	vld.idx.msk [tilespmem:v14+s1+$0x0], $0xffff  }
0x4f3: {  	v15 =	vtrunc.f32 v15;
	v22 =	vadd.f32 $5.120000000e+02, v22;
	v1 =	vmin.f32 v1, $1.023000000e+03;
	v13 =	vld.idx.msk [tilespmem:v13+s1+$0x0], $0xffff  }
0x4f4: {  	v18 =	vmin.f32 v18, $1.023000000e+03;
	v26 =	vmin.f32 v4, $1.023000000e+03;
	v1 =	vtrunc.f32 v1;
	v5 =	vld.idx.msk [tilespmem:v5+s1+$0x0], $0xffff  }
0x4f5: {  	v4 =	vcvt.f32.s32 v1;
	v1 =	vmax.f32 v22, $0.0e+00;
	v22 =	vcvt.f32.s32 v10;
	v28 =	vld [tilespmem:s11+$0x30];
	[tilespmem:s7+$0xFFFFFF90] =	vst v11  }
0x4f6: {  	v15 =	vcvt.f32.s32 v15;
	v20 =	vmul.f32 $3.200000000e+01, v20;
	v1 =	vmin.f32 v1, $1.023000000e+03;
	v29 =	vld [tilespmem:s11+$0xFFFFFFA0];
	[tilespmem:s7+$0x30] =	vst v21  }
0x4f7: {  	v18 =	vtrunc.f32 v18;
	v7 =	vmin.f32 v7, $1.023000000e+03;
	v10 =	vtrunc.f32 v1;
	v30 =	vld.idx.msk [tilespmem:v2+s1+$0x0], $0xffff  }
0x4f8: {  	v1 =	vtrunc.f32 v7;
	v31 =	vcvt.f32.s32 v10;
	v2 =	vmin.f32 v8, $1.023000000e+03;
	v25 =	vld.idx.msk [tilespmem:v25+s1+$0x0], $0xffff;
	[tilespmem:s7+$0x20] =	vst v14  }
0x4f9: {  	v26 =	vtrunc.f32 v26;
	v9 =	vmul.f32 $3.200000000e+01, v9;
	v7 =	vmax.f32 v16, $0.0e+00;
	v10 =	vld [tilespmem:s11+$0xFFFFFFB0];
	[tilespmem:s7+$0xFFFFFFD0] =	vst v13  }
0x4fa: {  	v7 =	vmin.f32 v7, $1.023000000e+03;
	v16 =	vtrunc.f32 v2;
	v8 =	vmul.f32 $3.200000000e+01, v28;
	v11 =	vld.idx.msk [tilespmem:v12+s1+$0x0], $0xffff;
	[tilespmem:s7+$0x0] =	vst v5  }
0x4fb: {  	v2 =	vtrunc.f32 v7;
	v13 =	vcvt.f32.s32 v18;
	v5 =	vadd.f32 $5.120000000e+02, v20;
	v7 =	vld.idx.msk [tilespmem:v22+s1+$0x0], $0xffff  }
.Ltmp9:
0x4fc: {  	v14 =	vmul.f32 $3.200000000e+01, v24;
	v2 =	vcvt.f32.s32 v2;
	v18 =	vadd.f32 $5.120000000e+02, v8;
	v12 =	vld.idx.msk [tilespmem:v15+s1+$0x0], $0xffff;
	(pc) =	sbr.rel @p0 .LBB2_20-.Ltmp9, $4  }
0x4fd: {  	v21 =	vmul.f32 $3.200000000e+01, v19;
	v22 =	vmul.f32 $3.200000000e+01, v17;
	v5 =	vmax.f32 v5, $0.0e+00;
	v20 =	vld [tilespmem:s11+$0x70];
	[tilespmem:s7+$0x60] =	vst v30  }
0x4fe: {  	v19 =	vmul.f32 $3.200000000e+01, v29;
	v17 =	vmul.f32 $3.200000000e+01, v23;
	v5 =	vmin.f32 v5, $1.023000000e+03;
	v15 =	vld.idx.msk [tilespmem:v31+s1+$0x0], $0xffff  }
0x4ff: {  	v8 =	vadd.f32 $5.120000000e+02, v14;
	v5 =	vtrunc.f32 v5;
	v24 =	vmax.f32 v18, $0.0e+00;
	[tilespmem:s7+$0xFFFFFFF0] =	vst v25;
	v14 =	vld.idx.msk [tilespmem:v27+s1+$0x0], $0xffff  }
0x500: {  	v23 =	vadd.f32 $5.120000000e+02, v17;
	v17 =	vcvt.f32.s32 v26;
	v5 =	vcvt.f32.s32 v5;
	v18 =	vld [tilespmem:s11+$0xFFFFFFC0];
	s11 =	sadd.s32 $0x100, s11  }
0x501: {  	v22 =	vadd.f32 $5.120000000e+02, v22;
	v6 =	vmul.f32 $3.200000000e+01, v6;
	v16 =	vcvt.f32.s32 v16  }
0x502: {  	v21 =	vadd.f32 $5.120000000e+02, v21;
	v24 =	vmin.f32 v24, $1.023000000e+03;
	v10 =	vmul.f32 $3.200000000e+01, v10  }
0x503: {  	v19 =	vadd.f32 $5.120000000e+02, v19;
	v9 =	vadd.f32 $5.120000000e+02, v9;
	v8 =	vmax.f32 v8, $0.0e+00  }
0x504: {  	v1 =	vcvt.f32.s32 v1;
	v20 =	vmul.f32 $3.200000000e+01, v20;
	v23 =	vmax.f32 v23, $0.0e+00  }
0x505: {  	v24 =	vtrunc.f32 v24;
	v8 =	vmin.f32 v8, $1.023000000e+03;
	v22 =	vmax.f32 v22, $0.0e+00  }
0x506: {  	v6 =	vadd.f32 $5.120000000e+02, v6;
	v10 =	vadd.f32 $5.120000000e+02, v10;
	v23 =	vmin.f32 v23, $1.023000000e+03  }
0x507: {  	[tilespmem:s7+$0x70] =	vst v12;
	v21 =	vmax.f32 v21, $0.0e+00;
	v24 =	vcvt.f32.s32 v24;
	v12 =	vmax.f32 v19, $0.0e+00  }
0x508: {  	v13 =	vld.idx.msk [tilespmem:v13+s1+$0x0], $0xffff;
	v9 =	vmax.f32 v9, $0.0e+00;
	v8 =	vtrunc.f32 v8;
	v20 =	vadd.f32 $5.120000000e+02, v20  }
0x509: {  	[tilespmem:s7+$0xFFFFFFA0] =	vst v11;
	v3 =	vld.idx.msk [tilespmem:v3+s1+$0x0], $0xffff;
	v21 =	vmin.f32 v21, $1.023000000e+03;
	v11 =	vtrunc.f32 v23;
	v18 =	vmul.f32 $3.200000000e+01, v18  }
0x50a: {  	v4 =	vld.idx.msk [tilespmem:v4+s1+$0x0], $0xffff;
	[tilespmem:s7+$0xFFFFFFE0] =	vst v7;
	v9 =	vmin.f32 v9, $1.023000000e+03;
	v21 =	vtrunc.f32 v21;
	v11 =	vcvt.f32.s32 v11  }
0x50b: {  	v2 =	vld.idx.msk [tilespmem:v2+s1+$0x0], $0xffff;
	[tilespmem:s8+$0x50] =	vst v15;
	v6 =	vmax.f32 v6, $0.0e+00;
	v7 =	vtrunc.f32 v9;
	v21 =	vcvt.f32.s32 v21  }
0x50c: {  	v5 =	vld.idx.msk [tilespmem:v5+s1+$0x0], $0xffff;
	[tilespmem:s7+$0x40] =	vst v14;
	v20 =	vmax.f32 v20, $0.0e+00;
	v6 =	vmin.f32 v6, $1.023000000e+03;
	v7 =	vcvt.f32.s32 v7  }
0x50d: {  	v15 =	vld.idx.msk [tilespmem:v17+s1+$0x0], $0xffff;
	[tilespmem:s7+$0xFFFFFFC0] =	vst v13;
	v17 =	vadd.f32 $5.120000000e+02, v18;
	v6 =	vtrunc.f32 v6;
	v13 =	vmin.f32 v20, $1.023000000e+03  }
0x50e: {  	v12 =	vmin.f32 v12, $1.023000000e+03;
	[tilespmem:s7+$0x10] =	vst v3;
	v14 =	vld.idx.msk [tilespmem:v16+s1+$0x0], $0xffff;
	v6 =	vcvt.f32.s32 v6;
	v13 =	vtrunc.f32 v13  }
0x50f: {  	v12 =	vtrunc.f32 v12;
	[tilespmem:s8+$0xFFFFFF90] =	vst v4;
	v1 =	vld.idx.msk [tilespmem:v1+s1+$0x0], $0xffff;
	v3 =	vmax.f32 v17, $0.0e+00;
	v13 =	vcvt.f32.s32 v13  }
0x510: {  	v8 =	vcvt.f32.s32 v8;
	v12 =	vcvt.f32.s32 v12;
	[tilespmem:s8+$0x60] =	vst v2;
	v3 =	vmin.f32 v3, $1.023000000e+03;
	v11 =	vld.idx.msk [tilespmem:v11+s1+$0x0], $0xffff  }
0x511: {  	v10 =	vmax.f32 v10, $0.0e+00;
	[tilespmem:s8+$0x0] =	vst v5;
	v17 =	vmin.f32 v22, $1.023000000e+03;
	v3 =	vtrunc.f32 v3;
	v9 =	vld.idx.msk [tilespmem:v21+s1+$0x0], $0xffff  }
0x512: {  	v10 =	vmin.f32 v10, $1.023000000e+03;
	[tilespmem:s7+$0xFFFFFFB0] =	vst v15;
	v15 =	vtrunc.f32 v17;
	v3 =	vcvt.f32.s32 v3;
	v5 =	vld.idx.msk [tilespmem:v7+s1+$0x0], $0xffff  }
0x513: {  	v10 =	vtrunc.f32 v10;
	v16 =	vld.idx.msk [tilespmem:v24+s1+$0x0], $0xffff;
	v4 =	vcvt.f32.s32 v15;
	[tilespmem:s7+$0xFFFFFF80] =	vst v14  }
0x514: {  	v10 =	vcvt.f32.s32 v10;
	[tilespmem:s8+$0x10] =	vst v1;
	v6 =	vld.idx.msk [tilespmem:v6+s1+$0x0], $0xffff  }
0x515: {  	[tilespmem:s8+$0xFFFFFFD0] =	vst v11;
	v11 =	vld.idx.msk [tilespmem:v13+s1+$0x0], $0xffff  }
0x516: {  	[tilespmem:s8+$0x20] =	vst v9;
	v9 =	vld.idx.msk [tilespmem:v12+s1+$0x0], $0xffff  }
0x517: {  	[tilespmem:s8+$0x40] =	vst v5;
	v5 =	vld.idx.msk [tilespmem:v8+s1+$0x0], $0xffff  }
0x518: {  	[tilespmem:s8+$0x30] =	vst v16;
	v2 =	vld.idx.msk [tilespmem:v3+s1+$0x0], $0xffff  }
0x519: {  	v3 =	vld.idx.msk [tilespmem:v4+s1+$0x0], $0xffff;
	[tilespmem:s8+$0xFFFFFFF0] =	vst v6  }
0x51a: {  	v4 =	vld.idx.msk [tilespmem:v10+s1+$0x0], $0xffff;
	[tilespmem:s8+$0x70] =	vst v11  }
0x51b: {  	[tilespmem:s8+$0xFFFFFFA0] =	vst v9  }
0x51c: {  	[tilespmem:s8+$0xFFFFFF80] =	vst v5  }
0x51d: {  	[tilespmem:s8+$0xFFFFFFC0] =	vst v2  }
0x51e: {  	[tilespmem:s8+$0xFFFFFFE0] =	vst v3  }
0x51f: {  	[tilespmem:s8+$0xFFFFFFB0] =	vst v4  }
0x520: {  	[hbm4b:s20+s1] =	stream.linear.scatter [tilespmem:s22], [sflag:$0x3], $0x6200, $0x38;
	[tilespmem:$0x18C80] =	vst v63  }
0x521: {  	_ = 	snop  }
0x522: {  	[tilespmem:s30], [sflag:$0x1] =	stream.linear.gather [hbm4b:s24+s1], $0x6200, $0x38;
	[tilespmem:$0x18C80] =	vst v63  }
0x523: {  	_ =	swait.ge [sflag:s2], $0x6200  }
0x524: {  	[sflag:s2] =	ssyncset.done $0x0  }
0x525: {  	[sflag:s2] =	ssyncadd.s32 $0xFFFF9E00  }
0x526: {  	_ =	swait.ge [sflag:s5], $0x6200  }
0x527: {  	[sflag:s5] =	ssyncset.done $0x0  }
0x528: {  	s11 =	simm.s32 $0x6700;
	[sflag:s5] =	ssyncadd.s32 $0xFFFF9E00  }
0x529: {  	v1 =	vld [tilespmem:s11+$0xFFFFFF90]  }
0x52a: {  	v2 =	vld [tilespmem:s11+$0x10]  }
0x52b: {  	v3 =	vld [tilespmem:s11+$0x50]  }
0x52c: {  	v4 =	vld [tilespmem:s11+$0x60]  }
0x52d: {  	v6 =	vld [tilespmem:s11+$0x0]  }
0x52e: {  	v7 =	vld [tilespmem:s11+$0x40]  }
0x52f: {  	v8 =	vld [tilespmem:s11+$0x30]  }
0x530: {  	v9 =	vld [tilespmem:s11+$0xFFFFFF80]  }
0x531: {  	v11 =	vld [tilespmem:s11+$0x20]  }
0x532: {  	v5 =	vld [tilespmem:s11+$0xFFFFFFD0];
	v1 =	vmul.f32 $3.200000000e+01, v1  }
0x533: {  	v12 =	vld [tilespmem:s11+$0xFFFFFFA0];
	v2 =	vmul.f32 $3.200000000e+01, v2;
	v3 =	vmul.f32 $3.200000000e+01, v3  }
0x534: {  	s12 =	simm.s32 $0x6800;
	v15 =	vld [tilespmem:s11+$0xFFFFFFB0];
	v4 =	vmul.f32 $3.200000000e+01, v4;
	v6 =	vmul.f32 $3.200000000e+01, v6  }
0x535: {  	v21 =	vld [tilespmem:s12+$0x60];
	v7 =	vmul.f32 $3.200000000e+01, v7;
	v8 =	vmul.f32 $3.200000000e+01, v8  }
0x536: {  	v23 =	vld [tilespmem:s12+$0xFFFFFFD0];
	v9 =	vmul.f32 $3.200000000e+01, v9;
	v11 =	vmul.f32 $3.200000000e+01, v11  }
0x537: {  	v5 =	vmul.f32 $3.200000000e+01, v5;
	v1 =	vadd.f32 $5.120000000e+02, v1;
	v2 =	vadd.f32 $5.120000000e+02, v2  }
0x538: {  	v12 =	vmul.f32 $3.200000000e+01, v12;
	v3 =	vadd.f32 $5.120000000e+02, v3;
	v4 =	vadd.f32 $5.120000000e+02, v4  }
0x539: {  	v15 =	vmul.f32 $3.200000000e+01, v15;
	v6 =	vadd.f32 $5.120000000e+02, v6;
	v8 =	vadd.f32 $5.120000000e+02, v8  }
0x53a: {  	v21 =	vmul.f32 $3.200000000e+01, v21;
	v9 =	vadd.f32 $5.120000000e+02, v9;
	v5 =	vadd.f32 $5.120000000e+02, v5  }
0x53b: {  	v23 =	vmul.f32 $3.200000000e+01, v23;
	v11 =	vadd.f32 $5.120000000e+02, v11;
	v15 =	vadd.f32 $5.120000000e+02, v15  }
0x53c: {  	v7 =	vadd.f32 $5.120000000e+02, v7;
	v1 =	vmax.f32 v1, $0.0e+00;
	v2 =	vmax.f32 v2, $0.0e+00  }
0x53d: {  	v3 =	vmax.f32 v3, $0.0e+00;
	v4 =	vmax.f32 v4, $0.0e+00;
	v6 =	vmax.f32 v6, $0.0e+00  }
0x53e: {  	v10 =	vld [tilespmem:s11+$0xFFFFFFE0];
	v8 =	vmax.f32 v8, $0.0e+00;
	v5 =	vmax.f32 v5, $0.0e+00;
	v1 =	vmin.f32 v1, $1.023000000e+03  }
0x53f: {  	v13 =	vld [tilespmem:s11+$0xFFFFFFF0];
	v3 =	vmin.f32 v3, $1.023000000e+03;
	v2 =	vmin.f32 v2, $1.023000000e+03;
	v1 =	vtrunc.f32 v1  }
0x540: {  	v4 =	vmin.f32 v4, $1.023000000e+03;
	v3 =	vtrunc.f32 v3;
	v2 =	vtrunc.f32 v2  }
0x541: {  	v6 =	vmin.f32 v6, $1.023000000e+03;
	v4 =	vtrunc.f32 v4;
	v3 =	vcvt.f32.s32 v3  }
0x542: {  	v15 =	vmax.f32 v15, $0.0e+00;
	v6 =	vtrunc.f32 v6;
	v1 =	vcvt.f32.s32 v1  }
0x543: {  	v8 =	vmin.f32 v8, $1.023000000e+03;
	v14 =	vcvt.f32.s32 v4;
	v4 =	vmul.f32 $3.200000000e+01, v10;
	v10 =	vld [tilespmem:s11+$0x70]  }
0x544: {  	v5 =	vmin.f32 v5, $1.023000000e+03;
	v16 =	vcvt.f32.s32 v6;
	v6 =	vmul.f32 $3.200000000e+01, v13;
	v13 =	vld [tilespmem:s11+$0xFFFFFFC0]  }
0x545: {  	v15 =	vmin.f32 v15, $1.023000000e+03;
	v8 =	vtrunc.f32 v8;
	v5 =	vtrunc.f32 v5  }
0x546: {  	v19 =	vld [tilespmem:s12+$0x20];
	v63 =	vtrunc.f32 v15;
	v4 =	vadd.f32 $5.120000000e+02, v4;
	v6 =	vadd.f32 $5.120000000e+02, v6  }
0x547: {  	v9 =	vmax.f32 v9, $0.0e+00;
	v8 =	vcvt.f32.s32 v8;
	v5 =	vcvt.f32.s32 v5;
	v17 =	vld.idx.msk [tilespmem:v3+s1+$0x0], $0xffff  }
0x548: {  	v4 =	vmax.f32 v4, $0.0e+00;
	v6 =	vmax.f32 v6, $0.0e+00;
	v10 =	vmul.f32 $3.200000000e+01, v10;
	v18 =	vld.idx.msk [tilespmem:v1+s1+$0x0], $0xffff  }
0x549: {  	v4 =	vmin.f32 v4, $1.023000000e+03;
	v13 =	vmul.f32 $3.200000000e+01, v13;
	v1 =	vmax.f32 v11, $0.0e+00;
	v11 =	vld [tilespmem:s12+$0x10]  }
0x54a: {  	v3 =	vadd.f32 $5.120000000e+02, v12;
	v12 =	vld [tilespmem:s12+$0xFFFFFF90];
	v22 =	vtrunc.f32 v4;
	v4 =	vmax.f32 v7, $0.0e+00  }
0x54b: {  	v20 =	vld [tilespmem:s12+$0x50];
	v10 =	vadd.f32 $5.120000000e+02, v10;
	v1 =	vmin.f32 v1, $1.023000000e+03;
	v13 =	vadd.f32 $5.120000000e+02, v13  }
0x54c: {  	v24 =	vld [tilespmem:s12+$0xFFFFFF80];
	v4 =	vmin.f32 v4, $1.023000000e+03;
	v1 =	vtrunc.f32 v1;
	v3 =	vmax.f32 v3, $0.0e+00  }
0x54d: {  	v25 =	vld [tilespmem:s12+$0xFFFFFFE0];
	v4 =	vtrunc.f32 v4;
	v10 =	vmax.f32 v10, $0.0e+00;
	v1 =	vcvt.f32.s32 v1  }
0x54e: {  	v29 =	vld [tilespmem:s12+$0x40];
	v3 =	vmin.f32 v3, $1.023000000e+03;
	v13 =	vmax.f32 v13, $0.0e+00;
	v7 =	vmul.f32 $3.200000000e+01, v11  }
0x54f: {  	v30 =	vld [tilespmem:s12+$0xFFFFFFA0];
	v11 =	vtrunc.f32 v3;
	v3 =	vmin.f32 v6, $1.023000000e+03;
	v6 =	vmul.f32 $3.200000000e+01, v12  }
0x550: {  	v8 =	vld.idx.msk [tilespmem:v8+s1+$0x0], $0xffff;
	v28 =	vcvt.f32.s32 v4;
	v4 =	vmul.f32 $3.200000000e+01, v20;
	v20 =	vadd.f32 $5.120000000e+02, v21  }
0x551: {  	s7 =	simm.s32 $0x12B00;
	v5 =	vld.idx.msk [tilespmem:v5+s1+$0x0], $0xffff;
	v10 =	vmin.f32 v10, $1.023000000e+03;
	v13 =	vmin.f32 v13, $1.023000000e+03;
	v27 =	vadd.f32 $5.120000000e+02, v6  }
0x552: {  	v12 =	vld [tilespmem:s12+$0x0];
	v10 =	vtrunc.f32 v10;
	[tilespmem:s7+$0x50] =	vst v17;
	v17 =	vmax.f32 v20, $0.0e+00;
	v3 =	vtrunc.f32 v3  }
0x553: {  	v14 =	vld.idx.msk [tilespmem:v14+s1+$0x0], $0xffff;
	v26 =	vcvt.f32.s32 v3;
	v3 =	vcvt.f32.s32 v2;
	v2 =	vmax.f32 v27, $0.0e+00  }
0x554: {  	v11 =	vcvt.f32.s32 v11;
	v21 =	vld.idx.msk [tilespmem:v1+s1+$0x0], $0xffff;
	v1 =	vmin.f32 v2, $1.023000000e+03;
	v2 =	vadd.f32 $5.120000000e+02, v4  }
0x555: {  	v13 =	vtrunc.f32 v13;
	v20 =	vld [tilespmem:s12+$0x70];
	v17 =	vmin.f32 v17, $1.023000000e+03;
	v1 =	vtrunc.f32 v1  }
0x556: {  	v7 =	vadd.f32 $5.120000000e+02, v7;
	v27 =	vld.idx.msk [tilespmem:v16+s1+$0x0], $0xffff;
	v4 =	vcvt.f32.s32 v1;
	v1 =	vmax.f32 v2, $0.0e+00  }
0x557: {  	v16 =	vld [tilespmem:s12+$0x30];
	v12 =	vmul.f32 $3.200000000e+01, v12;
	v2 =	vcvt.f32.s32 v22;
	v1 =	vmin.f32 v1, $1.023000000e+03  }
0x558: {  	v6 =	vld [tilespmem:s12+$0xFFFFFFF0];
	v7 =	vmax.f32 v7, $0.0e+00;
	v22 =	vcvt.f32.s32 v10;
	v10 =	vtrunc.f32 v1  }
0x559: {  	[tilespmem:s7+$0x60] =	vst v14;
	v13 =	vcvt.f32.s32 v13;
	v14 =	vld.idx.msk [tilespmem:v28+s1+$0x0], $0xffff;
	v7 =	vmin.f32 v7, $1.023000000e+03;
	v31 =	vcvt.f32.s32 v10  }
0x55a: {  	[tilespmem:s7+$0x30] =	vst v8;
	v11 =	vld.idx.msk [tilespmem:v11+s1+$0x0], $0xffff;
	v8 =	vadd.f32 $5.120000000e+02, v12;
	v12 =	vtrunc.f32 v17;
	v17 =	vmul.f32 $3.200000000e+01, v24  }
0x55b: {  	v26 =	vld.idx.msk [tilespmem:v26+s1+$0x0], $0xffff;
	v1 =	vtrunc.f32 v7;
	v7 =	vmin.f32 v9, $1.023000000e+03;
	v9 =	vmul.f32 $3.200000000e+01, v29  }
0x55c: {  	v23 =	vadd.f32 $5.120000000e+02, v23;
	v15 =	vmul.f32 $3.200000000e+01, v16;
	[tilespmem:s7+$0x20] =	vst v21;
	v21 =	vmul.f32 $3.200000000e+01, v19;
	v10 =	vld [tilespmem:s12+$0xFFFFFFB0]  }
0x55d: {  	[tilespmem:s7+$0xFFFFFFD0] =	vst v5;
	v5 =	vmax.f32 v8, $0.0e+00;
	v19 =	vmul.f32 $3.200000000e+01, v30;
	v16 =	vtrunc.f32 v7;
	v7 =	vld.idx.msk [tilespmem:v2+s1+$0x0], $0xffff  }
0x55e: {  	[tilespmem:s7+$0xFFFFFF90] =	vst v18;
	v5 =	vmin.f32 v5, $1.023000000e+03;
	v18 =	vadd.f32 $5.120000000e+02, v15;
	v2 =	vcvt.f32.s32 v12;
	v12 =	vld.idx.msk [tilespmem:v22+s1+$0x0], $0xffff  }
0x55f: {  	s9 =	simm.s32 $0x100;
	[tilespmem:s7+$0x0] =	vst v27;
	v8 =	vadd.f32 $5.120000000e+02, v17;
	v5 =	vtrunc.f32 v5;
	v22 =	vmul.f32 $3.200000000e+01, v25;
	v15 =	vld.idx.msk [tilespmem:v31+s1+$0x0], $0xffff  }
0x560: {  	s10 =	simm.s32 $0x12C00;
	s8 =	simm.s32 $0x12C00;
	s11 =	simm.s32 $0x6900;
	v17 =	vcvt.f32.s32 v63;
	v5 =	vcvt.f32.s32 v5;
	v24 =	vmax.f32 v18, $0.0e+00;
	[tilespmem:s7+$0xFFFFFFF0] =	vst v26;
	v18 =	vld [tilespmem:s12+$0xFFFFFFC0]  }
.LBB2_22:
0x561: {  	s9 =	sadd.s32 $0x100, s9;
	v22 =	vadd.f32 $5.120000000e+02, v22;
	v6 =	vmul.f32 $3.200000000e+01, v6;
	s10 =	sadd.s32 $0x100, s10;
	v16 =	vcvt.f32.s32 v16;
	v13 =	vld.idx.msk [tilespmem:v13+s1+$0x0], $0xffff  }
0x562: {  	v21 =	vadd.f32 $5.120000000e+02, v21;
	v24 =	vmin.f32 v24, $1.023000000e+03;
	v25 =	vld [tilespmem:s11+$0xFFFFFF90];
	p0 =	slt.u32 s9, $0x6100;
	v20 =	vmul.f32 $3.200000000e+01, v20;
	[tilespmem:s7+$0xFFFFFFA0] =	vst v11  }
0x563: {  	v11 =	vld.idx.msk [tilespmem:v4+s1+$0x0], $0xffff;
	v4 =	vmul.f32 $3.200000000e+01, v10;
	v10 =	vmax.f32 v22, $0.0e+00;
	v6 =	vadd.f32 $5.120000000e+02, v6;
	[tilespmem:s7+$0x70] =	vst v12  }
0x564: {  	v12 =	vadd.f32 $5.120000000e+02, v19;
	v19 =	vmax.f32 v23, $0.0e+00;
	[tilespmem:s8+$0x50] =	vst v15;
	v15 =	vadd.f32 $5.120000000e+02, v20;
	v3 =	vld.idx.msk [tilespmem:v3+s1+$0x0], $0xffff  }
0x565: {  	v19 =	vmin.f32 v19, $1.023000000e+03;
	v10 =	vmin.f32 v10, $1.023000000e+03;
	v20 =	vld [tilespmem:s11+$0x10];
	v4 =	vadd.f32 $5.120000000e+02, v4;
	[tilespmem:s7+$0x40] =	vst v14  }
0x566: {  	v9 =	vadd.f32 $5.120000000e+02, v9;
	v14 =	vmax.f32 v21, $0.0e+00;
	v21 =	vtrunc.f32 v24;
	v17 =	vld.idx.msk [tilespmem:v17+s1+$0x0], $0xffff  }
0x567: {  	v18 =	vmul.f32 $3.200000000e+01, v18;
	v14 =	vmin.f32 v14, $1.023000000e+03;
	v21 =	vcvt.f32.s32 v21;
	v16 =	vld.idx.msk [tilespmem:v16+s1+$0x0], $0xffff;
	[tilespmem:s7+$0xFFFFFFC0] =	vst v13  }
0x568: {  	v15 =	vmax.f32 v15, $0.0e+00;
	v13 =	vtrunc.f32 v19;
	v14 =	vtrunc.f32 v14;
	v23 =	vld [tilespmem:s11+$0xFFFFFFD0]  }
0x569: {  	v12 =	vmax.f32 v12, $0.0e+00;
	v18 =	vadd.f32 $5.120000000e+02, v18;
	v14 =	vcvt.f32.s32 v14;
	v19 =	vld [tilespmem:s11+$0x20]  }
0x56a: {  	v6 =	vmax.f32 v6, $0.0e+00;
	v4 =	vmax.f32 v4, $0.0e+00;
	v13 =	vcvt.f32.s32 v13;
	v22 =	vld [tilespmem:s11+$0x50];
	[tilespmem:s7+$0x10] =	vst v3  }
0x56b: {  	v9 =	vmax.f32 v9, $0.0e+00;
	v10 =	vtrunc.f32 v10;
	v12 =	vmin.f32 v12, $1.023000000e+03;
	v3 =	vld [tilespmem:s11+$0x60];
	[tilespmem:s7+$0xFFFFFFE0] =	vst v7  }
0x56c: {  	v6 =	vmin.f32 v6, $1.023000000e+03;
	v12 =	vtrunc.f32 v12;
	v7 =	vmul.f32 $3.200000000e+01, v20;
	v24 =	vld [tilespmem:s11+$0xFFFFFF80];
	[tilespmem:s7+$0xFFFFFFB0] =	vst v17  }
0x56d: {  	v8 =	vmax.f32 v8, $0.0e+00;
	v9 =	vmin.f32 v9, $1.023000000e+03;
	v6 =	vtrunc.f32 v6;
	v17 =	vld [tilespmem:s11+$0xFFFFFFE0];
	[tilespmem:s7+$0xFFFFFF80] =	vst v16;
	s7 =	smov.u32 s8;
	s8 =	smov.u32 s10  }
0x56e: {  	v9 =	vtrunc.f32 v9;
	v16 =	vmul.f32 $3.200000000e+01, v25;
	v7 =	vadd.f32 $5.120000000e+02, v7;
	v20 =	vld [tilespmem:s11+$0x0]  }
0x56f: {  	v15 =	vmin.f32 v15, $1.023000000e+03;
	v18 =	vmax.f32 v18, $0.0e+00;
	v25 =	vcvt.f32.s32 v6;
	v21 =	vld.idx.msk [tilespmem:v21+s1+$0x0], $0xffff  }
0x570: {  	v27 =	vcvt.f32.s32 v9;
	v16 =	vadd.f32 $5.120000000e+02, v16;
	v6 =	vld [tilespmem:s11+$0xFFFFFFF0];
	v26 =	vmul.f32 $3.200000000e+01, v3  }
0x571: {  	v7 =	vmax.f32 v7, $0.0e+00;
	v22 =	vmul.f32 $3.200000000e+01, v22;
	v3 =	vcvt.f32.s32 v1;
	v9 =	vld [tilespmem:s11+$0x40]  }
0x572: {  	v12 =	vcvt.f32.s32 v12;
	v1 =	vmax.f32 v16, $0.0e+00;
	v16 =	vadd.f32 $5.120000000e+02, v26;
	v14 =	vld.idx.msk [tilespmem:v14+s1+$0x0], $0xffff  }
0x573: {  	v15 =	vtrunc.f32 v15;
	v22 =	vadd.f32 $5.120000000e+02, v22;
	v1 =	vmin.f32 v1, $1.023000000e+03;
	v13 =	vld.idx.msk [tilespmem:v13+s1+$0x0], $0xffff  }
0x574: {  	v18 =	vmin.f32 v18, $1.023000000e+03;
	v26 =	vmin.f32 v4, $1.023000000e+03;
	v1 =	vtrunc.f32 v1;
	v5 =	vld.idx.msk [tilespmem:v5+s1+$0x0], $0xffff  }
0x575: {  	v4 =	vcvt.f32.s32 v1;
	v1 =	vmax.f32 v22, $0.0e+00;
	v22 =	vcvt.f32.s32 v10;
	v28 =	vld [tilespmem:s11+$0x30];
	[tilespmem:s7+$0xFFFFFF90] =	vst v11  }
0x576: {  	v15 =	vcvt.f32.s32 v15;
	v20 =	vmul.f32 $3.200000000e+01, v20;
	v1 =	vmin.f32 v1, $1.023000000e+03;
	v29 =	vld [tilespmem:s11+$0xFFFFFFA0];
	[tilespmem:s7+$0x30] =	vst v21  }
0x577: {  	v18 =	vtrunc.f32 v18;
	v7 =	vmin.f32 v7, $1.023000000e+03;
	v10 =	vtrunc.f32 v1;
	v30 =	vld.idx.msk [tilespmem:v2+s1+$0x0], $0xffff  }
0x578: {  	v1 =	vtrunc.f32 v7;
	v31 =	vcvt.f32.s32 v10;
	v2 =	vmin.f32 v8, $1.023000000e+03;
	v25 =	vld.idx.msk [tilespmem:v25+s1+$0x0], $0xffff;
	[tilespmem:s7+$0x20] =	vst v14  }
0x579: {  	v26 =	vtrunc.f32 v26;
	v9 =	vmul.f32 $3.200000000e+01, v9;
	v7 =	vmax.f32 v16, $0.0e+00;
	v10 =	vld [tilespmem:s11+$0xFFFFFFB0];
	[tilespmem:s7+$0xFFFFFFD0] =	vst v13  }
0x57a: {  	v7 =	vmin.f32 v7, $1.023000000e+03;
	v16 =	vtrunc.f32 v2;
	v8 =	vmul.f32 $3.200000000e+01, v28;
	v11 =	vld.idx.msk [tilespmem:v12+s1+$0x0], $0xffff;
	[tilespmem:s7+$0x0] =	vst v5  }
0x57b: {  	v2 =	vtrunc.f32 v7;
	v13 =	vcvt.f32.s32 v18;
	v5 =	vadd.f32 $5.120000000e+02, v20;
	v7 =	vld.idx.msk [tilespmem:v22+s1+$0x0], $0xffff  }
.Ltmp10:
0x57c: {  	v14 =	vmul.f32 $3.200000000e+01, v24;
	v2 =	vcvt.f32.s32 v2;
	v18 =	vadd.f32 $5.120000000e+02, v8;
	v12 =	vld.idx.msk [tilespmem:v15+s1+$0x0], $0xffff;
	(pc) =	sbr.rel @p0 .LBB2_22-.Ltmp10, $4  }
0x57d: {  	v21 =	vmul.f32 $3.200000000e+01, v19;
	v22 =	vmul.f32 $3.200000000e+01, v17;
	v5 =	vmax.f32 v5, $0.0e+00;
	v20 =	vld [tilespmem:s11+$0x70];
	[tilespmem:s7+$0x60] =	vst v30  }
0x57e: {  	v19 =	vmul.f32 $3.200000000e+01, v29;
	v17 =	vmul.f32 $3.200000000e+01, v23;
	v5 =	vmin.f32 v5, $1.023000000e+03;
	v15 =	vld.idx.msk [tilespmem:v31+s1+$0x0], $0xffff  }
0x57f: {  	v8 =	vadd.f32 $5.120000000e+02, v14;
	v5 =	vtrunc.f32 v5;
	v24 =	vmax.f32 v18, $0.0e+00;
	[tilespmem:s7+$0xFFFFFFF0] =	vst v25;
	v14 =	vld.idx.msk [tilespmem:v27+s1+$0x0], $0xffff  }
0x580: {  	v23 =	vadd.f32 $5.120000000e+02, v17;
	v17 =	vcvt.f32.s32 v26;
	v5 =	vcvt.f32.s32 v5;
	v18 =	vld [tilespmem:s11+$0xFFFFFFC0];
	s11 =	sadd.s32 $0x100, s11  }
0x581: {  	v22 =	vadd.f32 $5.120000000e+02, v22;
	v6 =	vmul.f32 $3.200000000e+01, v6;
	v16 =	vcvt.f32.s32 v16  }
0x582: {  	v21 =	vadd.f32 $5.120000000e+02, v21;
	v24 =	vmin.f32 v24, $1.023000000e+03;
	v10 =	vmul.f32 $3.200000000e+01, v10  }
0x583: {  	v19 =	vadd.f32 $5.120000000e+02, v19;
	v9 =	vadd.f32 $5.120000000e+02, v9;
	v8 =	vmax.f32 v8, $0.0e+00  }
0x584: {  	v1 =	vcvt.f32.s32 v1;
	v20 =	vmul.f32 $3.200000000e+01, v20;
	v23 =	vmax.f32 v23, $0.0e+00  }
0x585: {  	v24 =	vtrunc.f32 v24;
	v8 =	vmin.f32 v8, $1.023000000e+03;
	v22 =	vmax.f32 v22, $0.0e+00  }
0x586: {  	v6 =	vadd.f32 $5.120000000e+02, v6;
	v10 =	vadd.f32 $5.120000000e+02, v10;
	v23 =	vmin.f32 v23, $1.023000000e+03  }
0x587: {  	[tilespmem:s7+$0x70] =	vst v12;
	v21 =	vmax.f32 v21, $0.0e+00;
	v24 =	vcvt.f32.s32 v24;
	v12 =	vmax.f32 v19, $0.0e+00  }
0x588: {  	v13 =	vld.idx.msk [tilespmem:v13+s1+$0x0], $0xffff;
	v9 =	vmax.f32 v9, $0.0e+00;
	v8 =	vtrunc.f32 v8;
	v20 =	vadd.f32 $5.120000000e+02, v20  }
0x589: {  	[tilespmem:s7+$0xFFFFFFA0] =	vst v11;
	v3 =	vld.idx.msk [tilespmem:v3+s1+$0x0], $0xffff;
	v21 =	vmin.f32 v21, $1.023000000e+03;
	v11 =	vtrunc.f32 v23;
	v18 =	vmul.f32 $3.200000000e+01, v18  }
0x58a: {  	v4 =	vld.idx.msk [tilespmem:v4+s1+$0x0], $0xffff;
	[tilespmem:s7+$0xFFFFFFE0] =	vst v7;
	v9 =	vmin.f32 v9, $1.023000000e+03;
	v21 =	vtrunc.f32 v21;
	v11 =	vcvt.f32.s32 v11  }
0x58b: {  	v2 =	vld.idx.msk [tilespmem:v2+s1+$0x0], $0xffff;
	[tilespmem:s8+$0x50] =	vst v15;
	v6 =	vmax.f32 v6, $0.0e+00;
	v7 =	vtrunc.f32 v9;
	v21 =	vcvt.f32.s32 v21  }
0x58c: {  	v5 =	vld.idx.msk [tilespmem:v5+s1+$0x0], $0xffff;
	[tilespmem:s7+$0x40] =	vst v14;
	v20 =	vmax.f32 v20, $0.0e+00;
	v6 =	vmin.f32 v6, $1.023000000e+03;
	v7 =	vcvt.f32.s32 v7  }
0x58d: {  	v15 =	vld.idx.msk [tilespmem:v17+s1+$0x0], $0xffff;
	[tilespmem:s7+$0xFFFFFFC0] =	vst v13;
	v17 =	vadd.f32 $5.120000000e+02, v18;
	v6 =	vtrunc.f32 v6;
	v13 =	vmin.f32 v20, $1.023000000e+03  }
0x58e: {  	v12 =	vmin.f32 v12, $1.023000000e+03;
	[tilespmem:s7+$0x10] =	vst v3;
	v14 =	vld.idx.msk [tilespmem:v16+s1+$0x0], $0xffff;
	v6 =	vcvt.f32.s32 v6;
	v13 =	vtrunc.f32 v13  }
0x58f: {  	v12 =	vtrunc.f32 v12;
	[tilespmem:s8+$0xFFFFFF90] =	vst v4;
	v1 =	vld.idx.msk [tilespmem:v1+s1+$0x0], $0xffff;
	v3 =	vmax.f32 v17, $0.0e+00;
	v13 =	vcvt.f32.s32 v13  }
0x590: {  	v8 =	vcvt.f32.s32 v8;
	v12 =	vcvt.f32.s32 v12;
	[tilespmem:s8+$0x60] =	vst v2;
	v3 =	vmin.f32 v3, $1.023000000e+03;
	v11 =	vld.idx.msk [tilespmem:v11+s1+$0x0], $0xffff  }
0x591: {  	v10 =	vmax.f32 v10, $0.0e+00;
	[tilespmem:s8+$0x0] =	vst v5;
	v17 =	vmin.f32 v22, $1.023000000e+03;
	v3 =	vtrunc.f32 v3;
	v9 =	vld.idx.msk [tilespmem:v21+s1+$0x0], $0xffff  }
0x592: {  	v10 =	vmin.f32 v10, $1.023000000e+03;
	[tilespmem:s7+$0xFFFFFFB0] =	vst v15;
	v15 =	vtrunc.f32 v17;
	v3 =	vcvt.f32.s32 v3;
	v5 =	vld.idx.msk [tilespmem:v7+s1+$0x0], $0xffff  }
0x593: {  	v10 =	vtrunc.f32 v10;
	v16 =	vld.idx.msk [tilespmem:v24+s1+$0x0], $0xffff;
	v4 =	vcvt.f32.s32 v15;
	[tilespmem:s7+$0xFFFFFF80] =	vst v14  }
0x594: {  	v10 =	vcvt.f32.s32 v10;
	[tilespmem:s8+$0x10] =	vst v1;
	v6 =	vld.idx.msk [tilespmem:v6+s1+$0x0], $0xffff  }
0x595: {  	[tilespmem:s8+$0xFFFFFFD0] =	vst v11;
	v11 =	vld.idx.msk [tilespmem:v13+s1+$0x0], $0xffff  }
0x596: {  	[tilespmem:s8+$0x20] =	vst v9;
	v9 =	vld.idx.msk [tilespmem:v12+s1+$0x0], $0xffff  }
0x597: {  	[tilespmem:s8+$0x40] =	vst v5;
	v5 =	vld.idx.msk [tilespmem:v8+s1+$0x0], $0xffff  }
0x598: {  	[tilespmem:s8+$0x30] =	vst v16;
	v2 =	vld.idx.msk [tilespmem:v3+s1+$0x0], $0xffff  }
0x599: {  	v3 =	vld.idx.msk [tilespmem:v4+s1+$0x0], $0xffff;
	[tilespmem:s8+$0xFFFFFFF0] =	vst v6  }
0x59a: {  	v4 =	vld.idx.msk [tilespmem:v10+s1+$0x0], $0xffff;
	[tilespmem:s8+$0x70] =	vst v11  }
0x59b: {  	[tilespmem:s8+$0xFFFFFFA0] =	vst v9  }
0x59c: {  	[tilespmem:s8+$0xFFFFFF80] =	vst v5  }
0x59d: {  	[tilespmem:s8+$0xFFFFFFC0] =	vst v2  }
0x59e: {  	[tilespmem:s8+$0xFFFFFFE0] =	vst v3  }
0x59f: {  	[tilespmem:s8+$0xFFFFFFB0] =	vst v4  }
0x5a0: {  	[hbm4b:s21+s1] =	stream.linear.scatter [tilespmem:s3], [sflag:$0x4], $0x6200, $0x38;
	[tilespmem:$0x18C80] =	vst v63  }
0x5a1: {  	_ = 	snop  }
0x5a2: {  	[tilespmem:s31], [sflag:$0x2] =	stream.linear.gather [hbm4b:s25+s1], $0x6200, $0x38;
	[tilespmem:$0x18C80] =	vst v63  }
0x5a3: {  	_ =	swait.ge [sflag:s23], $0x6200  }
0x5a4: {  	[sflag:s23] =	ssyncset.done $0x0  }
0x5a5: {  	[sflag:s23] =	ssyncadd.s32 $0xFFFF9E00  }
0x5a6: {  	_ =	swait.ge [sflag:s4], $0x6200  }
0x5a7: {  	[sflag:s4] =	ssyncset.done $0x0  }
0x5a8: {  	s11 =	simm.s32 $0x500;
	[sflag:s4] =	ssyncadd.s32 $0xFFFF9E00  }
0x5a9: {  	v1 =	vld [tilespmem:s11+$0xFFFFFF90]  }
0x5aa: {  	v2 =	vld [tilespmem:s11+$0x10]  }
0x5ab: {  	v3 =	vld [tilespmem:s11+$0x50]  }
0x5ac: {  	v4 =	vld [tilespmem:s11+$0x60]  }
0x5ad: {  	v6 =	vld [tilespmem:s11+$0x0]  }
0x5ae: {  	v7 =	vld [tilespmem:s11+$0x40]  }
0x5af: {  	v8 =	vld [tilespmem:s11+$0x30]  }
0x5b0: {  	v9 =	vld [tilespmem:s11+$0xFFFFFF80]  }
0x5b1: {  	v11 =	vld [tilespmem:s11+$0x20]  }
0x5b2: {  	v5 =	vld [tilespmem:s11+$0xFFFFFFD0];
	v1 =	vmul.f32 $3.200000000e+01, v1  }
0x5b3: {  	v12 =	vld [tilespmem:s11+$0xFFFFFFA0];
	v2 =	vmul.f32 $3.200000000e+01, v2;
	v3 =	vmul.f32 $3.200000000e+01, v3  }
0x5b4: {  	s12 =	simm.s32 $0x600;
	v15 =	vld [tilespmem:s11+$0xFFFFFFB0];
	v4 =	vmul.f32 $3.200000000e+01, v4;
	v6 =	vmul.f32 $3.200000000e+01, v6  }
0x5b5: {  	v21 =	vld [tilespmem:s12+$0x60];
	v7 =	vmul.f32 $3.200000000e+01, v7;
	v8 =	vmul.f32 $3.200000000e+01, v8  }
0x5b6: {  	v23 =	vld [tilespmem:s12+$0xFFFFFFD0];
	v9 =	vmul.f32 $3.200000000e+01, v9;
	v11 =	vmul.f32 $3.200000000e+01, v11  }
0x5b7: {  	v5 =	vmul.f32 $3.200000000e+01, v5;
	v1 =	vadd.f32 $5.120000000e+02, v1;
	v2 =	vadd.f32 $5.120000000e+02, v2  }
0x5b8: {  	v12 =	vmul.f32 $3.200000000e+01, v12;
	v3 =	vadd.f32 $5.120000000e+02, v3;
	v4 =	vadd.f32 $5.120000000e+02, v4  }
0x5b9: {  	v15 =	vmul.f32 $3.200000000e+01, v15;
	v6 =	vadd.f32 $5.120000000e+02, v6;
	v8 =	vadd.f32 $5.120000000e+02, v8  }
0x5ba: {  	v21 =	vmul.f32 $3.200000000e+01, v21;
	v9 =	vadd.f32 $5.120000000e+02, v9;
	v5 =	vadd.f32 $5.120000000e+02, v5  }
0x5bb: {  	v23 =	vmul.f32 $3.200000000e+01, v23;
	v11 =	vadd.f32 $5.120000000e+02, v11;
	v15 =	vadd.f32 $5.120000000e+02, v15  }
0x5bc: {  	v7 =	vadd.f32 $5.120000000e+02, v7;
	v1 =	vmax.f32 v1, $0.0e+00;
	v2 =	vmax.f32 v2, $0.0e+00  }
0x5bd: {  	v3 =	vmax.f32 v3, $0.0e+00;
	v4 =	vmax.f32 v4, $0.0e+00;
	v6 =	vmax.f32 v6, $0.0e+00  }
0x5be: {  	v10 =	vld [tilespmem:s11+$0xFFFFFFE0];
	v8 =	vmax.f32 v8, $0.0e+00;
	v5 =	vmax.f32 v5, $0.0e+00;
	v1 =	vmin.f32 v1, $1.023000000e+03  }
0x5bf: {  	v13 =	vld [tilespmem:s11+$0xFFFFFFF0];
	v3 =	vmin.f32 v3, $1.023000000e+03;
	v2 =	vmin.f32 v2, $1.023000000e+03;
	v1 =	vtrunc.f32 v1  }
0x5c0: {  	v4 =	vmin.f32 v4, $1.023000000e+03;
	v3 =	vtrunc.f32 v3;
	v2 =	vtrunc.f32 v2  }
0x5c1: {  	v6 =	vmin.f32 v6, $1.023000000e+03;
	v4 =	vtrunc.f32 v4;
	v3 =	vcvt.f32.s32 v3  }
0x5c2: {  	v15 =	vmax.f32 v15, $0.0e+00;
	v6 =	vtrunc.f32 v6;
	v1 =	vcvt.f32.s32 v1  }
0x5c3: {  	v8 =	vmin.f32 v8, $1.023000000e+03;
	v14 =	vcvt.f32.s32 v4;
	v4 =	vmul.f32 $3.200000000e+01, v10;
	v10 =	vld [tilespmem:s11+$0x70]  }
0x5c4: {  	v5 =	vmin.f32 v5, $1.023000000e+03;
	v16 =	vcvt.f32.s32 v6;
	v6 =	vmul.f32 $3.200000000e+01, v13;
	v13 =	vld [tilespmem:s11+$0xFFFFFFC0]  }
0x5c5: {  	v15 =	vmin.f32 v15, $1.023000000e+03;
	v8 =	vtrunc.f32 v8;
	v5 =	vtrunc.f32 v5  }
0x5c6: {  	v19 =	vld [tilespmem:s12+$0x20];
	v63 =	vtrunc.f32 v15;
	v4 =	vadd.f32 $5.120000000e+02, v4;
	v6 =	vadd.f32 $5.120000000e+02, v6  }
0x5c7: {  	v9 =	vmax.f32 v9, $0.0e+00;
	v8 =	vcvt.f32.s32 v8;
	v5 =	vcvt.f32.s32 v5;
	v17 =	vld.idx.msk [tilespmem:v3+s1+$0x0], $0xffff  }
0x5c8: {  	v4 =	vmax.f32 v4, $0.0e+00;
	v6 =	vmax.f32 v6, $0.0e+00;
	v10 =	vmul.f32 $3.200000000e+01, v10;
	v18 =	vld.idx.msk [tilespmem:v1+s1+$0x0], $0xffff  }
0x5c9: {  	v4 =	vmin.f32 v4, $1.023000000e+03;
	v13 =	vmul.f32 $3.200000000e+01, v13;
	v1 =	vmax.f32 v11, $0.0e+00;
	v11 =	vld [tilespmem:s12+$0x10]  }
0x5ca: {  	v3 =	vadd.f32 $5.120000000e+02, v12;
	v12 =	vld [tilespmem:s12+$0xFFFFFF90];
	v22 =	vtrunc.f32 v4;
	v4 =	vmax.f32 v7, $0.0e+00  }
0x5cb: {  	v20 =	vld [tilespmem:s12+$0x50];
	v10 =	vadd.f32 $5.120000000e+02, v10;
	v1 =	vmin.f32 v1, $1.023000000e+03;
	v13 =	vadd.f32 $5.120000000e+02, v13  }
0x5cc: {  	v24 =	vld [tilespmem:s12+$0xFFFFFF80];
	v4 =	vmin.f32 v4, $1.023000000e+03;
	v1 =	vtrunc.f32 v1;
	v3 =	vmax.f32 v3, $0.0e+00  }
0x5cd: {  	v25 =	vld [tilespmem:s12+$0xFFFFFFE0];
	v4 =	vtrunc.f32 v4;
	v10 =	vmax.f32 v10, $0.0e+00;
	v1 =	vcvt.f32.s32 v1  }
0x5ce: {  	v29 =	vld [tilespmem:s12+$0x40];
	v3 =	vmin.f32 v3, $1.023000000e+03;
	v13 =	vmax.f32 v13, $0.0e+00;
	v7 =	vmul.f32 $3.200000000e+01, v11  }
0x5cf: {  	v30 =	vld [tilespmem:s12+$0xFFFFFFA0];
	v11 =	vtrunc.f32 v3;
	v3 =	vmin.f32 v6, $1.023000000e+03;
	v6 =	vmul.f32 $3.200000000e+01, v12  }
0x5d0: {  	v8 =	vld.idx.msk [tilespmem:v8+s1+$0x0], $0xffff;
	v28 =	vcvt.f32.s32 v4;
	v4 =	vmul.f32 $3.200000000e+01, v20;
	v20 =	vadd.f32 $5.120000000e+02, v21  }
0x5d1: {  	s7 =	simm.s32 $0xC900;
	v5 =	vld.idx.msk [tilespmem:v5+s1+$0x0], $0xffff;
	v10 =	vmin.f32 v10, $1.023000000e+03;
	v13 =	vmin.f32 v13, $1.023000000e+03;
	v27 =	vadd.f32 $5.120000000e+02, v6  }
0x5d2: {  	v12 =	vld [tilespmem:s12+$0x0];
	v10 =	vtrunc.f32 v10;
	[tilespmem:s7+$0x50] =	vst v17;
	v17 =	vmax.f32 v20, $0.0e+00;
	v3 =	vtrunc.f32 v3  }
0x5d3: {  	v14 =	vld.idx.msk [tilespmem:v14+s1+$0x0], $0xffff;
	v26 =	vcvt.f32.s32 v3;
	v3 =	vcvt.f32.s32 v2;
	v2 =	vmax.f32 v27, $0.0e+00  }
0x5d4: {  	v11 =	vcvt.f32.s32 v11;
	v21 =	vld.idx.msk [tilespmem:v1+s1+$0x0], $0xffff;
	v1 =	vmin.f32 v2, $1.023000000e+03;
	v2 =	vadd.f32 $5.120000000e+02, v4  }
0x5d5: {  	v13 =	vtrunc.f32 v13;
	v20 =	vld [tilespmem:s12+$0x70];
	v17 =	vmin.f32 v17, $1.023000000e+03;
	v1 =	vtrunc.f32 v1  }
0x5d6: {  	v7 =	vadd.f32 $5.120000000e+02, v7;
	v27 =	vld.idx.msk [tilespmem:v16+s1+$0x0], $0xffff;
	v4 =	vcvt.f32.s32 v1;
	v1 =	vmax.f32 v2, $0.0e+00  }
0x5d7: {  	v16 =	vld [tilespmem:s12+$0x30];
	v12 =	vmul.f32 $3.200000000e+01, v12;
	v2 =	vcvt.f32.s32 v22;
	v1 =	vmin.f32 v1, $1.023000000e+03  }
0x5d8: {  	v6 =	vld [tilespmem:s12+$0xFFFFFFF0];
	v7 =	vmax.f32 v7, $0.0e+00;
	v22 =	vcvt.f32.s32 v10;
	v10 =	vtrunc.f32 v1  }
0x5d9: {  	[tilespmem:s7+$0x60] =	vst v14;
	v13 =	vcvt.f32.s32 v13;
	v14 =	vld.idx.msk [tilespmem:v28+s1+$0x0], $0xffff;
	v7 =	vmin.f32 v7, $1.023000000e+03;
	v31 =	vcvt.f32.s32 v10  }
0x5da: {  	[tilespmem:s7+$0x30] =	vst v8;
	v11 =	vld.idx.msk [tilespmem:v11+s1+$0x0], $0xffff;
	v8 =	vadd.f32 $5.120000000e+02, v12;
	v12 =	vtrunc.f32 v17;
	v17 =	vmul.f32 $3.200000000e+01, v24  }
0x5db: {  	v26 =	vld.idx.msk [tilespmem:v26+s1+$0x0], $0xffff;
	v1 =	vtrunc.f32 v7;
	v7 =	vmin.f32 v9, $1.023000000e+03;
	v9 =	vmul.f32 $3.200000000e+01, v29  }
0x5dc: {  	v23 =	vadd.f32 $5.120000000e+02, v23;
	v15 =	vmul.f32 $3.200000000e+01, v16;
	[tilespmem:s7+$0x20] =	vst v21;
	v21 =	vmul.f32 $3.200000000e+01, v19;
	v10 =	vld [tilespmem:s12+$0xFFFFFFB0]  }
0x5dd: {  	[tilespmem:s7+$0xFFFFFFD0] =	vst v5;
	v5 =	vmax.f32 v8, $0.0e+00;
	v19 =	vmul.f32 $3.200000000e+01, v30;
	v16 =	vtrunc.f32 v7;
	v7 =	vld.idx.msk [tilespmem:v2+s1+$0x0], $0xffff  }
0x5de: {  	[tilespmem:s7+$0xFFFFFF90] =	vst v18;
	v5 =	vmin.f32 v5, $1.023000000e+03;
	v18 =	vadd.f32 $5.120000000e+02, v15;
	v2 =	vcvt.f32.s32 v12;
	v12 =	vld.idx.msk [tilespmem:v22+s1+$0x0], $0xffff  }
0x5df: {  	s9 =	simm.s32 $0x100;
	[tilespmem:s7+$0x0] =	vst v27;
	v8 =	vadd.f32 $5.120000000e+02, v17;
	v5 =	vtrunc.f32 v5;
	v22 =	vmul.f32 $3.200000000e+01, v25;
	v15 =	vld.idx.msk [tilespmem:v31+s1+$0x0], $0xffff  }
0x5e0: {  	s10 =	simm.s32 $0xCA00;
	s8 =	simm.s32 $0xCA00;
	s11 =	simm.s32 $0x700;
	v17 =	vcvt.f32.s32 v63;
	v5 =	vcvt.f32.s32 v5;
	v24 =	vmax.f32 v18, $0.0e+00;
	[tilespmem:s7+$0xFFFFFFF0] =	vst v26;
	v18 =	vld [tilespmem:s12+$0xFFFFFFC0]  }
.LBB2_24:
0x5e1: {  	s9 =	sadd.s32 $0x100, s9;
	v22 =	vadd.f32 $5.120000000e+02, v22;
	v6 =	vmul.f32 $3.200000000e+01, v6;
	s10 =	sadd.s32 $0x100, s10;
	v16 =	vcvt.f32.s32 v16;
	v13 =	vld.idx.msk [tilespmem:v13+s1+$0x0], $0xffff  }
0x5e2: {  	v21 =	vadd.f32 $5.120000000e+02, v21;
	v24 =	vmin.f32 v24, $1.023000000e+03;
	v25 =	vld [tilespmem:s11+$0xFFFFFF90];
	p0 =	slt.u32 s9, $0x6100;
	v20 =	vmul.f32 $3.200000000e+01, v20;
	[tilespmem:s7+$0xFFFFFFA0] =	vst v11  }
0x5e3: {  	v11 =	vld.idx.msk [tilespmem:v4+s1+$0x0], $0xffff;
	v4 =	vmul.f32 $3.200000000e+01, v10;
	v10 =	vmax.f32 v22, $0.0e+00;
	v6 =	vadd.f32 $5.120000000e+02, v6;
	[tilespmem:s7+$0x70] =	vst v12  }
0x5e4: {  	v12 =	vadd.f32 $5.120000000e+02, v19;
	v19 =	vmax.f32 v23, $0.0e+00;
	[tilespmem:s8+$0x50] =	vst v15;
	v15 =	vadd.f32 $5.120000000e+02, v20;
	v3 =	vld.idx.msk [tilespmem:v3+s1+$0x0], $0xffff  }
0x5e5: {  	v19 =	vmin.f32 v19, $1.023000000e+03;
	v10 =	vmin.f32 v10, $1.023000000e+03;
	v20 =	vld [tilespmem:s11+$0x10];
	v4 =	vadd.f32 $5.120000000e+02, v4;
	[tilespmem:s7+$0x40] =	vst v14  }
0x5e6: {  	v9 =	vadd.f32 $5.120000000e+02, v9;
	v14 =	vmax.f32 v21, $0.0e+00;
	v21 =	vtrunc.f32 v24;
	v17 =	vld.idx.msk [tilespmem:v17+s1+$0x0], $0xffff  }
0x5e7: {  	v18 =	vmul.f32 $3.200000000e+01, v18;
	v14 =	vmin.f32 v14, $1.023000000e+03;
	v21 =	vcvt.f32.s32 v21;
	v16 =	vld.idx.msk [tilespmem:v16+s1+$0x0], $0xffff;
	[tilespmem:s7+$0xFFFFFFC0] =	vst v13  }
0x5e8: {  	v15 =	vmax.f32 v15, $0.0e+00;
	v13 =	vtrunc.f32 v19;
	v14 =	vtrunc.f32 v14;
	v23 =	vld [tilespmem:s11+$0xFFFFFFD0]  }
0x5e9: {  	v12 =	vmax.f32 v12, $0.0e+00;
	v18 =	vadd.f32 $5.120000000e+02, v18;
	v14 =	vcvt.f32.s32 v14;
	v19 =	vld [tilespmem:s11+$0x20]  }
0x5ea: {  	v6 =	vmax.f32 v6, $0.0e+00;
	v4 =	vmax.f32 v4, $0.0e+00;
	v13 =	vcvt.f32.s32 v13;
	v22 =	vld [tilespmem:s11+$0x50];
	[tilespmem:s7+$0x10] =	vst v3  }
0x5eb: {  	v9 =	vmax.f32 v9, $0.0e+00;
	v10 =	vtrunc.f32 v10;
	v12 =	vmin.f32 v12, $1.023000000e+03;
	v3 =	vld [tilespmem:s11+$0x60];
	[tilespmem:s7+$0xFFFFFFE0] =	vst v7  }
0x5ec: {  	v6 =	vmin.f32 v6, $1.023000000e+03;
	v12 =	vtrunc.f32 v12;
	v7 =	vmul.f32 $3.200000000e+01, v20;
	v24 =	vld [tilespmem:s11+$0xFFFFFF80];
	[tilespmem:s7+$0xFFFFFFB0] =	vst v17  }
0x5ed: {  	v8 =	vmax.f32 v8, $0.0e+00;
	v9 =	vmin.f32 v9, $1.023000000e+03;
	v6 =	vtrunc.f32 v6;
	v17 =	vld [tilespmem:s11+$0xFFFFFFE0];
	[tilespmem:s7+$0xFFFFFF80] =	vst v16;
	s7 =	smov.u32 s8;
	s8 =	smov.u32 s10  }
0x5ee: {  	v9 =	vtrunc.f32 v9;
	v16 =	vmul.f32 $3.200000000e+01, v25;
	v7 =	vadd.f32 $5.120000000e+02, v7;
	v20 =	vld [tilespmem:s11+$0x0]  }
0x5ef: {  	v15 =	vmin.f32 v15, $1.023000000e+03;
	v18 =	vmax.f32 v18, $0.0e+00;
	v25 =	vcvt.f32.s32 v6;
	v21 =	vld.idx.msk [tilespmem:v21+s1+$0x0], $0xffff  }
0x5f0: {  	v27 =	vcvt.f32.s32 v9;
	v16 =	vadd.f32 $5.120000000e+02, v16;
	v6 =	vld [tilespmem:s11+$0xFFFFFFF0];
	v26 =	vmul.f32 $3.200000000e+01, v3  }
0x5f1: {  	v7 =	vmax.f32 v7, $0.0e+00;
	v22 =	vmul.f32 $3.200000000e+01, v22;
	v3 =	vcvt.f32.s32 v1;
	v9 =	vld [tilespmem:s11+$0x40]  }
0x5f2: {  	v12 =	vcvt.f32.s32 v12;
	v1 =	vmax.f32 v16, $0.0e+00;
	v16 =	vadd.f32 $5.120000000e+02, v26;
	v14 =	vld.idx.msk [tilespmem:v14+s1+$0x0], $0xffff  }
0x5f3: {  	v15 =	vtrunc.f32 v15;
	v22 =	vadd.f32 $5.120000000e+02, v22;
	v1 =	vmin.f32 v1, $1.023000000e+03;
	v13 =	vld.idx.msk [tilespmem:v13+s1+$0x0], $0xffff  }
0x5f4: {  	v18 =	vmin.f32 v18, $1.023000000e+03;
	v26 =	vmin.f32 v4, $1.023000000e+03;
	v1 =	vtrunc.f32 v1;
	v5 =	vld.idx.msk [tilespmem:v5+s1+$0x0], $0xffff  }
0x5f5: {  	v4 =	vcvt.f32.s32 v1;
	v1 =	vmax.f32 v22, $0.0e+00;
	v22 =	vcvt.f32.s32 v10;
	v28 =	vld [tilespmem:s11+$0x30];
	[tilespmem:s7+$0xFFFFFF90] =	vst v11  }
0x5f6: {  	v15 =	vcvt.f32.s32 v15;
	v20 =	vmul.f32 $3.200000000e+01, v20;
	v1 =	vmin.f32 v1, $1.023000000e+03;
	v29 =	vld [tilespmem:s11+$0xFFFFFFA0];
	[tilespmem:s7+$0x30] =	vst v21  }
0x5f7: {  	v18 =	vtrunc.f32 v18;
	v7 =	vmin.f32 v7, $1.023000000e+03;
	v10 =	vtrunc.f32 v1;
	v30 =	vld.idx.msk [tilespmem:v2+s1+$0x0], $0xffff  }
0x5f8: {  	v1 =	vtrunc.f32 v7;
	v31 =	vcvt.f32.s32 v10;
	v2 =	vmin.f32 v8, $1.023000000e+03;
	v25 =	vld.idx.msk [tilespmem:v25+s1+$0x0], $0xffff;
	[tilespmem:s7+$0x20] =	vst v14  }
0x5f9: {  	v26 =	vtrunc.f32 v26;
	v9 =	vmul.f32 $3.200000000e+01, v9;
	v7 =	vmax.f32 v16, $0.0e+00;
	v10 =	vld [tilespmem:s11+$0xFFFFFFB0];
	[tilespmem:s7+$0xFFFFFFD0] =	vst v13  }
0x5fa: {  	v7 =	vmin.f32 v7, $1.023000000e+03;
	v16 =	vtrunc.f32 v2;
	v8 =	vmul.f32 $3.200000000e+01, v28;
	v11 =	vld.idx.msk [tilespmem:v12+s1+$0x0], $0xffff;
	[tilespmem:s7+$0x0] =	vst v5  }
0x5fb: {  	v2 =	vtrunc.f32 v7;
	v13 =	vcvt.f32.s32 v18;
	v5 =	vadd.f32 $5.120000000e+02, v20;
	v7 =	vld.idx.msk [tilespmem:v22+s1+$0x0], $0xffff  }
.Ltmp11:
0x5fc: {  	v14 =	vmul.f32 $3.200000000e+01, v24;
	v2 =	vcvt.f32.s32 v2;
	v18 =	vadd.f32 $5.120000000e+02, v8;
	v12 =	vld.idx.msk [tilespmem:v15+s1+$0x0], $0xffff;
	(pc) =	sbr.rel @p0 .LBB2_24-.Ltmp11, $4  }
0x5fd: {  	v21 =	vmul.f32 $3.200000000e+01, v19;
	v22 =	vmul.f32 $3.200000000e+01, v17;
	v5 =	vmax.f32 v5, $0.0e+00;
	v20 =	vld [tilespmem:s11+$0x70];
	[tilespmem:s7+$0x60] =	vst v30  }
0x5fe: {  	v19 =	vmul.f32 $3.200000000e+01, v29;
	v17 =	vmul.f32 $3.200000000e+01, v23;
	v5 =	vmin.f32 v5, $1.023000000e+03;
	v15 =	vld.idx.msk [tilespmem:v31+s1+$0x0], $0xffff  }
0x5ff: {  	v8 =	vadd.f32 $5.120000000e+02, v14;
	v5 =	vtrunc.f32 v5;
	v24 =	vmax.f32 v18, $0.0e+00;
	[tilespmem:s7+$0xFFFFFFF0] =	vst v25;
	v14 =	vld.idx.msk [tilespmem:v27+s1+$0x0], $0xffff  }
0x600: {  	v23 =	vadd.f32 $5.120000000e+02, v17;
	v17 =	vcvt.f32.s32 v26;
	v5 =	vcvt.f32.s32 v5;
	v18 =	vld [tilespmem:s11+$0xFFFFFFC0];
	s11 =	sadd.s32 $0x100, s11  }
0x601: {  	v22 =	vadd.f32 $5.120000000e+02, v22;
	v6 =	vmul.f32 $3.200000000e+01, v6;
	v16 =	vcvt.f32.s32 v16  }
0x602: {  	v21 =	vadd.f32 $5.120000000e+02, v21;
	v24 =	vmin.f32 v24, $1.023000000e+03;
	v10 =	vmul.f32 $3.200000000e+01, v10  }
0x603: {  	v19 =	vadd.f32 $5.120000000e+02, v19;
	v9 =	vadd.f32 $5.120000000e+02, v9;
	v8 =	vmax.f32 v8, $0.0e+00  }
0x604: {  	v1 =	vcvt.f32.s32 v1;
	v20 =	vmul.f32 $3.200000000e+01, v20;
	v23 =	vmax.f32 v23, $0.0e+00  }
0x605: {  	v24 =	vtrunc.f32 v24;
	v8 =	vmin.f32 v8, $1.023000000e+03;
	v22 =	vmax.f32 v22, $0.0e+00  }
0x606: {  	v6 =	vadd.f32 $5.120000000e+02, v6;
	v10 =	vadd.f32 $5.120000000e+02, v10;
	v23 =	vmin.f32 v23, $1.023000000e+03  }
0x607: {  	[tilespmem:s7+$0x70] =	vst v12;
	v21 =	vmax.f32 v21, $0.0e+00;
	v24 =	vcvt.f32.s32 v24;
	v12 =	vmax.f32 v19, $0.0e+00  }
0x608: {  	v13 =	vld.idx.msk [tilespmem:v13+s1+$0x0], $0xffff;
	v9 =	vmax.f32 v9, $0.0e+00;
	v8 =	vtrunc.f32 v8;
	v20 =	vadd.f32 $5.120000000e+02, v20  }
0x609: {  	[tilespmem:s7+$0xFFFFFFA0] =	vst v11;
	v3 =	vld.idx.msk [tilespmem:v3+s1+$0x0], $0xffff;
	v21 =	vmin.f32 v21, $1.023000000e+03;
	v11 =	vtrunc.f32 v23;
	v18 =	vmul.f32 $3.200000000e+01, v18  }
0x60a: {  	v4 =	vld.idx.msk [tilespmem:v4+s1+$0x0], $0xffff;
	[tilespmem:s7+$0xFFFFFFE0] =	vst v7;
	v9 =	vmin.f32 v9, $1.023000000e+03;
	v21 =	vtrunc.f32 v21;
	v11 =	vcvt.f32.s32 v11  }
0x60b: {  	v2 =	vld.idx.msk [tilespmem:v2+s1+$0x0], $0xffff;
	[tilespmem:s8+$0x50] =	vst v15;
	v6 =	vmax.f32 v6, $0.0e+00;
	v7 =	vtrunc.f32 v9;
	v21 =	vcvt.f32.s32 v21  }
0x60c: {  	v5 =	vld.idx.msk [tilespmem:v5+s1+$0x0], $0xffff;
	[tilespmem:s7+$0x40] =	vst v14;
	v20 =	vmax.f32 v20, $0.0e+00;
	v6 =	vmin.f32 v6, $1.023000000e+03;
	v7 =	vcvt.f32.s32 v7  }
0x60d: {  	v15 =	vld.idx.msk [tilespmem:v17+s1+$0x0], $0xffff;
	[tilespmem:s7+$0xFFFFFFC0] =	vst v13;
	v17 =	vadd.f32 $5.120000000e+02, v18;
	v6 =	vtrunc.f32 v6;
	v13 =	vmin.f32 v20, $1.023000000e+03  }
0x60e: {  	v12 =	vmin.f32 v12, $1.023000000e+03;
	[tilespmem:s7+$0x10] =	vst v3;
	v14 =	vld.idx.msk [tilespmem:v16+s1+$0x0], $0xffff;
	v6 =	vcvt.f32.s32 v6;
	v13 =	vtrunc.f32 v13  }
0x60f: {  	v12 =	vtrunc.f32 v12;
	[tilespmem:s8+$0xFFFFFF90] =	vst v4;
	v1 =	vld.idx.msk [tilespmem:v1+s1+$0x0], $0xffff;
	v3 =	vmax.f32 v17, $0.0e+00;
	v13 =	vcvt.f32.s32 v13  }
0x610: {  	v8 =	vcvt.f32.s32 v8;
	v12 =	vcvt.f32.s32 v12;
	[tilespmem:s8+$0x60] =	vst v2;
	v3 =	vmin.f32 v3, $1.023000000e+03;
	v11 =	vld.idx.msk [tilespmem:v11+s1+$0x0], $0xffff  }
0x611: {  	v10 =	vmax.f32 v10, $0.0e+00;
	[tilespmem:s8+$0x0] =	vst v5;
	v17 =	vmin.f32 v22, $1.023000000e+03;
	v3 =	vtrunc.f32 v3;
	v9 =	vld.idx.msk [tilespmem:v21+s1+$0x0], $0xffff  }
0x612: {  	v10 =	vmin.f32 v10, $1.023000000e+03;
	[tilespmem:s7+$0xFFFFFFB0] =	vst v15;
	v15 =	vtrunc.f32 v17;
	v3 =	vcvt.f32.s32 v3;
	v5 =	vld.idx.msk [tilespmem:v7+s1+$0x0], $0xffff  }
0x613: {  	v10 =	vtrunc.f32 v10;
	v16 =	vld.idx.msk [tilespmem:v24+s1+$0x0], $0xffff;
	v4 =	vcvt.f32.s32 v15;
	[tilespmem:s7+$0xFFFFFF80] =	vst v14  }
0x614: {  	v10 =	vcvt.f32.s32 v10;
	[tilespmem:s8+$0x10] =	vst v1;
	v6 =	vld.idx.msk [tilespmem:v6+s1+$0x0], $0xffff  }
0x615: {  	[tilespmem:s8+$0xFFFFFFD0] =	vst v11;
	v11 =	vld.idx.msk [tilespmem:v13+s1+$0x0], $0xffff  }
0x616: {  	[tilespmem:s8+$0x20] =	vst v9;
	v9 =	vld.idx.msk [tilespmem:v12+s1+$0x0], $0xffff  }
0x617: {  	[tilespmem:s8+$0x40] =	vst v5;
	v5 =	vld.idx.msk [tilespmem:v8+s1+$0x0], $0xffff  }
0x618: {  	[tilespmem:s8+$0x30] =	vst v16;
	v2 =	vld.idx.msk [tilespmem:v3+s1+$0x0], $0xffff  }
0x619: {  	v3 =	vld.idx.msk [tilespmem:v4+s1+$0x0], $0xffff;
	[tilespmem:s8+$0xFFFFFFF0] =	vst v6  }
0x61a: {  	v4 =	vld.idx.msk [tilespmem:v10+s1+$0x0], $0xffff;
	[tilespmem:s8+$0x70] =	vst v11  }
0x61b: {  	[tilespmem:s8+$0xFFFFFFA0] =	vst v9  }
0x61c: {  	[tilespmem:s8+$0xFFFFFF80] =	vst v5  }
0x61d: {  	[tilespmem:s8+$0xFFFFFFC0] =	vst v2  }
0x61e: {  	[tilespmem:s8+$0xFFFFFFE0] =	vst v3  }
0x61f: {  	[tilespmem:s8+$0xFFFFFFB0] =	vst v4  }
0x620: {  	[hbm4b:s26+s1] =	stream.linear.scatter [tilespmem:s22], [sflag:$0x3], $0x6200, $0x38;
	[tilespmem:$0x18C80] =	vst v63  }
0x621: {  	_ =	swait.ge [sflag:s2], $0x6200  }
0x622: {  	[sflag:s2] =	ssyncset.done $0x0  }
0x623: {  	[sflag:s2] =	ssyncadd.s32 $0xFFFF9E00  }
0x624: {  	_ =	swait.ge [sflag:s5], $0x6200  }
0x625: {  	[sflag:s5] =	ssyncset.done $0x0  }
0x626: {  	s11 =	simm.s32 $0x6700;
	[sflag:s5] =	ssyncadd.s32 $0xFFFF9E00  }
0x627: {  	v1 =	vld [tilespmem:s11+$0xFFFFFF90]  }
0x628: {  	v2 =	vld [tilespmem:s11+$0x10]  }
0x629: {  	v3 =	vld [tilespmem:s11+$0x50]  }
0x62a: {  	v4 =	vld [tilespmem:s11+$0x60]  }
0x62b: {  	v6 =	vld [tilespmem:s11+$0x0]  }
0x62c: {  	v7 =	vld [tilespmem:s11+$0x40]  }
0x62d: {  	v8 =	vld [tilespmem:s11+$0x30]  }
0x62e: {  	v9 =	vld [tilespmem:s11+$0xFFFFFF80]  }
0x62f: {  	v11 =	vld [tilespmem:s11+$0x20]  }
0x630: {  	v5 =	vld [tilespmem:s11+$0xFFFFFFD0];
	v1 =	vmul.f32 $3.200000000e+01, v1  }
0x631: {  	v12 =	vld [tilespmem:s11+$0xFFFFFFA0];
	v2 =	vmul.f32 $3.200000000e+01, v2;
	v3 =	vmul.f32 $3.200000000e+01, v3  }
0x632: {  	s12 =	simm.s32 $0x6800;
	v15 =	vld [tilespmem:s11+$0xFFFFFFB0];
	v4 =	vmul.f32 $3.200000000e+01, v4;
	v6 =	vmul.f32 $3.200000000e+01, v6  }
0x633: {  	v21 =	vld [tilespmem:s12+$0x60];
	v7 =	vmul.f32 $3.200000000e+01, v7;
	v8 =	vmul.f32 $3.200000000e+01, v8  }
0x634: {  	v23 =	vld [tilespmem:s12+$0xFFFFFFD0];
	v9 =	vmul.f32 $3.200000000e+01, v9;
	v11 =	vmul.f32 $3.200000000e+01, v11  }
0x635: {  	v5 =	vmul.f32 $3.200000000e+01, v5;
	v1 =	vadd.f32 $5.120000000e+02, v1;
	v2 =	vadd.f32 $5.120000000e+02, v2  }
0x636: {  	v12 =	vmul.f32 $3.200000000e+01, v12;
	v3 =	vadd.f32 $5.120000000e+02, v3;
	v4 =	vadd.f32 $5.120000000e+02, v4  }
0x637: {  	v15 =	vmul.f32 $3.200000000e+01, v15;
	v6 =	vadd.f32 $5.120000000e+02, v6;
	v8 =	vadd.f32 $5.120000000e+02, v8  }
0x638: {  	v21 =	vmul.f32 $3.200000000e+01, v21;
	v9 =	vadd.f32 $5.120000000e+02, v9;
	v5 =	vadd.f32 $5.120000000e+02, v5  }
0x639: {  	v23 =	vmul.f32 $3.200000000e+01, v23;
	v11 =	vadd.f32 $5.120000000e+02, v11;
	v15 =	vadd.f32 $5.120000000e+02, v15  }
0x63a: {  	v7 =	vadd.f32 $5.120000000e+02, v7;
	v1 =	vmax.f32 v1, $0.0e+00;
	v2 =	vmax.f32 v2, $0.0e+00  }
0x63b: {  	v3 =	vmax.f32 v3, $0.0e+00;
	v4 =	vmax.f32 v4, $0.0e+00;
	v6 =	vmax.f32 v6, $0.0e+00  }
0x63c: {  	v10 =	vld [tilespmem:s11+$0xFFFFFFE0];
	v8 =	vmax.f32 v8, $0.0e+00;
	v5 =	vmax.f32 v5, $0.0e+00;
	v1 =	vmin.f32 v1, $1.023000000e+03  }
0x63d: {  	v13 =	vld [tilespmem:s11+$0xFFFFFFF0];
	v3 =	vmin.f32 v3, $1.023000000e+03;
	v2 =	vmin.f32 v2, $1.023000000e+03;
	v1 =	vtrunc.f32 v1  }
0x63e: {  	v4 =	vmin.f32 v4, $1.023000000e+03;
	v3 =	vtrunc.f32 v3;
	v2 =	vtrunc.f32 v2  }
0x63f: {  	v6 =	vmin.f32 v6, $1.023000000e+03;
	v4 =	vtrunc.f32 v4;
	v3 =	vcvt.f32.s32 v3  }
0x640: {  	v15 =	vmax.f32 v15, $0.0e+00;
	v6 =	vtrunc.f32 v6;
	v1 =	vcvt.f32.s32 v1  }
0x641: {  	v8 =	vmin.f32 v8, $1.023000000e+03;
	v14 =	vcvt.f32.s32 v4;
	v4 =	vmul.f32 $3.200000000e+01, v10;
	v10 =	vld [tilespmem:s11+$0x70]  }
0x642: {  	v5 =	vmin.f32 v5, $1.023000000e+03;
	v16 =	vcvt.f32.s32 v6;
	v6 =	vmul.f32 $3.200000000e+01, v13;
	v13 =	vld [tilespmem:s11+$0xFFFFFFC0]  }
0x643: {  	v15 =	vmin.f32 v15, $1.023000000e+03;
	v8 =	vtrunc.f32 v8;
	v5 =	vtrunc.f32 v5  }
0x644: {  	v19 =	vld [tilespmem:s12+$0x20];
	v63 =	vtrunc.f32 v15;
	v4 =	vadd.f32 $5.120000000e+02, v4;
	v6 =	vadd.f32 $5.120000000e+02, v6  }
0x645: {  	v9 =	vmax.f32 v9, $0.0e+00;
	v8 =	vcvt.f32.s32 v8;
	v5 =	vcvt.f32.s32 v5;
	v17 =	vld.idx.msk [tilespmem:v3+s1+$0x0], $0xffff  }
0x646: {  	v4 =	vmax.f32 v4, $0.0e+00;
	v6 =	vmax.f32 v6, $0.0e+00;
	v10 =	vmul.f32 $3.200000000e+01, v10;
	v18 =	vld.idx.msk [tilespmem:v1+s1+$0x0], $0xffff  }
0x647: {  	v4 =	vmin.f32 v4, $1.023000000e+03;
	v13 =	vmul.f32 $3.200000000e+01, v13;
	v1 =	vmax.f32 v11, $0.0e+00;
	v11 =	vld [tilespmem:s12+$0x10]  }
0x648: {  	v3 =	vadd.f32 $5.120000000e+02, v12;
	v12 =	vld [tilespmem:s12+$0xFFFFFF90];
	v22 =	vtrunc.f32 v4;
	v4 =	vmax.f32 v7, $0.0e+00  }
0x649: {  	v20 =	vld [tilespmem:s12+$0x50];
	v10 =	vadd.f32 $5.120000000e+02, v10;
	v1 =	vmin.f32 v1, $1.023000000e+03;
	v13 =	vadd.f32 $5.120000000e+02, v13  }
0x64a: {  	v24 =	vld [tilespmem:s12+$0xFFFFFF80];
	v4 =	vmin.f32 v4, $1.023000000e+03;
	v1 =	vtrunc.f32 v1;
	v3 =	vmax.f32 v3, $0.0e+00  }
0x64b: {  	v25 =	vld [tilespmem:s12+$0xFFFFFFE0];
	v4 =	vtrunc.f32 v4;
	v10 =	vmax.f32 v10, $0.0e+00;
	v1 =	vcvt.f32.s32 v1  }
0x64c: {  	v29 =	vld [tilespmem:s12+$0x40];
	v3 =	vmin.f32 v3, $1.023000000e+03;
	v13 =	vmax.f32 v13, $0.0e+00;
	v7 =	vmul.f32 $3.200000000e+01, v11  }
0x64d: {  	v30 =	vld [tilespmem:s12+$0xFFFFFFA0];
	v11 =	vtrunc.f32 v3;
	v3 =	vmin.f32 v6, $1.023000000e+03;
	v6 =	vmul.f32 $3.200000000e+01, v12  }
0x64e: {  	v8 =	vld.idx.msk [tilespmem:v8+s1+$0x0], $0xffff;
	v28 =	vcvt.f32.s32 v4;
	v4 =	vmul.f32 $3.200000000e+01, v20;
	v20 =	vadd.f32 $5.120000000e+02, v21  }
0x64f: {  	s7 =	simm.s32 $0x12B00;
	v5 =	vld.idx.msk [tilespmem:v5+s1+$0x0], $0xffff;
	v10 =	vmin.f32 v10, $1.023000000e+03;
	v13 =	vmin.f32 v13, $1.023000000e+03;
	v27 =	vadd.f32 $5.120000000e+02, v6  }
0x650: {  	v12 =	vld [tilespmem:s12+$0x0];
	v10 =	vtrunc.f32 v10;
	[tilespmem:s7+$0x50] =	vst v17;
	v17 =	vmax.f32 v20, $0.0e+00;
	v3 =	vtrunc.f32 v3  }
0x651: {  	v14 =	vld.idx.msk [tilespmem:v14+s1+$0x0], $0xffff;
	v26 =	vcvt.f32.s32 v3;
	v3 =	vcvt.f32.s32 v2;
	v2 =	vmax.f32 v27, $0.0e+00  }
0x652: {  	v11 =	vcvt.f32.s32 v11;
	v21 =	vld.idx.msk [tilespmem:v1+s1+$0x0], $0xffff;
	v1 =	vmin.f32 v2, $1.023000000e+03;
	v2 =	vadd.f32 $5.120000000e+02, v4  }
0x653: {  	v13 =	vtrunc.f32 v13;
	v20 =	vld [tilespmem:s12+$0x70];
	v17 =	vmin.f32 v17, $1.023000000e+03;
	v1 =	vtrunc.f32 v1  }
0x654: {  	v7 =	vadd.f32 $5.120000000e+02, v7;
	v27 =	vld.idx.msk [tilespmem:v16+s1+$0x0], $0xffff;
	v4 =	vcvt.f32.s32 v1;
	v1 =	vmax.f32 v2, $0.0e+00  }
0x655: {  	v16 =	vld [tilespmem:s12+$0x30];
	v12 =	vmul.f32 $3.200000000e+01, v12;
	v2 =	vcvt.f32.s32 v22;
	v1 =	vmin.f32 v1, $1.023000000e+03  }
0x656: {  	v6 =	vld [tilespmem:s12+$0xFFFFFFF0];
	v7 =	vmax.f32 v7, $0.0e+00;
	v22 =	vcvt.f32.s32 v10;
	v10 =	vtrunc.f32 v1  }
0x657: {  	[tilespmem:s7+$0x60] =	vst v14;
	v13 =	vcvt.f32.s32 v13;
	v14 =	vld.idx.msk [tilespmem:v28+s1+$0x0], $0xffff;
	v7 =	vmin.f32 v7, $1.023000000e+03;
	v31 =	vcvt.f32.s32 v10  }
0x658: {  	[tilespmem:s7+$0x30] =	vst v8;
	v11 =	vld.idx.msk [tilespmem:v11+s1+$0x0], $0xffff;
	v8 =	vadd.f32 $5.120000000e+02, v12;
	v12 =	vtrunc.f32 v17;
	v17 =	vmul.f32 $3.200000000e+01, v24  }
0x659: {  	v26 =	vld.idx.msk [tilespmem:v26+s1+$0x0], $0xffff;
	v1 =	vtrunc.f32 v7;
	v7 =	vmin.f32 v9, $1.023000000e+03;
	v9 =	vmul.f32 $3.200000000e+01, v29  }
0x65a: {  	v23 =	vadd.f32 $5.120000000e+02, v23;
	v15 =	vmul.f32 $3.200000000e+01, v16;
	[tilespmem:s7+$0x20] =	vst v21;
	v21 =	vmul.f32 $3.200000000e+01, v19;
	v10 =	vld [tilespmem:s12+$0xFFFFFFB0]  }
0x65b: {  	[tilespmem:s7+$0xFFFFFFD0] =	vst v5;
	v5 =	vmax.f32 v8, $0.0e+00;
	v19 =	vmul.f32 $3.200000000e+01, v30;
	v16 =	vtrunc.f32 v7;
	v7 =	vld.idx.msk [tilespmem:v2+s1+$0x0], $0xffff  }
0x65c: {  	[tilespmem:s7+$0xFFFFFF90] =	vst v18;
	v5 =	vmin.f32 v5, $1.023000000e+03;
	v18 =	vadd.f32 $5.120000000e+02, v15;
	v2 =	vcvt.f32.s32 v12;
	v12 =	vld.idx.msk [tilespmem:v22+s1+$0x0], $0xffff  }
0x65d: {  	s9 =	simm.s32 $0x100;
	[tilespmem:s7+$0x0] =	vst v27;
	v8 =	vadd.f32 $5.120000000e+02, v17;
	v5 =	vtrunc.f32 v5;
	v22 =	vmul.f32 $3.200000000e+01, v25;
	v15 =	vld.idx.msk [tilespmem:v31+s1+$0x0], $0xffff  }
0x65e: {  	s10 =	simm.s32 $0x12C00;
	s8 =	simm.s32 $0x12C00;
	s11 =	simm.s32 $0x6900;
	v17 =	vcvt.f32.s32 v63;
	v5 =	vcvt.f32.s32 v5;
	v24 =	vmax.f32 v18, $0.0e+00;
	[tilespmem:s7+$0xFFFFFFF0] =	vst v26;
	v18 =	vld [tilespmem:s12+$0xFFFFFFC0]  }
.LBB2_26:
0x65f: {  	s9 =	sadd.s32 $0x100, s9;
	v22 =	vadd.f32 $5.120000000e+02, v22;
	v6 =	vmul.f32 $3.200000000e+01, v6;
	s10 =	sadd.s32 $0x100, s10;
	v16 =	vcvt.f32.s32 v16;
	v13 =	vld.idx.msk [tilespmem:v13+s1+$0x0], $0xffff  }
0x660: {  	v21 =	vadd.f32 $5.120000000e+02, v21;
	v24 =	vmin.f32 v24, $1.023000000e+03;
	v25 =	vld [tilespmem:s11+$0xFFFFFF90];
	p0 =	slt.u32 s9, $0x6100;
	v20 =	vmul.f32 $3.200000000e+01, v20;
	[tilespmem:s7+$0xFFFFFFA0] =	vst v11  }
0x661: {  	v11 =	vld.idx.msk [tilespmem:v4+s1+$0x0], $0xffff;
	v4 =	vmul.f32 $3.200000000e+01, v10;
	v10 =	vmax.f32 v22, $0.0e+00;
	v6 =	vadd.f32 $5.120000000e+02, v6;
	[tilespmem:s7+$0x70] =	vst v12  }
0x662: {  	v12 =	vadd.f32 $5.120000000e+02, v19;
	v19 =	vmax.f32 v23, $0.0e+00;
	[tilespmem:s8+$0x50] =	vst v15;
	v15 =	vadd.f32 $5.120000000e+02, v20;
	v3 =	vld.idx.msk [tilespmem:v3+s1+$0x0], $0xffff  }
0x663: {  	v19 =	vmin.f32 v19, $1.023000000e+03;
	v10 =	vmin.f32 v10, $1.023000000e+03;
	v20 =	vld [tilespmem:s11+$0x10];
	v4 =	vadd.f32 $5.120000000e+02, v4;
	[tilespmem:s7+$0x40] =	vst v14  }
0x664: {  	v9 =	vadd.f32 $5.120000000e+02, v9;
	v14 =	vmax.f32 v21, $0.0e+00;
	v21 =	vtrunc.f32 v24;
	v17 =	vld.idx.msk [tilespmem:v17+s1+$0x0], $0xffff  }
0x665: {  	v18 =	vmul.f32 $3.200000000e+01, v18;
	v14 =	vmin.f32 v14, $1.023000000e+03;
	v21 =	vcvt.f32.s32 v21;
	v16 =	vld.idx.msk [tilespmem:v16+s1+$0x0], $0xffff;
	[tilespmem:s7+$0xFFFFFFC0] =	vst v13  }
0x666: {  	v15 =	vmax.f32 v15, $0.0e+00;
	v13 =	vtrunc.f32 v19;
	v14 =	vtrunc.f32 v14;
	v23 =	vld [tilespmem:s11+$0xFFFFFFD0]  }
0x667: {  	v12 =	vmax.f32 v12, $0.0e+00;
	v18 =	vadd.f32 $5.120000000e+02, v18;
	v14 =	vcvt.f32.s32 v14;
	v19 =	vld [tilespmem:s11+$0x20]  }
0x668: {  	v6 =	vmax.f32 v6, $0.0e+00;
	v4 =	vmax.f32 v4, $0.0e+00;
	v13 =	vcvt.f32.s32 v13;
	v22 =	vld [tilespmem:s11+$0x50];
	[tilespmem:s7+$0x10] =	vst v3  }
0x669: {  	v9 =	vmax.f32 v9, $0.0e+00;
	v10 =	vtrunc.f32 v10;
	v12 =	vmin.f32 v12, $1.023000000e+03;
	v3 =	vld [tilespmem:s11+$0x60];
	[tilespmem:s7+$0xFFFFFFE0] =	vst v7  }
0x66a: {  	v6 =	vmin.f32 v6, $1.023000000e+03;
	v12 =	vtrunc.f32 v12;
	v7 =	vmul.f32 $3.200000000e+01, v20;
	v24 =	vld [tilespmem:s11+$0xFFFFFF80];
	[tilespmem:s7+$0xFFFFFFB0] =	vst v17  }
0x66b: {  	v8 =	vmax.f32 v8, $0.0e+00;
	v9 =	vmin.f32 v9, $1.023000000e+03;
	v6 =	vtrunc.f32 v6;
	v17 =	vld [tilespmem:s11+$0xFFFFFFE0];
	[tilespmem:s7+$0xFFFFFF80] =	vst v16;
	s7 =	smov.u32 s8;
	s8 =	smov.u32 s10  }
0x66c: {  	v9 =	vtrunc.f32 v9;
	v16 =	vmul.f32 $3.200000000e+01, v25;
	v7 =	vadd.f32 $5.120000000e+02, v7;
	v20 =	vld [tilespmem:s11+$0x0]  }
0x66d: {  	v15 =	vmin.f32 v15, $1.023000000e+03;
	v18 =	vmax.f32 v18, $0.0e+00;
	v25 =	vcvt.f32.s32 v6;
	v21 =	vld.idx.msk [tilespmem:v21+s1+$0x0], $0xffff  }
0x66e: {  	v27 =	vcvt.f32.s32 v9;
	v16 =	vadd.f32 $5.120000000e+02, v16;
	v6 =	vld [tilespmem:s11+$0xFFFFFFF0];
	v26 =	vmul.f32 $3.200000000e+01, v3  }
0x66f: {  	v7 =	vmax.f32 v7, $0.0e+00;
	v22 =	vmul.f32 $3.200000000e+01, v22;
	v3 =	vcvt.f32.s32 v1;
	v9 =	vld [tilespmem:s11+$0x40]  }
0x670: {  	v12 =	vcvt.f32.s32 v12;
	v1 =	vmax.f32 v16, $0.0e+00;
	v16 =	vadd.f32 $5.120000000e+02, v26;
	v14 =	vld.idx.msk [tilespmem:v14+s1+$0x0], $0xffff  }
0x671: {  	v15 =	vtrunc.f32 v15;
	v22 =	vadd.f32 $5.120000000e+02, v22;
	v1 =	vmin.f32 v1, $1.023000000e+03;
	v13 =	vld.idx.msk [tilespmem:v13+s1+$0x0], $0xffff  }
0x672: {  	v18 =	vmin.f32 v18, $1.023000000e+03;
	v26 =	vmin.f32 v4, $1.023000000e+03;
	v1 =	vtrunc.f32 v1;
	v5 =	vld.idx.msk [tilespmem:v5+s1+$0x0], $0xffff  }
0x673: {  	v4 =	vcvt.f32.s32 v1;
	v1 =	vmax.f32 v22, $0.0e+00;
	v22 =	vcvt.f32.s32 v10;
	v28 =	vld [tilespmem:s11+$0x30];
	[tilespmem:s7+$0xFFFFFF90] =	vst v11  }
0x674: {  	v15 =	vcvt.f32.s32 v15;
	v20 =	vmul.f32 $3.200000000e+01, v20;
	v1 =	vmin.f32 v1, $1.023000000e+03;
	v29 =	vld [tilespmem:s11+$0xFFFFFFA0];
	[tilespmem:s7+$0x30] =	vst v21  }
0x675: {  	v18 =	vtrunc.f32 v18;
	v7 =	vmin.f32 v7, $1.023000000e+03;
	v10 =	vtrunc.f32 v1;
	v30 =	vld.idx.msk [tilespmem:v2+s1+$0x0], $0xffff  }
0x676: {  	v1 =	vtrunc.f32 v7;
	v31 =	vcvt.f32.s32 v10;
	v2 =	vmin.f32 v8, $1.023000000e+03;
	v25 =	vld.idx.msk [tilespmem:v25+s1+$0x0], $0xffff;
	[tilespmem:s7+$0x20] =	vst v14  }
0x677: {  	v26 =	vtrunc.f32 v26;
	v9 =	vmul.f32 $3.200000000e+01, v9;
	v7 =	vmax.f32 v16, $0.0e+00;
	v10 =	vld [tilespmem:s11+$0xFFFFFFB0];
	[tilespmem:s7+$0xFFFFFFD0] =	vst v13  }
0x678: {  	v7 =	vmin.f32 v7, $1.023000000e+03;
	v16 =	vtrunc.f32 v2;
	v8 =	vmul.f32 $3.200000000e+01, v28;
	v11 =	vld.idx.msk [tilespmem:v12+s1+$0x0], $0xffff;
	[tilespmem:s7+$0x0] =	vst v5  }
0x679: {  	v2 =	vtrunc.f32 v7;
	v13 =	vcvt.f32.s32 v18;
	v5 =	vadd.f32 $5.120000000e+02, v20;
	v7 =	vld.idx.msk [tilespmem:v22+s1+$0x0], $0xffff  }
.Ltmp12:
0x67a: {  	v14 =	vmul.f32 $3.200000000e+01, v24;
	v2 =	vcvt.f32.s32 v2;
	v18 =	vadd.f32 $5.120000000e+02, v8;
	v12 =	vld.idx.msk [tilespmem:v15+s1+$0x0], $0xffff;
	(pc) =	sbr.rel @p0 .LBB2_26-.Ltmp12, $4  }
0x67b: {  	v21 =	vmul.f32 $3.200000000e+01, v19;
	v22 =	vmul.f32 $3.200000000e+01, v17;
	v5 =	vmax.f32 v5, $0.0e+00;
	v20 =	vld [tilespmem:s11+$0x70];
	[tilespmem:s7+$0x60] =	vst v30  }
0x67c: {  	v19 =	vmul.f32 $3.200000000e+01, v29;
	v17 =	vmul.f32 $3.200000000e+01, v23;
	v5 =	vmin.f32 v5, $1.023000000e+03;
	v15 =	vld.idx.msk [tilespmem:v31+s1+$0x0], $0xffff  }
0x67d: {  	v8 =	vadd.f32 $5.120000000e+02, v14;
	v5 =	vtrunc.f32 v5;
	v24 =	vmax.f32 v18, $0.0e+00;
	[tilespmem:s7+$0xFFFFFFF0] =	vst v25;
	v14 =	vld.idx.msk [tilespmem:v27+s1+$0x0], $0xffff  }
0x67e: {  	v23 =	vadd.f32 $5.120000000e+02, v17;
	v17 =	vcvt.f32.s32 v26;
	v5 =	vcvt.f32.s32 v5;
	v18 =	vld [tilespmem:s11+$0xFFFFFFC0];
	s11 =	sadd.s32 $0x100, s11  }
0x67f: {  	v22 =	vadd.f32 $5.120000000e+02, v22;
	v6 =	vmul.f32 $3.200000000e+01, v6;
	v16 =	vcvt.f32.s32 v16  }
0x680: {  	v21 =	vadd.f32 $5.120000000e+02, v21;
	v24 =	vmin.f32 v24, $1.023000000e+03;
	v10 =	vmul.f32 $3.200000000e+01, v10  }
0x681: {  	v19 =	vadd.f32 $5.120000000e+02, v19;
	v9 =	vadd.f32 $5.120000000e+02, v9;
	v8 =	vmax.f32 v8, $0.0e+00  }
0x682: {  	v1 =	vcvt.f32.s32 v1;
	v20 =	vmul.f32 $3.200000000e+01, v20;
	v23 =	vmax.f32 v23, $0.0e+00  }
0x683: {  	v24 =	vtrunc.f32 v24;
	v8 =	vmin.f32 v8, $1.023000000e+03;
	v22 =	vmax.f32 v22, $0.0e+00  }
0x684: {  	v6 =	vadd.f32 $5.120000000e+02, v6;
	v10 =	vadd.f32 $5.120000000e+02, v10;
	v23 =	vmin.f32 v23, $1.023000000e+03  }
0x685: {  	v21 =	vmax.f32 v21, $0.0e+00;
	v24 =	vcvt.f32.s32 v24;
	v48 =	vmax.f32 v19, $0.0e+00  }
0x686: {  	v13 =	vld.idx.msk [tilespmem:v13+s1+$0x0], $0xffff;
	[tilespmem:s7+$0xFFFFFFA0] =	vst v11;
	v9 =	vmax.f32 v9, $0.0e+00;
	v8 =	vtrunc.f32 v8;
	v20 =	vadd.f32 $5.120000000e+02, v20  }
0x687: {  	v3 =	vld.idx.msk [tilespmem:v3+s1+$0x0], $0xffff;
	[tilespmem:s7+$0x70] =	vst v12;
	v21 =	vmin.f32 v21, $1.023000000e+03;
	v47 =	vtrunc.f32 v23;
	v12 =	vmin.f32 v48, $1.023000000e+03  }
0x688: {  	v4 =	vld.idx.msk [tilespmem:v4+s1+$0x0], $0xffff;
	[tilespmem:s7+$0xFFFFFFE0] =	vst v7;
	v9 =	vmin.f32 v9, $1.023000000e+03;
	v8 =	vcvt.f32.s32 v8;
	v18 =	vmul.f32 $3.200000000e+01, v18  }
0x689: {  	v2 =	vld.idx.msk [tilespmem:v2+s1+$0x0], $0xffff;
	[tilespmem:s8+$0x50] =	vst v15;
	v21 =	vtrunc.f32 v21;
	v11 =	vcvt.f32.s32 v47;
	v6 =	vmax.f32 v6, $0.0e+00  }
0x68a: {  	v49 =	vld.idx.msk [tilespmem:v17+s1+$0x0], $0xffff;
	[tilespmem:s7+$0x40] =	vst v14;
	v12 =	vtrunc.f32 v12;
	v54 =	vtrunc.f32 v9;
	v10 =	vmax.f32 v10, $0.0e+00  }
0x68b: {  	v5 =	vld.idx.msk [tilespmem:v5+s1+$0x0], $0xffff;
	v20 =	vmax.f32 v20, $0.0e+00;
	v21 =	vcvt.f32.s32 v21;
	v6 =	vmin.f32 v6, $1.023000000e+03;
	[tilespmem:s7+$0xFFFFFFC0] =	vst v13  }
0x68c: {  	[tilespmem:s7+$0x10] =	vst v3;
	v12 =	vcvt.f32.s32 v12;
	v7 =	vcvt.f32.s32 v54;
	v50 =	vadd.f32 $5.120000000e+02, v18;
	v51 =	vld.idx.msk [tilespmem:v16+s1+$0x0], $0xffff  }
0x68d: {  	v10 =	vmin.f32 v10, $1.023000000e+03;
	[tilespmem:s8+$0xFFFFFF90] =	vst v4;
	v6 =	vtrunc.f32 v6;
	v52 =	vmin.f32 v20, $1.023000000e+03;
	v1 =	vld.idx.msk [tilespmem:v1+s1+$0x0], $0xffff  }
0x68e: {  	[tilespmem:s8+$0x60] =	vst v2;
	v10 =	vtrunc.f32 v10;
	v6 =	vcvt.f32.s32 v6;
	v3 =	vmax.f32 v50, $0.0e+00;
	v53 =	vld.idx.msk [tilespmem:v24+s1+$0x0], $0xffff  }
0x68f: {  	[tilespmem:s7+$0xFFFFFFB0] =	vst v49;
	v13 =	vtrunc.f32 v52;
	v10 =	vcvt.f32.s32 v10;
	v3 =	vmin.f32 v3, $1.023000000e+03;
	v63 =	vld.idx.msk [tilespmem:v8+s1+$0x0], $0xffff  }
0x690: {  	v56 =	vmin.f32 v22, $1.023000000e+03;
	[tilespmem:s8+$0x0] =	vst v5;
	v13 =	vcvt.f32.s32 v13;
	v11 =	vld.idx.msk [tilespmem:v11+s1+$0x0], $0xffff;
	v3 =	vtrunc.f32 v3  }
0x691: {  	v57 =	vtrunc.f32 v56;
	v55 =	vld.idx.msk [tilespmem:v21+s1+$0x0], $0xffff;
	[tilespmem:s7+$0xFFFFFF80] =	vst v51;
	v3 =	vcvt.f32.s32 v3  }
0x692: {  	v58 =	vcvt.f32.s32 v57;
	v59 =	vld.idx.msk [tilespmem:v12+s1+$0x0], $0xffff;
	[tilespmem:s8+$0x10] =	vst v1  }
0x693: {  	v61 =	vld.idx.msk [tilespmem:v7+s1+$0x0], $0xffff;
	[tilespmem:s8+$0x30] =	vst v53  }
0x694: {  	v6 =	vld.idx.msk [tilespmem:v6+s1+$0x0], $0xffff;
	[tilespmem:s8+$0xFFFFFF80] =	vst v63  }
0x695: {  	v62 =	vld.idx.msk [tilespmem:v10+s1+$0x0], $0xffff;
	[tilespmem:s8+$0xFFFFFFD0] =	vst v11  }
0x696: {  	v60 =	vld.idx.msk [tilespmem:v13+s1+$0x0], $0xffff;
	[tilespmem:s8+$0x20] =	vst v55  }
0x697: {  	[tilespmem:s8+$0xFFFFFFA0] =	vst v59;
	v2 =	vld.idx.msk [tilespmem:v3+s1+$0x0], $0xffff  }
0x698: {  	[tilespmem:s8+$0x40] =	vst v61;
	v3 =	vld.idx.msk [tilespmem:v58+s1+$0x0], $0xffff  }
0x699: {  	[tilespmem:s8+$0xFFFFFFF0] =	vst v6  }
0x69a: {  	[tilespmem:s8+$0xFFFFFFB0] =	vst v62  }
0x69b: {  	[tilespmem:s8+$0x70] =	vst v60  }
0x69c: {  	[tilespmem:s8+$0xFFFFFFC0] =	vst v2  }
0x69d: {  	s6 =	sadd.s32 $0x1, s6;
	[tilespmem:s8+$0xFFFFFFE0] =	vst v3  }
0x69e: {  	[hbm4b:s28+s1] =	stream.linear.scatter [tilespmem:s3], [sflag:$0x4], $0x6200, $0x38;
	[tilespmem:$0x18C80] =	vst v63  }
0x69f: {  	p0 =	sne.s32 s6, s29;
	_ =	swait.ge [sflag:s4], $0x6200  }
.Ltmp13:
0x6a0: {  	[sflag:s4] =	ssyncset.done $0x0;
	(pc) =	sbr.rel @p0 .LBB2_1-.Ltmp13, $4  }
0x6a1: {  	[sflag:s4] =	ssyncadd.s32 $0xFFFF9E00  }
0x6a2: {  	_ =	swait.ge [sflag:s5], $0x6200  }
0x6a3: {  	[sflag:s5] =	ssyncset.done $0x0  }
0x6a4: {  	[sflag:s5] =	ssyncadd.s32 $0xFFFF9E00  }
0x6a5: {  	_ =	sfence.sel $0x180000  }
0x6a6: {  	[bflag:$0x0] =	sbarrier.arrive $0xFFFF  }
0x6a7: {  	_ =	strace $0x90000047  }
0x6a8: {  	s0 =	stileid.u32;
	[bflag:$0x2] =	sbarrier.arrive $0xFFFF  }
0x6a9: {  	p0 =	sne.s32 s0, $0x0;
	s0 =	rddreg [dreg:$0x3]  }
0x6aa: {  	s0 =	sadd.s32 @!p0 $0x100000, s0  }
0x6ab: {  	[sflag:s0] =	ssyncadd.tile.s32 @!p0 $0x1;
	_ =	shalt  }
.Lfunc_end2:
_tile_overlayer_lowered:
.L_overlay_start_2:
0x6ac: {  	(tag) =	ssettag $0x2  }
0x6ad: {  	s0 =	rddreg [dreg:$0x0];
	s2 =	stileid.u32  }
0x6ae: {  	s1 =	rddreg [dreg:$0x1];
	p0 =	sne.s32 s2, $0x0  }
0x6af: {  	s3 =	rddreg [dreg:$0x2];
	[bflag:$0x3] =	sbarrier.arrive $0xFFFF;
	s2 =	simm.s32 @!p0 $0x1C05  }
0x6b0: {  	[timem:s3], [sflag:s2] =	dma.local @!p0 [hbm:s0], s1  }
0x6b1: {  	s0 =	simm.s32 @!p0 $0x5  }
0x6b2: {  	_ =	swait.ge @!p0 [sflag:s0], s1  }
0x6b3: {  	s1 =	ssub.s32 @!p0 $0x0, s1;
	[sflag:s0] =	ssyncset.done @!p0 $0x0  }
0x6b4: {  	[sflag:s0] =	ssyncadd.s32 @!p0 s1  }
0x6b5: {  	[bflag:$0x3] =	sbarrier.arrive $0xFFFF  }
0x6b6: {  	_ =	shalt  }

</sc_bundles>
